<compile_context>
chip_gen: v7x
topology: tpu7x:2x2x1
jax: 0.10.2.dev20260603
libtpu: 0.0.44.dev20260713+nightly
codegen_flags: <defaults>
</compile_context>

<pallas_src>
import jax
import jax.numpy as jnp
import numpy as np
from jax import lax
from jax.experimental import pallas as pl
from jax.experimental.pallas import tpu as pltpu
from jax.experimental.pallas import tpu_sc as plsc

N = 100000
NPAD = 100352
E = 1600000
CE = 256
NCHUNKS = E // CE
NW = 32
QC, RC = divmod(NCHUNKS, NW)
CPAD = QC + 1 + ((QC + 1) % 2)
GROUPS = CE // 16
NODES_W = NPAD // NW
NG1 = NODES_W // 16
TROWS = NPAD // 16
NSL = NPAD // 8
CN = 1568
NCH2 = NSL // CN
NG2 = CN // 16

_MESH = plsc.VectorSubcoreMesh(core_axis_name="c", subcore_axis_name="s",
                               num_cores=2, num_subcores=16)
_CPARAMS = pltpu.CompilerParams(needs_layout_passes=False)
_U16H = np.uint32(0x8000)
_UHI = np.uint32(0xFFFF0000)
_NEG = np.float32(-np.inf)

f32 = jnp.float32
i32 = jnp.int32


def _wid():
    return lax.axis_index("c") * 16 + lax.axis_index("s")


def _basis(f0, f1, f2):
    g0 = 1.0 - f0
    g1 = 1.0 - f1
    g2 = 1.0 - f2
    p00 = g0 * g1
    p10 = f0 * g1
    p01 = g0 * f1
    p11 = f0 * f1
    return (p00 * g2, p10 * g2, p01 * g2, p11 * g2,
            p00 * f2, p10 * f2, p01 * f2, p11 * f2)


def _iota16():
    return lax.iota(i32, 16)


def _zero_planes(z_h, planes):
    s = lax.axis_index("s")
    sl = pl.ds(s * TROWS, TROWS)
    for p in planes:
        pltpu.sync_copy(z_h.at[sl], p.at[sl])


def _planes_out(planes, acc_out):
    plsc.subcore_barrier()
    c = lax.axis_index("c")
    s = lax.axis_index("s")
    np_ = len(planes) * NPAD
    for i, p in enumerate(planes):
        pltpu.sync_copy(p.at[pl.ds(s * TROWS, TROWS)],
                        acc_out.at[pl.ds(c * np_ + i * NPAD + s * TROWS, TROWS)])


def _edge_loop(src_h, dst_h, fa_h, fb_h, fc_h, srcb, dstb, f0b, f1b, f2b,
               sem, group_fn, scatter_issue, scatter_drain, sems):
    wid = _wid()
    nk = jnp.where(wid < RC, QC + 1, QC)

    def pair_body(kp, _):
        for b in (0, 1):
            c = kp * 2 + b
            active = c < nk

            @pl.when(active)
            def _():
                e0 = (wid + c * NW) * CE
                cps = [pltpu.async_copy(src_h.at[pl.ds(e0, CE)], srcb, sem),
                       pltpu.async_copy(fa_h.at[pl.ds(e0, CE)], f0b, sem),
                       pltpu.async_copy(fb_h.at[pl.ds(e0, CE)], f1b, sem),
                       pltpu.async_copy(fc_h.at[pl.ds(e0, CE)], f2b, sem),
                       pltpu.async_copy(dst_h.at[pl.ds(e0, CE)], dstb, sem)]
                for cp in cps:
                    cp.wait()

            @pl.when(active & (c >= 2))
            def _():
                scatter_drain(b)

            @pl.when(active)
            def _():
                def group(g, _):
                    group_fn(g, b)
                    return 0

                lax.fori_loop(0, GROUPS, group, 0)
                scatter_issue(b)

        return 0

    lax.fori_loop(0, CPAD // 2, pair_body, 0)
    scatter_drain(0)
    scatter_drain(1)


def _edge1_body(src_h, dst_h, fa_h, fb_h, fc_h, x_h, w_h, z_h, acc_out,
                p0, p1, pc, tab, srcb, dstb, f0b, f1b, f2b,
                m0A, m1A, m0B, m1B, cntb, wv, sem, semA, semB):
    pltpu.sync_copy(x_h.at[pl.ds(0, N)], tab)
    pltpu.sync_copy(w_h, wv)
    _zero_planes(z_h, (p0, p1, pc))
    ones = jnp.full((16,), 1.0, f32)

    def fill_ones(g, _):
        cntb[pl.ds(g * 16, 16)] = ones
        return 0

    lax.fori_loop(0, GROUPS, fill_ones, 0)
    plsc.subcore_barrier()

    wvec = wv[...]
    w1 = [wvec[i] for i in range(16)]
    msets = ((m0A, m1A), (m0B, m1B))
    ssems = (semA, semB)

    def group_fn(g, b):
        m0b, m1b = msets[b]
        sl = pl.ds(g * 16, 16)
        sv = srcb[sl]
        xg = plsc.load_gather(tab, [sv])
        w = _basis(f0b[sl], f1b[sl], f2b[sl])
        a0 = w[0] * w1[0]
        a1 = w[0] * w1[1]
        for s_ in range(1, 8):
            a0 = a0 + w[s_] * w1[2 * s_]
            a1 = a1 + w[s_] * w1[2 * s_ + 1]
        m0b[sl] = xg * a0
        m1b[sl] = xg * a1

    def scatter_issue(b):
        m0b, m1b = msets[b]
        pltpu.async_copy(m0b, p0.at[dstb], ssems[b], add=True)
        pltpu.async_copy(m1b, p1.at[dstb], ssems[b], add=True)
        pltpu.async_copy(cntb, pc.at[dstb], ssems[b], add=True)

    def scatter_drain(b):
        m0b, m1b = msets[b]
        pltpu.make_async_copy(m0b, p0.at[dstb], ssems[b]).wait()
        pltpu.make_async_copy(m1b, p1.at[dstb], ssems[b]).wait()
        pltpu.make_async_copy(cntb, pc.at[dstb], ssems[b]).wait()

    _edge_loop(src_h, dst_h, fa_h, fb_h, fc_h, srcb, dstb, f0b, f1b, f2b,
               sem, group_fn, scatter_issue, scatter_drain, ssems)
    _planes_out((p0, p1, pc), acc_out)


def _edge2_body(src_h, dst_h, fa_h, fb_h, fc_h, t_h, w_h, z_h, acc_out,
                p0, p1, p2, p3, tab, srcb, dstb, f0b, f1b, f2b,
                m0A, m1A, m2A, m3A, m0B, m1B, m2B, m3B, wv, sem, semA, semB):
    pltpu.sync_copy(t_h.at[pl.ds(0, N)], tab)
    pltpu.sync_copy(w_h, wv)
    _zero_planes(z_h, (p0, p1, p2, p3))
    plsc.subcore_barrier()

    wparts = [wv[pl.ds(16 * j, 16)] for j in range(4)]
    w2 = [wparts[k // 16][k % 16] for k in range(64)]
    msets = ((m0A, m1A, m2A, m3A), (m0B, m1B, m2B, m3B))
    planes = (p0, p1, p2, p3)
    ssems = (semA, semB)

    def group_fn(g, b):
        mbs = msets[b]
        sl = pl.ds(g * 16, 16)
        sv = srcb[sl]
        pv = plsc.load_gather(tab, [sv])
        pu = plsc.bitcast(pv, jnp.uint32)
        h0 = plsc.bitcast(pu << np.uint32(16), f32)
        h1 = plsc.bitcast(pu & _UHI, f32)
        w = _basis(f0b[sl], f1b[sl], f2b[sl])
        for o in range(4):
            c0 = w[0] * w2[o]
            c1 = w[0] * w2[4 + o]
            for s_ in range(1, 8):
                c0 = c0 + w[s_] * w2[8 * s_ + o]
                c1 = c1 + w[s_] * w2[8 * s_ + 4 + o]
            mbs[o][sl] = h0 * c0 + h1 * c1

    def scatter_issue(b):
        for mb, pp in zip(msets[b], planes):
            pltpu.async_copy(mb, pp.at[dstb], ssems[b], add=True)

    def scatter_drain(b):
        for mb, pp in zip(msets[b], planes):
            pltpu.make_async_copy(mb, pp.at[dstb], ssems[b]).wait()

    _edge_loop(src_h, dst_h, fa_h, fb_h, fc_h, srcb, dstb, f0b, f1b, f2b,
               sem, group_fn, scatter_issue, scatter_drain, ssems)
    _planes_out((p0, p1, p2, p3), acc_out)


def _node1_body(acc_h, h_out, inv_out, sums_out,
                b00, b01, b10, b11, bc0, bc1, h0b, h1b, invb, sumb, sem):
    w = _wid()
    nb = w * NODES_W
    P = 3 * NPAD
    cps = [pltpu.async_copy(acc_h.at[pl.ds(nb, NODES_W)], b00, sem),
           pltpu.async_copy(acc_h.at[pl.ds(P + nb, NODES_W)], b01, sem),
           pltpu.async_copy(acc_h.at[pl.ds(NPAD + nb, NODES_W)], b10, sem),
           pltpu.async_copy(acc_h.at[pl.ds(P + NPAD + nb, NODES_W)], b11, sem),
           pltpu.async_copy(acc_h.at[pl.ds(2 * NPAD + nb, NODES_W)], bc0, sem),
           pltpu.async_copy(acc_h.at[pl.ds(P + 2 * NPAD + nb, NODES_W)], bc1, sem)]
    for cp in cps:
        cp.wait()

    iota = _iota16()

    def grp(g, carry):
        s0, s1, q0, q1 = carry
        sl = pl.ds(g * 16, 16)
        cnt = bc0[sl] + bc1[sl]
        inv = 1.0 / jnp.maximum(cnt, 1.0)
        o0 = (b00[sl] + b01[sl]) * inv
        o1 = (b10[sl] + b11[sl]) * inv
        h0 = jnp.where(o0 > 0.0, o0, jnp.exp(o0) - 1.0)
        h1 = jnp.where(o1 > 0.0, o1, jnp.exp(o1) - 1.0)
        h0b[sl] = h0
        h1b[sl] = h1
        invb[sl] = inv
        return (s0 + h0, s1 + h1, q0 + h0 * h0, q1 + h1 * h1)

    z = jnp.zeros((16,), f32)
    s0, s1, q0, q1 = lax.fori_loop(0, NG1, grp, (z, z, z, z))
    out = jnp.where(iota == 0, jnp.sum(s0),
          jnp.where(iota == 1, jnp.sum(s1),
          jnp.where(iota == 2, jnp.sum(q0),
          jnp.where(iota == 3, jnp.sum(q1), 0.0))))
    sumb[...] = out
    pltpu.sync_copy(h0b, h_out.at[pl.ds(nb, NODES_W)])
    pltpu.sync_copy(h1b, h_out.at[pl.ds(NPAD + nb, NODES_W)])
    pltpu.sync_copy(invb, inv_out.at[pl.ds(nb, NODES_W)])
    pltpu.sync_copy(sumb, sums_out.at[pl.ds(w * 16, 16)])


def _pack_body(h_h, st_h, p_out, hb0, hb1, pkb, stv, sem):
    w = _wid()
    nb = w * NODES_W
    cps = [pltpu.async_copy(h_h.at[pl.ds(nb, NODES_W)], hb0, sem),
           pltpu.async_copy(h_h.at[pl.ds(NPAD + nb, NODES_W)], hb1, sem)]
    pltpu.sync_copy(st_h, stv)
    for cp in cps:
        cp.wait()
    sv = stv[...]
    sc0 = sv[0]
    sc1 = sv[1]
    sh0 = sv[2]
    sh1 = sv[3]

    def grp(g, _):
        sl = pl.ds(g * 16, 16)
        h0n = hb0[sl] * sc0 + sh0
        h1n = hb1[sl] * sc1 + sh1
        r0 = (plsc.bitcast(h0n, jnp.uint32) + _U16H) & _UHI
        r1 = (plsc.bitcast(h1n, jnp.uint32) + _U16H) & _UHI
        word = (r0 >> np.uint32(16)) | r1
        pkb[sl] = plsc.bitcast(word, i32)
        return 0

    lax.fori_loop(0, NG1, grp, 0)
    pltpu.sync_copy(pkb, p_out.at[pl.ds(nb, NODES_W)])


def _node2_body(acc_h, inv_h, pos_h, sums_out, pool_out,
                b0, b1, posb, invb, poolb, sumb, sem):
    w = _wid()
    ch = w // 8
    slice_base = (w % 8) * NSL
    iota = _iota16()
    z = jnp.zeros((16,), f32)
    neg = jnp.full((16,), _NEG, f32)

    def chunk(cidx, carry):
        nbase = slice_base + cidx * CN
        cps = [pltpu.async_copy(acc_h.at[pl.ds(ch * NPAD + nbase, CN)],
                                b0, sem),
               pltpu.async_copy(acc_h.at[pl.ds(4 * NPAD + ch * NPAD + nbase, CN)],
                                b1, sem),
               pltpu.async_copy(pos_h.at[pl.ds(nbase * 3, CN * 3)], posb, sem),
               pltpu.async_copy(inv_h.at[pl.ds(nbase, CN)], invb, sem)]
        for cp in cps:
            cp.wait()

        def grp(g, gc):
            s, q = gc[0], gc[1]
            runs = gc[2:]
            sl = pl.ds(g * 16, 16)
            nr = g * 16 + iota
            o = (b0[sl] + b1[sl]) * invb[sl]
            px = plsc.load_gather(posb, [3 * nr])
            py = plsc.load_gather(posb, [3 * nr + 1])
            cx = jnp.clip((px / 25.0).astype(i32), 0, 3)
            cy = jnp.clip((py / 25.0).astype(i32), 0, 3)
            cl = cx + 4 * cy
            valid = (nbase + nr) < N
            vv = jnp.where(valid, o, neg)
            new_runs = tuple(
                jnp.maximum(runs[c], jnp.where(cl == c, vv, neg))
                for c in range(16))
            return (s + jnp.where(valid, o, z),
                    q + jnp.where(valid, o * o, z)) + new_runs

        return lax.fori_loop(0, NG2, grp, carry)

    init = (z, z) + tuple(neg for _ in range(16))
    res = lax.fori_loop(0, NCH2, chunk, init)
    s, q = res[0], res[1]
    runs = res[2:]
    sumb[...] = jnp.where(iota == 0, jnp.sum(s),
                jnp.where(iota == 1, jnp.sum(q), 0.0))
    for c in range(16):
        poolb[pl.ds(16 * c, 16)] = runs[c]
    pltpu.sync_copy(sumb, sums_out.at[pl.ds(w * 16, 16)])
    pltpu.sync_copy(poolb, pool_out.at[pl.ds(w * 256, 256)])


_edge1 = pl.kernel(
    _edge1_body,
    out_type=jax.ShapeDtypeStruct((2 * 3 * NPAD,), f32),
    mesh=_MESH,
    compiler_params=_CPARAMS,
    scratch_types=[
        pltpu.VMEM_SHARED((NPAD,), f32),
        pltpu.VMEM_SHARED((NPAD,), f32),
        pltpu.VMEM_SHARED((NPAD,), f32),
        pltpu.VMEM((N,), f32),
        pltpu.VMEM((CE,), i32),
        pltpu.VMEM((CE,), i32),
        pltpu.VMEM((CE,), f32),
        pltpu.VMEM((CE,), f32),
        pltpu.VMEM((CE,), f32),
        pltpu.VMEM((CE,), f32),
        pltpu.VMEM((CE,), f32),
        pltpu.VMEM((CE,), f32),
        pltpu.VMEM((CE,), f32),
        pltpu.VMEM((CE,), f32),
        pltpu.VMEM((16,), f32),
        pltpu.SemaphoreType.DMA,
        pltpu.SemaphoreType.DMA,
        pltpu.SemaphoreType.DMA,
    ],
)

_edge2 = pl.kernel(
    _edge2_body,
    out_type=jax.ShapeDtypeStruct((2 * 4 * NPAD,), f32),
    mesh=_MESH,
    compiler_params=_CPARAMS,
    scratch_types=[
        pltpu.VMEM_SHARED((NPAD,), f32),
        pltpu.VMEM_SHARED((NPAD,), f32),
        pltpu.VMEM_SHARED((NPAD,), f32),
        pltpu.VMEM_SHARED((NPAD,), f32),
        pltpu.VMEM((N,), i32),
        pltpu.VMEM((CE,), i32),
        pltpu.VMEM((CE,), i32),
        pltpu.VMEM((CE,), f32),
        pltpu.VMEM((CE,), f32),
        pltpu.VMEM((CE,), f32),
        pltpu.VMEM((CE,), f32),
        pltpu.VMEM((CE,), f32),
        pltpu.VMEM((CE,), f32),
        pltpu.VMEM((CE,), f32),
        pltpu.VMEM((CE,), f32),
        pltpu.VMEM((CE,), f32),
        pltpu.VMEM((CE,), f32),
        pltpu.VMEM((CE,), f32),
        pltpu.VMEM((64,), f32),
        pltpu.SemaphoreType.DMA,
        pltpu.SemaphoreType.DMA,
        pltpu.SemaphoreType.DMA,
    ],
)

_node1 = pl.kernel(
    _node1_body,
    out_type=(jax.ShapeDtypeStruct((2 * NPAD,), f32),
              jax.ShapeDtypeStruct((NPAD,), f32),
              jax.ShapeDtypeStruct((NW * 16,), f32)),
    mesh=_MESH,
    compiler_params=_CPARAMS,
    scratch_types=[
        pltpu.VMEM((NODES_W,), f32),
        pltpu.VMEM((NODES_W,), f32),
        pltpu.VMEM((NODES_W,), f32),
        pltpu.VMEM((NODES_W,), f32),
        pltpu.VMEM((NODES_W,), f32),
        pltpu.VMEM((NODES_W,), f32),
        pltpu.VMEM((NODES_W,), f32),
        pltpu.VMEM((NODES_W,), f32),
        pltpu.VMEM((NODES_W,), f32),
        pltpu.VMEM((16,), f32),
        pltpu.SemaphoreType.DMA,
    ],
)

_pack = pl.kernel(
    _pack_body,
    out_type=jax.ShapeDtypeStruct((NPAD,), i32),
    mesh=_MESH,
    compiler_params=_CPARAMS,
    scratch_types=[
        pltpu.VMEM((NODES_W,), f32),
        pltpu.VMEM((NODES_W,), f32),
        pltpu.VMEM((NODES_W,), i32),
        pltpu.VMEM((16,), f32),
        pltpu.SemaphoreType.DMA,
    ],
)

_node2 = pl.kernel(
    _node2_body,
    out_type=(jax.ShapeDtypeStruct((NW * 16,), f32),
              jax.ShapeDtypeStruct((NW * 256,), f32)),
    mesh=_MESH,
    compiler_params=_CPARAMS,
    scratch_types=[
        pltpu.VMEM((CN,), f32),
        pltpu.VMEM((CN,), f32),
        pltpu.VMEM((CN * 3,), f32),
        pltpu.VMEM((CN,), f32),
        pltpu.VMEM((256,), f32),
        pltpu.VMEM((16,), f32),
        pltpu.SemaphoreType.DMA,
    ],
)


def kernel(x, edge_index, edge_attr, pos, W1, W2, gamma1, beta1, gamma2,
           beta2, fc_w):
    src = edge_index[0]
    dst = edge_index[1]
    fa = edge_attr[:, 0].astype(f32)
    fb = edge_attr[:, 1].astype(f32)
    fc = edge_attr[:, 2].astype(f32)
    xpad = jnp.pad(x[:, 0].astype(f32), (0, NPAD - N))
    zplane = jnp.zeros((NPAD,), f32)

    acc1 = _edge1(src, dst, fa, fb, fc, xpad, W1.reshape(16), zplane)
    h01, invp, sums1 = _node1(acc1)

    t1 = jnp.sum(sums1.reshape(NW, 16), axis=0)
    mean1 = t1[0:2] / N
    var1 = t1[2:4] / N - mean1 * mean1
    sc1 = gamma1 / jnp.sqrt(var1 + 1e-5)
    sh1 = beta1 - mean1 * sc1
    stats1 = jnp.concatenate([sc1, sh1, jnp.zeros((12,), f32)]).astype(f32)

    packed = _pack(h01, stats1)
    acc2 = _edge2(src, dst, fa, fb, fc, packed, W2.reshape(64), zplane)

    pospad = jnp.pad(pos.reshape(-1).astype(f32), (0, (NPAD - N) * 3))
    sums2, poolp = _node2(acc2, invp, pospad)

    sums2 = sums2.reshape(NW, 16)
    S = jnp.sum(sums2[:, 0].reshape(4, 8), axis=1)
    Q = jnp.sum(sums2[:, 1].reshape(4, 8), axis=1)
    mean2 = S / N
    var2 = Q / N - mean2 * mean2
    sc2 = gamma2 / jnp.sqrt(var2 + 1e-5)
    sh2 = beta2 - mean2 * sc2

    praw = jnp.max(poolp.reshape(4, 8, 16, 16), axis=(1, 3)).T
    pooled = jnp.where(praw > -1e38, praw * sc2[None, :] + sh2[None, :], 0.0)
    return pooled.reshape(1, 64) @ fc_w.T

# --- scband reference (transcript-rebuilt; emitter-appended) ---
"""Pipeline reference for scband-net-39041252721195 (READ-ONLY COPY).

The authoritative reference and input builder live on the scoring server;
editing this copy changes nothing except your own understanding.
"""

import jax, jax.numpy as jnp
import numpy as np

N = 100000
E = 1600000
K = 2      # kernel_size
DIM = 3    # pseudo-coordinate dim


def setup_inputs(seed: int = 0) -> dict:
    key = jax.random.key(seed)
    ks = jax.random.split(key, 8)
    x = jax.random.normal(ks[0], (N, 1), dtype=jnp.float32)
    edge_index = jax.random.randint(ks[1], (2, E), 0, N, dtype=jnp.int32)
    edge_attr = jax.random.uniform(ks[2], (E, DIM), dtype=jnp.float32)
    # integer pixel coords in [0,100) cast to float (event-camera positions on 100x100 grid)
    pos = jax.random.randint(ks[3], (N, 3), 0, 100).astype(jnp.float32)
    W1 = jax.random.normal(ks[4], (K ** DIM, 1, 2), dtype=jnp.float32) * 0.5
    W2 = jax.random.normal(ks[5], (K ** DIM, 2, 4), dtype=jnp.float32) * 0.5
    gamma1 = jnp.ones((2,), dtype=jnp.float32)
    beta1 = jnp.zeros((2,), dtype=jnp.float32)
    gamma2 = jnp.ones((4,), dtype=jnp.float32)
    beta2 = jnp.zeros((4,), dtype=jnp.float32)
    fc_w = jax.random.normal(ks[6], (4, 64), dtype=jnp.float32) * 0.1
    return {"x": x, "edge_index": edge_index, "edge_attr": edge_attr, "pos": pos,
            "W1": W1, "W2": W2, "gamma1": gamma1, "beta1": beta1,
            "gamma2": gamma2, "beta2": beta2, "fc_w": fc_w}


def _spline_conv(x, edge_index, pseudo, W, num_nodes):
    # SplineConv, dim=3, kernel_size=2, degree=1 (open B-spline), aggr='mean',
    # root_weight=False, bias=False
    src = edge_index[0]
    dst = edge_index[1]
    x_src = jnp.take(x, src, axis=0)
    v = pseudo * (K - 1)
    bot = jnp.clip(jnp.floor(v), 0, K - 2)
    frac = v - bot
    bot = bot.astype(jnp.int32)
    Ecur = pseudo.shape[0]
    msg = jnp.zeros((Ecur, W.shape[2]), dtype=x.dtype)
    for s in range(2 ** DIM):
        w = jnp.ones((Ecur,), dtype=x.dtype)
        idx = jnp.zeros((Ecur,), dtype=jnp.int32)
        for d in range(DIM):
            bit = (s >> d) & 1
            w = w * (frac[:, d] if bit else (1.0 - frac[:, d]))
            idx = idx + (bot[:, d] + bit) * (K ** d)
        We = jnp.take(W, idx, axis=0)  # [E, in, out] gather
        msg = msg + w[:, None] * jnp.einsum('ei,eio->eo', x_src, We)
    s_sum = jax.ops.segment_sum(msg, dst, num_segments=num_nodes)
    cnt = jax.ops.segment_sum(jnp.ones((Ecur,), dtype=x.dtype), dst, num_segments=num_nodes)
    return s_sum / jnp.maximum(cnt, 1.0)[:, None]


def _bn(x, g, b):
    m = jnp.mean(x, axis=0)
    var = jnp.var(x, axis=0)
    return (x - m) / jnp.sqrt(var + 1e-5) * g + b


def reference(x, edge_index, edge_attr, pos, W1, W2, gamma1, beta1, gamma2, beta2, fc_w):
    h = _spline_conv(x, edge_index, edge_attr, W1, N)
    h = jax.nn.elu(h)
    h = _bn(h, gamma1, beta1)
    h = _spline_conv(h, edge_index, edge_attr, W2, N)
    h = _bn(h, gamma2, beta2)
    # MaxPoolingX: voxel-grid cluster pos[:, :2] into 4x4 = 16 cells of 25x25, max-pool x
    cx = jnp.clip(jnp.floor(pos[:, 0] / 25.0), 0, 3)
    cy = jnp.clip(jnp.floor(pos[:, 1] / 25.0), 0, 3)
    cluster = (cx + 4.0 * cy).astype(jnp.int32)
    pooled = jax.ops.segment_max(h, cluster, num_segments=16)
    pooled = jnp.where(jnp.isfinite(pooled), pooled, 0.0)
    out = pooled.reshape(1, 4 * 16) @ fc_w.T
    return out

if __name__ == "__main__":
    import jax
    _d = setup_inputs()
    print(jax.jit(kernel)(*tuple(_d.values())))

</pallas_src>

<mosaic_0001>
#map = affine_map<(d0, d1) -> (0)>
module attributes {stable_mosaic.version = 14 : i64} {
  func.func @_edge1_body(%arg0: i32, %arg1: i32, %arg2: memref<1600000xi32, #tpu.memory_space<hbm>>, %arg3: memref<1600000xi32, #tpu.memory_space<hbm>>, %arg4: memref<1600000xf32, #tpu.memory_space<hbm>>, %arg5: memref<1600000xf32, #tpu.memory_space<hbm>>, %arg6: memref<1600000xf32, #tpu.memory_space<hbm>>, %arg7: memref<100352xf32, #tpu.memory_space<hbm>>, %arg8: memref<16xf32, #tpu.memory_space<hbm>>, %arg9: memref<100352xf32, #tpu.memory_space<hbm>>, %arg10: memref<602112xf32, #tpu.memory_space<hbm>>, %arg11: memref<100352xf32, #tpu.memory_space<vmem_shared>>, %arg12: memref<100352xf32, #tpu.memory_space<vmem_shared>>, %arg13: memref<100352xf32, #tpu.memory_space<vmem_shared>>, %arg14: memref<100000xf32, #tpu.memory_space<vmem>>, %arg15: memref<256xi32, #tpu.memory_space<vmem>>, %arg16: memref<256xi32, #tpu.memory_space<vmem>>, %arg17: memref<256xf32, #tpu.memory_space<vmem>>, %arg18: memref<256xf32, #tpu.memory_space<vmem>>, %arg19: memref<256xf32, #tpu.memory_space<vmem>>, %arg20: memref<256xf32, #tpu.memory_space<vmem>>, %arg21: memref<256xf32, #tpu.memory_space<vmem>>, %arg22: memref<256xf32, #tpu.memory_space<vmem>>, %arg23: memref<256xf32, #tpu.memory_space<vmem>>, %arg24: memref<256xf32, #tpu.memory_space<vmem>>, %arg25: memref<16xf32, #tpu.memory_space<vmem>>, %arg26: memref<!tpu.dma_semaphore, #tpu.memory_space<semaphore_mem>>, %arg27: memref<!tpu.dma_semaphore, #tpu.memory_space<semaphore_mem>>, %arg28: memref<!tpu.dma_semaphore, #tpu.memory_space<semaphore_mem>>) attributes {dimension_semantics = [#tpu.dimension_semantics<core_parallel>, #tpu.dimension_semantics<subcore_parallel>], iteration_bounds = array<i64: 2, 16>, scalar_prefetch = 0 : i64, scratch_operands = 18 : i64, tpu.core_type = #tpu.core_type<sc_vector_subcore>, window_params = [{transform_indices = #map}, {transform_indices = #map}, {transform_indices = #map}, {transform_indices = #map}, {transform_indices = #map}, {transform_indices = #map}, {transform_indices = #map}, {transform_indices = #map}, {transform_indices = #map}]} {
    "tpu.region"() ({
      %run_scoped3A = tpu.sem_alloc : memref<!tpu.dma_semaphore, #tpu.memory_space<semaphore_mem>>
      %dma_start3A = arith.constant 0 : i32
      %dma_start3A_89 = tpu.memref_slice %arg7[%dma_start3A] : memref<100352xf32, #tpu.memory_space<hbm>> -> memref<100000xf32, #tpu.memory_space<hbm>>
      %dma_start3A_90 = arith.constant 0 : i32
      %dma_start3A_91 = tpu.memref_slice %arg7[%dma_start3A_90] : memref<100352xf32, #tpu.memory_space<hbm>> -> memref<100000xf32, #tpu.memory_space<hbm>>
      tpu.enqueue_dma source(%dma_start3A_91 : memref<100000xf32, #tpu.memory_space<hbm>>) target(%arg14 : memref<100000xf32, #tpu.memory_space<vmem>>) target_semaphore(%run_scoped3A : memref<!tpu.dma_semaphore, #tpu.memory_space<semaphore_mem>>)
      %dma_wait3A_92 = arith.constant 0 : i32
      %dma_wait3A_93 = tpu.memref_slice %arg7[%dma_wait3A_92] : memref<100352xf32, #tpu.memory_space<hbm>> -> memref<100000xf32, #tpu.memory_space<hbm>>
      %dma_wait3A_94 = arith.constant 0 : i32
      %dma_wait3A_95 = tpu.memref_slice %arg7[%dma_wait3A_94] : memref<100352xf32, #tpu.memory_space<hbm>> -> memref<100000xf32, #tpu.memory_space<hbm>>
      tpu.wait_dma2 semaphore(%run_scoped3A : memref<!tpu.dma_semaphore, #tpu.memory_space<semaphore_mem>>) src(%dma_wait3A_95 : memref<100000xf32, #tpu.memory_space<hbm>>) dst(%arg14 : memref<100000xf32, #tpu.memory_space<vmem>>)
      tpu.yield
    }) : () -> ()
    "tpu.region"() ({
      %run_scoped3A = tpu.sem_alloc : memref<!tpu.dma_semaphore, #tpu.memory_space<semaphore_mem>>
      tpu.enqueue_dma source(%arg8 : memref<16xf32, #tpu.memory_space<hbm>>) target(%arg25 : memref<16xf32, #tpu.memory_space<vmem>>) target_semaphore(%run_scoped3A : memref<!tpu.dma_semaphore, #tpu.memory_space<semaphore_mem>>)
      tpu.wait_dma2 semaphore(%run_scoped3A : memref<!tpu.dma_semaphore, #tpu.memory_space<semaphore_mem>>) src(%arg8 : memref<16xf32, #tpu.memory_space<hbm>>) dst(%arg25 : memref<16xf32, #tpu.memory_space<vmem>>)
      tpu.yield
    }) : () -> ()
    %mul3A = arith.constant 6272 : i32
    %mul3A_0 = arith.muli %arg1, %mul3A : i32
    "tpu.region"() ({
      %run_scoped3A = tpu.sem_alloc : memref<!tpu.dma_semaphore, #tpu.memory_space<semaphore_mem>>
      %dma_start3A = tpu.memref_slice %arg11[%mul3A_0] : memref<100352xf32, #tpu.memory_space<vmem_shared>> -> memref<6272xf32, #tpu.memory_space<vmem_shared>>
      %dma_start3A_89 = tpu.memref_slice %arg9[%mul3A_0] : memref<100352xf32, #tpu.memory_space<hbm>> -> memref<6272xf32, #tpu.memory_space<hbm>>
      tpu.enqueue_dma source(%dma_start3A_89 : memref<6272xf32, #tpu.memory_space<hbm>>) target(%dma_start3A : memref<6272xf32, #tpu.memory_space<vmem_shared>>) target_semaphore(%run_scoped3A : memref<!tpu.dma_semaphore, #tpu.memory_space<semaphore_mem>>)
      %dma_wait3A_90 = tpu.memref_slice %arg11[%mul3A_0] : memref<100352xf32, #tpu.memory_space<vmem_shared>> -> memref<6272xf32, #tpu.memory_space<vmem_shared>>
      %dma_wait3A_91 = tpu.memref_slice %arg9[%mul3A_0] : memref<100352xf32, #tpu.memory_space<hbm>> -> memref<6272xf32, #tpu.memory_space<hbm>>
      tpu.wait_dma2 semaphore(%run_scoped3A : memref<!tpu.dma_semaphore, #tpu.memory_space<semaphore_mem>>) src(%dma_wait3A_91 : memref<6272xf32, #tpu.memory_space<hbm>>) dst(%dma_wait3A_90 : memref<6272xf32, #tpu.memory_space<vmem_shared>>)
      tpu.yield
    }) : () -> ()
    "tpu.region"() ({
      %run_scoped3A = tpu.sem_alloc : memref<!tpu.dma_semaphore, #tpu.memory_space<semaphore_mem>>
      %dma_start3A = tpu.memref_slice %arg12[%mul3A_0] : memref<100352xf32, #tpu.memory_space<vmem_shared>> -> memref<6272xf32, #tpu.memory_space<vmem_shared>>
      %dma_start3A_89 = tpu.memref_slice %arg9[%mul3A_0] : memref<100352xf32, #tpu.memory_space<hbm>> -> memref<6272xf32, #tpu.memory_space<hbm>>
      tpu.enqueue_dma source(%dma_start3A_89 : memref<6272xf32, #tpu.memory_space<hbm>>) target(%dma_start3A : memref<6272xf32, #tpu.memory_space<vmem_shared>>) target_semaphore(%run_scoped3A : memref<!tpu.dma_semaphore, #tpu.memory_space<semaphore_mem>>)
      %dma_wait3A_90 = tpu.memref_slice %arg12[%mul3A_0] : memref<100352xf32, #tpu.memory_space<vmem_shared>> -> memref<6272xf32, #tpu.memory_space<vmem_shared>>
      %dma_wait3A_91 = tpu.memref_slice %arg9[%mul3A_0] : memref<100352xf32, #tpu.memory_space<hbm>> -> memref<6272xf32, #tpu.memory_space<hbm>>
      tpu.wait_dma2 semaphore(%run_scoped3A : memref<!tpu.dma_semaphore, #tpu.memory_space<semaphore_mem>>) src(%dma_wait3A_91 : memref<6272xf32, #tpu.memory_space<hbm>>) dst(%dma_wait3A_90 : memref<6272xf32, #tpu.memory_space<vmem_shared>>)
      tpu.yield
    }) : () -> ()
    "tpu.region"() ({
      %run_scoped3A = tpu.sem_alloc : memref<!tpu.dma_semaphore, #tpu.memory_space<semaphore_mem>>
      %dma_start3A = tpu.memref_slice %arg13[%mul3A_0] : memref<100352xf32, #tpu.memory_space<vmem_shared>> -> memref<6272xf32, #tpu.memory_space<vmem_shared>>
      %dma_start3A_89 = tpu.memref_slice %arg9[%mul3A_0] : memref<100352xf32, #tpu.memory_space<hbm>> -> memref<6272xf32, #tpu.memory_space<hbm>>
      tpu.enqueue_dma source(%dma_start3A_89 : memref<6272xf32, #tpu.memory_space<hbm>>) target(%dma_start3A : memref<6272xf32, #tpu.memory_space<vmem_shared>>) target_semaphore(%run_scoped3A : memref<!tpu.dma_semaphore, #tpu.memory_space<semaphore_mem>>)
      %dma_wait3A_90 = tpu.memref_slice %arg13[%mul3A_0] : memref<100352xf32, #tpu.memory_space<vmem_shared>> -> memref<6272xf32, #tpu.memory_space<vmem_shared>>
      %dma_wait3A_91 = tpu.memref_slice %arg9[%mul3A_0] : memref<100352xf32, #tpu.memory_space<hbm>> -> memref<6272xf32, #tpu.memory_space<hbm>>
      tpu.wait_dma2 semaphore(%run_scoped3A : memref<!tpu.dma_semaphore, #tpu.memory_space<semaphore_mem>>) src(%dma_wait3A_91 : memref<6272xf32, #tpu.memory_space<hbm>>) dst(%dma_wait3A_90 : memref<6272xf32, #tpu.memory_space<vmem_shared>>)
      tpu.yield
    }) : () -> ()
    %broadcast_in_dim3A = arith.constant 1.000000e+00 : f32
    %broadcast_in_dim3A_1 = vector.broadcast %broadcast_in_dim3A : f32 to vector<16xf32>
    %scan3A = arith.constant 0 : i32
    %scan3A_2 = arith.constant 0 : i32
    %scan3A_3 = arith.constant 16 : i32
    %scan3A_4 = arith.addi %scan3A_2, %scan3A_3 : i32
    %scan3A_5 = arith.constant 1 : i32
    %scan3A_6 = scf.for %scan3A_89 = %scan3A_2 to %scan3A_4 step %scan3A_5 iter_args(%scan3A_90 = %scan3A) -> (i32)  : i32 {
      %mul3A_91 = arith.constant 16 : i32
      %mul3A_92 = arith.muli %scan3A_89, %mul3A_91 : i32
      %swap3A = arith.index_cast %mul3A_92 : i32 to index
      %swap3A_93 = tpu.vector_load %arg24[%swap3A] {strides = array<i32>} : memref<256xf32, #tpu.memory_space<vmem>>, vector<16xf32>,
      tpu.vector_store %arg24[%swap3A], %broadcast_in_dim3A_1 {strides = array<i32>} : memref<256xf32, #tpu.memory_space<vmem>>, vector<16xf32>,
      %scan3A_94 = arith.constant 0 : i32
      scf.yield %scan3A_94 : i32
    }
    %scan3A_7 = arith.constant 16 : i32
    %barrier3A = arith.constant 0 : index
    tpu.barrier barrier_id(%barrier3A)
    %get3A = arith.constant 0 : index
    %get3A_8 = tpu.vector_load %arg25[%get3A] {strides = array<i32>} : memref<16xf32, #tpu.memory_space<vmem>>, vector<16xf32>,
    %slice3A = vector.extract_strided_slice %get3A_8 {offsets = [0], sizes = [1], strides = [1]} : vector<16xf32> to vector<1xf32>
    %squeeze3A = vector.extract %slice3A[0] : f32 from vector<1xf32>
    %slice3A_9 = vector.extract_strided_slice %get3A_8 {offsets = [1], sizes = [1], strides = [1]} : vector<16xf32> to vector<1xf32>
    %squeeze3A_10 = vector.extract %slice3A_9[0] : f32 from vector<1xf32>
    %slice3A_11 = vector.extract_strided_slice %get3A_8 {offsets = [2], sizes = [1], strides = [1]} : vector<16xf32> to vector<1xf32>
    %squeeze3A_12 = vector.extract %slice3A_11[0] : f32 from vector<1xf32>
    %slice3A_13 = vector.extract_strided_slice %get3A_8 {offsets = [3], sizes = [1], strides = [1]} : vector<16xf32> to vector<1xf32>
    %squeeze3A_14 = vector.extract %slice3A_13[0] : f32 from vector<1xf32>
    %slice3A_15 = vector.extract_strided_slice %get3A_8 {offsets = [4], sizes = [1], strides = [1]} : vector<16xf32> to vector<1xf32>
    %squeeze3A_16 = vector.extract %slice3A_15[0] : f32 from vector<1xf32>
    %slice3A_17 = vector.extract_strided_slice %get3A_8 {offsets = [5], sizes = [1], strides = [1]} : vector<16xf32> to vector<1xf32>
    %squeeze3A_18 = vector.extract %slice3A_17[0] : f32 from vector<1xf32>
    %slice3A_19 = vector.extract_strided_slice %get3A_8 {offsets = [6], sizes = [1], strides = [1]} : vector<16xf32> to vector<1xf32>
    %squeeze3A_20 = vector.extract %slice3A_19[0] : f32 from vector<1xf32>
    %slice3A_21 = vector.extract_strided_slice %get3A_8 {offsets = [7], sizes = [1], strides = [1]} : vector<16xf32> to vector<1xf32>
    %squeeze3A_22 = vector.extract %slice3A_21[0] : f32 from vector<1xf32>
    %slice3A_23 = vector.extract_strided_slice %get3A_8 {offsets = [8], sizes = [1], strides = [1]} : vector<16xf32> to vector<1xf32>
    %squeeze3A_24 = vector.extract %slice3A_23[0] : f32 from vector<1xf32>
    %slice3A_25 = vector.extract_strided_slice %get3A_8 {offsets = [9], sizes = [1], strides = [1]} : vector<16xf32> to vector<1xf32>
    %squeeze3A_26 = vector.extract %slice3A_25[0] : f32 from vector<1xf32>
    %slice3A_27 = vector.extract_strided_slice %get3A_8 {offsets = [10], sizes = [1], strides = [1]} : vector<16xf32> to vector<1xf32>
    %squeeze3A_28 = vector.extract %slice3A_27[0] : f32 from vector<1xf32>
    %slice3A_29 = vector.extract_strided_slice %get3A_8 {offsets = [11], sizes = [1], strides = [1]} : vector<16xf32> to vector<1xf32>
    %squeeze3A_30 = vector.extract %slice3A_29[0] : f32 from vector<1xf32>
    %slice3A_31 = vector.extract_strided_slice %get3A_8 {offsets = [12], sizes = [1], strides = [1]} : vector<16xf32> to vector<1xf32>
    %squeeze3A_32 = vector.extract %slice3A_31[0] : f32 from vector<1xf32>
    %slice3A_33 = vector.extract_strided_slice %get3A_8 {offsets = [13], sizes = [1], strides = [1]} : vector<16xf32> to vector<1xf32>
    %squeeze3A_34 = vector.extract %slice3A_33[0] : f32 from vector<1xf32>
    %slice3A_35 = vector.extract_strided_slice %get3A_8 {offsets = [14], sizes = [1], strides = [1]} : vector<16xf32> to vector<1xf32>
    %squeeze3A_36 = vector.extract %slice3A_35[0] : f32 from vector<1xf32>
    %slice3A_37 = vector.extract_strided_slice %get3A_8 {offsets = [15], sizes = [1], strides = [1]} : vector<16xf32> to vector<1xf32>
    %squeeze3A_38 = vector.extract %slice3A_37[0] : f32 from vector<1xf32>
    %mul3A_39 = arith.constant 16 : i32
    %mul3A_40 = arith.muli %arg0, %mul3A_39 : i32
    %add3A = arith.addi %mul3A_40, %arg1 : i32
    %lt3A = arith.constant 10 : i32
    %lt3A_41 = arith.cmpi slt, %add3A, %lt3A : i32
    %jit3A = arith.constant 196 : i32
    %jit3A_42 = arith.constant 195 : i32
    %select_n3A = arith.select %lt3A_41, %jit3A, %jit3A_42 : i32
    %scan3A_43 = arith.constant 0 : i32
    %scan3A_44 = arith.constant 0 : i32
    %scan3A_45 = arith.constant 98 : i32
    %scan3A_46 = arith.addi %scan3A_44, %scan3A_45 : i32
    %scan3A_47 = arith.constant 1 : i32
    %scan3A_48 = scf.for %scan3A_89 = %scan3A_44 to %scan3A_46 step %scan3A_47 iter_args(%scan3A_90 = %scan3A_43) -> (i32)  : i32 {
      %mul3A_91 = arith.constant 2 : i32
      %mul3A_92 = arith.muli %scan3A_89, %mul3A_91 : i32
      %add3A_93 = arith.constant 0 : i32
      %add3A_94 = arith.addi %mul3A_92, %add3A_93 : i32
      %lt3A_95 = arith.cmpi slt, %add3A_94, %select_n3A : i32
      %convert_element_type3A = arith.extui %lt3A_95 : i1 to i32
      %cond3A = arith.constant 0 : i32
      %cond3A_96 = arith.cmpi ne, %convert_element_type3A, %cond3A : i32
      scf.if %cond3A_96 {
        %mul3A_122 = arith.constant 32 : i32
        %mul3A_123 = arith.muli %add3A_94, %mul3A_122 : i32
        %add3A_124 = arith.addi %add3A, %mul3A_123 : i32
        %mul3A_125 = arith.constant 256 : i32
        %mul3A_126 = arith.muli %add3A_124, %mul3A_125 : i32
        %dma_start3A = tpu.memref_slice %arg2[%mul3A_126] : memref<1600000xi32, #tpu.memory_space<hbm>> -> memref<256xi32, #tpu.memory_space<hbm>>
        %dma_start3A_127 = tpu.memref_slice %arg2[%mul3A_126] : memref<1600000xi32, #tpu.memory_space<hbm>> -> memref<256xi32, #tpu.memory_space<hbm>>
        tpu.enqueue_dma source(%dma_start3A_127 : memref<256xi32, #tpu.memory_space<hbm>>) target(%arg15 : memref<256xi32, #tpu.memory_space<vmem>>) target_semaphore(%arg26 : memref<!tpu.dma_semaphore, #tpu.memory_space<semaphore_mem>>)
        %dma_start3A_128 = tpu.memref_slice %arg4[%mul3A_126] : memref<1600000xf32, #tpu.memory_space<hbm>> -> memref<256xf32, #tpu.memory_space<hbm>>
        %dma_start3A_129 = tpu.memref_slice %arg4[%mul3A_126] : memref<1600000xf32, #tpu.memory_space<hbm>> -> memref<256xf32, #tpu.memory_space<hbm>>
        tpu.enqueue_dma source(%dma_start3A_129 : memref<256xf32, #tpu.memory_space<hbm>>) target(%arg17 : memref<256xf32, #tpu.memory_space<vmem>>) target_semaphore(%arg26 : memref<!tpu.dma_semaphore, #tpu.memory_space<semaphore_mem>>)
        %dma_start3A_130 = tpu.memref_slice %arg5[%mul3A_126] : memref<1600000xf32, #tpu.memory_space<hbm>> -> memref<256xf32, #tpu.memory_space<hbm>>
        %dma_start3A_131 = tpu.memref_slice %arg5[%mul3A_126] : memref<1600000xf32, #tpu.memory_space<hbm>> -> memref<256xf32, #tpu.memory_space<hbm>>
        tpu.enqueue_dma source(%dma_start3A_131 : memref<256xf32, #tpu.memory_space<hbm>>) target(%arg18 : memref<256xf32, #tpu.memory_space<vmem>>) target_semaphore(%arg26 : memref<!tpu.dma_semaphore, #tpu.memory_space<semaphore_mem>>)
        %dma_start3A_132 = tpu.memref_slice %arg6[%mul3A_126] : memref<1600000xf32, #tpu.memory_space<hbm>> -> memref<256xf32, #tpu.memory_space<hbm>>
        %dma_start3A_133 = tpu.memref_slice %arg6[%mul3A_126] : memref<1600000xf32, #tpu.memory_space<hbm>> -> memref<256xf32, #tpu.memory_space<hbm>>
        tpu.enqueue_dma source(%dma_start3A_133 : memref<256xf32, #tpu.memory_space<hbm>>) target(%arg19 : memref<256xf32, #tpu.memory_space<vmem>>) target_semaphore(%arg26 : memref<!tpu.dma_semaphore, #tpu.memory_space<semaphore_mem>>)
        %dma_start3A_134 = tpu.memref_slice %arg3[%mul3A_126] : memref<1600000xi32, #tpu.memory_space<hbm>> -> memref<256xi32, #tpu.memory_space<hbm>>
        %dma_start3A_135 = tpu.memref_slice %arg3[%mul3A_126] : memref<1600000xi32, #tpu.memory_space<hbm>> -> memref<256xi32, #tpu.memory_space<hbm>>
        tpu.enqueue_dma source(%dma_start3A_135 : memref<256xi32, #tpu.memory_space<hbm>>) target(%arg16 : memref<256xi32, #tpu.memory_space<vmem>>) target_semaphore(%arg26 : memref<!tpu.dma_semaphore, #tpu.memory_space<semaphore_mem>>)
        %dma_wait3A_136 = tpu.memref_slice %arg2[%mul3A_126] : memref<1600000xi32, #tpu.memory_space<hbm>> -> memref<256xi32, #tpu.memory_space<hbm>>
        %dma_wait3A_137 = tpu.memref_slice %arg2[%mul3A_126] : memref<1600000xi32, #tpu.memory_space<hbm>> -> memref<256xi32, #tpu.memory_space<hbm>>
        tpu.wait_dma2 semaphore(%arg26 : memref<!tpu.dma_semaphore, #tpu.memory_space<semaphore_mem>>) src(%dma_wait3A_137 : memref<256xi32, #tpu.memory_space<hbm>>) dst(%arg15 : memref<256xi32, #tpu.memory_space<vmem>>)
        %dma_wait3A_138 = tpu.memref_slice %arg4[%mul3A_126] : memref<1600000xf32, #tpu.memory_space<hbm>> -> memref<256xf32, #tpu.memory_space<hbm>>
        %dma_wait3A_139 = tpu.memref_slice %arg4[%mul3A_126] : memref<1600000xf32, #tpu.memory_space<hbm>> -> memref<256xf32, #tpu.memory_space<hbm>>
        tpu.wait_dma2 semaphore(%arg26 : memref<!tpu.dma_semaphore, #tpu.memory_space<semaphore_mem>>) src(%dma_wait3A_139 : memref<256xf32, #tpu.memory_space<hbm>>) dst(%arg17 : memref<256xf32, #tpu.memory_space<vmem>>)
        %dma_wait3A_140 = tpu.memref_slice %arg5[%mul3A_126] : memref<1600000xf32, #tpu.memory_space<hbm>> -> memref<256xf32, #tpu.memory_space<hbm>>
        %dma_wait3A_141 = tpu.memref_slice %arg5[%mul3A_126] : memref<1600000xf32, #tpu.memory_space<hbm>> -> memref<256xf32, #tpu.memory_space<hbm>>
        tpu.wait_dma2 semaphore(%arg26 : memref<!tpu.dma_semaphore, #tpu.memory_space<semaphore_mem>>) src(%dma_wait3A_141 : memref<256xf32, #tpu.memory_space<hbm>>) dst(%arg18 : memref<256xf32, #tpu.memory_space<vmem>>)
        %dma_wait3A_142 = tpu.memref_slice %arg6[%mul3A_126] : memref<1600000xf32, #tpu.memory_space<hbm>> -> memref<256xf32, #tpu.memory_space<hbm>>
        %dma_wait3A_143 = tpu.memref_slice %arg6[%mul3A_126] : memref<1600000xf32, #tpu.memory_space<hbm>> -> memref<256xf32, #tpu.memory_space<hbm>>
        tpu.wait_dma2 semaphore(%arg26 : memref<!tpu.dma_semaphore, #tpu.memory_space<semaphore_mem>>) src(%dma_wait3A_143 : memref<256xf32, #tpu.memory_space<hbm>>) dst(%arg19 : memref<256xf32, #tpu.memory_space<vmem>>)
        %dma_wait3A_144 = tpu.memref_slice %arg3[%mul3A_126] : memref<1600000xi32, #tpu.memory_space<hbm>> -> memref<256xi32, #tpu.memory_space<hbm>>
        %dma_wait3A_145 = tpu.memref_slice %arg3[%mul3A_126] : memref<1600000xi32, #tpu.memory_space<hbm>> -> memref<256xi32, #tpu.memory_space<hbm>>
        tpu.wait_dma2 semaphore(%arg26 : memref<!tpu.dma_semaphore, #tpu.memory_space<semaphore_mem>>) src(%dma_wait3A_145 : memref<256xi32, #tpu.memory_space<hbm>>) dst(%arg16 : memref<256xi32, #tpu.memory_space<vmem>>)
      } else {
      }
      %ge3A = arith.constant 2 : i32
      %ge3A_97 = arith.cmpi sge, %add3A_94, %ge3A : i32
      %and3A = arith.andi %lt3A_95, %ge3A_97 : i1
      %convert_element_type3A_98 = arith.extui %and3A : i1 to i32
      %cond3A_99 = arith.constant 0 : i32
      %cond3A_100 = arith.cmpi ne, %convert_element_type3A_98, %cond3A_99 : i32
      scf.if %cond3A_100 {
        %dma_wait3A_122 = arith.constant 0 : i32
        %dma_wait3A_123 = tpu.memref_slice %arg11[%dma_wait3A_122] : memref<100352xf32, #tpu.memory_space<vmem_shared>> -> memref<100352xf32, #tpu.memory_space<vmem_shared>>
        tpu.wait_indirect_dma semaphore(%arg27 : memref<!tpu.dma_semaphore, #tpu.memory_space<semaphore_mem>>) src(%arg20 : memref<256xf32, #tpu.memory_space<vmem>>) dst(%dma_wait3A_123 : memref<100352xf32, #tpu.memory_space<vmem_shared>>)
        %dma_wait3A_124 = arith.constant 0 : i32
        %dma_wait3A_125 = tpu.memref_slice %arg12[%dma_wait3A_124] : memref<100352xf32, #tpu.memory_space<vmem_shared>> -> memref<100352xf32, #tpu.memory_space<vmem_shared>>
        tpu.wait_indirect_dma semaphore(%arg27 : memref<!tpu.dma_semaphore, #tpu.memory_space<semaphore_mem>>) src(%arg21 : memref<256xf32, #tpu.memory_space<vmem>>) dst(%dma_wait3A_125 : memref<100352xf32, #tpu.memory_space<vmem_shared>>)
        %dma_wait3A_126 = arith.constant 0 : i32
        %dma_wait3A_127 = tpu.memref_slice %arg13[%dma_wait3A_126] : memref<100352xf32, #tpu.memory_space<vmem_shared>> -> memref<100352xf32, #tpu.memory_space<vmem_shared>>
        tpu.wait_indirect_dma semaphore(%arg27 : memref<!tpu.dma_semaphore, #tpu.memory_space<semaphore_mem>>) src(%arg24 : memref<256xf32, #tpu.memory_space<vmem>>) dst(%dma_wait3A_127 : memref<100352xf32, #tpu.memory_space<vmem_shared>>)
      } else {
      }
      %convert_element_type3A_101 = arith.extui %lt3A_95 : i1 to i32
      %cond3A_102 = arith.constant 0 : i32
      %cond3A_103 = arith.cmpi ne, %convert_element_type3A_101, %cond3A_102 : i32
      scf.if %cond3A_103 {
        %scan3A_122 = arith.constant 0 : i32
        %scan3A_123 = arith.constant 0 : i32
        %scan3A_124 = arith.constant 16 : i32
        %scan3A_125 = arith.addi %scan3A_123, %scan3A_124 : i32
        %scan3A_126 = arith.constant 1 : i32
        %scan3A_127 = scf.for %scan3A_134 = %scan3A_123 to %scan3A_125 step %scan3A_126 iter_args(%scan3A_135 = %scan3A_122) -> (i32)  : i32 {
          %mul3A_136 = arith.constant 16 : i32
          %mul3A_137 = arith.muli %scan3A_134, %mul3A_136 : i32
          %get3A_138 = arith.index_cast %mul3A_137 : i32 to index
          %get3A_139 = tpu.vector_load %arg15[%get3A_138] {strides = array<i32>} : memref<256xi32, #tpu.memory_space<vmem>>, vector<16xi32>,
          %gather3A = tpu.vector_load_idx %arg14[%get3A_139] : memref<100000xf32, #tpu.memory_space<vmem>>[vector<16xi32>], vector<16xf32>,
          %get3A_140 = arith.index_cast %mul3A_137 : i32 to index
          %get3A_141 = tpu.vector_load %arg17[%get3A_140] {strides = array<i32>} : memref<256xf32, #tpu.memory_space<vmem>>, vector<16xf32>,
          %get3A_142 = arith.index_cast %mul3A_137 : i32 to index
          %get3A_143 = tpu.vector_load %arg18[%get3A_142] {strides = array<i32>} : memref<256xf32, #tpu.memory_space<vmem>>, vector<16xf32>,
          %get3A_144 = arith.index_cast %mul3A_137 : i32 to index
          %get3A_145 = tpu.vector_load %arg19[%get3A_144] {strides = array<i32>} : memref<256xf32, #tpu.memory_space<vmem>>, vector<16xf32>,
          %sub3A = arith.constant 1.000000e+00 : f32
          %sub3A_146 = vector.broadcast %sub3A : f32 to vector<16xf32>
          %sub3A_147 = arith.subf %sub3A_146, %get3A_141 : vector<16xf32>
          %sub3A_148 = arith.constant 1.000000e+00 : f32
          %sub3A_149 = vector.broadcast %sub3A_148 : f32 to vector<16xf32>
          %sub3A_150 = arith.subf %sub3A_149, %get3A_143 : vector<16xf32>
          %sub3A_151 = arith.constant 1.000000e+00 : f32
          %sub3A_152 = vector.broadcast %sub3A_151 : f32 to vector<16xf32>
          %sub3A_153 = arith.subf %sub3A_152, %get3A_145 : vector<16xf32>
          %mul3A_154 = arith.mulf %sub3A_147, %sub3A_150 : vector<16xf32>
          %mul3A_155 = arith.mulf %get3A_141, %sub3A_150 : vector<16xf32>
          %mul3A_156 = arith.mulf %sub3A_147, %get3A_143 : vector<16xf32>
          %mul3A_157 = arith.mulf %get3A_141, %get3A_143 : vector<16xf32>
          %mul3A_158 = arith.mulf %mul3A_154, %sub3A_153 : vector<16xf32>
          %mul3A_159 = arith.mulf %mul3A_155, %sub3A_153 : vector<16xf32>
          %mul3A_160 = arith.mulf %mul3A_156, %sub3A_153 : vector<16xf32>
          %mul3A_161 = arith.mulf %mul3A_157, %sub3A_153 : vector<16xf32>
          %mul3A_162 = arith.mulf %mul3A_154, %get3A_145 : vector<16xf32>
          %mul3A_163 = arith.mulf %mul3A_155, %get3A_145 : vector<16xf32>
          %mul3A_164 = arith.mulf %mul3A_156, %get3A_145 : vector<16xf32>
          %mul3A_165 = arith.mulf %mul3A_157, %get3A_145 : vector<16xf32>
          %mul3A_166 = vector.broadcast %squeeze3A : f32 to vector<16xf32>
          %mul3A_167 = arith.mulf %mul3A_158, %mul3A_166 : vector<16xf32>
          %mul3A_168 = vector.broadcast %squeeze3A_10 : f32 to vector<16xf32>
          %mul3A_169 = arith.mulf %mul3A_158, %mul3A_168 : vector<16xf32>
          %mul3A_170 = vector.broadcast %squeeze3A_12 : f32 to vector<16xf32>
          %mul3A_171 = arith.mulf %mul3A_159, %mul3A_170 : vector<16xf32>
          %add3A_172 = arith.addf %mul3A_167, %mul3A_171 : vector<16xf32>
          %mul3A_173 = vector.broadcast %squeeze3A_14 : f32 to vector<16xf32>
          %mul3A_174 = arith.mulf %mul3A_159, %mul3A_173 : vector<16xf32>
          %add3A_175 = arith.addf %mul3A_169, %mul3A_174 : vector<16xf32>
          %mul3A_176 = vector.broadcast %squeeze3A_16 : f32 to vector<16xf32>
          %mul3A_177 = arith.mulf %mul3A_160, %mul3A_176 : vector<16xf32>
          %add3A_178 = arith.addf %add3A_172, %mul3A_177 : vector<16xf32>
          %mul3A_179 = vector.broadcast %squeeze3A_18 : f32 to vector<16xf32>
          %mul3A_180 = arith.mulf %mul3A_160, %mul3A_179 : vector<16xf32>
          %add3A_181 = arith.addf %add3A_175, %mul3A_180 : vector<16xf32>
          %mul3A_182 = vector.broadcast %squeeze3A_20 : f32 to vector<16xf32>
          %mul3A_183 = arith.mulf %mul3A_161, %mul3A_182 : vector<16xf32>
          %add3A_184 = arith.addf %add3A_178, %mul3A_183 : vector<16xf32>
          %mul3A_185 = vector.broadcast %squeeze3A_22 : f32 to vector<16xf32>
          %mul3A_186 = arith.mulf %mul3A_161, %mul3A_185 : vector<16xf32>
          %add3A_187 = arith.addf %add3A_181, %mul3A_186 : vector<16xf32>
          %mul3A_188 = vector.broadcast %squeeze3A_24 : f32 to vector<16xf32>
          %mul3A_189 = arith.mulf %mul3A_162, %mul3A_188 : vector<16xf32>
          %add3A_190 = arith.addf %add3A_184, %mul3A_189 : vector<16xf32>
          %mul3A_191 = vector.broadcast %squeeze3A_26 : f32 to vector<16xf32>
          %mul3A_192 = arith.mulf %mul3A_162, %mul3A_191 : vector<16xf32>
          %add3A_193 = arith.addf %add3A_187, %mul3A_192 : vector<16xf32>
          %mul3A_194 = vector.broadcast %squeeze3A_28 : f32 to vector<16xf32>
          %mul3A_195 = arith.mulf %mul3A_163, %mul3A_194 : vector<16xf32>
          %add3A_196 = arith.addf %add3A_190, %mul3A_195 : vector<16xf32>
          %mul3A_197 = vector.broadcast %squeeze3A_30 : f32 to vector<16xf32>
          %mul3A_198 = arith.mulf %mul3A_163, %mul3A_197 : vector<16xf32>
          %add3A_199 = arith.addf %add3A_193, %mul3A_198 : vector<16xf32>
          %mul3A_200 = vector.broadcast %squeeze3A_32 : f32 to vector<16xf32>
          %mul3A_201 = arith.mulf %mul3A_164, %mul3A_200 : vector<16xf32>
          %add3A_202 = arith.addf %add3A_196, %mul3A_201 : vector<16xf32>
          %mul3A_203 = vector.broadcast %squeeze3A_34 : f32 to vector<16xf32>
          %mul3A_204 = arith.mulf %mul3A_164, %mul3A_203 : vector<16xf32>
          %add3A_205 = arith.addf %add3A_199, %mul3A_204 : vector<16xf32>
          %mul3A_206 = vector.broadcast %squeeze3A_36 : f32 to vector<16xf32>
          %mul3A_207 = arith.mulf %mul3A_165, %mul3A_206 : vector<16xf32>
          %add3A_208 = arith.addf %add3A_202, %mul3A_207 : vector<16xf32>
          %mul3A_209 = vector.broadcast %squeeze3A_38 : f32 to vector<16xf32>
          %mul3A_210 = arith.mulf %mul3A_165, %mul3A_209 : vector<16xf32>
          %add3A_211 = arith.addf %add3A_205, %mul3A_210 : vector<16xf32>
          %mul3A_212 = arith.mulf %gather3A, %add3A_208 : vector<16xf32>
          %swap3A = arith.index_cast %mul3A_137 : i32 to index
          %swap3A_213 = tpu.vector_load %arg20[%swap3A] {strides = array<i32>} : memref<256xf32, #tpu.memory_space<vmem>>, vector<16xf32>,
          tpu.vector_store %arg20[%swap3A], %mul3A_212 {strides = array<i32>} : memref<256xf32, #tpu.memory_space<vmem>>, vector<16xf32>,
          %mul3A_214 = arith.mulf %gather3A, %add3A_211 : vector<16xf32>
          %swap3A_215 = arith.index_cast %mul3A_137 : i32 to index
          %swap3A_216 = tpu.vector_load %arg21[%swap3A_215] {strides = array<i32>} : memref<256xf32, #tpu.memory_space<vmem>>, vector<16xf32>,
          tpu.vector_store %arg21[%swap3A_215], %mul3A_214 {strides = array<i32>} : memref<256xf32, #tpu.memory_space<vmem>>, vector<16xf32>,
          %scan3A_217 = arith.constant 0 : i32
          scf.yield %scan3A_217 : i32
        }
        %scan3A_128 = arith.constant 16 : i32
        %dma_start3A = arith.constant 0 : i32
        %dma_start3A_129 = tpu.memref_slice %arg11[%dma_start3A] : memref<100352xf32, #tpu.memory_space<vmem_shared>> -> memref<100352xf32, #tpu.memory_space<vmem_shared>>
        tpu.enqueue_indirect_dma source(%arg20 : memref<256xf32, #tpu.memory_space<vmem>>) target(%dma_start3A_129 : memref<100352xf32, #tpu.memory_space<vmem_shared>>) offsets(%arg16 : memref<256xi32, #tpu.memory_space<vmem>>) semaphore(%arg27 : memref<!tpu.dma_semaphore, #tpu.memory_space<semaphore_mem>>) {add = true}
        %dma_start3A_130 = arith.constant 0 : i32
        %dma_start3A_131 = tpu.memref_slice %arg12[%dma_start3A_130] : memref<100352xf32, #tpu.memory_space<vmem_shared>> -> memref<100352xf32, #tpu.memory_space<vmem_shared>>
        tpu.enqueue_indirect_dma source(%arg21 : memref<256xf32, #tpu.memory_space<vmem>>) target(%dma_start3A_131 : memref<100352xf32, #tpu.memory_space<vmem_shared>>) offsets(%arg16 : memref<256xi32, #tpu.memory_space<vmem>>) semaphore(%arg27 : memref<!tpu.dma_semaphore, #tpu.memory_space<semaphore_mem>>) {add = true}
        %dma_start3A_132 = arith.constant 0 : i32
        %dma_start3A_133 = tpu.memref_slice %arg13[%dma_start3A_132] : memref<100352xf32, #tpu.memory_space<vmem_shared>> -> memref<100352xf32, #tpu.memory_space<vmem_shared>>
        tpu.enqueue_indirect_dma source(%arg24 : memref<256xf32, #tpu.memory_space<vmem>>) target(%dma_start3A_133 : memref<100352xf32, #tpu.memory_space<vmem_shared>>) offsets(%arg16 : memref<256xi32, #tpu.memory_space<vmem>>) semaphore(%arg27 : memref<!tpu.dma_semaphore, #tpu.memory_space<semaphore_mem>>) {add = true}
      } else {
      }
      %mul3A_104 = arith.constant 2 : i32
      %mul3A_105 = arith.muli %scan3A_89, %mul3A_104 : i32
      %add3A_106 = arith.constant 1 : i32
      %add3A_107 = arith.addi %mul3A_105, %add3A_106 : i32
      %lt3A_108 = arith.cmpi slt, %add3A_107, %select_n3A : i32
      %convert_element_type3A_109 = arith.extui %lt3A_108 : i1 to i32
      %cond3A_110 = arith.constant 0 : i32
      %cond3A_111 = arith.cmpi ne, %convert_element_type3A_109, %cond3A_110 : i32
      scf.if %cond3A_111 {
        %mul3A_122 = arith.constant 32 : i32
        %mul3A_123 = arith.muli %add3A_107, %mul3A_122 : i32
        %add3A_124 = arith.addi %add3A, %mul3A_123 : i32
        %mul3A_125 = arith.constant 256 : i32
        %mul3A_126 = arith.muli %add3A_124, %mul3A_125 : i32
        %dma_start3A = tpu.memref_slice %arg2[%mul3A_126] : memref<1600000xi32, #tpu.memory_space<hbm>> -> memref<256xi32, #tpu.memory_space<hbm>>
        %dma_start3A_127 = tpu.memref_slice %arg2[%mul3A_126] : memref<1600000xi32, #tpu.memory_space<hbm>> -> memref<256xi32, #tpu.memory_space<hbm>>
        tpu.enqueue_dma source(%dma_start3A_127 : memref<256xi32, #tpu.memory_space<hbm>>) target(%arg15 : memref<256xi32, #tpu.memory_space<vmem>>) target_semaphore(%arg26 : memref<!tpu.dma_semaphore, #tpu.memory_space<semaphore_mem>>)
        %dma_start3A_128 = tpu.memref_slice %arg4[%mul3A_126] : memref<1600000xf32, #tpu.memory_space<hbm>> -> memref<256xf32, #tpu.memory_space<hbm>>
        %dma_start3A_129 = tpu.memref_slice %arg4[%mul3A_126] : memref<1600000xf32, #tpu.memory_space<hbm>> -> memref<256xf32, #tpu.memory_space<hbm>>
        tpu.enqueue_dma source(%dma_start3A_129 : memref<256xf32, #tpu.memory_space<hbm>>) target(%arg17 : memref<256xf32, #tpu.memory_space<vmem>>) target_semaphore(%arg26 : memref<!tpu.dma_semaphore, #tpu.memory_space<semaphore_mem>>)
        %dma_start3A_130 = tpu.memref_slice %arg5[%mul3A_126] : memref<1600000xf32, #tpu.memory_space<hbm>> -> memref<256xf32, #tpu.memory_space<hbm>>
        %dma_start3A_131 = tpu.memref_slice %arg5[%mul3A_126] : memref<1600000xf32, #tpu.memory_space<hbm>> -> memref<256xf32, #tpu.memory_space<hbm>>
        tpu.enqueue_dma source(%dma_start3A_131 : memref<256xf32, #tpu.memory_space<hbm>>) target(%arg18 : memref<256xf32, #tpu.memory_space<vmem>>) target_semaphore(%arg26 : memref<!tpu.dma_semaphore, #tpu.memory_space<semaphore_mem>>)
        %dma_start3A_132 = tpu.memref_slice %arg6[%mul3A_126] : memref<1600000xf32, #tpu.memory_space<hbm>> -> memref<256xf32, #tpu.memory_space<hbm>>
        %dma_start3A_133 = tpu.memref_slice %arg6[%mul3A_126] : memref<1600000xf32, #tpu.memory_space<hbm>> -> memref<256xf32, #tpu.memory_space<hbm>>
        tpu.enqueue_dma source(%dma_start3A_133 : memref<256xf32, #tpu.memory_space<hbm>>) target(%arg19 : memref<256xf32, #tpu.memory_space<vmem>>) target_semaphore(%arg26 : memref<!tpu.dma_semaphore, #tpu.memory_space<semaphore_mem>>)
        %dma_start3A_134 = tpu.memref_slice %arg3[%mul3A_126] : memref<1600000xi32, #tpu.memory_space<hbm>> -> memref<256xi32, #tpu.memory_space<hbm>>
        %dma_start3A_135 = tpu.memref_slice %arg3[%mul3A_126] : memref<1600000xi32, #tpu.memory_space<hbm>> -> memref<256xi32, #tpu.memory_space<hbm>>
        tpu.enqueue_dma source(%dma_start3A_135 : memref<256xi32, #tpu.memory_space<hbm>>) target(%arg16 : memref<256xi32, #tpu.memory_space<vmem>>) target_semaphore(%arg26 : memref<!tpu.dma_semaphore, #tpu.memory_space<semaphore_mem>>)
        %dma_wait3A_136 = tpu.memref_slice %arg2[%mul3A_126] : memref<1600000xi32, #tpu.memory_space<hbm>> -> memref<256xi32, #tpu.memory_space<hbm>>
        %dma_wait3A_137 = tpu.memref_slice %arg2[%mul3A_126] : memref<1600000xi32, #tpu.memory_space<hbm>> -> memref<256xi32, #tpu.memory_space<hbm>>
        tpu.wait_dma2 semaphore(%arg26 : memref<!tpu.dma_semaphore, #tpu.memory_space<semaphore_mem>>) src(%dma_wait3A_137 : memref<256xi32, #tpu.memory_space<hbm>>) dst(%arg15 : memref<256xi32, #tpu.memory_space<vmem>>)
        %dma_wait3A_138 = tpu.memref_slice %arg4[%mul3A_126] : memref<1600000xf32, #tpu.memory_space<hbm>> -> memref<256xf32, #tpu.memory_space<hbm>>
        %dma_wait3A_139 = tpu.memref_slice %arg4[%mul3A_126] : memref<1600000xf32, #tpu.memory_space<hbm>> -> memref<256xf32, #tpu.memory_space<hbm>>
        tpu.wait_dma2 semaphore(%arg26 : memref<!tpu.dma_semaphore, #tpu.memory_space<semaphore_mem>>) src(%dma_wait3A_139 : memref<256xf32, #tpu.memory_space<hbm>>) dst(%arg17 : memref<256xf32, #tpu.memory_space<vmem>>)
        %dma_wait3A_140 = tpu.memref_slice %arg5[%mul3A_126] : memref<1600000xf32, #tpu.memory_space<hbm>> -> memref<256xf32, #tpu.memory_space<hbm>>
        %dma_wait3A_141 = tpu.memref_slice %arg5[%mul3A_126] : memref<1600000xf32, #tpu.memory_space<hbm>> -> memref<256xf32, #tpu.memory_space<hbm>>
        tpu.wait_dma2 semaphore(%arg26 : memref<!tpu.dma_semaphore, #tpu.memory_space<semaphore_mem>>) src(%dma_wait3A_141 : memref<256xf32, #tpu.memory_space<hbm>>) dst(%arg18 : memref<256xf32, #tpu.memory_space<vmem>>)
        %dma_wait3A_142 = tpu.memref_slice %arg6[%mul3A_126] : memref<1600000xf32, #tpu.memory_space<hbm>> -> memref<256xf32, #tpu.memory_space<hbm>>
        %dma_wait3A_143 = tpu.memref_slice %arg6[%mul3A_126] : memref<1600000xf32, #tpu.memory_space<hbm>> -> memref<256xf32, #tpu.memory_space<hbm>>
        tpu.wait_dma2 semaphore(%arg26 : memref<!tpu.dma_semaphore, #tpu.memory_space<semaphore_mem>>) src(%dma_wait3A_143 : memref<256xf32, #tpu.memory_space<hbm>>) dst(%arg19 : memref<256xf32, #tpu.memory_space<vmem>>)
        %dma_wait3A_144 = tpu.memref_slice %arg3[%mul3A_126] : memref<1600000xi32, #tpu.memory_space<hbm>> -> memref<256xi32, #tpu.memory_space<hbm>>
        %dma_wait3A_145 = tpu.memref_slice %arg3[%mul3A_126] : memref<1600000xi32, #tpu.memory_space<hbm>> -> memref<256xi32, #tpu.memory_space<hbm>>
        tpu.wait_dma2 semaphore(%arg26 : memref<!tpu.dma_semaphore, #tpu.memory_space<semaphore_mem>>) src(%dma_wait3A_145 : memref<256xi32, #tpu.memory_space<hbm>>) dst(%arg16 : memref<256xi32, #tpu.memory_space<vmem>>)
      } else {
      }
      %ge3A_112 = arith.constant 2 : i32
      %ge3A_113 = arith.cmpi sge, %add3A_107, %ge3A_112 : i32
      %and3A_114 = arith.andi %lt3A_108, %ge3A_113 : i1
      %convert_element_type3A_115 = arith.extui %and3A_114 : i1 to i32
      %cond3A_116 = arith.constant 0 : i32
      %cond3A_117 = arith.cmpi ne, %convert_element_type3A_115, %cond3A_116 : i32
      scf.if %cond3A_117 {
        %dma_wait3A_122 = arith.constant 0 : i32
        %dma_wait3A_123 = tpu.memref_slice %arg11[%dma_wait3A_122] : memref<100352xf32, #tpu.memory_space<vmem_shared>> -> memref<100352xf32, #tpu.memory_space<vmem_shared>>
        tpu.wait_indirect_dma semaphore(%arg28 : memref<!tpu.dma_semaphore, #tpu.memory_space<semaphore_mem>>) src(%arg22 : memref<256xf32, #tpu.memory_space<vmem>>) dst(%dma_wait3A_123 : memref<100352xf32, #tpu.memory_space<vmem_shared>>)
        %dma_wait3A_124 = arith.constant 0 : i32
        %dma_wait3A_125 = tpu.memref_slice %arg12[%dma_wait3A_124] : memref<100352xf32, #tpu.memory_space<vmem_shared>> -> memref<100352xf32, #tpu.memory_space<vmem_shared>>
        tpu.wait_indirect_dma semaphore(%arg28 : memref<!tpu.dma_semaphore, #tpu.memory_space<semaphore_mem>>) src(%arg23 : memref<256xf32, #tpu.memory_space<vmem>>) dst(%dma_wait3A_125 : memref<100352xf32, #tpu.memory_space<vmem_shared>>)
        %dma_wait3A_126 = arith.constant 0 : i32
        %dma_wait3A_127 = tpu.memref_slice %arg13[%dma_wait3A_126] : memref<100352xf32, #tpu.memory_space<vmem_shared>> -> memref<100352xf32, #tpu.memory_space<vmem_shared>>
        tpu.wait_indirect_dma semaphore(%arg28 : memref<!tpu.dma_semaphore, #tpu.memory_space<semaphore_mem>>) src(%arg24 : memref<256xf32, #tpu.memory_space<vmem>>) dst(%dma_wait3A_127 : memref<100352xf32, #tpu.memory_space<vmem_shared>>)
      } else {
      }
      %convert_element_type3A_118 = arith.extui %lt3A_108 : i1 to i32
      %cond3A_119 = arith.constant 0 : i32
      %cond3A_120 = arith.cmpi ne, %convert_element_type3A_118, %cond3A_119 : i32
      scf.if %cond3A_120 {
        %scan3A_122 = arith.constant 0 : i32
        %scan3A_123 = arith.constant 0 : i32
        %scan3A_124 = arith.constant 16 : i32
        %scan3A_125 = arith.addi %scan3A_123, %scan3A_124 : i32
        %scan3A_126 = arith.constant 1 : i32
        %scan3A_127 = scf.for %scan3A_134 = %scan3A_123 to %scan3A_125 step %scan3A_126 iter_args(%scan3A_135 = %scan3A_122) -> (i32)  : i32 {
          %mul3A_136 = arith.constant 16 : i32
          %mul3A_137 = arith.muli %scan3A_134, %mul3A_136 : i32
          %get3A_138 = arith.index_cast %mul3A_137 : i32 to index
          %get3A_139 = tpu.vector_load %arg15[%get3A_138] {strides = array<i32>} : memref<256xi32, #tpu.memory_space<vmem>>, vector<16xi32>,
          %gather3A = tpu.vector_load_idx %arg14[%get3A_139] : memref<100000xf32, #tpu.memory_space<vmem>>[vector<16xi32>], vector<16xf32>,
          %get3A_140 = arith.index_cast %mul3A_137 : i32 to index
          %get3A_141 = tpu.vector_load %arg17[%get3A_140] {strides = array<i32>} : memref<256xf32, #tpu.memory_space<vmem>>, vector<16xf32>,
          %get3A_142 = arith.index_cast %mul3A_137 : i32 to index
          %get3A_143 = tpu.vector_load %arg18[%get3A_142] {strides = array<i32>} : memref<256xf32, #tpu.memory_space<vmem>>, vector<16xf32>,
          %get3A_144 = arith.index_cast %mul3A_137 : i32 to index
          %get3A_145 = tpu.vector_load %arg19[%get3A_144] {strides = array<i32>} : memref<256xf32, #tpu.memory_space<vmem>>, vector<16xf32>,
          %sub3A = arith.constant 1.000000e+00 : f32
          %sub3A_146 = vector.broadcast %sub3A : f32 to vector<16xf32>
          %sub3A_147 = arith.subf %sub3A_146, %get3A_141 : vector<16xf32>
          %sub3A_148 = arith.constant 1.000000e+00 : f32
          %sub3A_149 = vector.broadcast %sub3A_148 : f32 to vector<16xf32>
          %sub3A_150 = arith.subf %sub3A_149, %get3A_143 : vector<16xf32>
          %sub3A_151 = arith.constant 1.000000e+00 : f32
          %sub3A_152 = vector.broadcast %sub3A_151 : f32 to vector<16xf32>
          %sub3A_153 = arith.subf %sub3A_152, %get3A_145 : vector<16xf32>
          %mul3A_154 = arith.mulf %sub3A_147, %sub3A_150 : vector<16xf32>
          %mul3A_155 = arith.mulf %get3A_141, %sub3A_150 : vector<16xf32>
          %mul3A_156 = arith.mulf %sub3A_147, %get3A_143 : vector<16xf32>
          %mul3A_157 = arith.mulf %get3A_141, %get3A_143 : vector<16xf32>
          %mul3A_158 = arith.mulf %mul3A_154, %sub3A_153 : vector<16xf32>
          %mul3A_159 = arith.mulf %mul3A_155, %sub3A_153 : vector<16xf32>
          %mul3A_160 = arith.mulf %mul3A_156, %sub3A_153 : vector<16xf32>
          %mul3A_161 = arith.mulf %mul3A_157, %sub3A_153 : vector<16xf32>
          %mul3A_162 = arith.mulf %mul3A_154, %get3A_145 : vector<16xf32>
          %mul3A_163 = arith.mulf %mul3A_155, %get3A_145 : vector<16xf32>
          %mul3A_164 = arith.mulf %mul3A_156, %get3A_145 : vector<16xf32>
          %mul3A_165 = arith.mulf %mul3A_157, %get3A_145 : vector<16xf32>
          %mul3A_166 = vector.broadcast %squeeze3A : f32 to vector<16xf32>
          %mul3A_167 = arith.mulf %mul3A_158, %mul3A_166 : vector<16xf32>
          %mul3A_168 = vector.broadcast %squeeze3A_10 : f32 to vector<16xf32>
          %mul3A_169 = arith.mulf %mul3A_158, %mul3A_168 : vector<16xf32>
          %mul3A_170 = vector.broadcast %squeeze3A_12 : f32 to vector<16xf32>
          %mul3A_171 = arith.mulf %mul3A_159, %mul3A_170 : vector<16xf32>
          %add3A_172 = arith.addf %mul3A_167, %mul3A_171 : vector<16xf32>
          %mul3A_173 = vector.broadcast %squeeze3A_14 : f32 to vector<16xf32>
          %mul3A_174 = arith.mulf %mul3A_159, %mul3A_173 : vector<16xf32>
          %add3A_175 = arith.addf %mul3A_169, %mul3A_174 : vector<16xf32>
          %mul3A_176 = vector.broadcast %squeeze3A_16 : f32 to vector<16xf32>
          %mul3A_177 = arith.mulf %mul3A_160, %mul3A_176 : vector<16xf32>
          %add3A_178 = arith.addf %add3A_172, %mul3A_177 : vector<16xf32>
          %mul3A_179 = vector.broadcast %squeeze3A_18 : f32 to vector<16xf32>
          %mul3A_180 = arith.mulf %mul3A_160, %mul3A_179 : vector<16xf32>
          %add3A_181 = arith.addf %add3A_175, %mul3A_180 : vector<16xf32>
          %mul3A_182 = vector.broadcast %squeeze3A_20 : f32 to vector<16xf32>
          %mul3A_183 = arith.mulf %mul3A_161, %mul3A_182 : vector<16xf32>
          %add3A_184 = arith.addf %add3A_178, %mul3A_183 : vector<16xf32>
          %mul3A_185 = vector.broadcast %squeeze3A_22 : f32 to vector<16xf32>
          %mul3A_186 = arith.mulf %mul3A_161, %mul3A_185 : vector<16xf32>
          %add3A_187 = arith.addf %add3A_181, %mul3A_186 : vector<16xf32>
          %mul3A_188 = vector.broadcast %squeeze3A_24 : f32 to vector<16xf32>
          %mul3A_189 = arith.mulf %mul3A_162, %mul3A_188 : vector<16xf32>
          %add3A_190 = arith.addf %add3A_184, %mul3A_189 : vector<16xf32>
          %mul3A_191 = vector.broadcast %squeeze3A_26 : f32 to vector<16xf32>
          %mul3A_192 = arith.mulf %mul3A_162, %mul3A_191 : vector<16xf32>
          %add3A_193 = arith.addf %add3A_187, %mul3A_192 : vector<16xf32>
          %mul3A_194 = vector.broadcast %squeeze3A_28 : f32 to vector<16xf32>
          %mul3A_195 = arith.mulf %mul3A_163, %mul3A_194 : vector<16xf32>
          %add3A_196 = arith.addf %add3A_190, %mul3A_195 : vector<16xf32>
          %mul3A_197 = vector.broadcast %squeeze3A_30 : f32 to vector<16xf32>
          %mul3A_198 = arith.mulf %mul3A_163, %mul3A_197 : vector<16xf32>
          %add3A_199 = arith.addf %add3A_193, %mul3A_198 : vector<16xf32>
          %mul3A_200 = vector.broadcast %squeeze3A_32 : f32 to vector<16xf32>
          %mul3A_201 = arith.mulf %mul3A_164, %mul3A_200 : vector<16xf32>
          %add3A_202 = arith.addf %add3A_196, %mul3A_201 : vector<16xf32>
          %mul3A_203 = vector.broadcast %squeeze3A_34 : f32 to vector<16xf32>
          %mul3A_204 = arith.mulf %mul3A_164, %mul3A_203 : vector<16xf32>
          %add3A_205 = arith.addf %add3A_199, %mul3A_204 : vector<16xf32>
          %mul3A_206 = vector.broadcast %squeeze3A_36 : f32 to vector<16xf32>
          %mul3A_207 = arith.mulf %mul3A_165, %mul3A_206 : vector<16xf32>
          %add3A_208 = arith.addf %add3A_202, %mul3A_207 : vector<16xf32>
          %mul3A_209 = vector.broadcast %squeeze3A_38 : f32 to vector<16xf32>
          %mul3A_210 = arith.mulf %mul3A_165, %mul3A_209 : vector<16xf32>
          %add3A_211 = arith.addf %add3A_205, %mul3A_210 : vector<16xf32>
          %mul3A_212 = arith.mulf %gather3A, %add3A_208 : vector<16xf32>
          %swap3A = arith.index_cast %mul3A_137 : i32 to index
          %swap3A_213 = tpu.vector_load %arg22[%swap3A] {strides = array<i32>} : memref<256xf32, #tpu.memory_space<vmem>>, vector<16xf32>,
          tpu.vector_store %arg22[%swap3A], %mul3A_212 {strides = array<i32>} : memref<256xf32, #tpu.memory_space<vmem>>, vector<16xf32>,
          %mul3A_214 = arith.mulf %gather3A, %add3A_211 : vector<16xf32>
          %swap3A_215 = arith.index_cast %mul3A_137 : i32 to index
          %swap3A_216 = tpu.vector_load %arg23[%swap3A_215] {strides = array<i32>} : memref<256xf32, #tpu.memory_space<vmem>>, vector<16xf32>,
          tpu.vector_store %arg23[%swap3A_215], %mul3A_214 {strides = array<i32>} : memref<256xf32, #tpu.memory_space<vmem>>, vector<16xf32>,
          %scan3A_217 = arith.constant 0 : i32
          scf.yield %scan3A_217 : i32
        }
        %scan3A_128 = arith.constant 16 : i32
        %dma_start3A = arith.constant 0 : i32
        %dma_start3A_129 = tpu.memref_slice %arg11[%dma_start3A] : memref<100352xf32, #tpu.memory_space<vmem_shared>> -> memref<100352xf32, #tpu.memory_space<vmem_shared>>
        tpu.enqueue_indirect_dma source(%arg22 : memref<256xf32, #tpu.memory_space<vmem>>) target(%dma_start3A_129 : memref<100352xf32, #tpu.memory_space<vmem_shared>>) offsets(%arg16 : memref<256xi32, #tpu.memory_space<vmem>>) semaphore(%arg28 : memref<!tpu.dma_semaphore, #tpu.memory_space<semaphore_mem>>) {add = true}
        %dma_start3A_130 = arith.constant 0 : i32
        %dma_start3A_131 = tpu.memref_slice %arg12[%dma_start3A_130] : memref<100352xf32, #tpu.memory_space<vmem_shared>> -> memref<100352xf32, #tpu.memory_space<vmem_shared>>
        tpu.enqueue_indirect_dma source(%arg23 : memref<256xf32, #tpu.memory_space<vmem>>) target(%dma_start3A_131 : memref<100352xf32, #tpu.memory_space<vmem_shared>>) offsets(%arg16 : memref<256xi32, #tpu.memory_space<vmem>>) semaphore(%arg28 : memref<!tpu.dma_semaphore, #tpu.memory_space<semaphore_mem>>) {add = true}
        %dma_start3A_132 = arith.constant 0 : i32
        %dma_start3A_133 = tpu.memref_slice %arg13[%dma_start3A_132] : memref<100352xf32, #tpu.memory_space<vmem_shared>> -> memref<100352xf32, #tpu.memory_space<vmem_shared>>
        tpu.enqueue_indirect_dma source(%arg24 : memref<256xf32, #tpu.memory_space<vmem>>) target(%dma_start3A_133 : memref<100352xf32, #tpu.memory_space<vmem_shared>>) offsets(%arg16 : memref<256xi32, #tpu.memory_space<vmem>>) semaphore(%arg28 : memref<!tpu.dma_semaphore, #tpu.memory_space<semaphore_mem>>) {add = true}
      } else {
      }
      %scan3A_121 = arith.constant 0 : i32
      scf.yield %scan3A_121 : i32
    }
    %scan3A_49 = arith.constant 98 : i32
    %dma_wait3A = arith.constant 0 : i32
    %dma_wait3A_50 = tpu.memref_slice %arg11[%dma_wait3A] : memref<100352xf32, #tpu.memory_space<vmem_shared>> -> memref<100352xf32, #tpu.memory_space<vmem_shared>>
    tpu.wait_indirect_dma semaphore(%arg27 : memref<!tpu.dma_semaphore, #tpu.memory_space<semaphore_mem>>) src(%arg20 : memref<256xf32, #tpu.memory_space<vmem>>) dst(%dma_wait3A_50 : memref<100352xf32, #tpu.memory_space<vmem_shared>>)
    %dma_wait3A_51 = arith.constant 0 : i32
    %dma_wait3A_52 = tpu.memref_slice %arg12[%dma_wait3A_51] : memref<100352xf32, #tpu.memory_space<vmem_shared>> -> memref<100352xf32, #tpu.memory_space<vmem_shared>>
    tpu.wait_indirect_dma semaphore(%arg27 : memref<!tpu.dma_semaphore, #tpu.memory_space<semaphore_mem>>) src(%arg21 : memref<256xf32, #tpu.memory_space<vmem>>) dst(%dma_wait3A_52 : memref<100352xf32, #tpu.memory_space<vmem_shared>>)
    %dma_wait3A_53 = arith.constant 0 : i32
    %dma_wait3A_54 = tpu.memref_slice %arg13[%dma_wait3A_53] : memref<100352xf32, #tpu.memory_space<vmem_shared>> -> memref<100352xf32, #tpu.memory_space<vmem_shared>>
    tpu.wait_indirect_dma semaphore(%arg27 : memref<!tpu.dma_semaphore, #tpu.memory_space<semaphore_mem>>) src(%arg24 : memref<256xf32, #tpu.memory_space<vmem>>) dst(%dma_wait3A_54 : memref<100352xf32, #tpu.memory_space<vmem_shared>>)
    %dma_wait3A_55 = arith.constant 0 : i32
    %dma_wait3A_56 = tpu.memref_slice %arg11[%dma_wait3A_55] : memref<100352xf32, #tpu.memory_space<vmem_shared>> -> memref<100352xf32, #tpu.memory_space<vmem_shared>>
    tpu.wait_indirect_dma semaphore(%arg28 : memref<!tpu.dma_semaphore, #tpu.memory_space<semaphore_mem>>) src(%arg22 : memref<256xf32, #tpu.memory_space<vmem>>) dst(%dma_wait3A_56 : memref<100352xf32, #tpu.memory_space<vmem_shared>>)
    %dma_wait3A_57 = arith.constant 0 : i32
    %dma_wait3A_58 = tpu.memref_slice %arg12[%dma_wait3A_57] : memref<100352xf32, #tpu.memory_space<vmem_shared>> -> memref<100352xf32, #tpu.memory_space<vmem_shared>>
    tpu.wait_indirect_dma semaphore(%arg28 : memref<!tpu.dma_semaphore, #tpu.memory_space<semaphore_mem>>) src(%arg23 : memref<256xf32, #tpu.memory_space<vmem>>) dst(%dma_wait3A_58 : memref<100352xf32, #tpu.memory_space<vmem_shared>>)
    %dma_wait3A_59 = arith.constant 0 : i32
    %dma_wait3A_60 = tpu.memref_slice %arg13[%dma_wait3A_59] : memref<100352xf32, #tpu.memory_space<vmem_shared>> -> memref<100352xf32, #tpu.memory_space<vmem_shared>>
    tpu.wait_indirect_dma semaphore(%arg28 : memref<!tpu.dma_semaphore, #tpu.memory_space<semaphore_mem>>) src(%arg24 : memref<256xf32, #tpu.memory_space<vmem>>) dst(%dma_wait3A_60 : memref<100352xf32, #tpu.memory_space<vmem_shared>>)
    %barrier3A_61 = arith.constant 0 : index
    tpu.barrier barrier_id(%barrier3A_61)
    %mul3A_62 = arith.constant 6272 : i32
    %mul3A_63 = arith.muli %arg1, %mul3A_62 : i32
    %mul3A_64 = arith.constant 301056 : i32
    %mul3A_65 = arith.muli %arg0, %mul3A_64 : i32
    %add3A_66 = arith.constant 0 : i32
    %add3A_67 = arith.addi %mul3A_65, %add3A_66 : i32
    %mul3A_68 = arith.constant 6272 : i32
    %mul3A_69 = arith.muli %arg1, %mul3A_68 : i32
    %add3A_70 = arith.addi %add3A_67, %mul3A_69 : i32
    "tpu.region"() ({
      %run_scoped3A = tpu.sem_alloc : memref<!tpu.dma_semaphore, #tpu.memory_space<semaphore_mem>>
      %dma_start3A = tpu.memref_slice %arg10[%add3A_70] : memref<602112xf32, #tpu.memory_space<hbm>> -> memref<6272xf32, #tpu.memory_space<hbm>>
      %dma_start3A_89 = tpu.memref_slice %arg11[%mul3A_63] : memref<100352xf32, #tpu.memory_space<vmem_shared>> -> memref<6272xf32, #tpu.memory_space<vmem_shared>>
      tpu.enqueue_dma source(%dma_start3A_89 : memref<6272xf32, #tpu.memory_space<vmem_shared>>) target(%dma_start3A : memref<6272xf32, #tpu.memory_space<hbm>>) target_semaphore(%run_scoped3A : memref<!tpu.dma_semaphore, #tpu.memory_space<semaphore_mem>>)
      %dma_wait3A_90 = tpu.memref_slice %arg10[%add3A_70] : memref<602112xf32, #tpu.memory_space<hbm>> -> memref<6272xf32, #tpu.memory_space<hbm>>
      %dma_wait3A_91 = tpu.memref_slice %arg11[%mul3A_63] : memref<100352xf32, #tpu.memory_space<vmem_shared>> -> memref<6272xf32, #tpu.memory_space<vmem_shared>>
      tpu.wait_dma2 semaphore(%run_scoped3A : memref<!tpu.dma_semaphore, #tpu.memory_space<semaphore_mem>>) src(%dma_wait3A_91 : memref<6272xf32, #tpu.memory_space<vmem_shared>>) dst(%dma_wait3A_90 : memref<6272xf32, #tpu.memory_space<hbm>>)
      tpu.yield
    }) : () -> ()
    %mul3A_71 = arith.constant 6272 : i32
    %mul3A_72 = arith.muli %arg1, %mul3A_71 : i32
    %mul3A_73 = arith.constant 301056 : i32
    %mul3A_74 = arith.muli %arg0, %mul3A_73 : i32
    %add3A_75 = arith.constant 100352 : i32
    %add3A_76 = arith.addi %mul3A_74, %add3A_75 : i32
    %mul3A_77 = arith.constant 6272 : i32
    %mul3A_78 = arith.muli %arg1, %mul3A_77 : i32
    %add3A_79 = arith.addi %add3A_76, %mul3A_78 : i32
    "tpu.region"() ({
      %run_scoped3A = tpu.sem_alloc : memref<!tpu.dma_semaphore, #tpu.memory_space<semaphore_mem>>
      %dma_start3A = tpu.memref_slice %arg10[%add3A_79] : memref<602112xf32, #tpu.memory_space<hbm>> -> memref<6272xf32, #tpu.memory_space<hbm>>
      %dma_start3A_89 = tpu.memref_slice %arg12[%mul3A_72] : memref<100352xf32, #tpu.memory_space<vmem_shared>> -> memref<6272xf32, #tpu.memory_space<vmem_shared>>
      tpu.enqueue_dma source(%dma_start3A_89 : memref<6272xf32, #tpu.memory_space<vmem_shared>>) target(%dma_start3A : memref<6272xf32, #tpu.memory_space<hbm>>) target_semaphore(%run_scoped3A : memref<!tpu.dma_semaphore, #tpu.memory_space<semaphore_mem>>)
      %dma_wait3A_90 = tpu.memref_slice %arg10[%add3A_79] : memref<602112xf32, #tpu.memory_space<hbm>> -> memref<6272xf32, #tpu.memory_space<hbm>>
      %dma_wait3A_91 = tpu.memref_slice %arg12[%mul3A_72] : memref<100352xf32, #tpu.memory_space<vmem_shared>> -> memref<6272xf32, #tpu.memory_space<vmem_shared>>
      tpu.wait_dma2 semaphore(%run_scoped3A : memref<!tpu.dma_semaphore, #tpu.memory_space<semaphore_mem>>) src(%dma_wait3A_91 : memref<6272xf32, #tpu.memory_space<vmem_shared>>) dst(%dma_wait3A_90 : memref<6272xf32, #tpu.memory_space<hbm>>)
      tpu.yield
    }) : () -> ()
    %mul3A_80 = arith.constant 6272 : i32
    %mul3A_81 = arith.muli %arg1, %mul3A_80 : i32
    %mul3A_82 = arith.constant 301056 : i32
    %mul3A_83 = arith.muli %arg0, %mul3A_82 : i32
    %add3A_84 = arith.constant 200704 : i32
    %add3A_85 = arith.addi %mul3A_83, %add3A_84 : i32
    %mul3A_86 = arith.constant 6272 : i32
    %mul3A_87 = arith.muli %arg1, %mul3A_86 : i32
    %add3A_88 = arith.addi %add3A_85, %mul3A_87 : i32
    "tpu.region"() ({
      %run_scoped3A = tpu.sem_alloc : memref<!tpu.dma_semaphore, #tpu.memory_space<semaphore_mem>>
      %dma_start3A = tpu.memref_slice %arg10[%add3A_88] : memref<602112xf32, #tpu.memory_space<hbm>> -> memref<6272xf32, #tpu.memory_space<hbm>>
      %dma_start3A_89 = tpu.memref_slice %arg13[%mul3A_81] : memref<100352xf32, #tpu.memory_space<vmem_shared>> -> memref<6272xf32, #tpu.memory_space<vmem_shared>>
      tpu.enqueue_dma source(%dma_start3A_89 : memref<6272xf32, #tpu.memory_space<vmem_shared>>) target(%dma_start3A : memref<6272xf32, #tpu.memory_space<hbm>>) target_semaphore(%run_scoped3A : memref<!tpu.dma_semaphore, #tpu.memory_space<semaphore_mem>>)
      %dma_wait3A_90 = tpu.memref_slice %arg10[%add3A_88] : memref<602112xf32, #tpu.memory_space<hbm>> -> memref<6272xf32, #tpu.memory_space<hbm>>
      %dma_wait3A_91 = tpu.memref_slice %arg13[%mul3A_81] : memref<100352xf32, #tpu.memory_space<vmem_shared>> -> memref<6272xf32, #tpu.memory_space<vmem_shared>>
      tpu.wait_dma2 semaphore(%run_scoped3A : memref<!tpu.dma_semaphore, #tpu.memory_space<semaphore_mem>>) src(%dma_wait3A_91 : memref<6272xf32, #tpu.memory_space<vmem_shared>>) dst(%dma_wait3A_90 : memref<6272xf32, #tpu.memory_space<hbm>>)
      tpu.yield
    }) : () -> ()
    return
  }
}

#map = affine_map<(d0, d1) -> (0)>
module attributes {stable_mosaic.version = 14 : i64} {
  func.func @_pack_body(%arg0: i32, %arg1: i32, %arg2: memref<200704xf32, #tpu.memory_space<hbm>>, %arg3: memref<16xf32, #tpu.memory_space<hbm>>, %arg4: memref<100352xi32, #tpu.memory_space<hbm>>, %arg5: memref<3136xf32, #tpu.memory_space<vmem>>, %arg6: memref<3136xf32, #tpu.memory_space<vmem>>, %arg7: memref<3136xi32, #tpu.memory_space<vmem>>, %arg8: memref<16xf32, #tpu.memory_space<vmem>>, %arg9: memref<!tpu.dma_semaphore, #tpu.memory_space<semaphore_mem>>) attributes {dimension_semantics = [#tpu.dimension_semantics<core_parallel>, #tpu.dimension_semantics<subcore_parallel>], iteration_bounds = array<i64: 2, 16>, scalar_prefetch = 0 : i64, scratch_operands = 5 : i64, tpu.core_type = #tpu.core_type<sc_vector_subcore>, window_params = [{transform_indices = #map}, {transform_indices = #map}, {transform_indices = #map}]} {
    %mul3A = arith.constant 16 : i32
    %mul3A_0 = arith.muli %arg0, %mul3A : i32
    %add3A = arith.addi %mul3A_0, %arg1 : i32
    %mul3A_1 = arith.constant 3136 : i32
    %mul3A_2 = arith.muli %add3A, %mul3A_1 : i32
    %dma_start3A = tpu.memref_slice %arg2[%mul3A_2] : memref<200704xf32, #tpu.memory_space<hbm>> -> memref<3136xf32, #tpu.memory_space<hbm>>
    %dma_start3A_3 = tpu.memref_slice %arg2[%mul3A_2] : memref<200704xf32, #tpu.memory_space<hbm>> -> memref<3136xf32, #tpu.memory_space<hbm>>
    tpu.enqueue_dma source(%dma_start3A_3 : memref<3136xf32, #tpu.memory_space<hbm>>) target(%arg5 : memref<3136xf32, #tpu.memory_space<vmem>>) target_semaphore(%arg9 : memref<!tpu.dma_semaphore, #tpu.memory_space<semaphore_mem>>)
    %add3A_4 = arith.constant 100352 : i32
    %add3A_5 = arith.addi %add3A_4, %mul3A_2 : i32
    %dma_start3A_6 = tpu.memref_slice %arg2[%add3A_5] : memref<200704xf32, #tpu.memory_space<hbm>> -> memref<3136xf32, #tpu.memory_space<hbm>>
    %dma_start3A_7 = tpu.memref_slice %arg2[%add3A_5] : memref<200704xf32, #tpu.memory_space<hbm>> -> memref<3136xf32, #tpu.memory_space<hbm>>
    tpu.enqueue_dma source(%dma_start3A_7 : memref<3136xf32, #tpu.memory_space<hbm>>) target(%arg6 : memref<3136xf32, #tpu.memory_space<vmem>>) target_semaphore(%arg9 : memref<!tpu.dma_semaphore, #tpu.memory_space<semaphore_mem>>)
    "tpu.region"() ({
      %run_scoped3A = tpu.sem_alloc : memref<!tpu.dma_semaphore, #tpu.memory_space<semaphore_mem>>
      tpu.enqueue_dma source(%arg3 : memref<16xf32, #tpu.memory_space<hbm>>) target(%arg8 : memref<16xf32, #tpu.memory_space<vmem>>) target_semaphore(%run_scoped3A : memref<!tpu.dma_semaphore, #tpu.memory_space<semaphore_mem>>)
      tpu.wait_dma2 semaphore(%run_scoped3A : memref<!tpu.dma_semaphore, #tpu.memory_space<semaphore_mem>>) src(%arg3 : memref<16xf32, #tpu.memory_space<hbm>>) dst(%arg8 : memref<16xf32, #tpu.memory_space<vmem>>)
      tpu.yield
    }) : () -> ()
    %dma_wait3A = tpu.memref_slice %arg2[%mul3A_2] : memref<200704xf32, #tpu.memory_space<hbm>> -> memref<3136xf32, #tpu.memory_space<hbm>>
    %dma_wait3A_8 = tpu.memref_slice %arg2[%mul3A_2] : memref<200704xf32, #tpu.memory_space<hbm>> -> memref<3136xf32, #tpu.memory_space<hbm>>
    tpu.wait_dma2 semaphore(%arg9 : memref<!tpu.dma_semaphore, #tpu.memory_space<semaphore_mem>>) src(%dma_wait3A_8 : memref<3136xf32, #tpu.memory_space<hbm>>) dst(%arg5 : memref<3136xf32, #tpu.memory_space<vmem>>)
    %dma_wait3A_9 = tpu.memref_slice %arg2[%add3A_5] : memref<200704xf32, #tpu.memory_space<hbm>> -> memref<3136xf32, #tpu.memory_space<hbm>>
    %dma_wait3A_10 = tpu.memref_slice %arg2[%add3A_5] : memref<200704xf32, #tpu.memory_space<hbm>> -> memref<3136xf32, #tpu.memory_space<hbm>>
    tpu.wait_dma2 semaphore(%arg9 : memref<!tpu.dma_semaphore, #tpu.memory_space<semaphore_mem>>) src(%dma_wait3A_10 : memref<3136xf32, #tpu.memory_space<hbm>>) dst(%arg6 : memref<3136xf32, #tpu.memory_space<vmem>>)
    %get3A = arith.constant 0 : index
    %get3A_11 = tpu.vector_load %arg8[%get3A] {strides = array<i32>} : memref<16xf32, #tpu.memory_space<vmem>>, vector<16xf32>,
    %slice3A = vector.extract_strided_slice %get3A_11 {offsets = [0], sizes = [1], strides = [1]} : vector<16xf32> to vector<1xf32>
    %squeeze3A = vector.extract %slice3A[0] : f32 from vector<1xf32>
    %slice3A_12 = vector.extract_strided_slice %get3A_11 {offsets = [1], sizes = [1], strides = [1]} : vector<16xf32> to vector<1xf32>
    %squeeze3A_13 = vector.extract %slice3A_12[0] : f32 from vector<1xf32>
    %slice3A_14 = vector.extract_strided_slice %get3A_11 {offsets = [2], sizes = [1], strides = [1]} : vector<16xf32> to vector<1xf32>
    %squeeze3A_15 = vector.extract %slice3A_14[0] : f32 from vector<1xf32>
    %slice3A_16 = vector.extract_strided_slice %get3A_11 {offsets = [3], sizes = [1], strides = [1]} : vector<16xf32> to vector<1xf32>
    %squeeze3A_17 = vector.extract %slice3A_16[0] : f32 from vector<1xf32>
    %scan3A = arith.constant 0 : i32
    %scan3A_18 = arith.constant 0 : i32
    %scan3A_19 = arith.constant 196 : i32
    %scan3A_20 = arith.addi %scan3A_18, %scan3A_19 : i32
    %scan3A_21 = arith.constant 1 : i32
    %scan3A_22 = scf.for %scan3A_24 = %scan3A_18 to %scan3A_20 step %scan3A_21 iter_args(%scan3A_25 = %scan3A) -> (i32)  : i32 {
      %mul3A_26 = arith.constant 16 : i32
      %mul3A_27 = arith.muli %scan3A_24, %mul3A_26 : i32
      %get3A_28 = arith.index_cast %mul3A_27 : i32 to index
      %get3A_29 = tpu.vector_load %arg5[%get3A_28] {strides = array<i32>} : memref<3136xf32, #tpu.memory_space<vmem>>, vector<16xf32>,
      %mul3A_30 = vector.broadcast %squeeze3A : f32 to vector<16xf32>
      %mul3A_31 = arith.mulf %get3A_29, %mul3A_30 : vector<16xf32>
      %add3A_32 = vector.broadcast %squeeze3A_15 : f32 to vector<16xf32>
      %add3A_33 = arith.addf %mul3A_31, %add3A_32 : vector<16xf32>
      %get3A_34 = arith.index_cast %mul3A_27 : i32 to index
      %get3A_35 = tpu.vector_load %arg6[%get3A_34] {strides = array<i32>} : memref<3136xf32, #tpu.memory_space<vmem>>, vector<16xf32>,
      %mul3A_36 = vector.broadcast %squeeze3A_13 : f32 to vector<16xf32>
      %mul3A_37 = arith.mulf %get3A_35, %mul3A_36 : vector<16xf32>
      %add3A_38 = vector.broadcast %squeeze3A_17 : f32 to vector<16xf32>
      %add3A_39 = arith.addf %mul3A_37, %add3A_38 : vector<16xf32>
      %bitcast3A = vector.bitcast %add3A_33 : vector<16xf32> to vector<16xi32>
      %add3A_40 = arith.constant 32768 : i32
      %add3A_41 = vector.broadcast %add3A_40 : i32 to vector<16xi32>
      %add3A_42 = arith.addi %bitcast3A, %add3A_41 : vector<16xi32>
      %and3A = arith.constant -65536 : i32
      %and3A_43 = vector.broadcast %and3A : i32 to vector<16xi32>
      %and3A_44 = arith.andi %add3A_42, %and3A_43 : vector<16xi32>
      %bitcast3A_45 = vector.bitcast %add3A_39 : vector<16xf32> to vector<16xi32>
      %add3A_46 = arith.constant 32768 : i32
      %add3A_47 = vector.broadcast %add3A_46 : i32 to vector<16xi32>
      %add3A_48 = arith.addi %bitcast3A_45, %add3A_47 : vector<16xi32>
      %and3A_49 = arith.constant -65536 : i32
      %and3A_50 = vector.broadcast %and3A_49 : i32 to vector<16xi32>
      %and3A_51 = arith.andi %add3A_48, %and3A_50 : vector<16xi32>
      %shift_right_logical3A = arith.constant 16 : i32
      %shift_right_logical3A_52 = vector.broadcast %shift_right_logical3A : i32 to vector<16xi32>
      %shift_right_logical3A_53 = arith.shrui %and3A_44, %shift_right_logical3A_52 : vector<16xi32>
      %or3A = arith.ori %shift_right_logical3A_53, %and3A_51 : vector<16xi32>
      %bitcast3A_54 = vector.bitcast %or3A : vector<16xi32> to vector<16xi32>
      %swap3A = arith.index_cast %mul3A_27 : i32 to index
      %swap3A_55 = tpu.vector_load %arg7[%swap3A] {strides = array<i32>} : memref<3136xi32, #tpu.memory_space<vmem>>, vector<16xi32>,
      tpu.vector_store %arg7[%swap3A], %bitcast3A_54 {strides = array<i32>} : memref<3136xi32, #tpu.memory_space<vmem>>, vector<16xi32>,
      %scan3A_56 = arith.constant 0 : i32
      scf.yield %scan3A_56 : i32
    }
    %scan3A_23 = arith.constant 196 : i32
    "tpu.region"() ({
      %run_scoped3A = tpu.sem_alloc : memref<!tpu.dma_semaphore, #tpu.memory_space<semaphore_mem>>
      %dma_start3A_24 = tpu.memref_slice %arg4[%mul3A_2] : memref<100352xi32, #tpu.memory_space<hbm>> -> memref<3136xi32, #tpu.memory_space<hbm>>
      %dma_start3A_25 = tpu.memref_slice %arg4[%mul3A_2] : memref<100352xi32, #tpu.memory_space<hbm>> -> memref<3136xi32, #tpu.memory_space<hbm>>
      tpu.enqueue_dma source(%arg7 : memref<3136xi32, #tpu.memory_space<vmem>>) target(%dma_start3A_25 : memref<3136xi32, #tpu.memory_space<hbm>>) target_semaphore(%run_scoped3A : memref<!tpu.dma_semaphore, #tpu.memory_space<semaphore_mem>>)
      %dma_wait3A_26 = tpu.memref_slice %arg4[%mul3A_2] : memref<100352xi32, #tpu.memory_space<hbm>> -> memref<3136xi32, #tpu.memory_space<hbm>>
      %dma_wait3A_27 = tpu.memref_slice %arg4[%mul3A_2] : memref<100352xi32, #tpu.memory_space<hbm>> -> memref<3136xi32, #tpu.memory_space<hbm>>
      tpu.wait_dma2 semaphore(%run_scoped3A : memref<!tpu.dma_semaphore, #tpu.memory_space<semaphore_mem>>) src(%arg7 : memref<3136xi32, #tpu.memory_space<vmem>>) dst(%dma_wait3A_27 : memref<3136xi32, #tpu.memory_space<hbm>>)
      tpu.yield
    }) : () -> ()
    return
  }
}

#map = affine_map<(d0, d1) -> (0)>
module attributes {stable_mosaic.version = 14 : i64} {
  func.func @_edge2_body(%arg0: i32, %arg1: i32, %arg2: memref<1600000xi32, #tpu.memory_space<hbm>>, %arg3: memref<1600000xi32, #tpu.memory_space<hbm>>, %arg4: memref<1600000xf32, #tpu.memory_space<hbm>>, %arg5: memref<1600000xf32, #tpu.memory_space<hbm>>, %arg6: memref<1600000xf32, #tpu.memory_space<hbm>>, %arg7: memref<100352xi32, #tpu.memory_space<hbm>>, %arg8: memref<64xf32, #tpu.memory_space<hbm>>, %arg9: memref<100352xf32, #tpu.memory_space<hbm>>, %arg10: memref<802816xf32, #tpu.memory_space<hbm>>, %arg11: memref<100352xf32, #tpu.memory_space<vmem_shared>>, %arg12: memref<100352xf32, #tpu.memory_space<vmem_shared>>, %arg13: memref<100352xf32, #tpu.memory_space<vmem_shared>>, %arg14: memref<100352xf32, #tpu.memory_space<vmem_shared>>, %arg15: memref<100000xi32, #tpu.memory_space<vmem>>, %arg16: memref<256xi32, #tpu.memory_space<vmem>>, %arg17: memref<256xi32, #tpu.memory_space<vmem>>, %arg18: memref<256xf32, #tpu.memory_space<vmem>>, %arg19: memref<256xf32, #tpu.memory_space<vmem>>, %arg20: memref<256xf32, #tpu.memory_space<vmem>>, %arg21: memref<256xf32, #tpu.memory_space<vmem>>, %arg22: memref<256xf32, #tpu.memory_space<vmem>>, %arg23: memref<256xf32, #tpu.memory_space<vmem>>, %arg24: memref<256xf32, #tpu.memory_space<vmem>>, %arg25: memref<256xf32, #tpu.memory_space<vmem>>, %arg26: memref<256xf32, #tpu.memory_space<vmem>>, %arg27: memref<256xf32, #tpu.memory_space<vmem>>, %arg28: memref<256xf32, #tpu.memory_space<vmem>>, %arg29: memref<64xf32, #tpu.memory_space<vmem>>, %arg30: memref<!tpu.dma_semaphore, #tpu.memory_space<semaphore_mem>>, %arg31: memref<!tpu.dma_semaphore, #tpu.memory_space<semaphore_mem>>, %arg32: memref<!tpu.dma_semaphore, #tpu.memory_space<semaphore_mem>>) attributes {dimension_semantics = [#tpu.dimension_semantics<core_parallel>, #tpu.dimension_semantics<subcore_parallel>], iteration_bounds = array<i64: 2, 16>, scalar_prefetch = 0 : i64, scratch_operands = 22 : i64, tpu.core_type = #tpu.core_type<sc_vector_subcore>, window_params = [{transform_indices = #map}, {transform_indices = #map}, {transform_indices = #map}, {transform_indices = #map}, {transform_indices = #map}, {transform_indices = #map}, {transform_indices = #map}, {transform_indices = #map}, {transform_indices = #map}]} {
    "tpu.region"() ({
      %run_scoped3A = tpu.sem_alloc : memref<!tpu.dma_semaphore, #tpu.memory_space<semaphore_mem>>
      %dma_start3A = arith.constant 0 : i32
      %dma_start3A_196 = tpu.memref_slice %arg7[%dma_start3A] : memref<100352xi32, #tpu.memory_space<hbm>> -> memref<100000xi32, #tpu.memory_space<hbm>>
      %dma_start3A_197 = arith.constant 0 : i32
      %dma_start3A_198 = tpu.memref_slice %arg7[%dma_start3A_197] : memref<100352xi32, #tpu.memory_space<hbm>> -> memref<100000xi32, #tpu.memory_space<hbm>>
      tpu.enqueue_dma source(%dma_start3A_198 : memref<100000xi32, #tpu.memory_space<hbm>>) target(%arg15 : memref<100000xi32, #tpu.memory_space<vmem>>) target_semaphore(%run_scoped3A : memref<!tpu.dma_semaphore, #tpu.memory_space<semaphore_mem>>)
      %dma_wait3A_199 = arith.constant 0 : i32
      %dma_wait3A_200 = tpu.memref_slice %arg7[%dma_wait3A_199] : memref<100352xi32, #tpu.memory_space<hbm>> -> memref<100000xi32, #tpu.memory_space<hbm>>
      %dma_wait3A_201 = arith.constant 0 : i32
      %dma_wait3A_202 = tpu.memref_slice %arg7[%dma_wait3A_201] : memref<100352xi32, #tpu.memory_space<hbm>> -> memref<100000xi32, #tpu.memory_space<hbm>>
      tpu.wait_dma2 semaphore(%run_scoped3A : memref<!tpu.dma_semaphore, #tpu.memory_space<semaphore_mem>>) src(%dma_wait3A_202 : memref<100000xi32, #tpu.memory_space<hbm>>) dst(%arg15 : memref<100000xi32, #tpu.memory_space<vmem>>)
      tpu.yield
    }) : () -> ()
    "tpu.region"() ({
      %run_scoped3A = tpu.sem_alloc : memref<!tpu.dma_semaphore, #tpu.memory_space<semaphore_mem>>
      tpu.enqueue_dma source(%arg8 : memref<64xf32, #tpu.memory_space<hbm>>) target(%arg29 : memref<64xf32, #tpu.memory_space<vmem>>) target_semaphore(%run_scoped3A : memref<!tpu.dma_semaphore, #tpu.memory_space<semaphore_mem>>)
      tpu.wait_dma2 semaphore(%run_scoped3A : memref<!tpu.dma_semaphore, #tpu.memory_space<semaphore_mem>>) src(%arg8 : memref<64xf32, #tpu.memory_space<hbm>>) dst(%arg29 : memref<64xf32, #tpu.memory_space<vmem>>)
      tpu.yield
    }) : () -> ()
    %mul3A = arith.constant 6272 : i32
    %mul3A_0 = arith.muli %arg1, %mul3A : i32
    "tpu.region"() ({
      %run_scoped3A = tpu.sem_alloc : memref<!tpu.dma_semaphore, #tpu.memory_space<semaphore_mem>>
      %dma_start3A = tpu.memref_slice %arg11[%mul3A_0] : memref<100352xf32, #tpu.memory_space<vmem_shared>> -> memref<6272xf32, #tpu.memory_space<vmem_shared>>
      %dma_start3A_196 = tpu.memref_slice %arg9[%mul3A_0] : memref<100352xf32, #tpu.memory_space<hbm>> -> memref<6272xf32, #tpu.memory_space<hbm>>
      tpu.enqueue_dma source(%dma_start3A_196 : memref<6272xf32, #tpu.memory_space<hbm>>) target(%dma_start3A : memref<6272xf32, #tpu.memory_space<vmem_shared>>) target_semaphore(%run_scoped3A : memref<!tpu.dma_semaphore, #tpu.memory_space<semaphore_mem>>)
      %dma_wait3A_197 = tpu.memref_slice %arg11[%mul3A_0] : memref<100352xf32, #tpu.memory_space<vmem_shared>> -> memref<6272xf32, #tpu.memory_space<vmem_shared>>
      %dma_wait3A_198 = tpu.memref_slice %arg9[%mul3A_0] : memref<100352xf32, #tpu.memory_space<hbm>> -> memref<6272xf32, #tpu.memory_space<hbm>>
      tpu.wait_dma2 semaphore(%run_scoped3A : memref<!tpu.dma_semaphore, #tpu.memory_space<semaphore_mem>>) src(%dma_wait3A_198 : memref<6272xf32, #tpu.memory_space<hbm>>) dst(%dma_wait3A_197 : memref<6272xf32, #tpu.memory_space<vmem_shared>>)
      tpu.yield
    }) : () -> ()
    "tpu.region"() ({
      %run_scoped3A = tpu.sem_alloc : memref<!tpu.dma_semaphore, #tpu.memory_space<semaphore_mem>>
      %dma_start3A = tpu.memref_slice %arg12[%mul3A_0] : memref<100352xf32, #tpu.memory_space<vmem_shared>> -> memref<6272xf32, #tpu.memory_space<vmem_shared>>
      %dma_start3A_196 = tpu.memref_slice %arg9[%mul3A_0] : memref<100352xf32, #tpu.memory_space<hbm>> -> memref<6272xf32, #tpu.memory_space<hbm>>
      tpu.enqueue_dma source(%dma_start3A_196 : memref<6272xf32, #tpu.memory_space<hbm>>) target(%dma_start3A : memref<6272xf32, #tpu.memory_space<vmem_shared>>) target_semaphore(%run_scoped3A : memref<!tpu.dma_semaphore, #tpu.memory_space<semaphore_mem>>)
      %dma_wait3A_197 = tpu.memref_slice %arg12[%mul3A_0] : memref<100352xf32, #tpu.memory_space<vmem_shared>> -> memref<6272xf32, #tpu.memory_space<vmem_shared>>
      %dma_wait3A_198 = tpu.memref_slice %arg9[%mul3A_0] : memref<100352xf32, #tpu.memory_space<hbm>> -> memref<6272xf32, #tpu.memory_space<hbm>>
      tpu.wait_dma2 semaphore(%run_scoped3A : memref<!tpu.dma_semaphore, #tpu.memory_space<semaphore_mem>>) src(%dma_wait3A_198 : memref<6272xf32, #tpu.memory_space<hbm>>) dst(%dma_wait3A_197 : memref<6272xf32, #tpu.memory_space<vmem_shared>>)
      tpu.yield
    }) : () -> ()
    "tpu.region"() ({
      %run_scoped3A = tpu.sem_alloc : memref<!tpu.dma_semaphore, #tpu.memory_space<semaphore_mem>>
      %dma_start3A = tpu.memref_slice %arg13[%mul3A_0] : memref<100352xf32, #tpu.memory_space<vmem_shared>> -> memref<6272xf32, #tpu.memory_space<vmem_shared>>
      %dma_start3A_196 = tpu.memref_slice %arg9[%mul3A_0] : memref<100352xf32, #tpu.memory_space<hbm>> -> memref<6272xf32, #tpu.memory_space<hbm>>
      tpu.enqueue_dma source(%dma_start3A_196 : memref<6272xf32, #tpu.memory_space<hbm>>) target(%dma_start3A : memref<6272xf32, #tpu.memory_space<vmem_shared>>) target_semaphore(%run_scoped3A : memref<!tpu.dma_semaphore, #tpu.memory_space<semaphore_mem>>)
      %dma_wait3A_197 = tpu.memref_slice %arg13[%mul3A_0] : memref<100352xf32, #tpu.memory_space<vmem_shared>> -> memref<6272xf32, #tpu.memory_space<vmem_shared>>
      %dma_wait3A_198 = tpu.memref_slice %arg9[%mul3A_0] : memref<100352xf32, #tpu.memory_space<hbm>> -> memref<6272xf32, #tpu.memory_space<hbm>>
      tpu.wait_dma2 semaphore(%run_scoped3A : memref<!tpu.dma_semaphore, #tpu.memory_space<semaphore_mem>>) src(%dma_wait3A_198 : memref<6272xf32, #tpu.memory_space<hbm>>) dst(%dma_wait3A_197 : memref<6272xf32, #tpu.memory_space<vmem_shared>>)
      tpu.yield
    }) : () -> ()
    "tpu.region"() ({
      %run_scoped3A = tpu.sem_alloc : memref<!tpu.dma_semaphore, #tpu.memory_space<semaphore_mem>>
      %dma_start3A = tpu.memref_slice %arg14[%mul3A_0] : memref<100352xf32, #tpu.memory_space<vmem_shared>> -> memref<6272xf32, #tpu.memory_space<vmem_shared>>
      %dma_start3A_196 = tpu.memref_slice %arg9[%mul3A_0] : memref<100352xf32, #tpu.memory_space<hbm>> -> memref<6272xf32, #tpu.memory_space<hbm>>
      tpu.enqueue_dma source(%dma_start3A_196 : memref<6272xf32, #tpu.memory_space<hbm>>) target(%dma_start3A : memref<6272xf32, #tpu.memory_space<vmem_shared>>) target_semaphore(%run_scoped3A : memref<!tpu.dma_semaphore, #tpu.memory_space<semaphore_mem>>)
      %dma_wait3A_197 = tpu.memref_slice %arg14[%mul3A_0] : memref<100352xf32, #tpu.memory_space<vmem_shared>> -> memref<6272xf32, #tpu.memory_space<vmem_shared>>
      %dma_wait3A_198 = tpu.memref_slice %arg9[%mul3A_0] : memref<100352xf32, #tpu.memory_space<hbm>> -> memref<6272xf32, #tpu.memory_space<hbm>>
      tpu.wait_dma2 semaphore(%run_scoped3A : memref<!tpu.dma_semaphore, #tpu.memory_space<semaphore_mem>>) src(%dma_wait3A_198 : memref<6272xf32, #tpu.memory_space<hbm>>) dst(%dma_wait3A_197 : memref<6272xf32, #tpu.memory_space<vmem_shared>>)
      tpu.yield
    }) : () -> ()
    %barrier3A = arith.constant 0 : index
    tpu.barrier barrier_id(%barrier3A)
    %get3A = arith.constant 0 : index
    %get3A_1 = tpu.vector_load %arg29[%get3A] {strides = array<i32>} : memref<64xf32, #tpu.memory_space<vmem>>, vector<16xf32>,
    %get3A_2 = arith.constant 16 : index
    %get3A_3 = tpu.vector_load %arg29[%get3A_2] {strides = array<i32>} : memref<64xf32, #tpu.memory_space<vmem>>, vector<16xf32>,
    %get3A_4 = arith.constant 32 : index
    %get3A_5 = tpu.vector_load %arg29[%get3A_4] {strides = array<i32>} : memref<64xf32, #tpu.memory_space<vmem>>, vector<16xf32>,
    %get3A_6 = arith.constant 48 : index
    %get3A_7 = tpu.vector_load %arg29[%get3A_6] {strides = array<i32>} : memref<64xf32, #tpu.memory_space<vmem>>, vector<16xf32>,
    %slice3A = vector.extract_strided_slice %get3A_1 {offsets = [0], sizes = [1], strides = [1]} : vector<16xf32> to vector<1xf32>
    %squeeze3A = vector.extract %slice3A[0] : f32 from vector<1xf32>
    %slice3A_8 = vector.extract_strided_slice %get3A_1 {offsets = [1], sizes = [1], strides = [1]} : vector<16xf32> to vector<1xf32>
    %squeeze3A_9 = vector.extract %slice3A_8[0] : f32 from vector<1xf32>
    %slice3A_10 = vector.extract_strided_slice %get3A_1 {offsets = [2], sizes = [1], strides = [1]} : vector<16xf32> to vector<1xf32>
    %squeeze3A_11 = vector.extract %slice3A_10[0] : f32 from vector<1xf32>
    %slice3A_12 = vector.extract_strided_slice %get3A_1 {offsets = [3], sizes = [1], strides = [1]} : vector<16xf32> to vector<1xf32>
    %squeeze3A_13 = vector.extract %slice3A_12[0] : f32 from vector<1xf32>
    %slice3A_14 = vector.extract_strided_slice %get3A_1 {offsets = [4], sizes = [1], strides = [1]} : vector<16xf32> to vector<1xf32>
    %squeeze3A_15 = vector.extract %slice3A_14[0] : f32 from vector<1xf32>
    %slice3A_16 = vector.extract_strided_slice %get3A_1 {offsets = [5], sizes = [1], strides = [1]} : vector<16xf32> to vector<1xf32>
    %squeeze3A_17 = vector.extract %slice3A_16[0] : f32 from vector<1xf32>
    %slice3A_18 = vector.extract_strided_slice %get3A_1 {offsets = [6], sizes = [1], strides = [1]} : vector<16xf32> to vector<1xf32>
    %squeeze3A_19 = vector.extract %slice3A_18[0] : f32 from vector<1xf32>
    %slice3A_20 = vector.extract_strided_slice %get3A_1 {offsets = [7], sizes = [1], strides = [1]} : vector<16xf32> to vector<1xf32>
    %squeeze3A_21 = vector.extract %slice3A_20[0] : f32 from vector<1xf32>
    %slice3A_22 = vector.extract_strided_slice %get3A_1 {offsets = [8], sizes = [1], strides = [1]} : vector<16xf32> to vector<1xf32>
    %squeeze3A_23 = vector.extract %slice3A_22[0] : f32 from vector<1xf32>
    %slice3A_24 = vector.extract_strided_slice %get3A_1 {offsets = [9], sizes = [1], strides = [1]} : vector<16xf32> to vector<1xf32>
    %squeeze3A_25 = vector.extract %slice3A_24[0] : f32 from vector<1xf32>
    %slice3A_26 = vector.extract_strided_slice %get3A_1 {offsets = [10], sizes = [1], strides = [1]} : vector<16xf32> to vector<1xf32>
    %squeeze3A_27 = vector.extract %slice3A_26[0] : f32 from vector<1xf32>
    %slice3A_28 = vector.extract_strided_slice %get3A_1 {offsets = [11], sizes = [1], strides = [1]} : vector<16xf32> to vector<1xf32>
    %squeeze3A_29 = vector.extract %slice3A_28[0] : f32 from vector<1xf32>
    %slice3A_30 = vector.extract_strided_slice %get3A_1 {offsets = [12], sizes = [1], strides = [1]} : vector<16xf32> to vector<1xf32>
    %squeeze3A_31 = vector.extract %slice3A_30[0] : f32 from vector<1xf32>
    %slice3A_32 = vector.extract_strided_slice %get3A_1 {offsets = [13], sizes = [1], strides = [1]} : vector<16xf32> to vector<1xf32>
    %squeeze3A_33 = vector.extract %slice3A_32[0] : f32 from vector<1xf32>
    %slice3A_34 = vector.extract_strided_slice %get3A_1 {offsets = [14], sizes = [1], strides = [1]} : vector<16xf32> to vector<1xf32>
    %squeeze3A_35 = vector.extract %slice3A_34[0] : f32 from vector<1xf32>
    %slice3A_36 = vector.extract_strided_slice %get3A_1 {offsets = [15], sizes = [1], strides = [1]} : vector<16xf32> to vector<1xf32>
    %squeeze3A_37 = vector.extract %slice3A_36[0] : f32 from vector<1xf32>
    %slice3A_38 = vector.extract_strided_slice %get3A_3 {offsets = [0], sizes = [1], strides = [1]} : vector<16xf32> to vector<1xf32>
    %squeeze3A_39 = vector.extract %slice3A_38[0] : f32 from vector<1xf32>
    %slice3A_40 = vector.extract_strided_slice %get3A_3 {offsets = [1], sizes = [1], strides = [1]} : vector<16xf32> to vector<1xf32>
    %squeeze3A_41 = vector.extract %slice3A_40[0] : f32 from vector<1xf32>
    %slice3A_42 = vector.extract_strided_slice %get3A_3 {offsets = [2], sizes = [1], strides = [1]} : vector<16xf32> to vector<1xf32>
    %squeeze3A_43 = vector.extract %slice3A_42[0] : f32 from vector<1xf32>
    %slice3A_44 = vector.extract_strided_slice %get3A_3 {offsets = [3], sizes = [1], strides = [1]} : vector<16xf32> to vector<1xf32>
    %squeeze3A_45 = vector.extract %slice3A_44[0] : f32 from vector<1xf32>
    %slice3A_46 = vector.extract_strided_slice %get3A_3 {offsets = [4], sizes = [1], strides = [1]} : vector<16xf32> to vector<1xf32>
    %squeeze3A_47 = vector.extract %slice3A_46[0] : f32 from vector<1xf32>
    %slice3A_48 = vector.extract_strided_slice %get3A_3 {offsets = [5], sizes = [1], strides = [1]} : vector<16xf32> to vector<1xf32>
    %squeeze3A_49 = vector.extract %slice3A_48[0] : f32 from vector<1xf32>
    %slice3A_50 = vector.extract_strided_slice %get3A_3 {offsets = [6], sizes = [1], strides = [1]} : vector<16xf32> to vector<1xf32>
    %squeeze3A_51 = vector.extract %slice3A_50[0] : f32 from vector<1xf32>
    %slice3A_52 = vector.extract_strided_slice %get3A_3 {offsets = [7], sizes = [1], strides = [1]} : vector<16xf32> to vector<1xf32>
    %squeeze3A_53 = vector.extract %slice3A_52[0] : f32 from vector<1xf32>
    %slice3A_54 = vector.extract_strided_slice %get3A_3 {offsets = [8], sizes = [1], strides = [1]} : vector<16xf32> to vector<1xf32>
    %squeeze3A_55 = vector.extract %slice3A_54[0] : f32 from vector<1xf32>
    %slice3A_56 = vector.extract_strided_slice %get3A_3 {offsets = [9], sizes = [1], strides = [1]} : vector<16xf32> to vector<1xf32>
    %squeeze3A_57 = vector.extract %slice3A_56[0] : f32 from vector<1xf32>
    %slice3A_58 = vector.extract_strided_slice %get3A_3 {offsets = [10], sizes = [1], strides = [1]} : vector<16xf32> to vector<1xf32>
    %squeeze3A_59 = vector.extract %slice3A_58[0] : f32 from vector<1xf32>
    %slice3A_60 = vector.extract_strided_slice %get3A_3 {offsets = [11], sizes = [1], strides = [1]} : vector<16xf32> to vector<1xf32>
    %squeeze3A_61 = vector.extract %slice3A_60[0] : f32 from vector<1xf32>
    %slice3A_62 = vector.extract_strided_slice %get3A_3 {offsets = [12], sizes = [1], strides = [1]} : vector<16xf32> to vector<1xf32>
    %squeeze3A_63 = vector.extract %slice3A_62[0] : f32 from vector<1xf32>
    %slice3A_64 = vector.extract_strided_slice %get3A_3 {offsets = [13], sizes = [1], strides = [1]} : vector<16xf32> to vector<1xf32>
    %squeeze3A_65 = vector.extract %slice3A_64[0] : f32 from vector<1xf32>
    %slice3A_66 = vector.extract_strided_slice %get3A_3 {offsets = [14], sizes = [1], strides = [1]} : vector<16xf32> to vector<1xf32>
    %squeeze3A_67 = vector.extract %slice3A_66[0] : f32 from vector<1xf32>
    %slice3A_68 = vector.extract_strided_slice %get3A_3 {offsets = [15], sizes = [1], strides = [1]} : vector<16xf32> to vector<1xf32>
    %squeeze3A_69 = vector.extract %slice3A_68[0] : f32 from vector<1xf32>
    %slice3A_70 = vector.extract_strided_slice %get3A_5 {offsets = [0], sizes = [1], strides = [1]} : vector<16xf32> to vector<1xf32>
    %squeeze3A_71 = vector.extract %slice3A_70[0] : f32 from vector<1xf32>
    %slice3A_72 = vector.extract_strided_slice %get3A_5 {offsets = [1], sizes = [1], strides = [1]} : vector<16xf32> to vector<1xf32>
    %squeeze3A_73 = vector.extract %slice3A_72[0] : f32 from vector<1xf32>
    %slice3A_74 = vector.extract_strided_slice %get3A_5 {offsets = [2], sizes = [1], strides = [1]} : vector<16xf32> to vector<1xf32>
    %squeeze3A_75 = vector.extract %slice3A_74[0] : f32 from vector<1xf32>
    %slice3A_76 = vector.extract_strided_slice %get3A_5 {offsets = [3], sizes = [1], strides = [1]} : vector<16xf32> to vector<1xf32>
    %squeeze3A_77 = vector.extract %slice3A_76[0] : f32 from vector<1xf32>
    %slice3A_78 = vector.extract_strided_slice %get3A_5 {offsets = [4], sizes = [1], strides = [1]} : vector<16xf32> to vector<1xf32>
    %squeeze3A_79 = vector.extract %slice3A_78[0] : f32 from vector<1xf32>
    %slice3A_80 = vector.extract_strided_slice %get3A_5 {offsets = [5], sizes = [1], strides = [1]} : vector<16xf32> to vector<1xf32>
    %squeeze3A_81 = vector.extract %slice3A_80[0] : f32 from vector<1xf32>
    %slice3A_82 = vector.extract_strided_slice %get3A_5 {offsets = [6], sizes = [1], strides = [1]} : vector<16xf32> to vector<1xf32>
    %squeeze3A_83 = vector.extract %slice3A_82[0] : f32 from vector<1xf32>
    %slice3A_84 = vector.extract_strided_slice %get3A_5 {offsets = [7], sizes = [1], strides = [1]} : vector<16xf32> to vector<1xf32>
    %squeeze3A_85 = vector.extract %slice3A_84[0] : f32 from vector<1xf32>
    %slice3A_86 = vector.extract_strided_slice %get3A_5 {offsets = [8], sizes = [1], strides = [1]} : vector<16xf32> to vector<1xf32>
    %squeeze3A_87 = vector.extract %slice3A_86[0] : f32 from vector<1xf32>
    %slice3A_88 = vector.extract_strided_slice %get3A_5 {offsets = [9], sizes = [1], strides = [1]} : vector<16xf32> to vector<1xf32>
    %squeeze3A_89 = vector.extract %slice3A_88[0] : f32 from vector<1xf32>
    %slice3A_90 = vector.extract_strided_slice %get3A_5 {offsets = [10], sizes = [1], strides = [1]} : vector<16xf32> to vector<1xf32>
    %squeeze3A_91 = vector.extract %slice3A_90[0] : f32 from vector<1xf32>
    %slice3A_92 = vector.extract_strided_slice %get3A_5 {offsets = [11], sizes = [1], strides = [1]} : vector<16xf32> to vector<1xf32>
    %squeeze3A_93 = vector.extract %slice3A_92[0] : f32 from vector<1xf32>
    %slice3A_94 = vector.extract_strided_slice %get3A_5 {offsets = [12], sizes = [1], strides = [1]} : vector<16xf32> to vector<1xf32>
    %squeeze3A_95 = vector.extract %slice3A_94[0] : f32 from vector<1xf32>
    %slice3A_96 = vector.extract_strided_slice %get3A_5 {offsets = [13], sizes = [1], strides = [1]} : vector<16xf32> to vector<1xf32>
    %squeeze3A_97 = vector.extract %slice3A_96[0] : f32 from vector<1xf32>
    %slice3A_98 = vector.extract_strided_slice %get3A_5 {offsets = [14], sizes = [1], strides = [1]} : vector<16xf32> to vector<1xf32>
    %squeeze3A_99 = vector.extract %slice3A_98[0] : f32 from vector<1xf32>
    %slice3A_100 = vector.extract_strided_slice %get3A_5 {offsets = [15], sizes = [1], strides = [1]} : vector<16xf32> to vector<1xf32>
    %squeeze3A_101 = vector.extract %slice3A_100[0] : f32 from vector<1xf32>
    %slice3A_102 = vector.extract_strided_slice %get3A_7 {offsets = [0], sizes = [1], strides = [1]} : vector<16xf32> to vector<1xf32>
    %squeeze3A_103 = vector.extract %slice3A_102[0] : f32 from vector<1xf32>
    %slice3A_104 = vector.extract_strided_slice %get3A_7 {offsets = [1], sizes = [1], strides = [1]} : vector<16xf32> to vector<1xf32>
    %squeeze3A_105 = vector.extract %slice3A_104[0] : f32 from vector<1xf32>
    %slice3A_106 = vector.extract_strided_slice %get3A_7 {offsets = [2], sizes = [1], strides = [1]} : vector<16xf32> to vector<1xf32>
    %squeeze3A_107 = vector.extract %slice3A_106[0] : f32 from vector<1xf32>
    %slice3A_108 = vector.extract_strided_slice %get3A_7 {offsets = [3], sizes = [1], strides = [1]} : vector<16xf32> to vector<1xf32>
    %squeeze3A_109 = vector.extract %slice3A_108[0] : f32 from vector<1xf32>
    %slice3A_110 = vector.extract_strided_slice %get3A_7 {offsets = [4], sizes = [1], strides = [1]} : vector<16xf32> to vector<1xf32>
    %squeeze3A_111 = vector.extract %slice3A_110[0] : f32 from vector<1xf32>
    %slice3A_112 = vector.extract_strided_slice %get3A_7 {offsets = [5], sizes = [1], strides = [1]} : vector<16xf32> to vector<1xf32>
    %squeeze3A_113 = vector.extract %slice3A_112[0] : f32 from vector<1xf32>
    %slice3A_114 = vector.extract_strided_slice %get3A_7 {offsets = [6], sizes = [1], strides = [1]} : vector<16xf32> to vector<1xf32>
    %squeeze3A_115 = vector.extract %slice3A_114[0] : f32 from vector<1xf32>
    %slice3A_116 = vector.extract_strided_slice %get3A_7 {offsets = [7], sizes = [1], strides = [1]} : vector<16xf32> to vector<1xf32>
    %squeeze3A_117 = vector.extract %slice3A_116[0] : f32 from vector<1xf32>
    %slice3A_118 = vector.extract_strided_slice %get3A_7 {offsets = [8], sizes = [1], strides = [1]} : vector<16xf32> to vector<1xf32>
    %squeeze3A_119 = vector.extract %slice3A_118[0] : f32 from vector<1xf32>
    %slice3A_120 = vector.extract_strided_slice %get3A_7 {offsets = [9], sizes = [1], strides = [1]} : vector<16xf32> to vector<1xf32>
    %squeeze3A_121 = vector.extract %slice3A_120[0] : f32 from vector<1xf32>
    %slice3A_122 = vector.extract_strided_slice %get3A_7 {offsets = [10], sizes = [1], strides = [1]} : vector<16xf32> to vector<1xf32>
    %squeeze3A_123 = vector.extract %slice3A_122[0] : f32 from vector<1xf32>
    %slice3A_124 = vector.extract_strided_slice %get3A_7 {offsets = [11], sizes = [1], strides = [1]} : vector<16xf32> to vector<1xf32>
    %squeeze3A_125 = vector.extract %slice3A_124[0] : f32 from vector<1xf32>
    %slice3A_126 = vector.extract_strided_slice %get3A_7 {offsets = [12], sizes = [1], strides = [1]} : vector<16xf32> to vector<1xf32>
    %squeeze3A_127 = vector.extract %slice3A_126[0] : f32 from vector<1xf32>
    %slice3A_128 = vector.extract_strided_slice %get3A_7 {offsets = [13], sizes = [1], strides = [1]} : vector<16xf32> to vector<1xf32>
    %squeeze3A_129 = vector.extract %slice3A_128[0] : f32 from vector<1xf32>
    %slice3A_130 = vector.extract_strided_slice %get3A_7 {offsets = [14], sizes = [1], strides = [1]} : vector<16xf32> to vector<1xf32>
    %squeeze3A_131 = vector.extract %slice3A_130[0] : f32 from vector<1xf32>
    %slice3A_132 = vector.extract_strided_slice %get3A_7 {offsets = [15], sizes = [1], strides = [1]} : vector<16xf32> to vector<1xf32>
    %squeeze3A_133 = vector.extract %slice3A_132[0] : f32 from vector<1xf32>
    %mul3A_134 = arith.constant 16 : i32
    %mul3A_135 = arith.muli %arg0, %mul3A_134 : i32
    %add3A = arith.addi %mul3A_135, %arg1 : i32
    %lt3A = arith.constant 10 : i32
    %lt3A_136 = arith.cmpi slt, %add3A, %lt3A : i32
    %jit3A = arith.constant 196 : i32
    %jit3A_137 = arith.constant 195 : i32
    %select_n3A = arith.select %lt3A_136, %jit3A, %jit3A_137 : i32
    %scan3A = arith.constant 0 : i32
    %scan3A_138 = arith.constant 0 : i32
    %scan3A_139 = arith.constant 98 : i32
    %scan3A_140 = arith.addi %scan3A_138, %scan3A_139 : i32
    %scan3A_141 = arith.constant 1 : i32
    %scan3A_142 = scf.for %scan3A_196 = %scan3A_138 to %scan3A_140 step %scan3A_141 iter_args(%scan3A_197 = %scan3A) -> (i32)  : i32 {
      %mul3A_198 = arith.constant 2 : i32
      %mul3A_199 = arith.muli %scan3A_196, %mul3A_198 : i32
      %add3A_200 = arith.constant 0 : i32
      %add3A_201 = arith.addi %mul3A_199, %add3A_200 : i32
      %lt3A_202 = arith.cmpi slt, %add3A_201, %select_n3A : i32
      %convert_element_type3A = arith.extui %lt3A_202 : i1 to i32
      %cond3A = arith.constant 0 : i32
      %cond3A_203 = arith.cmpi ne, %convert_element_type3A, %cond3A : i32
      scf.if %cond3A_203 {
        %mul3A_229 = arith.constant 32 : i32
        %mul3A_230 = arith.muli %add3A_201, %mul3A_229 : i32
        %add3A_231 = arith.addi %add3A, %mul3A_230 : i32
        %mul3A_232 = arith.constant 256 : i32
        %mul3A_233 = arith.muli %add3A_231, %mul3A_232 : i32
        %dma_start3A = tpu.memref_slice %arg2[%mul3A_233] : memref<1600000xi32, #tpu.memory_space<hbm>> -> memref<256xi32, #tpu.memory_space<hbm>>
        %dma_start3A_234 = tpu.memref_slice %arg2[%mul3A_233] : memref<1600000xi32, #tpu.memory_space<hbm>> -> memref<256xi32, #tpu.memory_space<hbm>>
        tpu.enqueue_dma source(%dma_start3A_234 : memref<256xi32, #tpu.memory_space<hbm>>) target(%arg16 : memref<256xi32, #tpu.memory_space<vmem>>) target_semaphore(%arg30 : memref<!tpu.dma_semaphore, #tpu.memory_space<semaphore_mem>>)
        %dma_start3A_235 = tpu.memref_slice %arg4[%mul3A_233] : memref<1600000xf32, #tpu.memory_space<hbm>> -> memref<256xf32, #tpu.memory_space<hbm>>
        %dma_start3A_236 = tpu.memref_slice %arg4[%mul3A_233] : memref<1600000xf32, #tpu.memory_space<hbm>> -> memref<256xf32, #tpu.memory_space<hbm>>
        tpu.enqueue_dma source(%dma_start3A_236 : memref<256xf32, #tpu.memory_space<hbm>>) target(%arg18 : memref<256xf32, #tpu.memory_space<vmem>>) target_semaphore(%arg30 : memref<!tpu.dma_semaphore, #tpu.memory_space<semaphore_mem>>)
        %dma_start3A_237 = tpu.memref_slice %arg5[%mul3A_233] : memref<1600000xf32, #tpu.memory_space<hbm>> -> memref<256xf32, #tpu.memory_space<hbm>>
        %dma_start3A_238 = tpu.memref_slice %arg5[%mul3A_233] : memref<1600000xf32, #tpu.memory_space<hbm>> -> memref<256xf32, #tpu.memory_space<hbm>>
        tpu.enqueue_dma source(%dma_start3A_238 : memref<256xf32, #tpu.memory_space<hbm>>) target(%arg19 : memref<256xf32, #tpu.memory_space<vmem>>) target_semaphore(%arg30 : memref<!tpu.dma_semaphore, #tpu.memory_space<semaphore_mem>>)
        %dma_start3A_239 = tpu.memref_slice %arg6[%mul3A_233] : memref<1600000xf32, #tpu.memory_space<hbm>> -> memref<256xf32, #tpu.memory_space<hbm>>
        %dma_start3A_240 = tpu.memref_slice %arg6[%mul3A_233] : memref<1600000xf32, #tpu.memory_space<hbm>> -> memref<256xf32, #tpu.memory_space<hbm>>
        tpu.enqueue_dma source(%dma_start3A_240 : memref<256xf32, #tpu.memory_space<hbm>>) target(%arg20 : memref<256xf32, #tpu.memory_space<vmem>>) target_semaphore(%arg30 : memref<!tpu.dma_semaphore, #tpu.memory_space<semaphore_mem>>)
        %dma_start3A_241 = tpu.memref_slice %arg3[%mul3A_233] : memref<1600000xi32, #tpu.memory_space<hbm>> -> memref<256xi32, #tpu.memory_space<hbm>>
        %dma_start3A_242 = tpu.memref_slice %arg3[%mul3A_233] : memref<1600000xi32, #tpu.memory_space<hbm>> -> memref<256xi32, #tpu.memory_space<hbm>>
        tpu.enqueue_dma source(%dma_start3A_242 : memref<256xi32, #tpu.memory_space<hbm>>) target(%arg17 : memref<256xi32, #tpu.memory_space<vmem>>) target_semaphore(%arg30 : memref<!tpu.dma_semaphore, #tpu.memory_space<semaphore_mem>>)
        %dma_wait3A_243 = tpu.memref_slice %arg2[%mul3A_233] : memref<1600000xi32, #tpu.memory_space<hbm>> -> memref<256xi32, #tpu.memory_space<hbm>>
        %dma_wait3A_244 = tpu.memref_slice %arg2[%mul3A_233] : memref<1600000xi32, #tpu.memory_space<hbm>> -> memref<256xi32, #tpu.memory_space<hbm>>
        tpu.wait_dma2 semaphore(%arg30 : memref<!tpu.dma_semaphore, #tpu.memory_space<semaphore_mem>>) src(%dma_wait3A_244 : memref<256xi32, #tpu.memory_space<hbm>>) dst(%arg16 : memref<256xi32, #tpu.memory_space<vmem>>)
        %dma_wait3A_245 = tpu.memref_slice %arg4[%mul3A_233] : memref<1600000xf32, #tpu.memory_space<hbm>> -> memref<256xf32, #tpu.memory_space<hbm>>
        %dma_wait3A_246 = tpu.memref_slice %arg4[%mul3A_233] : memref<1600000xf32, #tpu.memory_space<hbm>> -> memref<256xf32, #tpu.memory_space<hbm>>
        tpu.wait_dma2 semaphore(%arg30 : memref<!tpu.dma_semaphore, #tpu.memory_space<semaphore_mem>>) src(%dma_wait3A_246 : memref<256xf32, #tpu.memory_space<hbm>>) dst(%arg18 : memref<256xf32, #tpu.memory_space<vmem>>)
        %dma_wait3A_247 = tpu.memref_slice %arg5[%mul3A_233] : memref<1600000xf32, #tpu.memory_space<hbm>> -> memref<256xf32, #tpu.memory_space<hbm>>
        %dma_wait3A_248 = tpu.memref_slice %arg5[%mul3A_233] : memref<1600000xf32, #tpu.memory_space<hbm>> -> memref<256xf32, #tpu.memory_space<hbm>>
        tpu.wait_dma2 semaphore(%arg30 : memref<!tpu.dma_semaphore, #tpu.memory_space<semaphore_mem>>) src(%dma_wait3A_248 : memref<256xf32, #tpu.memory_space<hbm>>) dst(%arg19 : memref<256xf32, #tpu.memory_space<vmem>>)
        %dma_wait3A_249 = tpu.memref_slice %arg6[%mul3A_233] : memref<1600000xf32, #tpu.memory_space<hbm>> -> memref<256xf32, #tpu.memory_space<hbm>>
        %dma_wait3A_250 = tpu.memref_slice %arg6[%mul3A_233] : memref<1600000xf32, #tpu.memory_space<hbm>> -> memref<256xf32, #tpu.memory_space<hbm>>
        tpu.wait_dma2 semaphore(%arg30 : memref<!tpu.dma_semaphore, #tpu.memory_space<semaphore_mem>>) src(%dma_wait3A_250 : memref<256xf32, #tpu.memory_space<hbm>>) dst(%arg20 : memref<256xf32, #tpu.memory_space<vmem>>)
        %dma_wait3A_251 = tpu.memref_slice %arg3[%mul3A_233] : memref<1600000xi32, #tpu.memory_space<hbm>> -> memref<256xi32, #tpu.memory_space<hbm>>
        %dma_wait3A_252 = tpu.memref_slice %arg3[%mul3A_233] : memref<1600000xi32, #tpu.memory_space<hbm>> -> memref<256xi32, #tpu.memory_space<hbm>>
        tpu.wait_dma2 semaphore(%arg30 : memref<!tpu.dma_semaphore, #tpu.memory_space<semaphore_mem>>) src(%dma_wait3A_252 : memref<256xi32, #tpu.memory_space<hbm>>) dst(%arg17 : memref<256xi32, #tpu.memory_space<vmem>>)
      } else {
      }
      %ge3A = arith.constant 2 : i32
      %ge3A_204 = arith.cmpi sge, %add3A_201, %ge3A : i32
      %and3A = arith.andi %lt3A_202, %ge3A_204 : i1
      %convert_element_type3A_205 = arith.extui %and3A : i1 to i32
      %cond3A_206 = arith.constant 0 : i32
      %cond3A_207 = arith.cmpi ne, %convert_element_type3A_205, %cond3A_206 : i32
      scf.if %cond3A_207 {
        %dma_wait3A_229 = arith.constant 0 : i32
        %dma_wait3A_230 = tpu.memref_slice %arg11[%dma_wait3A_229] : memref<100352xf32, #tpu.memory_space<vmem_shared>> -> memref<100352xf32, #tpu.memory_space<vmem_shared>>
        tpu.wait_indirect_dma semaphore(%arg31 : memref<!tpu.dma_semaphore, #tpu.memory_space<semaphore_mem>>) src(%arg21 : memref<256xf32, #tpu.memory_space<vmem>>) dst(%dma_wait3A_230 : memref<100352xf32, #tpu.memory_space<vmem_shared>>)
        %dma_wait3A_231 = arith.constant 0 : i32
        %dma_wait3A_232 = tpu.memref_slice %arg12[%dma_wait3A_231] : memref<100352xf32, #tpu.memory_space<vmem_shared>> -> memref<100352xf32, #tpu.memory_space<vmem_shared>>
        tpu.wait_indirect_dma semaphore(%arg31 : memref<!tpu.dma_semaphore, #tpu.memory_space<semaphore_mem>>) src(%arg22 : memref<256xf32, #tpu.memory_space<vmem>>) dst(%dma_wait3A_232 : memref<100352xf32, #tpu.memory_space<vmem_shared>>)
        %dma_wait3A_233 = arith.constant 0 : i32
        %dma_wait3A_234 = tpu.memref_slice %arg13[%dma_wait3A_233] : memref<100352xf32, #tpu.memory_space<vmem_shared>> -> memref<100352xf32, #tpu.memory_space<vmem_shared>>
        tpu.wait_indirect_dma semaphore(%arg31 : memref<!tpu.dma_semaphore, #tpu.memory_space<semaphore_mem>>) src(%arg23 : memref<256xf32, #tpu.memory_space<vmem>>) dst(%dma_wait3A_234 : memref<100352xf32, #tpu.memory_space<vmem_shared>>)
        %dma_wait3A_235 = arith.constant 0 : i32
        %dma_wait3A_236 = tpu.memref_slice %arg14[%dma_wait3A_235] : memref<100352xf32, #tpu.memory_space<vmem_shared>> -> memref<100352xf32, #tpu.memory_space<vmem_shared>>
        tpu.wait_indirect_dma semaphore(%arg31 : memref<!tpu.dma_semaphore, #tpu.memory_space<semaphore_mem>>) src(%arg24 : memref<256xf32, #tpu.memory_space<vmem>>) dst(%dma_wait3A_236 : memref<100352xf32, #tpu.memory_space<vmem_shared>>)
      } else {
      }
      %convert_element_type3A_208 = arith.extui %lt3A_202 : i1 to i32
      %cond3A_209 = arith.constant 0 : i32
      %cond3A_210 = arith.cmpi ne, %convert_element_type3A_208, %cond3A_209 : i32
      scf.if %cond3A_210 {
        %scan3A_229 = arith.constant 0 : i32
        %scan3A_230 = arith.constant 0 : i32
        %scan3A_231 = arith.constant 16 : i32
        %scan3A_232 = arith.addi %scan3A_230, %scan3A_231 : i32
        %scan3A_233 = arith.constant 1 : i32
        %scan3A_234 = scf.for %scan3A_243 = %scan3A_230 to %scan3A_232 step %scan3A_233 iter_args(%scan3A_244 = %scan3A_229) -> (i32)  : i32 {
          %mul3A_245 = arith.constant 16 : i32
          %mul3A_246 = arith.muli %scan3A_243, %mul3A_245 : i32
          %get3A_247 = arith.index_cast %mul3A_246 : i32 to index
          %get3A_248 = tpu.vector_load %arg16[%get3A_247] {strides = array<i32>} : memref<256xi32, #tpu.memory_space<vmem>>, vector<16xi32>,
          %gather3A = tpu.vector_load_idx %arg15[%get3A_248] : memref<100000xi32, #tpu.memory_space<vmem>>[vector<16xi32>], vector<16xi32>,
          %bitcast3A = vector.bitcast %gather3A : vector<16xi32> to vector<16xi32>
          %shift_left3A = arith.constant 16 : i32
          %shift_left3A_249 = vector.broadcast %shift_left3A : i32 to vector<16xi32>
          %shift_left3A_250 = arith.shli %bitcast3A, %shift_left3A_249 : vector<16xi32>
          %bitcast3A_251 = vector.bitcast %shift_left3A_250 : vector<16xi32> to vector<16xf32>
          %and3A_252 = arith.constant -65536 : i32
          %and3A_253 = vector.broadcast %and3A_252 : i32 to vector<16xi32>
          %and3A_254 = arith.andi %bitcast3A, %and3A_253 : vector<16xi32>
          %bitcast3A_255 = vector.bitcast %and3A_254 : vector<16xi32> to vector<16xf32>
          %get3A_256 = arith.index_cast %mul3A_246 : i32 to index
          %get3A_257 = tpu.vector_load %arg18[%get3A_256] {strides = array<i32>} : memref<256xf32, #tpu.memory_space<vmem>>, vector<16xf32>,
          %get3A_258 = arith.index_cast %mul3A_246 : i32 to index
          %get3A_259 = tpu.vector_load %arg19[%get3A_258] {strides = array<i32>} : memref<256xf32, #tpu.memory_space<vmem>>, vector<16xf32>,
          %get3A_260 = arith.index_cast %mul3A_246 : i32 to index
          %get3A_261 = tpu.vector_load %arg20[%get3A_260] {strides = array<i32>} : memref<256xf32, #tpu.memory_space<vmem>>, vector<16xf32>,
          %sub3A = arith.constant 1.000000e+00 : f32
          %sub3A_262 = vector.broadcast %sub3A : f32 to vector<16xf32>
          %sub3A_263 = arith.subf %sub3A_262, %get3A_257 : vector<16xf32>
          %sub3A_264 = arith.constant 1.000000e+00 : f32
          %sub3A_265 = vector.broadcast %sub3A_264 : f32 to vector<16xf32>
          %sub3A_266 = arith.subf %sub3A_265, %get3A_259 : vector<16xf32>
          %sub3A_267 = arith.constant 1.000000e+00 : f32
          %sub3A_268 = vector.broadcast %sub3A_267 : f32 to vector<16xf32>
          %sub3A_269 = arith.subf %sub3A_268, %get3A_261 : vector<16xf32>
          %mul3A_270 = arith.mulf %sub3A_263, %sub3A_266 : vector<16xf32>
          %mul3A_271 = arith.mulf %get3A_257, %sub3A_266 : vector<16xf32>
          %mul3A_272 = arith.mulf %sub3A_263, %get3A_259 : vector<16xf32>
          %mul3A_273 = arith.mulf %get3A_257, %get3A_259 : vector<16xf32>
          %mul3A_274 = arith.mulf %mul3A_270, %sub3A_269 : vector<16xf32>
          %mul3A_275 = arith.mulf %mul3A_271, %sub3A_269 : vector<16xf32>
          %mul3A_276 = arith.mulf %mul3A_272, %sub3A_269 : vector<16xf32>
          %mul3A_277 = arith.mulf %mul3A_273, %sub3A_269 : vector<16xf32>
          %mul3A_278 = arith.mulf %mul3A_270, %get3A_261 : vector<16xf32>
          %mul3A_279 = arith.mulf %mul3A_271, %get3A_261 : vector<16xf32>
          %mul3A_280 = arith.mulf %mul3A_272, %get3A_261 : vector<16xf32>
          %mul3A_281 = arith.mulf %mul3A_273, %get3A_261 : vector<16xf32>
          %mul3A_282 = vector.broadcast %squeeze3A : f32 to vector<16xf32>
          %mul3A_283 = arith.mulf %mul3A_274, %mul3A_282 : vector<16xf32>
          %mul3A_284 = vector.broadcast %squeeze3A_15 : f32 to vector<16xf32>
          %mul3A_285 = arith.mulf %mul3A_274, %mul3A_284 : vector<16xf32>
          %mul3A_286 = vector.broadcast %squeeze3A_23 : f32 to vector<16xf32>
          %mul3A_287 = arith.mulf %mul3A_275, %mul3A_286 : vector<16xf32>
          %add3A_288 = arith.addf %mul3A_283, %mul3A_287 : vector<16xf32>
          %mul3A_289 = vector.broadcast %squeeze3A_31 : f32 to vector<16xf32>
          %mul3A_290 = arith.mulf %mul3A_275, %mul3A_289 : vector<16xf32>
          %add3A_291 = arith.addf %mul3A_285, %mul3A_290 : vector<16xf32>
          %mul3A_292 = vector.broadcast %squeeze3A_39 : f32 to vector<16xf32>
          %mul3A_293 = arith.mulf %mul3A_276, %mul3A_292 : vector<16xf32>
          %add3A_294 = arith.addf %add3A_288, %mul3A_293 : vector<16xf32>
          %mul3A_295 = vector.broadcast %squeeze3A_47 : f32 to vector<16xf32>
          %mul3A_296 = arith.mulf %mul3A_276, %mul3A_295 : vector<16xf32>
          %add3A_297 = arith.addf %add3A_291, %mul3A_296 : vector<16xf32>
          %mul3A_298 = vector.broadcast %squeeze3A_55 : f32 to vector<16xf32>
          %mul3A_299 = arith.mulf %mul3A_277, %mul3A_298 : vector<16xf32>
          %add3A_300 = arith.addf %add3A_294, %mul3A_299 : vector<16xf32>
          %mul3A_301 = vector.broadcast %squeeze3A_63 : f32 to vector<16xf32>
          %mul3A_302 = arith.mulf %mul3A_277, %mul3A_301 : vector<16xf32>
          %add3A_303 = arith.addf %add3A_297, %mul3A_302 : vector<16xf32>
          %mul3A_304 = vector.broadcast %squeeze3A_71 : f32 to vector<16xf32>
          %mul3A_305 = arith.mulf %mul3A_278, %mul3A_304 : vector<16xf32>
          %add3A_306 = arith.addf %add3A_300, %mul3A_305 : vector<16xf32>
          %mul3A_307 = vector.broadcast %squeeze3A_79 : f32 to vector<16xf32>
          %mul3A_308 = arith.mulf %mul3A_278, %mul3A_307 : vector<16xf32>
          %add3A_309 = arith.addf %add3A_303, %mul3A_308 : vector<16xf32>
          %mul3A_310 = vector.broadcast %squeeze3A_87 : f32 to vector<16xf32>
          %mul3A_311 = arith.mulf %mul3A_279, %mul3A_310 : vector<16xf32>
          %add3A_312 = arith.addf %add3A_306, %mul3A_311 : vector<16xf32>
          %mul3A_313 = vector.broadcast %squeeze3A_95 : f32 to vector<16xf32>
          %mul3A_314 = arith.mulf %mul3A_279, %mul3A_313 : vector<16xf32>
          %add3A_315 = arith.addf %add3A_309, %mul3A_314 : vector<16xf32>
          %mul3A_316 = vector.broadcast %squeeze3A_103 : f32 to vector<16xf32>
          %mul3A_317 = arith.mulf %mul3A_280, %mul3A_316 : vector<16xf32>
          %add3A_318 = arith.addf %add3A_312, %mul3A_317 : vector<16xf32>
          %mul3A_319 = vector.broadcast %squeeze3A_111 : f32 to vector<16xf32>
          %mul3A_320 = arith.mulf %mul3A_280, %mul3A_319 : vector<16xf32>
          %add3A_321 = arith.addf %add3A_315, %mul3A_320 : vector<16xf32>
          %mul3A_322 = vector.broadcast %squeeze3A_119 : f32 to vector<16xf32>
          %mul3A_323 = arith.mulf %mul3A_281, %mul3A_322 : vector<16xf32>
          %add3A_324 = arith.addf %add3A_318, %mul3A_323 : vector<16xf32>
          %mul3A_325 = vector.broadcast %squeeze3A_127 : f32 to vector<16xf32>
          %mul3A_326 = arith.mulf %mul3A_281, %mul3A_325 : vector<16xf32>
          %add3A_327 = arith.addf %add3A_321, %mul3A_326 : vector<16xf32>
          %mul3A_328 = arith.mulf %bitcast3A_251, %add3A_324 : vector<16xf32>
          %mul3A_329 = arith.mulf %bitcast3A_255, %add3A_327 : vector<16xf32>
          %add3A_330 = arith.addf %mul3A_328, %mul3A_329 : vector<16xf32>
          %swap3A = arith.index_cast %mul3A_246 : i32 to index
          %swap3A_331 = tpu.vector_load %arg21[%swap3A] {strides = array<i32>} : memref<256xf32, #tpu.memory_space<vmem>>, vector<16xf32>,
          tpu.vector_store %arg21[%swap3A], %add3A_330 {strides = array<i32>} : memref<256xf32, #tpu.memory_space<vmem>>, vector<16xf32>,
          %mul3A_332 = vector.broadcast %squeeze3A_9 : f32 to vector<16xf32>
          %mul3A_333 = arith.mulf %mul3A_274, %mul3A_332 : vector<16xf32>
          %mul3A_334 = vector.broadcast %squeeze3A_17 : f32 to vector<16xf32>
          %mul3A_335 = arith.mulf %mul3A_274, %mul3A_334 : vector<16xf32>
          %mul3A_336 = vector.broadcast %squeeze3A_25 : f32 to vector<16xf32>
          %mul3A_337 = arith.mulf %mul3A_275, %mul3A_336 : vector<16xf32>
          %add3A_338 = arith.addf %mul3A_333, %mul3A_337 : vector<16xf32>
          %mul3A_339 = vector.broadcast %squeeze3A_33 : f32 to vector<16xf32>
          %mul3A_340 = arith.mulf %mul3A_275, %mul3A_339 : vector<16xf32>
          %add3A_341 = arith.addf %mul3A_335, %mul3A_340 : vector<16xf32>
          %mul3A_342 = vector.broadcast %squeeze3A_41 : f32 to vector<16xf32>
          %mul3A_343 = arith.mulf %mul3A_276, %mul3A_342 : vector<16xf32>
          %add3A_344 = arith.addf %add3A_338, %mul3A_343 : vector<16xf32>
          %mul3A_345 = vector.broadcast %squeeze3A_49 : f32 to vector<16xf32>
          %mul3A_346 = arith.mulf %mul3A_276, %mul3A_345 : vector<16xf32>
          %add3A_347 = arith.addf %add3A_341, %mul3A_346 : vector<16xf32>
          %mul3A_348 = vector.broadcast %squeeze3A_57 : f32 to vector<16xf32>
          %mul3A_349 = arith.mulf %mul3A_277, %mul3A_348 : vector<16xf32>
          %add3A_350 = arith.addf %add3A_344, %mul3A_349 : vector<16xf32>
          %mul3A_351 = vector.broadcast %squeeze3A_65 : f32 to vector<16xf32>
          %mul3A_352 = arith.mulf %mul3A_277, %mul3A_351 : vector<16xf32>
          %add3A_353 = arith.addf %add3A_347, %mul3A_352 : vector<16xf32>
          %mul3A_354 = vector.broadcast %squeeze3A_73 : f32 to vector<16xf32>
          %mul3A_355 = arith.mulf %mul3A_278, %mul3A_354 : vector<16xf32>
          %add3A_356 = arith.addf %add3A_350, %mul3A_355 : vector<16xf32>
          %mul3A_357 = vector.broadcast %squeeze3A_81 : f32 to vector<16xf32>
          %mul3A_358 = arith.mulf %mul3A_278, %mul3A_357 : vector<16xf32>
          %add3A_359 = arith.addf %add3A_353, %mul3A_358 : vector<16xf32>
          %mul3A_360 = vector.broadcast %squeeze3A_89 : f32 to vector<16xf32>
          %mul3A_361 = arith.mulf %mul3A_279, %mul3A_360 : vector<16xf32>
          %add3A_362 = arith.addf %add3A_356, %mul3A_361 : vector<16xf32>
          %mul3A_363 = vector.broadcast %squeeze3A_97 : f32 to vector<16xf32>
          %mul3A_364 = arith.mulf %mul3A_279, %mul3A_363 : vector<16xf32>
          %add3A_365 = arith.addf %add3A_359, %mul3A_364 : vector<16xf32>
          %mul3A_366 = vector.broadcast %squeeze3A_105 : f32 to vector<16xf32>
          %mul3A_367 = arith.mulf %mul3A_280, %mul3A_366 : vector<16xf32>
          %add3A_368 = arith.addf %add3A_362, %mul3A_367 : vector<16xf32>
          %mul3A_369 = vector.broadcast %squeeze3A_113 : f32 to vector<16xf32>
          %mul3A_370 = arith.mulf %mul3A_280, %mul3A_369 : vector<16xf32>
          %add3A_371 = arith.addf %add3A_365, %mul3A_370 : vector<16xf32>
          %mul3A_372 = vector.broadcast %squeeze3A_121 : f32 to vector<16xf32>
          %mul3A_373 = arith.mulf %mul3A_281, %mul3A_372 : vector<16xf32>
          %add3A_374 = arith.addf %add3A_368, %mul3A_373 : vector<16xf32>
          %mul3A_375 = vector.broadcast %squeeze3A_129 : f32 to vector<16xf32>
          %mul3A_376 = arith.mulf %mul3A_281, %mul3A_375 : vector<16xf32>
          %add3A_377 = arith.addf %add3A_371, %mul3A_376 : vector<16xf32>
          %mul3A_378 = arith.mulf %bitcast3A_251, %add3A_374 : vector<16xf32>
          %mul3A_379 = arith.mulf %bitcast3A_255, %add3A_377 : vector<16xf32>
          %add3A_380 = arith.addf %mul3A_378, %mul3A_379 : vector<16xf32>
          %swap3A_381 = arith.index_cast %mul3A_246 : i32 to index
          %swap3A_382 = tpu.vector_load %arg22[%swap3A_381] {strides = array<i32>} : memref<256xf32, #tpu.memory_space<vmem>>, vector<16xf32>,
          tpu.vector_store %arg22[%swap3A_381], %add3A_380 {strides = array<i32>} : memref<256xf32, #tpu.memory_space<vmem>>, vector<16xf32>,
          %mul3A_383 = vector.broadcast %squeeze3A_11 : f32 to vector<16xf32>
          %mul3A_384 = arith.mulf %mul3A_274, %mul3A_383 : vector<16xf32>
          %mul3A_385 = vector.broadcast %squeeze3A_19 : f32 to vector<16xf32>
          %mul3A_386 = arith.mulf %mul3A_274, %mul3A_385 : vector<16xf32>
          %mul3A_387 = vector.broadcast %squeeze3A_27 : f32 to vector<16xf32>
          %mul3A_388 = arith.mulf %mul3A_275, %mul3A_387 : vector<16xf32>
          %add3A_389 = arith.addf %mul3A_384, %mul3A_388 : vector<16xf32>
          %mul3A_390 = vector.broadcast %squeeze3A_35 : f32 to vector<16xf32>
          %mul3A_391 = arith.mulf %mul3A_275, %mul3A_390 : vector<16xf32>
          %add3A_392 = arith.addf %mul3A_386, %mul3A_391 : vector<16xf32>
          %mul3A_393 = vector.broadcast %squeeze3A_43 : f32 to vector<16xf32>
          %mul3A_394 = arith.mulf %mul3A_276, %mul3A_393 : vector<16xf32>
          %add3A_395 = arith.addf %add3A_389, %mul3A_394 : vector<16xf32>
          %mul3A_396 = vector.broadcast %squeeze3A_51 : f32 to vector<16xf32>
          %mul3A_397 = arith.mulf %mul3A_276, %mul3A_396 : vector<16xf32>
          %add3A_398 = arith.addf %add3A_392, %mul3A_397 : vector<16xf32>
          %mul3A_399 = vector.broadcast %squeeze3A_59 : f32 to vector<16xf32>
          %mul3A_400 = arith.mulf %mul3A_277, %mul3A_399 : vector<16xf32>
          %add3A_401 = arith.addf %add3A_395, %mul3A_400 : vector<16xf32>
          %mul3A_402 = vector.broadcast %squeeze3A_67 : f32 to vector<16xf32>
          %mul3A_403 = arith.mulf %mul3A_277, %mul3A_402 : vector<16xf32>
          %add3A_404 = arith.addf %add3A_398, %mul3A_403 : vector<16xf32>
          %mul3A_405 = vector.broadcast %squeeze3A_75 : f32 to vector<16xf32>
          %mul3A_406 = arith.mulf %mul3A_278, %mul3A_405 : vector<16xf32>
          %add3A_407 = arith.addf %add3A_401, %mul3A_406 : vector<16xf32>
          %mul3A_408 = vector.broadcast %squeeze3A_83 : f32 to vector<16xf32>
          %mul3A_409 = arith.mulf %mul3A_278, %mul3A_408 : vector<16xf32>
          %add3A_410 = arith.addf %add3A_404, %mul3A_409 : vector<16xf32>
          %mul3A_411 = vector.broadcast %squeeze3A_91 : f32 to vector<16xf32>
          %mul3A_412 = arith.mulf %mul3A_279, %mul3A_411 : vector<16xf32>
          %add3A_413 = arith.addf %add3A_407, %mul3A_412 : vector<16xf32>
          %mul3A_414 = vector.broadcast %squeeze3A_99 : f32 to vector<16xf32>
          %mul3A_415 = arith.mulf %mul3A_279, %mul3A_414 : vector<16xf32>
          %add3A_416 = arith.addf %add3A_410, %mul3A_415 : vector<16xf32>
          %mul3A_417 = vector.broadcast %squeeze3A_107 : f32 to vector<16xf32>
          %mul3A_418 = arith.mulf %mul3A_280, %mul3A_417 : vector<16xf32>
          %add3A_419 = arith.addf %add3A_413, %mul3A_418 : vector<16xf32>
          %mul3A_420 = vector.broadcast %squeeze3A_115 : f32 to vector<16xf32>
          %mul3A_421 = arith.mulf %mul3A_280, %mul3A_420 : vector<16xf32>
          %add3A_422 = arith.addf %add3A_416, %mul3A_421 : vector<16xf32>
          %mul3A_423 = vector.broadcast %squeeze3A_123 : f32 to vector<16xf32>
          %mul3A_424 = arith.mulf %mul3A_281, %mul3A_423 : vector<16xf32>
          %add3A_425 = arith.addf %add3A_419, %mul3A_424 : vector<16xf32>
          %mul3A_426 = vector.broadcast %squeeze3A_131 : f32 to vector<16xf32>
          %mul3A_427 = arith.mulf %mul3A_281, %mul3A_426 : vector<16xf32>
          %add3A_428 = arith.addf %add3A_422, %mul3A_427 : vector<16xf32>
          %mul3A_429 = arith.mulf %bitcast3A_251, %add3A_425 : vector<16xf32>
          %mul3A_430 = arith.mulf %bitcast3A_255, %add3A_428 : vector<16xf32>
          %add3A_431 = arith.addf %mul3A_429, %mul3A_430 : vector<16xf32>
          %swap3A_432 = arith.index_cast %mul3A_246 : i32 to index
          %swap3A_433 = tpu.vector_load %arg23[%swap3A_432] {strides = array<i32>} : memref<256xf32, #tpu.memory_space<vmem>>, vector<16xf32>,
          tpu.vector_store %arg23[%swap3A_432], %add3A_431 {strides = array<i32>} : memref<256xf32, #tpu.memory_space<vmem>>, vector<16xf32>,
          %mul3A_434 = vector.broadcast %squeeze3A_13 : f32 to vector<16xf32>
          %mul3A_435 = arith.mulf %mul3A_274, %mul3A_434 : vector<16xf32>
          %mul3A_436 = vector.broadcast %squeeze3A_21 : f32 to vector<16xf32>
          %mul3A_437 = arith.mulf %mul3A_274, %mul3A_436 : vector<16xf32>
          %mul3A_438 = vector.broadcast %squeeze3A_29 : f32 to vector<16xf32>
          %mul3A_439 = arith.mulf %mul3A_275, %mul3A_438 : vector<16xf32>
          %add3A_440 = arith.addf %mul3A_435, %mul3A_439 : vector<16xf32>
          %mul3A_441 = vector.broadcast %squeeze3A_37 : f32 to vector<16xf32>
          %mul3A_442 = arith.mulf %mul3A_275, %mul3A_441 : vector<16xf32>
          %add3A_443 = arith.addf %mul3A_437, %mul3A_442 : vector<16xf32>
          %mul3A_444 = vector.broadcast %squeeze3A_45 : f32 to vector<16xf32>
          %mul3A_445 = arith.mulf %mul3A_276, %mul3A_444 : vector<16xf32>
          %add3A_446 = arith.addf %add3A_440, %mul3A_445 : vector<16xf32>
          %mul3A_447 = vector.broadcast %squeeze3A_53 : f32 to vector<16xf32>
          %mul3A_448 = arith.mulf %mul3A_276, %mul3A_447 : vector<16xf32>
          %add3A_449 = arith.addf %add3A_443, %mul3A_448 : vector<16xf32>
          %mul3A_450 = vector.broadcast %squeeze3A_61 : f32 to vector<16xf32>
          %mul3A_451 = arith.mulf %mul3A_277, %mul3A_450 : vector<16xf32>
          %add3A_452 = arith.addf %add3A_446, %mul3A_451 : vector<16xf32>
          %mul3A_453 = vector.broadcast %squeeze3A_69 : f32 to vector<16xf32>
          %mul3A_454 = arith.mulf %mul3A_277, %mul3A_453 : vector<16xf32>
          %add3A_455 = arith.addf %add3A_449, %mul3A_454 : vector<16xf32>
          %mul3A_456 = vector.broadcast %squeeze3A_77 : f32 to vector<16xf32>
          %mul3A_457 = arith.mulf %mul3A_278, %mul3A_456 : vector<16xf32>
          %add3A_458 = arith.addf %add3A_452, %mul3A_457 : vector<16xf32>
          %mul3A_459 = vector.broadcast %squeeze3A_85 : f32 to vector<16xf32>
          %mul3A_460 = arith.mulf %mul3A_278, %mul3A_459 : vector<16xf32>
          %add3A_461 = arith.addf %add3A_455, %mul3A_460 : vector<16xf32>
          %mul3A_462 = vector.broadcast %squeeze3A_93 : f32 to vector<16xf32>
          %mul3A_463 = arith.mulf %mul3A_279, %mul3A_462 : vector<16xf32>
          %add3A_464 = arith.addf %add3A_458, %mul3A_463 : vector<16xf32>
          %mul3A_465 = vector.broadcast %squeeze3A_101 : f32 to vector<16xf32>
          %mul3A_466 = arith.mulf %mul3A_279, %mul3A_465 : vector<16xf32>
          %add3A_467 = arith.addf %add3A_461, %mul3A_466 : vector<16xf32>
          %mul3A_468 = vector.broadcast %squeeze3A_109 : f32 to vector<16xf32>
          %mul3A_469 = arith.mulf %mul3A_280, %mul3A_468 : vector<16xf32>
          %add3A_470 = arith.addf %add3A_464, %mul3A_469 : vector<16xf32>
          %mul3A_471 = vector.broadcast %squeeze3A_117 : f32 to vector<16xf32>
          %mul3A_472 = arith.mulf %mul3A_280, %mul3A_471 : vector<16xf32>
          %add3A_473 = arith.addf %add3A_467, %mul3A_472 : vector<16xf32>
          %mul3A_474 = vector.broadcast %squeeze3A_125 : f32 to vector<16xf32>
          %mul3A_475 = arith.mulf %mul3A_281, %mul3A_474 : vector<16xf32>
          %add3A_476 = arith.addf %add3A_470, %mul3A_475 : vector<16xf32>
          %mul3A_477 = vector.broadcast %squeeze3A_133 : f32 to vector<16xf32>
          %mul3A_478 = arith.mulf %mul3A_281, %mul3A_477 : vector<16xf32>
          %add3A_479 = arith.addf %add3A_473, %mul3A_478 : vector<16xf32>
          %mul3A_480 = arith.mulf %bitcast3A_251, %add3A_476 : vector<16xf32>
          %mul3A_481 = arith.mulf %bitcast3A_255, %add3A_479 : vector<16xf32>
          %add3A_482 = arith.addf %mul3A_480, %mul3A_481 : vector<16xf32>
          %swap3A_483 = arith.index_cast %mul3A_246 : i32 to index
          %swap3A_484 = tpu.vector_load %arg24[%swap3A_483] {strides = array<i32>} : memref<256xf32, #tpu.memory_space<vmem>>, vector<16xf32>,
          tpu.vector_store %arg24[%swap3A_483], %add3A_482 {strides = array<i32>} : memref<256xf32, #tpu.memory_space<vmem>>, vector<16xf32>,
          %scan3A_485 = arith.constant 0 : i32
          scf.yield %scan3A_485 : i32
        }
        %scan3A_235 = arith.constant 16 : i32
        %dma_start3A = arith.constant 0 : i32
        %dma_start3A_236 = tpu.memref_slice %arg11[%dma_start3A] : memref<100352xf32, #tpu.memory_space<vmem_shared>> -> memref<100352xf32, #tpu.memory_space<vmem_shared>>
        tpu.enqueue_indirect_dma source(%arg21 : memref<256xf32, #tpu.memory_space<vmem>>) target(%dma_start3A_236 : memref<100352xf32, #tpu.memory_space<vmem_shared>>) offsets(%arg17 : memref<256xi32, #tpu.memory_space<vmem>>) semaphore(%arg31 : memref<!tpu.dma_semaphore, #tpu.memory_space<semaphore_mem>>) {add = true}
        %dma_start3A_237 = arith.constant 0 : i32
        %dma_start3A_238 = tpu.memref_slice %arg12[%dma_start3A_237] : memref<100352xf32, #tpu.memory_space<vmem_shared>> -> memref<100352xf32, #tpu.memory_space<vmem_shared>>
        tpu.enqueue_indirect_dma source(%arg22 : memref<256xf32, #tpu.memory_space<vmem>>) target(%dma_start3A_238 : memref<100352xf32, #tpu.memory_space<vmem_shared>>) offsets(%arg17 : memref<256xi32, #tpu.memory_space<vmem>>) semaphore(%arg31 : memref<!tpu.dma_semaphore, #tpu.memory_space<semaphore_mem>>) {add = true}
        %dma_start3A_239 = arith.constant 0 : i32
        %dma_start3A_240 = tpu.memref_slice %arg13[%dma_start3A_239] : memref<100352xf32, #tpu.memory_space<vmem_shared>> -> memref<100352xf32, #tpu.memory_space<vmem_shared>>
        tpu.enqueue_indirect_dma source(%arg23 : memref<256xf32, #tpu.memory_space<vmem>>) target(%dma_start3A_240 : memref<100352xf32, #tpu.memory_space<vmem_shared>>) offsets(%arg17 : memref<256xi32, #tpu.memory_space<vmem>>) semaphore(%arg31 : memref<!tpu.dma_semaphore, #tpu.memory_space<semaphore_mem>>) {add = true}
        %dma_start3A_241 = arith.constant 0 : i32
        %dma_start3A_242 = tpu.memref_slice %arg14[%dma_start3A_241] : memref<100352xf32, #tpu.memory_space<vmem_shared>> -> memref<100352xf32, #tpu.memory_space<vmem_shared>>
        tpu.enqueue_indirect_dma source(%arg24 : memref<256xf32, #tpu.memory_space<vmem>>) target(%dma_start3A_242 : memref<100352xf32, #tpu.memory_space<vmem_shared>>) offsets(%arg17 : memref<256xi32, #tpu.memory_space<vmem>>) semaphore(%arg31 : memref<!tpu.dma_semaphore, #tpu.memory_space<semaphore_mem>>) {add = true}
      } else {
      }
      %mul3A_211 = arith.constant 2 : i32
      %mul3A_212 = arith.muli %scan3A_196, %mul3A_211 : i32
      %add3A_213 = arith.constant 1 : i32
      %add3A_214 = arith.addi %mul3A_212, %add3A_213 : i32
      %lt3A_215 = arith.cmpi slt, %add3A_214, %select_n3A : i32
      %convert_element_type3A_216 = arith.extui %lt3A_215 : i1 to i32
      %cond3A_217 = arith.constant 0 : i32
      %cond3A_218 = arith.cmpi ne, %convert_element_type3A_216, %cond3A_217 : i32
      scf.if %cond3A_218 {
        %mul3A_229 = arith.constant 32 : i32
        %mul3A_230 = arith.muli %add3A_214, %mul3A_229 : i32
        %add3A_231 = arith.addi %add3A, %mul3A_230 : i32
        %mul3A_232 = arith.constant 256 : i32
        %mul3A_233 = arith.muli %add3A_231, %mul3A_232 : i32
        %dma_start3A = tpu.memref_slice %arg2[%mul3A_233] : memref<1600000xi32, #tpu.memory_space<hbm>> -> memref<256xi32, #tpu.memory_space<hbm>>
        %dma_start3A_234 = tpu.memref_slice %arg2[%mul3A_233] : memref<1600000xi32, #tpu.memory_space<hbm>> -> memref<256xi32, #tpu.memory_space<hbm>>
        tpu.enqueue_dma source(%dma_start3A_234 : memref<256xi32, #tpu.memory_space<hbm>>) target(%arg16 : memref<256xi32, #tpu.memory_space<vmem>>) target_semaphore(%arg30 : memref<!tpu.dma_semaphore, #tpu.memory_space<semaphore_mem>>)
        %dma_start3A_235 = tpu.memref_slice %arg4[%mul3A_233] : memref<1600000xf32, #tpu.memory_space<hbm>> -> memref<256xf32, #tpu.memory_space<hbm>>
        %dma_start3A_236 = tpu.memref_slice %arg4[%mul3A_233] : memref<1600000xf32, #tpu.memory_space<hbm>> -> memref<256xf32, #tpu.memory_space<hbm>>
        tpu.enqueue_dma source(%dma_start3A_236 : memref<256xf32, #tpu.memory_space<hbm>>) target(%arg18 : memref<256xf32, #tpu.memory_space<vmem>>) target_semaphore(%arg30 : memref<!tpu.dma_semaphore, #tpu.memory_space<semaphore_mem>>)
        %dma_start3A_237 = tpu.memref_slice %arg5[%mul3A_233] : memref<1600000xf32, #tpu.memory_space<hbm>> -> memref<256xf32, #tpu.memory_space<hbm>>
        %dma_start3A_238 = tpu.memref_slice %arg5[%mul3A_233] : memref<1600000xf32, #tpu.memory_space<hbm>> -> memref<256xf32, #tpu.memory_space<hbm>>
        tpu.enqueue_dma source(%dma_start3A_238 : memref<256xf32, #tpu.memory_space<hbm>>) target(%arg19 : memref<256xf32, #tpu.memory_space<vmem>>) target_semaphore(%arg30 : memref<!tpu.dma_semaphore, #tpu.memory_space<semaphore_mem>>)
        %dma_start3A_239 = tpu.memref_slice %arg6[%mul3A_233] : memref<1600000xf32, #tpu.memory_space<hbm>> -> memref<256xf32, #tpu.memory_space<hbm>>
        %dma_start3A_240 = tpu.memref_slice %arg6[%mul3A_233] : memref<1600000xf32, #tpu.memory_space<hbm>> -> memref<256xf32, #tpu.memory_space<hbm>>
        tpu.enqueue_dma source(%dma_start3A_240 : memref<256xf32, #tpu.memory_space<hbm>>) target(%arg20 : memref<256xf32, #tpu.memory_space<vmem>>) target_semaphore(%arg30 : memref<!tpu.dma_semaphore, #tpu.memory_space<semaphore_mem>>)
        %dma_start3A_241 = tpu.memref_slice %arg3[%mul3A_233] : memref<1600000xi32, #tpu.memory_space<hbm>> -> memref<256xi32, #tpu.memory_space<hbm>>
        %dma_start3A_242 = tpu.memref_slice %arg3[%mul3A_233] : memref<1600000xi32, #tpu.memory_space<hbm>> -> memref<256xi32, #tpu.memory_space<hbm>>
        tpu.enqueue_dma source(%dma_start3A_242 : memref<256xi32, #tpu.memory_space<hbm>>) target(%arg17 : memref<256xi32, #tpu.memory_space<vmem>>) target_semaphore(%arg30 : memref<!tpu.dma_semaphore, #tpu.memory_space<semaphore_mem>>)
        %dma_wait3A_243 = tpu.memref_slice %arg2[%mul3A_233] : memref<1600000xi32, #tpu.memory_space<hbm>> -> memref<256xi32, #tpu.memory_space<hbm>>
        %dma_wait3A_244 = tpu.memref_slice %arg2[%mul3A_233] : memref<1600000xi32, #tpu.memory_space<hbm>> -> memref<256xi32, #tpu.memory_space<hbm>>
        tpu.wait_dma2 semaphore(%arg30 : memref<!tpu.dma_semaphore, #tpu.memory_space<semaphore_mem>>) src(%dma_wait3A_244 : memref<256xi32, #tpu.memory_space<hbm>>) dst(%arg16 : memref<256xi32, #tpu.memory_space<vmem>>)
        %dma_wait3A_245 = tpu.memref_slice %arg4[%mul3A_233] : memref<1600000xf32, #tpu.memory_space<hbm>> -> memref<256xf32, #tpu.memory_space<hbm>>
        %dma_wait3A_246 = tpu.memref_slice %arg4[%mul3A_233] : memref<1600000xf32, #tpu.memory_space<hbm>> -> memref<256xf32, #tpu.memory_space<hbm>>
        tpu.wait_dma2 semaphore(%arg30 : memref<!tpu.dma_semaphore, #tpu.memory_space<semaphore_mem>>) src(%dma_wait3A_246 : memref<256xf32, #tpu.memory_space<hbm>>) dst(%arg18 : memref<256xf32, #tpu.memory_space<vmem>>)
        %dma_wait3A_247 = tpu.memref_slice %arg5[%mul3A_233] : memref<1600000xf32, #tpu.memory_space<hbm>> -> memref<256xf32, #tpu.memory_space<hbm>>
        %dma_wait3A_248 = tpu.memref_slice %arg5[%mul3A_233] : memref<1600000xf32, #tpu.memory_space<hbm>> -> memref<256xf32, #tpu.memory_space<hbm>>
        tpu.wait_dma2 semaphore(%arg30 : memref<!tpu.dma_semaphore, #tpu.memory_space<semaphore_mem>>) src(%dma_wait3A_248 : memref<256xf32, #tpu.memory_space<hbm>>) dst(%arg19 : memref<256xf32, #tpu.memory_space<vmem>>)
        %dma_wait3A_249 = tpu.memref_slice %arg6[%mul3A_233] : memref<1600000xf32, #tpu.memory_space<hbm>> -> memref<256xf32, #tpu.memory_space<hbm>>
        %dma_wait3A_250 = tpu.memref_slice %arg6[%mul3A_233] : memref<1600000xf32, #tpu.memory_space<hbm>> -> memref<256xf32, #tpu.memory_space<hbm>>
        tpu.wait_dma2 semaphore(%arg30 : memref<!tpu.dma_semaphore, #tpu.memory_space<semaphore_mem>>) src(%dma_wait3A_250 : memref<256xf32, #tpu.memory_space<hbm>>) dst(%arg20 : memref<256xf32, #tpu.memory_space<vmem>>)
        %dma_wait3A_251 = tpu.memref_slice %arg3[%mul3A_233] : memref<1600000xi32, #tpu.memory_space<hbm>> -> memref<256xi32, #tpu.memory_space<hbm>>
        %dma_wait3A_252 = tpu.memref_slice %arg3[%mul3A_233] : memref<1600000xi32, #tpu.memory_space<hbm>> -> memref<256xi32, #tpu.memory_space<hbm>>
        tpu.wait_dma2 semaphore(%arg30 : memref<!tpu.dma_semaphore, #tpu.memory_space<semaphore_mem>>) src(%dma_wait3A_252 : memref<256xi32, #tpu.memory_space<hbm>>) dst(%arg17 : memref<256xi32, #tpu.memory_space<vmem>>)
      } else {
      }
      %ge3A_219 = arith.constant 2 : i32
      %ge3A_220 = arith.cmpi sge, %add3A_214, %ge3A_219 : i32
      %and3A_221 = arith.andi %lt3A_215, %ge3A_220 : i1
      %convert_element_type3A_222 = arith.extui %and3A_221 : i1 to i32
      %cond3A_223 = arith.constant 0 : i32
      %cond3A_224 = arith.cmpi ne, %convert_element_type3A_222, %cond3A_223 : i32
      scf.if %cond3A_224 {
        %dma_wait3A_229 = arith.constant 0 : i32
        %dma_wait3A_230 = tpu.memref_slice %arg11[%dma_wait3A_229] : memref<100352xf32, #tpu.memory_space<vmem_shared>> -> memref<100352xf32, #tpu.memory_space<vmem_shared>>
        tpu.wait_indirect_dma semaphore(%arg32 : memref<!tpu.dma_semaphore, #tpu.memory_space<semaphore_mem>>) src(%arg25 : memref<256xf32, #tpu.memory_space<vmem>>) dst(%dma_wait3A_230 : memref<100352xf32, #tpu.memory_space<vmem_shared>>)
        %dma_wait3A_231 = arith.constant 0 : i32
        %dma_wait3A_232 = tpu.memref_slice %arg12[%dma_wait3A_231] : memref<100352xf32, #tpu.memory_space<vmem_shared>> -> memref<100352xf32, #tpu.memory_space<vmem_shared>>
        tpu.wait_indirect_dma semaphore(%arg32 : memref<!tpu.dma_semaphore, #tpu.memory_space<semaphore_mem>>) src(%arg26 : memref<256xf32, #tpu.memory_space<vmem>>) dst(%dma_wait3A_232 : memref<100352xf32, #tpu.memory_space<vmem_shared>>)
        %dma_wait3A_233 = arith.constant 0 : i32
        %dma_wait3A_234 = tpu.memref_slice %arg13[%dma_wait3A_233] : memref<100352xf32, #tpu.memory_space<vmem_shared>> -> memref<100352xf32, #tpu.memory_space<vmem_shared>>
        tpu.wait_indirect_dma semaphore(%arg32 : memref<!tpu.dma_semaphore, #tpu.memory_space<semaphore_mem>>) src(%arg27 : memref<256xf32, #tpu.memory_space<vmem>>) dst(%dma_wait3A_234 : memref<100352xf32, #tpu.memory_space<vmem_shared>>)
        %dma_wait3A_235 = arith.constant 0 : i32
        %dma_wait3A_236 = tpu.memref_slice %arg14[%dma_wait3A_235] : memref<100352xf32, #tpu.memory_space<vmem_shared>> -> memref<100352xf32, #tpu.memory_space<vmem_shared>>
        tpu.wait_indirect_dma semaphore(%arg32 : memref<!tpu.dma_semaphore, #tpu.memory_space<semaphore_mem>>) src(%arg28 : memref<256xf32, #tpu.memory_space<vmem>>) dst(%dma_wait3A_236 : memref<100352xf32, #tpu.memory_space<vmem_shared>>)
      } else {
      }
      %convert_element_type3A_225 = arith.extui %lt3A_215 : i1 to i32
      %cond3A_226 = arith.constant 0 : i32
      %cond3A_227 = arith.cmpi ne, %convert_element_type3A_225, %cond3A_226 : i32
      scf.if %cond3A_227 {
        %scan3A_229 = arith.constant 0 : i32
        %scan3A_230 = arith.constant 0 : i32
        %scan3A_231 = arith.constant 16 : i32
        %scan3A_232 = arith.addi %scan3A_230, %scan3A_231 : i32
        %scan3A_233 = arith.constant 1 : i32
        %scan3A_234 = scf.for %scan3A_243 = %scan3A_230 to %scan3A_232 step %scan3A_233 iter_args(%scan3A_244 = %scan3A_229) -> (i32)  : i32 {
          %mul3A_245 = arith.constant 16 : i32
          %mul3A_246 = arith.muli %scan3A_243, %mul3A_245 : i32
          %get3A_247 = arith.index_cast %mul3A_246 : i32 to index
          %get3A_248 = tpu.vector_load %arg16[%get3A_247] {strides = array<i32>} : memref<256xi32, #tpu.memory_space<vmem>>, vector<16xi32>,
          %gather3A = tpu.vector_load_idx %arg15[%get3A_248] : memref<100000xi32, #tpu.memory_space<vmem>>[vector<16xi32>], vector<16xi32>,
          %bitcast3A = vector.bitcast %gather3A : vector<16xi32> to vector<16xi32>
          %shift_left3A = arith.constant 16 : i32
          %shift_left3A_249 = vector.broadcast %shift_left3A : i32 to vector<16xi32>
          %shift_left3A_250 = arith.shli %bitcast3A, %shift_left3A_249 : vector<16xi32>
          %bitcast3A_251 = vector.bitcast %shift_left3A_250 : vector<16xi32> to vector<16xf32>
          %and3A_252 = arith.constant -65536 : i32
          %and3A_253 = vector.broadcast %and3A_252 : i32 to vector<16xi32>
          %and3A_254 = arith.andi %bitcast3A, %and3A_253 : vector<16xi32>
          %bitcast3A_255 = vector.bitcast %and3A_254 : vector<16xi32> to vector<16xf32>
          %get3A_256 = arith.index_cast %mul3A_246 : i32 to index
          %get3A_257 = tpu.vector_load %arg18[%get3A_256] {strides = array<i32>} : memref<256xf32, #tpu.memory_space<vmem>>, vector<16xf32>,
          %get3A_258 = arith.index_cast %mul3A_246 : i32 to index
          %get3A_259 = tpu.vector_load %arg19[%get3A_258] {strides = array<i32>} : memref<256xf32, #tpu.memory_space<vmem>>, vector<16xf32>,
          %get3A_260 = arith.index_cast %mul3A_246 : i32 to index
          %get3A_261 = tpu.vector_load %arg20[%get3A_260] {strides = array<i32>} : memref<256xf32, #tpu.memory_space<vmem>>, vector<16xf32>,
          %sub3A = arith.constant 1.000000e+00 : f32
          %sub3A_262 = vector.broadcast %sub3A : f32 to vector<16xf32>
          %sub3A_263 = arith.subf %sub3A_262, %get3A_257 : vector<16xf32>
          %sub3A_264 = arith.constant 1.000000e+00 : f32
          %sub3A_265 = vector.broadcast %sub3A_264 : f32 to vector<16xf32>
          %sub3A_266 = arith.subf %sub3A_265, %get3A_259 : vector<16xf32>
          %sub3A_267 = arith.constant 1.000000e+00 : f32
          %sub3A_268 = vector.broadcast %sub3A_267 : f32 to vector<16xf32>
          %sub3A_269 = arith.subf %sub3A_268, %get3A_261 : vector<16xf32>
          %mul3A_270 = arith.mulf %sub3A_263, %sub3A_266 : vector<16xf32>
          %mul3A_271 = arith.mulf %get3A_257, %sub3A_266 : vector<16xf32>
          %mul3A_272 = arith.mulf %sub3A_263, %get3A_259 : vector<16xf32>
          %mul3A_273 = arith.mulf %get3A_257, %get3A_259 : vector<16xf32>
          %mul3A_274 = arith.mulf %mul3A_270, %sub3A_269 : vector<16xf32>
          %mul3A_275 = arith.mulf %mul3A_271, %sub3A_269 : vector<16xf32>
          %mul3A_276 = arith.mulf %mul3A_272, %sub3A_269 : vector<16xf32>
          %mul3A_277 = arith.mulf %mul3A_273, %sub3A_269 : vector<16xf32>
          %mul3A_278 = arith.mulf %mul3A_270, %get3A_261 : vector<16xf32>
          %mul3A_279 = arith.mulf %mul3A_271, %get3A_261 : vector<16xf32>
          %mul3A_280 = arith.mulf %mul3A_272, %get3A_261 : vector<16xf32>
          %mul3A_281 = arith.mulf %mul3A_273, %get3A_261 : vector<16xf32>
          %mul3A_282 = vector.broadcast %squeeze3A : f32 to vector<16xf32>
          %mul3A_283 = arith.mulf %mul3A_274, %mul3A_282 : vector<16xf32>
          %mul3A_284 = vector.broadcast %squeeze3A_15 : f32 to vector<16xf32>
          %mul3A_285 = arith.mulf %mul3A_274, %mul3A_284 : vector<16xf32>
          %mul3A_286 = vector.broadcast %squeeze3A_23 : f32 to vector<16xf32>
          %mul3A_287 = arith.mulf %mul3A_275, %mul3A_286 : vector<16xf32>
          %add3A_288 = arith.addf %mul3A_283, %mul3A_287 : vector<16xf32>
          %mul3A_289 = vector.broadcast %squeeze3A_31 : f32 to vector<16xf32>
          %mul3A_290 = arith.mulf %mul3A_275, %mul3A_289 : vector<16xf32>
          %add3A_291 = arith.addf %mul3A_285, %mul3A_290 : vector<16xf32>
          %mul3A_292 = vector.broadcast %squeeze3A_39 : f32 to vector<16xf32>
          %mul3A_293 = arith.mulf %mul3A_276, %mul3A_292 : vector<16xf32>
          %add3A_294 = arith.addf %add3A_288, %mul3A_293 : vector<16xf32>
          %mul3A_295 = vector.broadcast %squeeze3A_47 : f32 to vector<16xf32>
          %mul3A_296 = arith.mulf %mul3A_276, %mul3A_295 : vector<16xf32>
          %add3A_297 = arith.addf %add3A_291, %mul3A_296 : vector<16xf32>
          %mul3A_298 = vector.broadcast %squeeze3A_55 : f32 to vector<16xf32>
          %mul3A_299 = arith.mulf %mul3A_277, %mul3A_298 : vector<16xf32>
          %add3A_300 = arith.addf %add3A_294, %mul3A_299 : vector<16xf32>
          %mul3A_301 = vector.broadcast %squeeze3A_63 : f32 to vector<16xf32>
          %mul3A_302 = arith.mulf %mul3A_277, %mul3A_301 : vector<16xf32>
          %add3A_303 = arith.addf %add3A_297, %mul3A_302 : vector<16xf32>
          %mul3A_304 = vector.broadcast %squeeze3A_71 : f32 to vector<16xf32>
          %mul3A_305 = arith.mulf %mul3A_278, %mul3A_304 : vector<16xf32>
          %add3A_306 = arith.addf %add3A_300, %mul3A_305 : vector<16xf32>
          %mul3A_307 = vector.broadcast %squeeze3A_79 : f32 to vector<16xf32>
          %mul3A_308 = arith.mulf %mul3A_278, %mul3A_307 : vector<16xf32>
          %add3A_309 = arith.addf %add3A_303, %mul3A_308 : vector<16xf32>
          %mul3A_310 = vector.broadcast %squeeze3A_87 : f32 to vector<16xf32>
          %mul3A_311 = arith.mulf %mul3A_279, %mul3A_310 : vector<16xf32>
          %add3A_312 = arith.addf %add3A_306, %mul3A_311 : vector<16xf32>
          %mul3A_313 = vector.broadcast %squeeze3A_95 : f32 to vector<16xf32>
          %mul3A_314 = arith.mulf %mul3A_279, %mul3A_313 : vector<16xf32>
          %add3A_315 = arith.addf %add3A_309, %mul3A_314 : vector<16xf32>
          %mul3A_316 = vector.broadcast %squeeze3A_103 : f32 to vector<16xf32>
          %mul3A_317 = arith.mulf %mul3A_280, %mul3A_316 : vector<16xf32>
          %add3A_318 = arith.addf %add3A_312, %mul3A_317 : vector<16xf32>
          %mul3A_319 = vector.broadcast %squeeze3A_111 : f32 to vector<16xf32>
          %mul3A_320 = arith.mulf %mul3A_280, %mul3A_319 : vector<16xf32>
          %add3A_321 = arith.addf %add3A_315, %mul3A_320 : vector<16xf32>
          %mul3A_322 = vector.broadcast %squeeze3A_119 : f32 to vector<16xf32>
          %mul3A_323 = arith.mulf %mul3A_281, %mul3A_322 : vector<16xf32>
          %add3A_324 = arith.addf %add3A_318, %mul3A_323 : vector<16xf32>
          %mul3A_325 = vector.broadcast %squeeze3A_127 : f32 to vector<16xf32>
          %mul3A_326 = arith.mulf %mul3A_281, %mul3A_325 : vector<16xf32>
          %add3A_327 = arith.addf %add3A_321, %mul3A_326 : vector<16xf32>
          %mul3A_328 = arith.mulf %bitcast3A_251, %add3A_324 : vector<16xf32>
          %mul3A_329 = arith.mulf %bitcast3A_255, %add3A_327 : vector<16xf32>
          %add3A_330 = arith.addf %mul3A_328, %mul3A_329 : vector<16xf32>
          %swap3A = arith.index_cast %mul3A_246 : i32 to index
          %swap3A_331 = tpu.vector_load %arg25[%swap3A] {strides = array<i32>} : memref<256xf32, #tpu.memory_space<vmem>>, vector<16xf32>,
          tpu.vector_store %arg25[%swap3A], %add3A_330 {strides = array<i32>} : memref<256xf32, #tpu.memory_space<vmem>>, vector<16xf32>,
          %mul3A_332 = vector.broadcast %squeeze3A_9 : f32 to vector<16xf32>
          %mul3A_333 = arith.mulf %mul3A_274, %mul3A_332 : vector<16xf32>
          %mul3A_334 = vector.broadcast %squeeze3A_17 : f32 to vector<16xf32>
          %mul3A_335 = arith.mulf %mul3A_274, %mul3A_334 : vector<16xf32>
          %mul3A_336 = vector.broadcast %squeeze3A_25 : f32 to vector<16xf32>
          %mul3A_337 = arith.mulf %mul3A_275, %mul3A_336 : vector<16xf32>
          %add3A_338 = arith.addf %mul3A_333, %mul3A_337 : vector<16xf32>
          %mul3A_339 = vector.broadcast %squeeze3A_33 : f32 to vector<16xf32>
          %mul3A_340 = arith.mulf %mul3A_275, %mul3A_339 : vector<16xf32>
          %add3A_341 = arith.addf %mul3A_335, %mul3A_340 : vector<16xf32>
          %mul3A_342 = vector.broadcast %squeeze3A_41 : f32 to vector<16xf32>
          %mul3A_343 = arith.mulf %mul3A_276, %mul3A_342 : vector<16xf32>
          %add3A_344 = arith.addf %add3A_338, %mul3A_343 : vector<16xf32>
          %mul3A_345 = vector.broadcast %squeeze3A_49 : f32 to vector<16xf32>
          %mul3A_346 = arith.mulf %mul3A_276, %mul3A_345 : vector<16xf32>
          %add3A_347 = arith.addf %add3A_341, %mul3A_346 : vector<16xf32>
          %mul3A_348 = vector.broadcast %squeeze3A_57 : f32 to vector<16xf32>
          %mul3A_349 = arith.mulf %mul3A_277, %mul3A_348 : vector<16xf32>
          %add3A_350 = arith.addf %add3A_344, %mul3A_349 : vector<16xf32>
          %mul3A_351 = vector.broadcast %squeeze3A_65 : f32 to vector<16xf32>
          %mul3A_352 = arith.mulf %mul3A_277, %mul3A_351 : vector<16xf32>
          %add3A_353 = arith.addf %add3A_347, %mul3A_352 : vector<16xf32>
          %mul3A_354 = vector.broadcast %squeeze3A_73 : f32 to vector<16xf32>
          %mul3A_355 = arith.mulf %mul3A_278, %mul3A_354 : vector<16xf32>
          %add3A_356 = arith.addf %add3A_350, %mul3A_355 : vector<16xf32>
          %mul3A_357 = vector.broadcast %squeeze3A_81 : f32 to vector<16xf32>
          %mul3A_358 = arith.mulf %mul3A_278, %mul3A_357 : vector<16xf32>
          %add3A_359 = arith.addf %add3A_353, %mul3A_358 : vector<16xf32>
          %mul3A_360 = vector.broadcast %squeeze3A_89 : f32 to vector<16xf32>
          %mul3A_361 = arith.mulf %mul3A_279, %mul3A_360 : vector<16xf32>
          %add3A_362 = arith.addf %add3A_356, %mul3A_361 : vector<16xf32>
          %mul3A_363 = vector.broadcast %squeeze3A_97 : f32 to vector<16xf32>
          %mul3A_364 = arith.mulf %mul3A_279, %mul3A_363 : vector<16xf32>
          %add3A_365 = arith.addf %add3A_359, %mul3A_364 : vector<16xf32>
          %mul3A_366 = vector.broadcast %squeeze3A_105 : f32 to vector<16xf32>
          %mul3A_367 = arith.mulf %mul3A_280, %mul3A_366 : vector<16xf32>
          %add3A_368 = arith.addf %add3A_362, %mul3A_367 : vector<16xf32>
          %mul3A_369 = vector.broadcast %squeeze3A_113 : f32 to vector<16xf32>
          %mul3A_370 = arith.mulf %mul3A_280, %mul3A_369 : vector<16xf32>
          %add3A_371 = arith.addf %add3A_365, %mul3A_370 : vector<16xf32>
          %mul3A_372 = vector.broadcast %squeeze3A_121 : f32 to vector<16xf32>
          %mul3A_373 = arith.mulf %mul3A_281, %mul3A_372 : vector<16xf32>
          %add3A_374 = arith.addf %add3A_368, %mul3A_373 : vector<16xf32>
          %mul3A_375 = vector.broadcast %squeeze3A_129 : f32 to vector<16xf32>
          %mul3A_376 = arith.mulf %mul3A_281, %mul3A_375 : vector<16xf32>
          %add3A_377 = arith.addf %add3A_371, %mul3A_376 : vector<16xf32>
          %mul3A_378 = arith.mulf %bitcast3A_251, %add3A_374 : vector<16xf32>
          %mul3A_379 = arith.mulf %bitcast3A_255, %add3A_377 : vector<16xf32>
          %add3A_380 = arith.addf %mul3A_378, %mul3A_379 : vector<16xf32>
          %swap3A_381 = arith.index_cast %mul3A_246 : i32 to index
          %swap3A_382 = tpu.vector_load %arg26[%swap3A_381] {strides = array<i32>} : memref<256xf32, #tpu.memory_space<vmem>>, vector<16xf32>,
          tpu.vector_store %arg26[%swap3A_381], %add3A_380 {strides = array<i32>} : memref<256xf32, #tpu.memory_space<vmem>>, vector<16xf32>,
          %mul3A_383 = vector.broadcast %squeeze3A_11 : f32 to vector<16xf32>
          %mul3A_384 = arith.mulf %mul3A_274, %mul3A_383 : vector<16xf32>
          %mul3A_385 = vector.broadcast %squeeze3A_19 : f32 to vector<16xf32>
          %mul3A_386 = arith.mulf %mul3A_274, %mul3A_385 : vector<16xf32>
          %mul3A_387 = vector.broadcast %squeeze3A_27 : f32 to vector<16xf32>
          %mul3A_388 = arith.mulf %mul3A_275, %mul3A_387 : vector<16xf32>
          %add3A_389 = arith.addf %mul3A_384, %mul3A_388 : vector<16xf32>
          %mul3A_390 = vector.broadcast %squeeze3A_35 : f32 to vector<16xf32>
          %mul3A_391 = arith.mulf %mul3A_275, %mul3A_390 : vector<16xf32>
          %add3A_392 = arith.addf %mul3A_386, %mul3A_391 : vector<16xf32>
          %mul3A_393 = vector.broadcast %squeeze3A_43 : f32 to vector<16xf32>
          %mul3A_394 = arith.mulf %mul3A_276, %mul3A_393 : vector<16xf32>
          %add3A_395 = arith.addf %add3A_389, %mul3A_394 : vector<16xf32>
          %mul3A_396 = vector.broadcast %squeeze3A_51 : f32 to vector<16xf32>
          %mul3A_397 = arith.mulf %mul3A_276, %mul3A_396 : vector<16xf32>
          %add3A_398 = arith.addf %add3A_392, %mul3A_397 : vector<16xf32>
          %mul3A_399 = vector.broadcast %squeeze3A_59 : f32 to vector<16xf32>
          %mul3A_400 = arith.mulf %mul3A_277, %mul3A_399 : vector<16xf32>
          %add3A_401 = arith.addf %add3A_395, %mul3A_400 : vector<16xf32>
          %mul3A_402 = vector.broadcast %squeeze3A_67 : f32 to vector<16xf32>
          %mul3A_403 = arith.mulf %mul3A_277, %mul3A_402 : vector<16xf32>
          %add3A_404 = arith.addf %add3A_398, %mul3A_403 : vector<16xf32>
          %mul3A_405 = vector.broadcast %squeeze3A_75 : f32 to vector<16xf32>
          %mul3A_406 = arith.mulf %mul3A_278, %mul3A_405 : vector<16xf32>
          %add3A_407 = arith.addf %add3A_401, %mul3A_406 : vector<16xf32>
          %mul3A_408 = vector.broadcast %squeeze3A_83 : f32 to vector<16xf32>
          %mul3A_409 = arith.mulf %mul3A_278, %mul3A_408 : vector<16xf32>
          %add3A_410 = arith.addf %add3A_404, %mul3A_409 : vector<16xf32>
          %mul3A_411 = vector.broadcast %squeeze3A_91 : f32 to vector<16xf32>
          %mul3A_412 = arith.mulf %mul3A_279, %mul3A_411 : vector<16xf32>
          %add3A_413 = arith.addf %add3A_407, %mul3A_412 : vector<16xf32>
          %mul3A_414 = vector.broadcast %squeeze3A_99 : f32 to vector<16xf32>
          %mul3A_415 = arith.mulf %mul3A_279, %mul3A_414 : vector<16xf32>
          %add3A_416 = arith.addf %add3A_410, %mul3A_415 : vector<16xf32>
          %mul3A_417 = vector.broadcast %squeeze3A_107 : f32 to vector<16xf32>
          %mul3A_418 = arith.mulf %mul3A_280, %mul3A_417 : vector<16xf32>
          %add3A_419 = arith.addf %add3A_413, %mul3A_418 : vector<16xf32>
          %mul3A_420 = vector.broadcast %squeeze3A_115 : f32 to vector<16xf32>
          %mul3A_421 = arith.mulf %mul3A_280, %mul3A_420 : vector<16xf32>
          %add3A_422 = arith.addf %add3A_416, %mul3A_421 : vector<16xf32>
          %mul3A_423 = vector.broadcast %squeeze3A_123 : f32 to vector<16xf32>
          %mul3A_424 = arith.mulf %mul3A_281, %mul3A_423 : vector<16xf32>
          %add3A_425 = arith.addf %add3A_419, %mul3A_424 : vector<16xf32>
          %mul3A_426 = vector.broadcast %squeeze3A_131 : f32 to vector<16xf32>
          %mul3A_427 = arith.mulf %mul3A_281, %mul3A_426 : vector<16xf32>
          %add3A_428 = arith.addf %add3A_422, %mul3A_427 : vector<16xf32>
          %mul3A_429 = arith.mulf %bitcast3A_251, %add3A_425 : vector<16xf32>
          %mul3A_430 = arith.mulf %bitcast3A_255, %add3A_428 : vector<16xf32>
          %add3A_431 = arith.addf %mul3A_429, %mul3A_430 : vector<16xf32>
          %swap3A_432 = arith.index_cast %mul3A_246 : i32 to index
          %swap3A_433 = tpu.vector_load %arg27[%swap3A_432] {strides = array<i32>} : memref<256xf32, #tpu.memory_space<vmem>>, vector<16xf32>,
          tpu.vector_store %arg27[%swap3A_432], %add3A_431 {strides = array<i32>} : memref<256xf32, #tpu.memory_space<vmem>>, vector<16xf32>,
          %mul3A_434 = vector.broadcast %squeeze3A_13 : f32 to vector<16xf32>
          %mul3A_435 = arith.mulf %mul3A_274, %mul3A_434 : vector<16xf32>
          %mul3A_436 = vector.broadcast %squeeze3A_21 : f32 to vector<16xf32>
          %mul3A_437 = arith.mulf %mul3A_274, %mul3A_436 : vector<16xf32>
          %mul3A_438 = vector.broadcast %squeeze3A_29 : f32 to vector<16xf32>
          %mul3A_439 = arith.mulf %mul3A_275, %mul3A_438 : vector<16xf32>
          %add3A_440 = arith.addf %mul3A_435, %mul3A_439 : vector<16xf32>
          %mul3A_441 = vector.broadcast %squeeze3A_37 : f32 to vector<16xf32>
          %mul3A_442 = arith.mulf %mul3A_275, %mul3A_441 : vector<16xf32>
          %add3A_443 = arith.addf %mul3A_437, %mul3A_442 : vector<16xf32>
          %mul3A_444 = vector.broadcast %squeeze3A_45 : f32 to vector<16xf32>
          %mul3A_445 = arith.mulf %mul3A_276, %mul3A_444 : vector<16xf32>
          %add3A_446 = arith.addf %add3A_440, %mul3A_445 : vector<16xf32>
          %mul3A_447 = vector.broadcast %squeeze3A_53 : f32 to vector<16xf32>
          %mul3A_448 = arith.mulf %mul3A_276, %mul3A_447 : vector<16xf32>
          %add3A_449 = arith.addf %add3A_443, %mul3A_448 : vector<16xf32>
          %mul3A_450 = vector.broadcast %squeeze3A_61 : f32 to vector<16xf32>
          %mul3A_451 = arith.mulf %mul3A_277, %mul3A_450 : vector<16xf32>
          %add3A_452 = arith.addf %add3A_446, %mul3A_451 : vector<16xf32>
          %mul3A_453 = vector.broadcast %squeeze3A_69 : f32 to vector<16xf32>
          %mul3A_454 = arith.mulf %mul3A_277, %mul3A_453 : vector<16xf32>
          %add3A_455 = arith.addf %add3A_449, %mul3A_454 : vector<16xf32>
          %mul3A_456 = vector.broadcast %squeeze3A_77 : f32 to vector<16xf32>
          %mul3A_457 = arith.mulf %mul3A_278, %mul3A_456 : vector<16xf32>
          %add3A_458 = arith.addf %add3A_452, %mul3A_457 : vector<16xf32>
          %mul3A_459 = vector.broadcast %squeeze3A_85 : f32 to vector<16xf32>
          %mul3A_460 = arith.mulf %mul3A_278, %mul3A_459 : vector<16xf32>
          %add3A_461 = arith.addf %add3A_455, %mul3A_460 : vector<16xf32>
          %mul3A_462 = vector.broadcast %squeeze3A_93 : f32 to vector<16xf32>
          %mul3A_463 = arith.mulf %mul3A_279, %mul3A_462 : vector<16xf32>
          %add3A_464 = arith.addf %add3A_458, %mul3A_463 : vector<16xf32>
          %mul3A_465 = vector.broadcast %squeeze3A_101 : f32 to vector<16xf32>
          %mul3A_466 = arith.mulf %mul3A_279, %mul3A_465 : vector<16xf32>
          %add3A_467 = arith.addf %add3A_461, %mul3A_466 : vector<16xf32>
          %mul3A_468 = vector.broadcast %squeeze3A_109 : f32 to vector<16xf32>
          %mul3A_469 = arith.mulf %mul3A_280, %mul3A_468 : vector<16xf32>
          %add3A_470 = arith.addf %add3A_464, %mul3A_469 : vector<16xf32>
          %mul3A_471 = vector.broadcast %squeeze3A_117 : f32 to vector<16xf32>
          %mul3A_472 = arith.mulf %mul3A_280, %mul3A_471 : vector<16xf32>
          %add3A_473 = arith.addf %add3A_467, %mul3A_472 : vector<16xf32>
          %mul3A_474 = vector.broadcast %squeeze3A_125 : f32 to vector<16xf32>
          %mul3A_475 = arith.mulf %mul3A_281, %mul3A_474 : vector<16xf32>
          %add3A_476 = arith.addf %add3A_470, %mul3A_475 : vector<16xf32>
          %mul3A_477 = vector.broadcast %squeeze3A_133 : f32 to vector<16xf32>
          %mul3A_478 = arith.mulf %mul3A_281, %mul3A_477 : vector<16xf32>
          %add3A_479 = arith.addf %add3A_473, %mul3A_478 : vector<16xf32>
          %mul3A_480 = arith.mulf %bitcast3A_251, %add3A_476 : vector<16xf32>
          %mul3A_481 = arith.mulf %bitcast3A_255, %add3A_479 : vector<16xf32>
          %add3A_482 = arith.addf %mul3A_480, %mul3A_481 : vector<16xf32>
          %swap3A_483 = arith.index_cast %mul3A_246 : i32 to index
          %swap3A_484 = tpu.vector_load %arg28[%swap3A_483] {strides = array<i32>} : memref<256xf32, #tpu.memory_space<vmem>>, vector<16xf32>,
          tpu.vector_store %arg28[%swap3A_483], %add3A_482 {strides = array<i32>} : memref<256xf32, #tpu.memory_space<vmem>>, vector<16xf32>,
          %scan3A_485 = arith.constant 0 : i32
          scf.yield %scan3A_485 : i32
        }
        %scan3A_235 = arith.constant 16 : i32
        %dma_start3A = arith.constant 0 : i32
        %dma_start3A_236 = tpu.memref_slice %arg11[%dma_start3A] : memref<100352xf32, #tpu.memory_space<vmem_shared>> -> memref<100352xf32, #tpu.memory_space<vmem_shared>>
        tpu.enqueue_indirect_dma source(%arg25 : memref<256xf32, #tpu.memory_space<vmem>>) target(%dma_start3A_236 : memref<100352xf32, #tpu.memory_space<vmem_shared>>) offsets(%arg17 : memref<256xi32, #tpu.memory_space<vmem>>) semaphore(%arg32 : memref<!tpu.dma_semaphore, #tpu.memory_space<semaphore_mem>>) {add = true}
        %dma_start3A_237 = arith.constant 0 : i32
        %dma_start3A_238 = tpu.memref_slice %arg12[%dma_start3A_237] : memref<100352xf32, #tpu.memory_space<vmem_shared>> -> memref<100352xf32, #tpu.memory_space<vmem_shared>>
        tpu.enqueue_indirect_dma source(%arg26 : memref<256xf32, #tpu.memory_space<vmem>>) target(%dma_start3A_238 : memref<100352xf32, #tpu.memory_space<vmem_shared>>) offsets(%arg17 : memref<256xi32, #tpu.memory_space<vmem>>) semaphore(%arg32 : memref<!tpu.dma_semaphore, #tpu.memory_space<semaphore_mem>>) {add = true}
        %dma_start3A_239 = arith.constant 0 : i32
        %dma_start3A_240 = tpu.memref_slice %arg13[%dma_start3A_239] : memref<100352xf32, #tpu.memory_space<vmem_shared>> -> memref<100352xf32, #tpu.memory_space<vmem_shared>>
        tpu.enqueue_indirect_dma source(%arg27 : memref<256xf32, #tpu.memory_space<vmem>>) target(%dma_start3A_240 : memref<100352xf32, #tpu.memory_space<vmem_shared>>) offsets(%arg17 : memref<256xi32, #tpu.memory_space<vmem>>) semaphore(%arg32 : memref<!tpu.dma_semaphore, #tpu.memory_space<semaphore_mem>>) {add = true}
        %dma_start3A_241 = arith.constant 0 : i32
        %dma_start3A_242 = tpu.memref_slice %arg14[%dma_start3A_241] : memref<100352xf32, #tpu.memory_space<vmem_shared>> -> memref<100352xf32, #tpu.memory_space<vmem_shared>>
        tpu.enqueue_indirect_dma source(%arg28 : memref<256xf32, #tpu.memory_space<vmem>>) target(%dma_start3A_242 : memref<100352xf32, #tpu.memory_space<vmem_shared>>) offsets(%arg17 : memref<256xi32, #tpu.memory_space<vmem>>) semaphore(%arg32 : memref<!tpu.dma_semaphore, #tpu.memory_space<semaphore_mem>>) {add = true}
      } else {
      }
      %scan3A_228 = arith.constant 0 : i32
      scf.yield %scan3A_228 : i32
    }
    %scan3A_143 = arith.constant 98 : i32
    %dma_wait3A = arith.constant 0 : i32
    %dma_wait3A_144 = tpu.memref_slice %arg11[%dma_wait3A] : memref<100352xf32, #tpu.memory_space<vmem_shared>> -> memref<100352xf32, #tpu.memory_space<vmem_shared>>
    tpu.wait_indirect_dma semaphore(%arg31 : memref<!tpu.dma_semaphore, #tpu.memory_space<semaphore_mem>>) src(%arg21 : memref<256xf32, #tpu.memory_space<vmem>>) dst(%dma_wait3A_144 : memref<100352xf32, #tpu.memory_space<vmem_shared>>)
    %dma_wait3A_145 = arith.constant 0 : i32
    %dma_wait3A_146 = tpu.memref_slice %arg12[%dma_wait3A_145] : memref<100352xf32, #tpu.memory_space<vmem_shared>> -> memref<100352xf32, #tpu.memory_space<vmem_shared>>
    tpu.wait_indirect_dma semaphore(%arg31 : memref<!tpu.dma_semaphore, #tpu.memory_space<semaphore_mem>>) src(%arg22 : memref<256xf32, #tpu.memory_space<vmem>>) dst(%dma_wait3A_146 : memref<100352xf32, #tpu.memory_space<vmem_shared>>)
    %dma_wait3A_147 = arith.constant 0 : i32
    %dma_wait3A_148 = tpu.memref_slice %arg13[%dma_wait3A_147] : memref<100352xf32, #tpu.memory_space<vmem_shared>> -> memref<100352xf32, #tpu.memory_space<vmem_shared>>
    tpu.wait_indirect_dma semaphore(%arg31 : memref<!tpu.dma_semaphore, #tpu.memory_space<semaphore_mem>>) src(%arg23 : memref<256xf32, #tpu.memory_space<vmem>>) dst(%dma_wait3A_148 : memref<100352xf32, #tpu.memory_space<vmem_shared>>)
    %dma_wait3A_149 = arith.constant 0 : i32
    %dma_wait3A_150 = tpu.memref_slice %arg14[%dma_wait3A_149] : memref<100352xf32, #tpu.memory_space<vmem_shared>> -> memref<100352xf32, #tpu.memory_space<vmem_shared>>
    tpu.wait_indirect_dma semaphore(%arg31 : memref<!tpu.dma_semaphore, #tpu.memory_space<semaphore_mem>>) src(%arg24 : memref<256xf32, #tpu.memory_space<vmem>>) dst(%dma_wait3A_150 : memref<100352xf32, #tpu.memory_space<vmem_shared>>)
    %dma_wait3A_151 = arith.constant 0 : i32
    %dma_wait3A_152 = tpu.memref_slice %arg11[%dma_wait3A_151] : memref<100352xf32, #tpu.memory_space<vmem_shared>> -> memref<100352xf32, #tpu.memory_space<vmem_shared>>
    tpu.wait_indirect_dma semaphore(%arg32 : memref<!tpu.dma_semaphore, #tpu.memory_space<semaphore_mem>>) src(%arg25 : memref<256xf32, #tpu.memory_space<vmem>>) dst(%dma_wait3A_152 : memref<100352xf32, #tpu.memory_space<vmem_shared>>)
    %dma_wait3A_153 = arith.constant 0 : i32
    %dma_wait3A_154 = tpu.memref_slice %arg12[%dma_wait3A_153] : memref<100352xf32, #tpu.memory_space<vmem_shared>> -> memref<100352xf32, #tpu.memory_space<vmem_shared>>
    tpu.wait_indirect_dma semaphore(%arg32 : memref<!tpu.dma_semaphore, #tpu.memory_space<semaphore_mem>>) src(%arg26 : memref<256xf32, #tpu.memory_space<vmem>>) dst(%dma_wait3A_154 : memref<100352xf32, #tpu.memory_space<vmem_shared>>)
    %dma_wait3A_155 = arith.constant 0 : i32
    %dma_wait3A_156 = tpu.memref_slice %arg13[%dma_wait3A_155] : memref<100352xf32, #tpu.memory_space<vmem_shared>> -> memref<100352xf32, #tpu.memory_space<vmem_shared>>
    tpu.wait_indirect_dma semaphore(%arg32 : memref<!tpu.dma_semaphore, #tpu.memory_space<semaphore_mem>>) src(%arg27 : memref<256xf32, #tpu.memory_space<vmem>>) dst(%dma_wait3A_156 : memref<100352xf32, #tpu.memory_space<vmem_shared>>)
    %dma_wait3A_157 = arith.constant 0 : i32
    %dma_wait3A_158 = tpu.memref_slice %arg14[%dma_wait3A_157] : memref<100352xf32, #tpu.memory_space<vmem_shared>> -> memref<100352xf32, #tpu.memory_space<vmem_shared>>
    tpu.wait_indirect_dma semaphore(%arg32 : memref<!tpu.dma_semaphore, #tpu.memory_space<semaphore_mem>>) src(%arg28 : memref<256xf32, #tpu.memory_space<vmem>>) dst(%dma_wait3A_158 : memref<100352xf32, #tpu.memory_space<vmem_shared>>)
    %barrier3A_159 = arith.constant 0 : index
    tpu.barrier barrier_id(%barrier3A_159)
    %mul3A_160 = arith.constant 6272 : i32
    %mul3A_161 = arith.muli %arg1, %mul3A_160 : i32
    %mul3A_162 = arith.constant 401408 : i32
    %mul3A_163 = arith.muli %arg0, %mul3A_162 : i32
    %add3A_164 = arith.constant 0 : i32
    %add3A_165 = arith.addi %mul3A_163, %add3A_164 : i32
    %mul3A_166 = arith.constant 6272 : i32
    %mul3A_167 = arith.muli %arg1, %mul3A_166 : i32
    %add3A_168 = arith.addi %add3A_165, %mul3A_167 : i32
    "tpu.region"() ({
      %run_scoped3A = tpu.sem_alloc : memref<!tpu.dma_semaphore, #tpu.memory_space<semaphore_mem>>
      %dma_start3A = tpu.memref_slice %arg10[%add3A_168] : memref<802816xf32, #tpu.memory_space<hbm>> -> memref<6272xf32, #tpu.memory_space<hbm>>
      %dma_start3A_196 = tpu.memref_slice %arg11[%mul3A_161] : memref<100352xf32, #tpu.memory_space<vmem_shared>> -> memref<6272xf32, #tpu.memory_space<vmem_shared>>
      tpu.enqueue_dma source(%dma_start3A_196 : memref<6272xf32, #tpu.memory_space<vmem_shared>>) target(%dma_start3A : memref<6272xf32, #tpu.memory_space<hbm>>) target_semaphore(%run_scoped3A : memref<!tpu.dma_semaphore, #tpu.memory_space<semaphore_mem>>)
      %dma_wait3A_197 = tpu.memref_slice %arg10[%add3A_168] : memref<802816xf32, #tpu.memory_space<hbm>> -> memref<6272xf32, #tpu.memory_space<hbm>>
      %dma_wait3A_198 = tpu.memref_slice %arg11[%mul3A_161] : memref<100352xf32, #tpu.memory_space<vmem_shared>> -> memref<6272xf32, #tpu.memory_space<vmem_shared>>
      tpu.wait_dma2 semaphore(%run_scoped3A : memref<!tpu.dma_semaphore, #tpu.memory_space<semaphore_mem>>) src(%dma_wait3A_198 : memref<6272xf32, #tpu.memory_space<vmem_shared>>) dst(%dma_wait3A_197 : memref<6272xf32, #tpu.memory_space<hbm>>)
      tpu.yield
    }) : () -> ()
    %mul3A_169 = arith.constant 6272 : i32
    %mul3A_170 = arith.muli %arg1, %mul3A_169 : i32
    %mul3A_171 = arith.constant 401408 : i32
    %mul3A_172 = arith.muli %arg0, %mul3A_171 : i32
    %add3A_173 = arith.constant 100352 : i32
    %add3A_174 = arith.addi %mul3A_172, %add3A_173 : i32
    %mul3A_175 = arith.constant 6272 : i32
    %mul3A_176 = arith.muli %arg1, %mul3A_175 : i32
    %add3A_177 = arith.addi %add3A_174, %mul3A_176 : i32
    "tpu.region"() ({
      %run_scoped3A = tpu.sem_alloc : memref<!tpu.dma_semaphore, #tpu.memory_space<semaphore_mem>>
      %dma_start3A = tpu.memref_slice %arg10[%add3A_177] : memref<802816xf32, #tpu.memory_space<hbm>> -> memref<6272xf32, #tpu.memory_space<hbm>>
      %dma_start3A_196 = tpu.memref_slice %arg12[%mul3A_170] : memref<100352xf32, #tpu.memory_space<vmem_shared>> -> memref<6272xf32, #tpu.memory_space<vmem_shared>>
      tpu.enqueue_dma source(%dma_start3A_196 : memref<6272xf32, #tpu.memory_space<vmem_shared>>) target(%dma_start3A : memref<6272xf32, #tpu.memory_space<hbm>>) target_semaphore(%run_scoped3A : memref<!tpu.dma_semaphore, #tpu.memory_space<semaphore_mem>>)
      %dma_wait3A_197 = tpu.memref_slice %arg10[%add3A_177] : memref<802816xf32, #tpu.memory_space<hbm>> -> memref<6272xf32, #tpu.memory_space<hbm>>
      %dma_wait3A_198 = tpu.memref_slice %arg12[%mul3A_170] : memref<100352xf32, #tpu.memory_space<vmem_shared>> -> memref<6272xf32, #tpu.memory_space<vmem_shared>>
      tpu.wait_dma2 semaphore(%run_scoped3A : memref<!tpu.dma_semaphore, #tpu.memory_space<semaphore_mem>>) src(%dma_wait3A_198 : memref<6272xf32, #tpu.memory_space<vmem_shared>>) dst(%dma_wait3A_197 : memref<6272xf32, #tpu.memory_space<hbm>>)
      tpu.yield
    }) : () -> ()
    %mul3A_178 = arith.constant 6272 : i32
    %mul3A_179 = arith.muli %arg1, %mul3A_178 : i32
    %mul3A_180 = arith.constant 401408 : i32
    %mul3A_181 = arith.muli %arg0, %mul3A_180 : i32
    %add3A_182 = arith.constant 200704 : i32
    %add3A_183 = arith.addi %mul3A_181, %add3A_182 : i32
    %mul3A_184 = arith.constant 6272 : i32
    %mul3A_185 = arith.muli %arg1, %mul3A_184 : i32
    %add3A_186 = arith.addi %add3A_183, %mul3A_185 : i32
    "tpu.region"() ({
      %run_scoped3A = tpu.sem_alloc : memref<!tpu.dma_semaphore, #tpu.memory_space<semaphore_mem>>
      %dma_start3A = tpu.memref_slice %arg10[%add3A_186] : memref<802816xf32, #tpu.memory_space<hbm>> -> memref<6272xf32, #tpu.memory_space<hbm>>
      %dma_start3A_196 = tpu.memref_slice %arg13[%mul3A_179] : memref<100352xf32, #tpu.memory_space<vmem_shared>> -> memref<6272xf32, #tpu.memory_space<vmem_shared>>
      tpu.enqueue_dma source(%dma_start3A_196 : memref<6272xf32, #tpu.memory_space<vmem_shared>>) target(%dma_start3A : memref<6272xf32, #tpu.memory_space<hbm>>) target_semaphore(%run_scoped3A : memref<!tpu.dma_semaphore, #tpu.memory_space<semaphore_mem>>)
      %dma_wait3A_197 = tpu.memref_slice %arg10[%add3A_186] : memref<802816xf32, #tpu.memory_space<hbm>> -> memref<6272xf32, #tpu.memory_space<hbm>>
      %dma_wait3A_198 = tpu.memref_slice %arg13[%mul3A_179] : memref<100352xf32, #tpu.memory_space<vmem_shared>> -> memref<6272xf32, #tpu.memory_space<vmem_shared>>
      tpu.wait_dma2 semaphore(%run_scoped3A : memref<!tpu.dma_semaphore, #tpu.memory_space<semaphore_mem>>) src(%dma_wait3A_198 : memref<6272xf32, #tpu.memory_space<vmem_shared>>) dst(%dma_wait3A_197 : memref<6272xf32, #tpu.memory_space<hbm>>)
      tpu.yield
    }) : () -> ()
    %mul3A_187 = arith.constant 6272 : i32
    %mul3A_188 = arith.muli %arg1, %mul3A_187 : i32
    %mul3A_189 = arith.constant 401408 : i32
    %mul3A_190 = arith.muli %arg0, %mul3A_189 : i32
    %add3A_191 = arith.constant 301056 : i32
    %add3A_192 = arith.addi %mul3A_190, %add3A_191 : i32
    %mul3A_193 = arith.constant 6272 : i32
    %mul3A_194 = arith.muli %arg1, %mul3A_193 : i32
    %add3A_195 = arith.addi %add3A_192, %mul3A_194 : i32
    "tpu.region"() ({
      %run_scoped3A = tpu.sem_alloc : memref<!tpu.dma_semaphore, #tpu.memory_space<semaphore_mem>>
      %dma_start3A = tpu.memref_slice %arg10[%add3A_195] : memref<802816xf32, #tpu.memory_space<hbm>> -> memref<6272xf32, #tpu.memory_space<hbm>>
      %dma_start3A_196 = tpu.memref_slice %arg14[%mul3A_188] : memref<100352xf32, #tpu.memory_space<vmem_shared>> -> memref<6272xf32, #tpu.memory_space<vmem_shared>>
      tpu.enqueue_dma source(%dma_start3A_196 : memref<6272xf32, #tpu.memory_space<vmem_shared>>) target(%dma_start3A : memref<6272xf32, #tpu.memory_space<hbm>>) target_semaphore(%run_scoped3A : memref<!tpu.dma_semaphore, #tpu.memory_space<semaphore_mem>>)
      %dma_wait3A_197 = tpu.memref_slice %arg10[%add3A_195] : memref<802816xf32, #tpu.memory_space<hbm>> -> memref<6272xf32, #tpu.memory_space<hbm>>
      %dma_wait3A_198 = tpu.memref_slice %arg14[%mul3A_188] : memref<100352xf32, #tpu.memory_space<vmem_shared>> -> memref<6272xf32, #tpu.memory_space<vmem_shared>>
      tpu.wait_dma2 semaphore(%run_scoped3A : memref<!tpu.dma_semaphore, #tpu.memory_space<semaphore_mem>>) src(%dma_wait3A_198 : memref<6272xf32, #tpu.memory_space<vmem_shared>>) dst(%dma_wait3A_197 : memref<6272xf32, #tpu.memory_space<hbm>>)
      tpu.yield
    }) : () -> ()
    return
  }
}

#map = affine_map<(d0, d1) -> (0)>
module attributes {stable_mosaic.version = 14 : i64} {
  func.func @_node1_body(%arg0: i32, %arg1: i32, %arg2: memref<602112xf32, #tpu.memory_space<hbm>>, %arg3: memref<200704xf32, #tpu.memory_space<hbm>>, %arg4: memref<100352xf32, #tpu.memory_space<hbm>>, %arg5: memref<512xf32, #tpu.memory_space<hbm>>, %arg6: memref<3136xf32, #tpu.memory_space<vmem>>, %arg7: memref<3136xf32, #tpu.memory_space<vmem>>, %arg8: memref<3136xf32, #tpu.memory_space<vmem>>, %arg9: memref<3136xf32, #tpu.memory_space<vmem>>, %arg10: memref<3136xf32, #tpu.memory_space<vmem>>, %arg11: memref<3136xf32, #tpu.memory_space<vmem>>, %arg12: memref<3136xf32, #tpu.memory_space<vmem>>, %arg13: memref<3136xf32, #tpu.memory_space<vmem>>, %arg14: memref<3136xf32, #tpu.memory_space<vmem>>, %arg15: memref<16xf32, #tpu.memory_space<vmem>>, %arg16: memref<!tpu.dma_semaphore, #tpu.memory_space<semaphore_mem>>) attributes {dimension_semantics = [#tpu.dimension_semantics<core_parallel>, #tpu.dimension_semantics<subcore_parallel>], iteration_bounds = array<i64: 2, 16>, scalar_prefetch = 0 : i64, scratch_operands = 11 : i64, tpu.core_type = #tpu.core_type<sc_vector_subcore>, window_params = [{transform_indices = #map}, {transform_indices = #map}, {transform_indices = #map}, {transform_indices = #map}]} {
    %mul3A = arith.constant 16 : i32
    %mul3A_0 = arith.muli %arg0, %mul3A : i32
    %add3A = arith.addi %mul3A_0, %arg1 : i32
    %mul3A_1 = arith.constant 3136 : i32
    %mul3A_2 = arith.muli %add3A, %mul3A_1 : i32
    %dma_start3A = tpu.memref_slice %arg2[%mul3A_2] : memref<602112xf32, #tpu.memory_space<hbm>> -> memref<3136xf32, #tpu.memory_space<hbm>>
    %dma_start3A_3 = tpu.memref_slice %arg2[%mul3A_2] : memref<602112xf32, #tpu.memory_space<hbm>> -> memref<3136xf32, #tpu.memory_space<hbm>>
    tpu.enqueue_dma source(%dma_start3A_3 : memref<3136xf32, #tpu.memory_space<hbm>>) target(%arg6 : memref<3136xf32, #tpu.memory_space<vmem>>) target_semaphore(%arg16 : memref<!tpu.dma_semaphore, #tpu.memory_space<semaphore_mem>>)
    %add3A_4 = arith.constant 301056 : i32
    %add3A_5 = arith.addi %add3A_4, %mul3A_2 : i32
    %dma_start3A_6 = tpu.memref_slice %arg2[%add3A_5] : memref<602112xf32, #tpu.memory_space<hbm>> -> memref<3136xf32, #tpu.memory_space<hbm>>
    %dma_start3A_7 = tpu.memref_slice %arg2[%add3A_5] : memref<602112xf32, #tpu.memory_space<hbm>> -> memref<3136xf32, #tpu.memory_space<hbm>>
    tpu.enqueue_dma source(%dma_start3A_7 : memref<3136xf32, #tpu.memory_space<hbm>>) target(%arg7 : memref<3136xf32, #tpu.memory_space<vmem>>) target_semaphore(%arg16 : memref<!tpu.dma_semaphore, #tpu.memory_space<semaphore_mem>>)
    %add3A_8 = arith.constant 100352 : i32
    %add3A_9 = arith.addi %add3A_8, %mul3A_2 : i32
    %dma_start3A_10 = tpu.memref_slice %arg2[%add3A_9] : memref<602112xf32, #tpu.memory_space<hbm>> -> memref<3136xf32, #tpu.memory_space<hbm>>
    %dma_start3A_11 = tpu.memref_slice %arg2[%add3A_9] : memref<602112xf32, #tpu.memory_space<hbm>> -> memref<3136xf32, #tpu.memory_space<hbm>>
    tpu.enqueue_dma source(%dma_start3A_11 : memref<3136xf32, #tpu.memory_space<hbm>>) target(%arg8 : memref<3136xf32, #tpu.memory_space<vmem>>) target_semaphore(%arg16 : memref<!tpu.dma_semaphore, #tpu.memory_space<semaphore_mem>>)
    %add3A_12 = arith.constant 401408 : i32
    %add3A_13 = arith.addi %add3A_12, %mul3A_2 : i32
    %dma_start3A_14 = tpu.memref_slice %arg2[%add3A_13] : memref<602112xf32, #tpu.memory_space<hbm>> -> memref<3136xf32, #tpu.memory_space<hbm>>
    %dma_start3A_15 = tpu.memref_slice %arg2[%add3A_13] : memref<602112xf32, #tpu.memory_space<hbm>> -> memref<3136xf32, #tpu.memory_space<hbm>>
    tpu.enqueue_dma source(%dma_start3A_15 : memref<3136xf32, #tpu.memory_space<hbm>>) target(%arg9 : memref<3136xf32, #tpu.memory_space<vmem>>) target_semaphore(%arg16 : memref<!tpu.dma_semaphore, #tpu.memory_space<semaphore_mem>>)
    %add3A_16 = arith.constant 200704 : i32
    %add3A_17 = arith.addi %add3A_16, %mul3A_2 : i32
    %dma_start3A_18 = tpu.memref_slice %arg2[%add3A_17] : memref<602112xf32, #tpu.memory_space<hbm>> -> memref<3136xf32, #tpu.memory_space<hbm>>
    %dma_start3A_19 = tpu.memref_slice %arg2[%add3A_17] : memref<602112xf32, #tpu.memory_space<hbm>> -> memref<3136xf32, #tpu.memory_space<hbm>>
    tpu.enqueue_dma source(%dma_start3A_19 : memref<3136xf32, #tpu.memory_space<hbm>>) target(%arg10 : memref<3136xf32, #tpu.memory_space<vmem>>) target_semaphore(%arg16 : memref<!tpu.dma_semaphore, #tpu.memory_space<semaphore_mem>>)
    %add3A_20 = arith.constant 501760 : i32
    %add3A_21 = arith.addi %add3A_20, %mul3A_2 : i32
    %dma_start3A_22 = tpu.memref_slice %arg2[%add3A_21] : memref<602112xf32, #tpu.memory_space<hbm>> -> memref<3136xf32, #tpu.memory_space<hbm>>
    %dma_start3A_23 = tpu.memref_slice %arg2[%add3A_21] : memref<602112xf32, #tpu.memory_space<hbm>> -> memref<3136xf32, #tpu.memory_space<hbm>>
    tpu.enqueue_dma source(%dma_start3A_23 : memref<3136xf32, #tpu.memory_space<hbm>>) target(%arg11 : memref<3136xf32, #tpu.memory_space<vmem>>) target_semaphore(%arg16 : memref<!tpu.dma_semaphore, #tpu.memory_space<semaphore_mem>>)
    %dma_wait3A = tpu.memref_slice %arg2[%mul3A_2] : memref<602112xf32, #tpu.memory_space<hbm>> -> memref<3136xf32, #tpu.memory_space<hbm>>
    %dma_wait3A_24 = tpu.memref_slice %arg2[%mul3A_2] : memref<602112xf32, #tpu.memory_space<hbm>> -> memref<3136xf32, #tpu.memory_space<hbm>>
    tpu.wait_dma2 semaphore(%arg16 : memref<!tpu.dma_semaphore, #tpu.memory_space<semaphore_mem>>) src(%dma_wait3A_24 : memref<3136xf32, #tpu.memory_space<hbm>>) dst(%arg6 : memref<3136xf32, #tpu.memory_space<vmem>>)
    %dma_wait3A_25 = tpu.memref_slice %arg2[%add3A_5] : memref<602112xf32, #tpu.memory_space<hbm>> -> memref<3136xf32, #tpu.memory_space<hbm>>
    %dma_wait3A_26 = tpu.memref_slice %arg2[%add3A_5] : memref<602112xf32, #tpu.memory_space<hbm>> -> memref<3136xf32, #tpu.memory_space<hbm>>
    tpu.wait_dma2 semaphore(%arg16 : memref<!tpu.dma_semaphore, #tpu.memory_space<semaphore_mem>>) src(%dma_wait3A_26 : memref<3136xf32, #tpu.memory_space<hbm>>) dst(%arg7 : memref<3136xf32, #tpu.memory_space<vmem>>)
    %dma_wait3A_27 = tpu.memref_slice %arg2[%add3A_9] : memref<602112xf32, #tpu.memory_space<hbm>> -> memref<3136xf32, #tpu.memory_space<hbm>>
    %dma_wait3A_28 = tpu.memref_slice %arg2[%add3A_9] : memref<602112xf32, #tpu.memory_space<hbm>> -> memref<3136xf32, #tpu.memory_space<hbm>>
    tpu.wait_dma2 semaphore(%arg16 : memref<!tpu.dma_semaphore, #tpu.memory_space<semaphore_mem>>) src(%dma_wait3A_28 : memref<3136xf32, #tpu.memory_space<hbm>>) dst(%arg8 : memref<3136xf32, #tpu.memory_space<vmem>>)
    %dma_wait3A_29 = tpu.memref_slice %arg2[%add3A_13] : memref<602112xf32, #tpu.memory_space<hbm>> -> memref<3136xf32, #tpu.memory_space<hbm>>
    %dma_wait3A_30 = tpu.memref_slice %arg2[%add3A_13] : memref<602112xf32, #tpu.memory_space<hbm>> -> memref<3136xf32, #tpu.memory_space<hbm>>
    tpu.wait_dma2 semaphore(%arg16 : memref<!tpu.dma_semaphore, #tpu.memory_space<semaphore_mem>>) src(%dma_wait3A_30 : memref<3136xf32, #tpu.memory_space<hbm>>) dst(%arg9 : memref<3136xf32, #tpu.memory_space<vmem>>)
    %dma_wait3A_31 = tpu.memref_slice %arg2[%add3A_17] : memref<602112xf32, #tpu.memory_space<hbm>> -> memref<3136xf32, #tpu.memory_space<hbm>>
    %dma_wait3A_32 = tpu.memref_slice %arg2[%add3A_17] : memref<602112xf32, #tpu.memory_space<hbm>> -> memref<3136xf32, #tpu.memory_space<hbm>>
    tpu.wait_dma2 semaphore(%arg16 : memref<!tpu.dma_semaphore, #tpu.memory_space<semaphore_mem>>) src(%dma_wait3A_32 : memref<3136xf32, #tpu.memory_space<hbm>>) dst(%arg10 : memref<3136xf32, #tpu.memory_space<vmem>>)
    %dma_wait3A_33 = tpu.memref_slice %arg2[%add3A_21] : memref<602112xf32, #tpu.memory_space<hbm>> -> memref<3136xf32, #tpu.memory_space<hbm>>
    %dma_wait3A_34 = tpu.memref_slice %arg2[%add3A_21] : memref<602112xf32, #tpu.memory_space<hbm>> -> memref<3136xf32, #tpu.memory_space<hbm>>
    tpu.wait_dma2 semaphore(%arg16 : memref<!tpu.dma_semaphore, #tpu.memory_space<semaphore_mem>>) src(%dma_wait3A_34 : memref<3136xf32, #tpu.memory_space<hbm>>) dst(%arg11 : memref<3136xf32, #tpu.memory_space<vmem>>)
    %iota3A = tpu.iota {dimensions = array<i32: 0>} : vector<16xi32>
    %broadcast_in_dim3A = arith.constant 0.000000e+00 : f32
    %broadcast_in_dim3A_35 = vector.broadcast %broadcast_in_dim3A : f32 to vector<16xf32>
    %scan3A = arith.constant 0 : i32
    %scan3A_36 = arith.constant 196 : i32
    %scan3A_37 = arith.addi %scan3A, %scan3A_36 : i32
    %scan3A_38 = arith.constant 1 : i32
    %scan3A_39:4 = scf.for %scan3A_80 = %scan3A to %scan3A_37 step %scan3A_38 iter_args(%scan3A_81 = %broadcast_in_dim3A_35, %scan3A_82 = %broadcast_in_dim3A_35, %scan3A_83 = %broadcast_in_dim3A_35, %scan3A_84 = %broadcast_in_dim3A_35) -> (vector<16xf32>, vector<16xf32>, vector<16xf32>, vector<16xf32>)  : i32 {
      %mul3A_85 = arith.constant 16 : i32
      %mul3A_86 = arith.muli %scan3A_80, %mul3A_85 : i32
      %get3A = arith.index_cast %mul3A_86 : i32 to index
      %get3A_87 = tpu.vector_load %arg10[%get3A] {strides = array<i32>} : memref<3136xf32, #tpu.memory_space<vmem>>, vector<16xf32>,
      %get3A_88 = arith.index_cast %mul3A_86 : i32 to index
      %get3A_89 = tpu.vector_load %arg11[%get3A_88] {strides = array<i32>} : memref<3136xf32, #tpu.memory_space<vmem>>, vector<16xf32>,
      %add3A_90 = arith.addf %get3A_87, %get3A_89 : vector<16xf32>
      %max3A = arith.constant 1.000000e+00 : f32
      %max3A_91 = vector.broadcast %max3A : f32 to vector<16xf32>
      %max3A_92 = arith.maximumf %add3A_90, %max3A_91 : vector<16xf32>
      %div3A = arith.constant 1.000000e+00 : f32
      %div3A_93 = vector.broadcast %div3A : f32 to vector<16xf32>
      %div3A_94 = arith.divf %div3A_93, %max3A_92 : vector<16xf32>
      %get3A_95 = arith.index_cast %mul3A_86 : i32 to index
      %get3A_96 = tpu.vector_load %arg6[%get3A_95] {strides = array<i32>} : memref<3136xf32, #tpu.memory_space<vmem>>, vector<16xf32>,
      %get3A_97 = arith.index_cast %mul3A_86 : i32 to index
      %get3A_98 = tpu.vector_load %arg7[%get3A_97] {strides = array<i32>} : memref<3136xf32, #tpu.memory_space<vmem>>, vector<16xf32>,
      %add3A_99 = arith.addf %get3A_96, %get3A_98 : vector<16xf32>
      %mul3A_100 = arith.mulf %add3A_99, %div3A_94 : vector<16xf32>
      %get3A_101 = arith.index_cast %mul3A_86 : i32 to index
      %get3A_102 = tpu.vector_load %arg8[%get3A_101] {strides = array<i32>} : memref<3136xf32, #tpu.memory_space<vmem>>, vector<16xf32>,
      %get3A_103 = arith.index_cast %mul3A_86 : i32 to index
      %get3A_104 = tpu.vector_load %arg9[%get3A_103] {strides = array<i32>} : memref<3136xf32, #tpu.memory_space<vmem>>, vector<16xf32>,
      %add3A_105 = arith.addf %get3A_102, %get3A_104 : vector<16xf32>
      %mul3A_106 = arith.mulf %add3A_105, %div3A_94 : vector<16xf32>
      %gt3A = arith.constant 0.000000e+00 : f32
      %gt3A_107 = vector.broadcast %gt3A : f32 to vector<16xf32>
      %gt3A_108 = arith.cmpf ogt, %mul3A_100, %gt3A_107 : vector<16xf32>
      %exp3A = math.exp %mul3A_100 : vector<16xf32>
      %sub3A = arith.constant 1.000000e+00 : f32
      %sub3A_109 = vector.broadcast %sub3A : f32 to vector<16xf32>
      %sub3A_110 = arith.subf %exp3A, %sub3A_109 : vector<16xf32>
      %select_n3A_111 = arith.select %gt3A_108, %mul3A_100, %sub3A_110 : vector<16xi1>, vector<16xf32>
      %gt3A_112 = arith.constant 0.000000e+00 : f32
      %gt3A_113 = vector.broadcast %gt3A_112 : f32 to vector<16xf32>
      %gt3A_114 = arith.cmpf ogt, %mul3A_106, %gt3A_113 : vector<16xf32>
      %exp3A_115 = math.exp %mul3A_106 : vector<16xf32>
      %sub3A_116 = arith.constant 1.000000e+00 : f32
      %sub3A_117 = vector.broadcast %sub3A_116 : f32 to vector<16xf32>
      %sub3A_118 = arith.subf %exp3A_115, %sub3A_117 : vector<16xf32>
      %select_n3A_119 = arith.select %gt3A_114, %mul3A_106, %sub3A_118 : vector<16xi1>, vector<16xf32>
      %swap3A_120 = arith.index_cast %mul3A_86 : i32 to index
      %swap3A_121 = tpu.vector_load %arg12[%swap3A_120] {strides = array<i32>} : memref<3136xf32, #tpu.memory_space<vmem>>, vector<16xf32>,
      tpu.vector_store %arg12[%swap3A_120], %select_n3A_111 {strides = array<i32>} : memref<3136xf32, #tpu.memory_space<vmem>>, vector<16xf32>,
      %swap3A_122 = arith.index_cast %mul3A_86 : i32 to index
      %swap3A_123 = tpu.vector_load %arg13[%swap3A_122] {strides = array<i32>} : memref<3136xf32, #tpu.memory_space<vmem>>, vector<16xf32>,
      tpu.vector_store %arg13[%swap3A_122], %select_n3A_119 {strides = array<i32>} : memref<3136xf32, #tpu.memory_space<vmem>>, vector<16xf32>,
      %swap3A_124 = arith.index_cast %mul3A_86 : i32 to index
      %swap3A_125 = tpu.vector_load %arg14[%swap3A_124] {strides = array<i32>} : memref<3136xf32, #tpu.memory_space<vmem>>, vector<16xf32>,
      tpu.vector_store %arg14[%swap3A_124], %div3A_94 {strides = array<i32>} : memref<3136xf32, #tpu.memory_space<vmem>>, vector<16xf32>,
      %add3A_126 = arith.addf %scan3A_81, %select_n3A_111 : vector<16xf32>
      %add3A_127 = arith.addf %scan3A_82, %select_n3A_119 : vector<16xf32>
      %mul3A_128 = arith.mulf %select_n3A_111, %select_n3A_111 : vector<16xf32>
      %add3A_129 = arith.addf %scan3A_83, %mul3A_128 : vector<16xf32>
      %mul3A_130 = arith.mulf %select_n3A_119, %select_n3A_119 : vector<16xf32>
      %add3A_131 = arith.addf %scan3A_84, %mul3A_130 : vector<16xf32>
      scf.yield %add3A_126, %add3A_127, %add3A_129, %add3A_131 : vector<16xf32>, vector<16xf32>, vector<16xf32>, vector<16xf32>
    }
    %scan3A_40 = arith.constant 196 : i32
    %eq3A = arith.constant 0 : i32
    %eq3A_41 = vector.broadcast %eq3A : i32 to vector<16xi32>
    %eq3A_42 = arith.cmpi eq, %iota3A, %eq3A_41 : vector<16xi32>
    %reduce_sum3A = arith.constant true
    %reduce_sum3A_43 = vector.broadcast %reduce_sum3A : i1 to vector<16xi1>
    %reduce_sum3A_44 = tpu.scan <sum>, %scan3A_39#0 masked %reduce_sum3A_43 : vector<16xf32>, vector<16xi1> -> vector<16xf32>
    %reduce_sum3A_45 = vector.extract %reduce_sum3A_44[15] : f32 from vector<16xf32>
    %eq3A_46 = arith.constant 1 : i32
    %eq3A_47 = vector.broadcast %eq3A_46 : i32 to vector<16xi32>
    %eq3A_48 = arith.cmpi eq, %iota3A, %eq3A_47 : vector<16xi32>
    %reduce_sum3A_49 = arith.constant true
    %reduce_sum3A_50 = vector.broadcast %reduce_sum3A_49 : i1 to vector<16xi1>
    %reduce_sum3A_51 = tpu.scan <sum>, %scan3A_39#1 masked %reduce_sum3A_50 : vector<16xf32>, vector<16xi1> -> vector<16xf32>
    %reduce_sum3A_52 = vector.extract %reduce_sum3A_51[15] : f32 from vector<16xf32>
    %eq3A_53 = arith.constant 2 : i32
    %eq3A_54 = vector.broadcast %eq3A_53 : i32 to vector<16xi32>
    %eq3A_55 = arith.cmpi eq, %iota3A, %eq3A_54 : vector<16xi32>
    %reduce_sum3A_56 = arith.constant true
    %reduce_sum3A_57 = vector.broadcast %reduce_sum3A_56 : i1 to vector<16xi1>
    %reduce_sum3A_58 = tpu.scan <sum>, %scan3A_39#2 masked %reduce_sum3A_57 : vector<16xf32>, vector<16xi1> -> vector<16xf32>
    %reduce_sum3A_59 = vector.extract %reduce_sum3A_58[15] : f32 from vector<16xf32>
    %eq3A_60 = arith.constant 3 : i32
    %eq3A_61 = vector.broadcast %eq3A_60 : i32 to vector<16xi32>
    %eq3A_62 = arith.cmpi eq, %iota3A, %eq3A_61 : vector<16xi32>
    %reduce_sum3A_63 = arith.constant true
    %reduce_sum3A_64 = vector.broadcast %reduce_sum3A_63 : i1 to vector<16xi1>
    %reduce_sum3A_65 = tpu.scan <sum>, %scan3A_39#3 masked %reduce_sum3A_64 : vector<16xf32>, vector<16xi1> -> vector<16xf32>
    %reduce_sum3A_66 = vector.extract %reduce_sum3A_65[15] : f32 from vector<16xf32>
    %jit3A = arith.constant 0.000000e+00 : f32
    %broadcast_in_dim3A_67 = vector.broadcast %reduce_sum3A_66 : f32 to vector<16xf32>
    %broadcast_in_dim3A_68 = vector.broadcast %jit3A : f32 to vector<16xf32>
    %select_n3A = arith.select %eq3A_62, %broadcast_in_dim3A_67, %broadcast_in_dim3A_68 : vector<16xi1>, vector<16xf32>
    %broadcast_in_dim3A_69 = vector.broadcast %reduce_sum3A_59 : f32 to vector<16xf32>
    %select_n3A_70 = arith.select %eq3A_55, %broadcast_in_dim3A_69, %select_n3A : vector<16xi1>, vector<16xf32>
    %broadcast_in_dim3A_71 = vector.broadcast %reduce_sum3A_52 : f32 to vector<16xf32>
    %select_n3A_72 = arith.select %eq3A_48, %broadcast_in_dim3A_71, %select_n3A_70 : vector<16xi1>, vector<16xf32>
    %broadcast_in_dim3A_73 = vector.broadcast %reduce_sum3A_45 : f32 to vector<16xf32>
    %select_n3A_74 = arith.select %eq3A_42, %broadcast_in_dim3A_73, %select_n3A_72 : vector<16xi1>, vector<16xf32>
    %swap3A = arith.constant 0 : index
    %swap3A_75 = tpu.vector_load %arg15[%swap3A] {strides = array<i32>} : memref<16xf32, #tpu.memory_space<vmem>>, vector<16xf32>,
    tpu.vector_store %arg15[%swap3A], %select_n3A_74 {strides = array<i32>} : memref<16xf32, #tpu.memory_space<vmem>>, vector<16xf32>,
    "tpu.region"() ({
      %run_scoped3A = tpu.sem_alloc : memref<!tpu.dma_semaphore, #tpu.memory_space<semaphore_mem>>
      %dma_start3A_80 = tpu.memref_slice %arg3[%mul3A_2] : memref<200704xf32, #tpu.memory_space<hbm>> -> memref<3136xf32, #tpu.memory_space<hbm>>
      %dma_start3A_81 = tpu.memref_slice %arg3[%mul3A_2] : memref<200704xf32, #tpu.memory_space<hbm>> -> memref<3136xf32, #tpu.memory_space<hbm>>
      tpu.enqueue_dma source(%arg12 : memref<3136xf32, #tpu.memory_space<vmem>>) target(%dma_start3A_81 : memref<3136xf32, #tpu.memory_space<hbm>>) target_semaphore(%run_scoped3A : memref<!tpu.dma_semaphore, #tpu.memory_space<semaphore_mem>>)
      %dma_wait3A_82 = tpu.memref_slice %arg3[%mul3A_2] : memref<200704xf32, #tpu.memory_space<hbm>> -> memref<3136xf32, #tpu.memory_space<hbm>>
      %dma_wait3A_83 = tpu.memref_slice %arg3[%mul3A_2] : memref<200704xf32, #tpu.memory_space<hbm>> -> memref<3136xf32, #tpu.memory_space<hbm>>
      tpu.wait_dma2 semaphore(%run_scoped3A : memref<!tpu.dma_semaphore, #tpu.memory_space<semaphore_mem>>) src(%arg12 : memref<3136xf32, #tpu.memory_space<vmem>>) dst(%dma_wait3A_83 : memref<3136xf32, #tpu.memory_space<hbm>>)
      tpu.yield
    }) : () -> ()
    %add3A_76 = arith.constant 100352 : i32
    %add3A_77 = arith.addi %add3A_76, %mul3A_2 : i32
    "tpu.region"() ({
      %run_scoped3A = tpu.sem_alloc : memref<!tpu.dma_semaphore, #tpu.memory_space<semaphore_mem>>
      %dma_start3A_80 = tpu.memref_slice %arg3[%add3A_77] : memref<200704xf32, #tpu.memory_space<hbm>> -> memref<3136xf32, #tpu.memory_space<hbm>>
      %dma_start3A_81 = tpu.memref_slice %arg3[%add3A_77] : memref<200704xf32, #tpu.memory_space<hbm>> -> memref<3136xf32, #tpu.memory_space<hbm>>
      tpu.enqueue_dma source(%arg13 : memref<3136xf32, #tpu.memory_space<vmem>>) target(%dma_start3A_81 : memref<3136xf32, #tpu.memory_space<hbm>>) target_semaphore(%run_scoped3A : memref<!tpu.dma_semaphore, #tpu.memory_space<semaphore_mem>>)
      %dma_wait3A_82 = tpu.memref_slice %arg3[%add3A_77] : memref<200704xf32, #tpu.memory_space<hbm>> -> memref<3136xf32, #tpu.memory_space<hbm>>
      %dma_wait3A_83 = tpu.memref_slice %arg3[%add3A_77] : memref<200704xf32, #tpu.memory_space<hbm>> -> memref<3136xf32, #tpu.memory_space<hbm>>
      tpu.wait_dma2 semaphore(%run_scoped3A : memref<!tpu.dma_semaphore, #tpu.memory_space<semaphore_mem>>) src(%arg13 : memref<3136xf32, #tpu.memory_space<vmem>>) dst(%dma_wait3A_83 : memref<3136xf32, #tpu.memory_space<hbm>>)
      tpu.yield
    }) : () -> ()
    "tpu.region"() ({
      %run_scoped3A = tpu.sem_alloc : memref<!tpu.dma_semaphore, #tpu.memory_space<semaphore_mem>>
      %dma_start3A_80 = tpu.memref_slice %arg4[%mul3A_2] : memref<100352xf32, #tpu.memory_space<hbm>> -> memref<3136xf32, #tpu.memory_space<hbm>>
      %dma_start3A_81 = tpu.memref_slice %arg4[%mul3A_2] : memref<100352xf32, #tpu.memory_space<hbm>> -> memref<3136xf32, #tpu.memory_space<hbm>>
      tpu.enqueue_dma source(%arg14 : memref<3136xf32, #tpu.memory_space<vmem>>) target(%dma_start3A_81 : memref<3136xf32, #tpu.memory_space<hbm>>) target_semaphore(%run_scoped3A : memref<!tpu.dma_semaphore, #tpu.memory_space<semaphore_mem>>)
      %dma_wait3A_82 = tpu.memref_slice %arg4[%mul3A_2] : memref<100352xf32, #tpu.memory_space<hbm>> -> memref<3136xf32, #tpu.memory_space<hbm>>
      %dma_wait3A_83 = tpu.memref_slice %arg4[%mul3A_2] : memref<100352xf32, #tpu.memory_space<hbm>> -> memref<3136xf32, #tpu.memory_space<hbm>>
      tpu.wait_dma2 semaphore(%run_scoped3A : memref<!tpu.dma_semaphore, #tpu.memory_space<semaphore_mem>>) src(%arg14 : memref<3136xf32, #tpu.memory_space<vmem>>) dst(%dma_wait3A_83 : memref<3136xf32, #tpu.memory_space<hbm>>)
      tpu.yield
    }) : () -> ()
    %mul3A_78 = arith.constant 16 : i32
    %mul3A_79 = arith.muli %add3A, %mul3A_78 : i32
    "tpu.region"() ({
      %run_scoped3A = tpu.sem_alloc : memref<!tpu.dma_semaphore, #tpu.memory_space<semaphore_mem>>
      %dma_start3A_80 = tpu.memref_slice %arg5[%mul3A_79] : memref<512xf32, #tpu.memory_space<hbm>> -> memref<16xf32, #tpu.memory_space<hbm>>
      %dma_start3A_81 = tpu.memref_slice %arg5[%mul3A_79] : memref<512xf32, #tpu.memory_space<hbm>> -> memref<16xf32, #tpu.memory_space<hbm>>
      tpu.enqueue_dma source(%arg15 : memref<16xf32, #tpu.memory_space<vmem>>) target(%dma_start3A_81 : memref<16xf32, #tpu.memory_space<hbm>>) target_semaphore(%run_scoped3A : memref<!tpu.dma_semaphore, #tpu.memory_space<semaphore_mem>>)
      %dma_wait3A_82 = tpu.memref_slice %arg5[%mul3A_79] : memref<512xf32, #tpu.memory_space<hbm>> -> memref<16xf32, #tpu.memory_space<hbm>>
      %dma_wait3A_83 = tpu.memref_slice %arg5[%mul3A_79] : memref<512xf32, #tpu.memory_space<hbm>> -> memref<16xf32, #tpu.memory_space<hbm>>
      tpu.wait_dma2 semaphore(%run_scoped3A : memref<!tpu.dma_semaphore, #tpu.memory_space<semaphore_mem>>) src(%arg15 : memref<16xf32, #tpu.memory_space<vmem>>) dst(%dma_wait3A_83 : memref<16xf32, #tpu.memory_space<hbm>>)
      tpu.yield
    }) : () -> ()
    return
  }
}

#map = affine_map<(d0, d1) -> (0)>
module attributes {stable_mosaic.version = 14 : i64} {
  func.func @_node2_body(%arg0: i32, %arg1: i32, %arg2: memref<802816xf32, #tpu.memory_space<hbm>>, %arg3: memref<100352xf32, #tpu.memory_space<hbm>>, %arg4: memref<301056xf32, #tpu.memory_space<hbm>>, %arg5: memref<512xf32, #tpu.memory_space<hbm>>, %arg6: memref<8192xf32, #tpu.memory_space<hbm>>, %arg7: memref<1568xf32, #tpu.memory_space<vmem>>, %arg8: memref<1568xf32, #tpu.memory_space<vmem>>, %arg9: memref<4704xf32, #tpu.memory_space<vmem>>, %arg10: memref<1568xf32, #tpu.memory_space<vmem>>, %arg11: memref<256xf32, #tpu.memory_space<vmem>>, %arg12: memref<16xf32, #tpu.memory_space<vmem>>, %arg13: memref<!tpu.dma_semaphore, #tpu.memory_space<semaphore_mem>>) attributes {dimension_semantics = [#tpu.dimension_semantics<core_parallel>, #tpu.dimension_semantics<subcore_parallel>], iteration_bounds = array<i64: 2, 16>, scalar_prefetch = 0 : i64, scratch_operands = 7 : i64, tpu.core_type = #tpu.core_type<sc_vector_subcore>, window_params = [{transform_indices = #map}, {transform_indices = #map}, {transform_indices = #map}, {transform_indices = #map}, {transform_indices = #map}]} {
    %mul3A = arith.constant 16 : i32
    %mul3A_0 = arith.muli %arg0, %mul3A : i32
    %add3A = arith.addi %mul3A_0, %arg1 : i32
    %jit3A = arith.constant 8 : i32
    %div3A = arith.divsi %add3A, %jit3A : i32
    %sign3A = arith.constant 0 : i32
    %sign3A_1 = arith.cmpi sgt, %add3A, %sign3A : i32
    %sign3A_2 = arith.extui %sign3A_1 : i1 to i32
    %sign3A_3 = arith.constant 0 : i32
    %sign3A_4 = arith.cmpi slt, %add3A, %sign3A_3 : i32
    %sign3A_5 = arith.extui %sign3A_4 : i1 to i32
    %sign3A_6 = arith.subi %sign3A_2, %sign3A_5 : i32
    %sign3A_7 = arith.constant 0 : i32
    %sign3A_8 = arith.cmpi sgt, %jit3A, %sign3A_7 : i32
    %sign3A_9 = arith.extui %sign3A_8 : i1 to i32
    %sign3A_10 = arith.constant 0 : i32
    %sign3A_11 = arith.cmpi slt, %jit3A, %sign3A_10 : i32
    %sign3A_12 = arith.extui %sign3A_11 : i1 to i32
    %sign3A_13 = arith.subi %sign3A_9, %sign3A_12 : i32
    %ne3A = arith.cmpi ne, %sign3A_6, %sign3A_13 : i32
    %rem3A = arith.remsi %add3A, %jit3A : i32
    %ne3A_14 = arith.constant 0 : i32
    %ne3A_15 = arith.cmpi ne, %rem3A, %ne3A_14 : i32
    %and3A = arith.andi %ne3A, %ne3A_15 : i1
    %sub3A = arith.constant 1 : i32
    %sub3A_16 = arith.subi %div3A, %sub3A : i32
    %select_n3A = arith.select %and3A, %sub3A_16, %div3A : i32
    %jit3A_17 = arith.constant 8 : i32
    %eq3A = arith.constant 0 : i32
    %eq3A_18 = arith.cmpi eq, %jit3A_17, %eq3A : i32
    %jit3A_19 = arith.constant 1 : i32
    %select_n3A_20 = arith.select %eq3A_18, %jit3A_19, %jit3A_17 : i32
    %rem3A_21 = arith.remsi %add3A, %select_n3A_20 : i32
    %ne3A_22 = arith.constant 0 : i32
    %ne3A_23 = arith.cmpi ne, %rem3A_21, %ne3A_22 : i32
    %lt3A = arith.constant 0 : i32
    %lt3A_24 = arith.cmpi slt, %rem3A_21, %lt3A : i32
    %lt3A_25 = arith.constant 0 : i32
    %lt3A_26 = arith.cmpi slt, %select_n3A_20, %lt3A_25 : i32
    %ne3A_27 = arith.xori %lt3A_24, %lt3A_26 : i1
    %and3A_28 = arith.andi %ne3A_27, %ne3A_23 : i1
    %add3A_29 = arith.addi %rem3A_21, %select_n3A_20 : i32
    %select_n3A_30 = arith.select %and3A_28, %add3A_29, %rem3A_21 : i32
    %mul3A_31 = arith.constant 12544 : i32
    %mul3A_32 = arith.muli %select_n3A_30, %mul3A_31 : i32
    %iota3A = tpu.iota {dimensions = array<i32: 0>} : vector<16xi32>
    %broadcast_in_dim3A = arith.constant 0.000000e+00 : f32
    %broadcast_in_dim3A_33 = vector.broadcast %broadcast_in_dim3A : f32 to vector<16xf32>
    %broadcast_in_dim3A_34 = arith.constant 0xFF800000 : f32
    %broadcast_in_dim3A_35 = vector.broadcast %broadcast_in_dim3A_34 : f32 to vector<16xf32>
    %scan3A = arith.constant 0 : i32
    %scan3A_36 = arith.constant 8 : i32
    %scan3A_37 = arith.addi %scan3A, %scan3A_36 : i32
    %scan3A_38 = arith.constant 1 : i32
    %scan3A_39:18 = scf.for %scan3A_97 = %scan3A to %scan3A_37 step %scan3A_38 iter_args(%scan3A_98 = %broadcast_in_dim3A_33, %scan3A_99 = %broadcast_in_dim3A_33, %scan3A_100 = %broadcast_in_dim3A_35, %scan3A_101 = %broadcast_in_dim3A_35, %scan3A_102 = %broadcast_in_dim3A_35, %scan3A_103 = %broadcast_in_dim3A_35, %scan3A_104 = %broadcast_in_dim3A_35, %scan3A_105 = %broadcast_in_dim3A_35, %scan3A_106 = %broadcast_in_dim3A_35, %scan3A_107 = %broadcast_in_dim3A_35, %scan3A_108 = %broadcast_in_dim3A_35, %scan3A_109 = %broadcast_in_dim3A_35, %scan3A_110 = %broadcast_in_dim3A_35, %scan3A_111 = %broadcast_in_dim3A_35, %scan3A_112 = %broadcast_in_dim3A_35, %scan3A_113 = %broadcast_in_dim3A_35, %scan3A_114 = %broadcast_in_dim3A_35, %scan3A_115 = %broadcast_in_dim3A_35) -> (vector<16xf32>, vector<16xf32>, vector<16xf32>, vector<16xf32>, vector<16xf32>, vector<16xf32>, vector<16xf32>, vector<16xf32>, vector<16xf32>, vector<16xf32>, vector<16xf32>, vector<16xf32>, vector<16xf32>, vector<16xf32>, vector<16xf32>, vector<16xf32>, vector<16xf32>, vector<16xf32>)  : i32 {
      %mul3A_116 = arith.constant 1568 : i32
      %mul3A_117 = arith.muli %scan3A_97, %mul3A_116 : i32
      %add3A_118 = arith.addi %mul3A_32, %mul3A_117 : i32
      %mul3A_119 = arith.constant 100352 : i32
      %mul3A_120 = arith.muli %select_n3A, %mul3A_119 : i32
      %add3A_121 = arith.addi %mul3A_120, %add3A_118 : i32
      %dma_start3A = tpu.memref_slice %arg2[%add3A_121] : memref<802816xf32, #tpu.memory_space<hbm>> -> memref<1568xf32, #tpu.memory_space<hbm>>
      %dma_start3A_122 = tpu.memref_slice %arg2[%add3A_121] : memref<802816xf32, #tpu.memory_space<hbm>> -> memref<1568xf32, #tpu.memory_space<hbm>>
      tpu.enqueue_dma source(%dma_start3A_122 : memref<1568xf32, #tpu.memory_space<hbm>>) target(%arg7 : memref<1568xf32, #tpu.memory_space<vmem>>) target_semaphore(%arg13 : memref<!tpu.dma_semaphore, #tpu.memory_space<semaphore_mem>>)
      %mul3A_123 = arith.constant 100352 : i32
      %mul3A_124 = arith.muli %select_n3A, %mul3A_123 : i32
      %add3A_125 = arith.constant 401408 : i32
      %add3A_126 = arith.addi %add3A_125, %mul3A_124 : i32
      %add3A_127 = arith.addi %add3A_126, %add3A_118 : i32
      %dma_start3A_128 = tpu.memref_slice %arg2[%add3A_127] : memref<802816xf32, #tpu.memory_space<hbm>> -> memref<1568xf32, #tpu.memory_space<hbm>>
      %dma_start3A_129 = tpu.memref_slice %arg2[%add3A_127] : memref<802816xf32, #tpu.memory_space<hbm>> -> memref<1568xf32, #tpu.memory_space<hbm>>
      tpu.enqueue_dma source(%dma_start3A_129 : memref<1568xf32, #tpu.memory_space<hbm>>) target(%arg8 : memref<1568xf32, #tpu.memory_space<vmem>>) target_semaphore(%arg13 : memref<!tpu.dma_semaphore, #tpu.memory_space<semaphore_mem>>)
      %mul3A_130 = arith.constant 3 : i32
      %mul3A_131 = arith.muli %add3A_118, %mul3A_130 : i32
      %dma_start3A_132 = tpu.memref_slice %arg4[%mul3A_131] : memref<301056xf32, #tpu.memory_space<hbm>> -> memref<4704xf32, #tpu.memory_space<hbm>>
      %dma_start3A_133 = tpu.memref_slice %arg4[%mul3A_131] : memref<301056xf32, #tpu.memory_space<hbm>> -> memref<4704xf32, #tpu.memory_space<hbm>>
      tpu.enqueue_dma source(%dma_start3A_133 : memref<4704xf32, #tpu.memory_space<hbm>>) target(%arg9 : memref<4704xf32, #tpu.memory_space<vmem>>) target_semaphore(%arg13 : memref<!tpu.dma_semaphore, #tpu.memory_space<semaphore_mem>>)
      %dma_start3A_134 = tpu.memref_slice %arg3[%add3A_118] : memref<100352xf32, #tpu.memory_space<hbm>> -> memref<1568xf32, #tpu.memory_space<hbm>>
      %dma_start3A_135 = tpu.memref_slice %arg3[%add3A_118] : memref<100352xf32, #tpu.memory_space<hbm>> -> memref<1568xf32, #tpu.memory_space<hbm>>
      tpu.enqueue_dma source(%dma_start3A_135 : memref<1568xf32, #tpu.memory_space<hbm>>) target(%arg10 : memref<1568xf32, #tpu.memory_space<vmem>>) target_semaphore(%arg13 : memref<!tpu.dma_semaphore, #tpu.memory_space<semaphore_mem>>)
      %dma_wait3A = tpu.memref_slice %arg2[%add3A_121] : memref<802816xf32, #tpu.memory_space<hbm>> -> memref<1568xf32, #tpu.memory_space<hbm>>
      %dma_wait3A_136 = tpu.memref_slice %arg2[%add3A_121] : memref<802816xf32, #tpu.memory_space<hbm>> -> memref<1568xf32, #tpu.memory_space<hbm>>
      tpu.wait_dma2 semaphore(%arg13 : memref<!tpu.dma_semaphore, #tpu.memory_space<semaphore_mem>>) src(%dma_wait3A_136 : memref<1568xf32, #tpu.memory_space<hbm>>) dst(%arg7 : memref<1568xf32, #tpu.memory_space<vmem>>)
      %dma_wait3A_137 = tpu.memref_slice %arg2[%add3A_127] : memref<802816xf32, #tpu.memory_space<hbm>> -> memref<1568xf32, #tpu.memory_space<hbm>>
      %dma_wait3A_138 = tpu.memref_slice %arg2[%add3A_127] : memref<802816xf32, #tpu.memory_space<hbm>> -> memref<1568xf32, #tpu.memory_space<hbm>>
      tpu.wait_dma2 semaphore(%arg13 : memref<!tpu.dma_semaphore, #tpu.memory_space<semaphore_mem>>) src(%dma_wait3A_138 : memref<1568xf32, #tpu.memory_space<hbm>>) dst(%arg8 : memref<1568xf32, #tpu.memory_space<vmem>>)
      %dma_wait3A_139 = tpu.memref_slice %arg4[%mul3A_131] : memref<301056xf32, #tpu.memory_space<hbm>> -> memref<4704xf32, #tpu.memory_space<hbm>>
      %dma_wait3A_140 = tpu.memref_slice %arg4[%mul3A_131] : memref<301056xf32, #tpu.memory_space<hbm>> -> memref<4704xf32, #tpu.memory_space<hbm>>
      tpu.wait_dma2 semaphore(%arg13 : memref<!tpu.dma_semaphore, #tpu.memory_space<semaphore_mem>>) src(%dma_wait3A_140 : memref<4704xf32, #tpu.memory_space<hbm>>) dst(%arg9 : memref<4704xf32, #tpu.memory_space<vmem>>)
      %dma_wait3A_141 = tpu.memref_slice %arg3[%add3A_118] : memref<100352xf32, #tpu.memory_space<hbm>> -> memref<1568xf32, #tpu.memory_space<hbm>>
      %dma_wait3A_142 = tpu.memref_slice %arg3[%add3A_118] : memref<100352xf32, #tpu.memory_space<hbm>> -> memref<1568xf32, #tpu.memory_space<hbm>>
      tpu.wait_dma2 semaphore(%arg13 : memref<!tpu.dma_semaphore, #tpu.memory_space<semaphore_mem>>) src(%dma_wait3A_142 : memref<1568xf32, #tpu.memory_space<hbm>>) dst(%arg10 : memref<1568xf32, #tpu.memory_space<vmem>>)
      %scan3A_143 = arith.constant 0 : i32
      %scan3A_144 = arith.constant 98 : i32
      %scan3A_145 = arith.addi %scan3A_143, %scan3A_144 : i32
      %scan3A_146 = arith.constant 1 : i32
      %scan3A_147:18 = scf.for %scan3A_149 = %scan3A_143 to %scan3A_145 step %scan3A_146 iter_args(%scan3A_150 = %scan3A_98, %scan3A_151 = %scan3A_99, %scan3A_152 = %scan3A_100, %scan3A_153 = %scan3A_101, %scan3A_154 = %scan3A_102, %scan3A_155 = %scan3A_103, %scan3A_156 = %scan3A_104, %scan3A_157 = %scan3A_105, %scan3A_158 = %scan3A_106, %scan3A_159 = %scan3A_107, %scan3A_160 = %scan3A_108, %scan3A_161 = %scan3A_109, %scan3A_162 = %scan3A_110, %scan3A_163 = %scan3A_111, %scan3A_164 = %scan3A_112, %scan3A_165 = %scan3A_113, %scan3A_166 = %scan3A_114, %scan3A_167 = %scan3A_115) -> (vector<16xf32>, vector<16xf32>, vector<16xf32>, vector<16xf32>, vector<16xf32>, vector<16xf32>, vector<16xf32>, vector<16xf32>, vector<16xf32>, vector<16xf32>, vector<16xf32>, vector<16xf32>, vector<16xf32>, vector<16xf32>, vector<16xf32>, vector<16xf32>, vector<16xf32>, vector<16xf32>)  : i32 {
        %mul3A_168 = arith.constant 16 : i32
        %mul3A_169 = arith.muli %scan3A_149, %mul3A_168 : i32
        %mul3A_170 = arith.constant 16 : i32
        %mul3A_171 = arith.muli %scan3A_149, %mul3A_170 : i32
        %add3A_172 = vector.broadcast %mul3A_171 : i32 to vector<16xi32>
        %add3A_173 = arith.addi %add3A_172, %iota3A : vector<16xi32>
        %get3A = arith.index_cast %mul3A_169 : i32 to index
        %get3A_174 = tpu.vector_load %arg7[%get3A] {strides = array<i32>} : memref<1568xf32, #tpu.memory_space<vmem>>, vector<16xf32>,
        %get3A_175 = arith.index_cast %mul3A_169 : i32 to index
        %get3A_176 = tpu.vector_load %arg8[%get3A_175] {strides = array<i32>} : memref<1568xf32, #tpu.memory_space<vmem>>, vector<16xf32>,
        %add3A_177 = arith.addf %get3A_174, %get3A_176 : vector<16xf32>
        %get3A_178 = arith.index_cast %mul3A_169 : i32 to index
        %get3A_179 = tpu.vector_load %arg10[%get3A_178] {strides = array<i32>} : memref<1568xf32, #tpu.memory_space<vmem>>, vector<16xf32>,
        %mul3A_180 = arith.mulf %add3A_177, %get3A_179 : vector<16xf32>
        %mul3A_181 = arith.constant 3 : i32
        %mul3A_182 = vector.broadcast %mul3A_181 : i32 to vector<16xi32>
        %mul3A_183 = arith.muli %mul3A_182, %add3A_173 : vector<16xi32>
        %gather3A = tpu.vector_load_idx %arg9[%mul3A_183] : memref<4704xf32, #tpu.memory_space<vmem>>[vector<16xi32>], vector<16xf32>,
        %mul3A_184 = arith.constant 3 : i32
        %mul3A_185 = vector.broadcast %mul3A_184 : i32 to vector<16xi32>
        %mul3A_186 = arith.muli %mul3A_185, %add3A_173 : vector<16xi32>
        %add3A_187 = arith.constant 1 : i32
        %add3A_188 = vector.broadcast %add3A_187 : i32 to vector<16xi32>
        %add3A_189 = arith.addi %mul3A_186, %add3A_188 : vector<16xi32>
        %gather3A_190 = tpu.vector_load_idx %arg9[%add3A_189] : memref<4704xf32, #tpu.memory_space<vmem>>[vector<16xi32>], vector<16xf32>,
        %div3A_191 = arith.constant 2.500000e+01 : f32
        %div3A_192 = vector.broadcast %div3A_191 : f32 to vector<16xf32>
        %div3A_193 = arith.divf %gather3A, %div3A_192 : vector<16xf32>
        %convert_element_type3A = arith.fptosi %div3A_193 : vector<16xf32> to vector<16xi32>
        %jit3A_194 = arith.constant 0 : i32
        %jit3A_195 = arith.constant 3 : i32
        %max3A = vector.broadcast %jit3A_194 : i32 to vector<16xi32>
        %max3A_196 = arith.maxsi %max3A, %convert_element_type3A : vector<16xi32>
        %min3A = vector.broadcast %jit3A_195 : i32 to vector<16xi32>
        %min3A_197 = arith.minsi %min3A, %max3A_196 : vector<16xi32>
        %div3A_198 = arith.constant 2.500000e+01 : f32
        %div3A_199 = vector.broadcast %div3A_198 : f32 to vector<16xf32>
        %div3A_200 = arith.divf %gather3A_190, %div3A_199 : vector<16xf32>
        %convert_element_type3A_201 = arith.fptosi %div3A_200 : vector<16xf32> to vector<16xi32>
        %jit3A_202 = arith.constant 0 : i32
        %jit3A_203 = arith.constant 3 : i32
        %max3A_204 = vector.broadcast %jit3A_202 : i32 to vector<16xi32>
        %max3A_205 = arith.maxsi %max3A_204, %convert_element_type3A_201 : vector<16xi32>
        %min3A_206 = vector.broadcast %jit3A_203 : i32 to vector<16xi32>
        %min3A_207 = arith.minsi %min3A_206, %max3A_205 : vector<16xi32>
        %mul3A_208 = arith.constant 4 : i32
        %mul3A_209 = vector.broadcast %mul3A_208 : i32 to vector<16xi32>
        %mul3A_210 = arith.muli %mul3A_209, %min3A_207 : vector<16xi32>
        %add3A_211 = arith.addi %min3A_197, %mul3A_210 : vector<16xi32>
        %add3A_212 = vector.broadcast %add3A_118 : i32 to vector<16xi32>
        %add3A_213 = arith.addi %add3A_212, %add3A_173 : vector<16xi32>
        %lt3A_214 = arith.constant 100000 : i32
        %lt3A_215 = vector.broadcast %lt3A_214 : i32 to vector<16xi32>
        %lt3A_216 = arith.cmpi slt, %add3A_213, %lt3A_215 : vector<16xi32>
        %select_n3A_217 = arith.select %lt3A_216, %mul3A_180, %broadcast_in_dim3A_35 : vector<16xi1>, vector<16xf32>
        %eq3A_218 = arith.constant 0 : i32
        %eq3A_219 = vector.broadcast %eq3A_218 : i32 to vector<16xi32>
        %eq3A_220 = arith.cmpi eq, %add3A_211, %eq3A_219 : vector<16xi32>
        %select_n3A_221 = arith.select %eq3A_220, %select_n3A_217, %broadcast_in_dim3A_35 : vector<16xi1>, vector<16xf32>
        %max3A_222 = arith.maximumf %scan3A_152, %select_n3A_221 : vector<16xf32>
        %eq3A_223 = arith.constant 1 : i32
        %eq3A_224 = vector.broadcast %eq3A_223 : i32 to vector<16xi32>
        %eq3A_225 = arith.cmpi eq, %add3A_211, %eq3A_224 : vector<16xi32>
        %select_n3A_226 = arith.select %eq3A_225, %select_n3A_217, %broadcast_in_dim3A_35 : vector<16xi1>, vector<16xf32>
        %max3A_227 = arith.maximumf %scan3A_153, %select_n3A_226 : vector<16xf32>
        %eq3A_228 = arith.constant 2 : i32
        %eq3A_229 = vector.broadcast %eq3A_228 : i32 to vector<16xi32>
        %eq3A_230 = arith.cmpi eq, %add3A_211, %eq3A_229 : vector<16xi32>
        %select_n3A_231 = arith.select %eq3A_230, %select_n3A_217, %broadcast_in_dim3A_35 : vector<16xi1>, vector<16xf32>
        %max3A_232 = arith.maximumf %scan3A_154, %select_n3A_231 : vector<16xf32>
        %eq3A_233 = arith.constant 3 : i32
        %eq3A_234 = vector.broadcast %eq3A_233 : i32 to vector<16xi32>
        %eq3A_235 = arith.cmpi eq, %add3A_211, %eq3A_234 : vector<16xi32>
        %select_n3A_236 = arith.select %eq3A_235, %select_n3A_217, %broadcast_in_dim3A_35 : vector<16xi1>, vector<16xf32>
        %max3A_237 = arith.maximumf %scan3A_155, %select_n3A_236 : vector<16xf32>
        %eq3A_238 = arith.constant 4 : i32
        %eq3A_239 = vector.broadcast %eq3A_238 : i32 to vector<16xi32>
        %eq3A_240 = arith.cmpi eq, %add3A_211, %eq3A_239 : vector<16xi32>
        %select_n3A_241 = arith.select %eq3A_240, %select_n3A_217, %broadcast_in_dim3A_35 : vector<16xi1>, vector<16xf32>
        %max3A_242 = arith.maximumf %scan3A_156, %select_n3A_241 : vector<16xf32>
        %eq3A_243 = arith.constant 5 : i32
        %eq3A_244 = vector.broadcast %eq3A_243 : i32 to vector<16xi32>
        %eq3A_245 = arith.cmpi eq, %add3A_211, %eq3A_244 : vector<16xi32>
        %select_n3A_246 = arith.select %eq3A_245, %select_n3A_217, %broadcast_in_dim3A_35 : vector<16xi1>, vector<16xf32>
        %max3A_247 = arith.maximumf %scan3A_157, %select_n3A_246 : vector<16xf32>
        %eq3A_248 = arith.constant 6 : i32
        %eq3A_249 = vector.broadcast %eq3A_248 : i32 to vector<16xi32>
        %eq3A_250 = arith.cmpi eq, %add3A_211, %eq3A_249 : vector<16xi32>
        %select_n3A_251 = arith.select %eq3A_250, %select_n3A_217, %broadcast_in_dim3A_35 : vector<16xi1>, vector<16xf32>
        %max3A_252 = arith.maximumf %scan3A_158, %select_n3A_251 : vector<16xf32>
        %eq3A_253 = arith.constant 7 : i32
        %eq3A_254 = vector.broadcast %eq3A_253 : i32 to vector<16xi32>
        %eq3A_255 = arith.cmpi eq, %add3A_211, %eq3A_254 : vector<16xi32>
        %select_n3A_256 = arith.select %eq3A_255, %select_n3A_217, %broadcast_in_dim3A_35 : vector<16xi1>, vector<16xf32>
        %max3A_257 = arith.maximumf %scan3A_159, %select_n3A_256 : vector<16xf32>
        %eq3A_258 = arith.constant 8 : i32
        %eq3A_259 = vector.broadcast %eq3A_258 : i32 to vector<16xi32>
        %eq3A_260 = arith.cmpi eq, %add3A_211, %eq3A_259 : vector<16xi32>
        %select_n3A_261 = arith.select %eq3A_260, %select_n3A_217, %broadcast_in_dim3A_35 : vector<16xi1>, vector<16xf32>
        %max3A_262 = arith.maximumf %scan3A_160, %select_n3A_261 : vector<16xf32>
        %eq3A_263 = arith.constant 9 : i32
        %eq3A_264 = vector.broadcast %eq3A_263 : i32 to vector<16xi32>
        %eq3A_265 = arith.cmpi eq, %add3A_211, %eq3A_264 : vector<16xi32>
        %select_n3A_266 = arith.select %eq3A_265, %select_n3A_217, %broadcast_in_dim3A_35 : vector<16xi1>, vector<16xf32>
        %max3A_267 = arith.maximumf %scan3A_161, %select_n3A_266 : vector<16xf32>
        %eq3A_268 = arith.constant 10 : i32
        %eq3A_269 = vector.broadcast %eq3A_268 : i32 to vector<16xi32>
        %eq3A_270 = arith.cmpi eq, %add3A_211, %eq3A_269 : vector<16xi32>
        %select_n3A_271 = arith.select %eq3A_270, %select_n3A_217, %broadcast_in_dim3A_35 : vector<16xi1>, vector<16xf32>
        %max3A_272 = arith.maximumf %scan3A_162, %select_n3A_271 : vector<16xf32>
        %eq3A_273 = arith.constant 11 : i32
        %eq3A_274 = vector.broadcast %eq3A_273 : i32 to vector<16xi32>
        %eq3A_275 = arith.cmpi eq, %add3A_211, %eq3A_274 : vector<16xi32>
        %select_n3A_276 = arith.select %eq3A_275, %select_n3A_217, %broadcast_in_dim3A_35 : vector<16xi1>, vector<16xf32>
        %max3A_277 = arith.maximumf %scan3A_163, %select_n3A_276 : vector<16xf32>
        %eq3A_278 = arith.constant 12 : i32
        %eq3A_279 = vector.broadcast %eq3A_278 : i32 to vector<16xi32>
        %eq3A_280 = arith.cmpi eq, %add3A_211, %eq3A_279 : vector<16xi32>
        %select_n3A_281 = arith.select %eq3A_280, %select_n3A_217, %broadcast_in_dim3A_35 : vector<16xi1>, vector<16xf32>
        %max3A_282 = arith.maximumf %scan3A_164, %select_n3A_281 : vector<16xf32>
        %eq3A_283 = arith.constant 13 : i32
        %eq3A_284 = vector.broadcast %eq3A_283 : i32 to vector<16xi32>
        %eq3A_285 = arith.cmpi eq, %add3A_211, %eq3A_284 : vector<16xi32>
        %select_n3A_286 = arith.select %eq3A_285, %select_n3A_217, %broadcast_in_dim3A_35 : vector<16xi1>, vector<16xf32>
        %max3A_287 = arith.maximumf %scan3A_165, %select_n3A_286 : vector<16xf32>
        %eq3A_288 = arith.constant 14 : i32
        %eq3A_289 = vector.broadcast %eq3A_288 : i32 to vector<16xi32>
        %eq3A_290 = arith.cmpi eq, %add3A_211, %eq3A_289 : vector<16xi32>
        %select_n3A_291 = arith.select %eq3A_290, %select_n3A_217, %broadcast_in_dim3A_35 : vector<16xi1>, vector<16xf32>
        %max3A_292 = arith.maximumf %scan3A_166, %select_n3A_291 : vector<16xf32>
        %eq3A_293 = arith.constant 15 : i32
        %eq3A_294 = vector.broadcast %eq3A_293 : i32 to vector<16xi32>
        %eq3A_295 = arith.cmpi eq, %add3A_211, %eq3A_294 : vector<16xi32>
        %select_n3A_296 = arith.select %eq3A_295, %select_n3A_217, %broadcast_in_dim3A_35 : vector<16xi1>, vector<16xf32>
        %max3A_297 = arith.maximumf %scan3A_167, %select_n3A_296 : vector<16xf32>
        %select_n3A_298 = arith.select %lt3A_216, %mul3A_180, %broadcast_in_dim3A_33 : vector<16xi1>, vector<16xf32>
        %add3A_299 = arith.addf %scan3A_150, %select_n3A_298 : vector<16xf32>
        %mul3A_300 = arith.mulf %mul3A_180, %mul3A_180 : vector<16xf32>
        %select_n3A_301 = arith.select %lt3A_216, %mul3A_300, %broadcast_in_dim3A_33 : vector<16xi1>, vector<16xf32>
        %add3A_302 = arith.addf %scan3A_151, %select_n3A_301 : vector<16xf32>
        scf.yield %add3A_299, %add3A_302, %max3A_222, %max3A_227, %max3A_232, %max3A_237, %max3A_242, %max3A_247, %max3A_252, %max3A_257, %max3A_262, %max3A_267, %max3A_272, %max3A_277, %max3A_282, %max3A_287, %max3A_292, %max3A_297 : vector<16xf32>, vector<16xf32>, vector<16xf32>, vector<16xf32>, vector<16xf32>, vector<16xf32>, vector<16xf32>, vector<16xf32>, vector<16xf32>, vector<16xf32>, vector<16xf32>, vector<16xf32>, vector<16xf32>, vector<16xf32>, vector<16xf32>, vector<16xf32>, vector<16xf32>, vector<16xf32>
      }
      %scan3A_148 = arith.constant 98 : i32
      scf.yield %scan3A_147#0, %scan3A_147#1, %scan3A_147#2, %scan3A_147#3, %scan3A_147#4, %scan3A_147#5, %scan3A_147#6, %scan3A_147#7, %scan3A_147#8, %scan3A_147#9, %scan3A_147#10, %scan3A_147#11, %scan3A_147#12, %scan3A_147#13, %scan3A_147#14, %scan3A_147#15, %scan3A_147#16, %scan3A_147#17 : vector<16xf32>, vector<16xf32>, vector<16xf32>, vector<16xf32>, vector<16xf32>, vector<16xf32>, vector<16xf32>, vector<16xf32>, vector<16xf32>, vector<16xf32>, vector<16xf32>, vector<16xf32>, vector<16xf32>, vector<16xf32>, vector<16xf32>, vector<16xf32>, vector<16xf32>, vector<16xf32>
    }
    %scan3A_40 = arith.constant 8 : i32
    %eq3A_41 = arith.constant 0 : i32
    %eq3A_42 = vector.broadcast %eq3A_41 : i32 to vector<16xi32>
    %eq3A_43 = arith.cmpi eq, %iota3A, %eq3A_42 : vector<16xi32>
    %reduce_sum3A = arith.constant true
    %reduce_sum3A_44 = vector.broadcast %reduce_sum3A : i1 to vector<16xi1>
    %reduce_sum3A_45 = tpu.scan <sum>, %scan3A_39#0 masked %reduce_sum3A_44 : vector<16xf32>, vector<16xi1> -> vector<16xf32>
    %reduce_sum3A_46 = vector.extract %reduce_sum3A_45[15] : f32 from vector<16xf32>
    %eq3A_47 = arith.constant 1 : i32
    %eq3A_48 = vector.broadcast %eq3A_47 : i32 to vector<16xi32>
    %eq3A_49 = arith.cmpi eq, %iota3A, %eq3A_48 : vector<16xi32>
    %reduce_sum3A_50 = arith.constant true
    %reduce_sum3A_51 = vector.broadcast %reduce_sum3A_50 : i1 to vector<16xi1>
    %reduce_sum3A_52 = tpu.scan <sum>, %scan3A_39#1 masked %reduce_sum3A_51 : vector<16xf32>, vector<16xi1> -> vector<16xf32>
    %reduce_sum3A_53 = vector.extract %reduce_sum3A_52[15] : f32 from vector<16xf32>
    %jit3A_54 = arith.constant 0.000000e+00 : f32
    %broadcast_in_dim3A_55 = vector.broadcast %reduce_sum3A_53 : f32 to vector<16xf32>
    %broadcast_in_dim3A_56 = vector.broadcast %jit3A_54 : f32 to vector<16xf32>
    %select_n3A_57 = arith.select %eq3A_49, %broadcast_in_dim3A_55, %broadcast_in_dim3A_56 : vector<16xi1>, vector<16xf32>
    %broadcast_in_dim3A_58 = vector.broadcast %reduce_sum3A_46 : f32 to vector<16xf32>
    %select_n3A_59 = arith.select %eq3A_43, %broadcast_in_dim3A_58, %select_n3A_57 : vector<16xi1>, vector<16xf32>
    %swap3A = arith.constant 0 : index
    %swap3A_60 = tpu.vector_load %arg12[%swap3A] {strides = array<i32>} : memref<16xf32, #tpu.memory_space<vmem>>, vector<16xf32>,
    tpu.vector_store %arg12[%swap3A], %select_n3A_59 {strides = array<i32>} : memref<16xf32, #tpu.memory_space<vmem>>, vector<16xf32>,
    %swap3A_61 = arith.constant 0 : index
    %swap3A_62 = tpu.vector_load %arg11[%swap3A_61] {strides = array<i32>} : memref<256xf32, #tpu.memory_space<vmem>>, vector<16xf32>,
    tpu.vector_store %arg11[%swap3A_61], %scan3A_39#2 {strides = array<i32>} : memref<256xf32, #tpu.memory_space<vmem>>, vector<16xf32>,
    %swap3A_63 = arith.constant 16 : index
    %swap3A_64 = tpu.vector_load %arg11[%swap3A_63] {strides = array<i32>} : memref<256xf32, #tpu.memory_space<vmem>>, vector<16xf32>,
    tpu.vector_store %arg11[%swap3A_63], %scan3A_39#3 {strides = array<i32>} : memref<256xf32, #tpu.memory_space<vmem>>, vector<16xf32>,
    %swap3A_65 = arith.constant 32 : index
    %swap3A_66 = tpu.vector_load %arg11[%swap3A_65] {strides = array<i32>} : memref<256xf32, #tpu.memory_space<vmem>>, vector<16xf32>,
    tpu.vector_store %arg11[%swap3A_65], %scan3A_39#4 {strides = array<i32>} : memref<256xf32, #tpu.memory_space<vmem>>, vector<16xf32>,
    %swap3A_67 = arith.constant 48 : index
    %swap3A_68 = tpu.vector_load %arg11[%swap3A_67] {strides = array<i32>} : memref<256xf32, #tpu.memory_space<vmem>>, vector<16xf32>,
    tpu.vector_store %arg11[%swap3A_67], %scan3A_39#5 {strides = array<i32>} : memref<256xf32, #tpu.memory_space<vmem>>, vector<16xf32>,
    %swap3A_69 = arith.constant 64 : index
    %swap3A_70 = tpu.vector_load %arg11[%swap3A_69] {strides = array<i32>} : memref<256xf32, #tpu.memory_space<vmem>>, vector<16xf32>,
    tpu.vector_store %arg11[%swap3A_69], %scan3A_39#6 {strides = array<i32>} : memref<256xf32, #tpu.memory_space<vmem>>, vector<16xf32>,
    %swap3A_71 = arith.constant 80 : index
    %swap3A_72 = tpu.vector_load %arg11[%swap3A_71] {strides = array<i32>} : memref<256xf32, #tpu.memory_space<vmem>>, vector<16xf32>,
    tpu.vector_store %arg11[%swap3A_71], %scan3A_39#7 {strides = array<i32>} : memref<256xf32, #tpu.memory_space<vmem>>, vector<16xf32>,
    %swap3A_73 = arith.constant 96 : index
    %swap3A_74 = tpu.vector_load %arg11[%swap3A_73] {strides = array<i32>} : memref<256xf32, #tpu.memory_space<vmem>>, vector<16xf32>,
    tpu.vector_store %arg11[%swap3A_73], %scan3A_39#8 {strides = array<i32>} : memref<256xf32, #tpu.memory_space<vmem>>, vector<16xf32>,
    %swap3A_75 = arith.constant 112 : index
    %swap3A_76 = tpu.vector_load %arg11[%swap3A_75] {strides = array<i32>} : memref<256xf32, #tpu.memory_space<vmem>>, vector<16xf32>,
    tpu.vector_store %arg11[%swap3A_75], %scan3A_39#9 {strides = array<i32>} : memref<256xf32, #tpu.memory_space<vmem>>, vector<16xf32>,
    %swap3A_77 = arith.constant 128 : index
    %swap3A_78 = tpu.vector_load %arg11[%swap3A_77] {strides = array<i32>} : memref<256xf32, #tpu.memory_space<vmem>>, vector<16xf32>,
    tpu.vector_store %arg11[%swap3A_77], %scan3A_39#10 {strides = array<i32>} : memref<256xf32, #tpu.memory_space<vmem>>, vector<16xf32>,
    %swap3A_79 = arith.constant 144 : index
    %swap3A_80 = tpu.vector_load %arg11[%swap3A_79] {strides = array<i32>} : memref<256xf32, #tpu.memory_space<vmem>>, vector<16xf32>,
    tpu.vector_store %arg11[%swap3A_79], %scan3A_39#11 {strides = array<i32>} : memref<256xf32, #tpu.memory_space<vmem>>, vector<16xf32>,
    %swap3A_81 = arith.constant 160 : index
    %swap3A_82 = tpu.vector_load %arg11[%swap3A_81] {strides = array<i32>} : memref<256xf32, #tpu.memory_space<vmem>>, vector<16xf32>,
    tpu.vector_store %arg11[%swap3A_81], %scan3A_39#12 {strides = array<i32>} : memref<256xf32, #tpu.memory_space<vmem>>, vector<16xf32>,
    %swap3A_83 = arith.constant 176 : index
    %swap3A_84 = tpu.vector_load %arg11[%swap3A_83] {strides = array<i32>} : memref<256xf32, #tpu.memory_space<vmem>>, vector<16xf32>,
    tpu.vector_store %arg11[%swap3A_83], %scan3A_39#13 {strides = array<i32>} : memref<256xf32, #tpu.memory_space<vmem>>, vector<16xf32>,
    %swap3A_85 = arith.constant 192 : index
    %swap3A_86 = tpu.vector_load %arg11[%swap3A_85] {strides = array<i32>} : memref<256xf32, #tpu.memory_space<vmem>>, vector<16xf32>,
    tpu.vector_store %arg11[%swap3A_85], %scan3A_39#14 {strides = array<i32>} : memref<256xf32, #tpu.memory_space<vmem>>, vector<16xf32>,
    %swap3A_87 = arith.constant 208 : index
    %swap3A_88 = tpu.vector_load %arg11[%swap3A_87] {strides = array<i32>} : memref<256xf32, #tpu.memory_space<vmem>>, vector<16xf32>,
    tpu.vector_store %arg11[%swap3A_87], %scan3A_39#15 {strides = array<i32>} : memref<256xf32, #tpu.memory_space<vmem>>, vector<16xf32>,
    %swap3A_89 = arith.constant 224 : index
    %swap3A_90 = tpu.vector_load %arg11[%swap3A_89] {strides = array<i32>} : memref<256xf32, #tpu.memory_space<vmem>>, vector<16xf32>,
    tpu.vector_store %arg11[%swap3A_89], %scan3A_39#16 {strides = array<i32>} : memref<256xf32, #tpu.memory_space<vmem>>, vector<16xf32>,
    %swap3A_91 = arith.constant 240 : index
    %swap3A_92 = tpu.vector_load %arg11[%swap3A_91] {strides = array<i32>} : memref<256xf32, #tpu.memory_space<vmem>>, vector<16xf32>,
    tpu.vector_store %arg11[%swap3A_91], %scan3A_39#17 {strides = array<i32>} : memref<256xf32, #tpu.memory_space<vmem>>, vector<16xf32>,
    %mul3A_93 = arith.constant 16 : i32
    %mul3A_94 = arith.muli %add3A, %mul3A_93 : i32
    "tpu.region"() ({
      %run_scoped3A = tpu.sem_alloc : memref<!tpu.dma_semaphore, #tpu.memory_space<semaphore_mem>>
      %dma_start3A = tpu.memref_slice %arg5[%mul3A_94] : memref<512xf32, #tpu.memory_space<hbm>> -> memref<16xf32, #tpu.memory_space<hbm>>
      %dma_start3A_97 = tpu.memref_slice %arg5[%mul3A_94] : memref<512xf32, #tpu.memory_space<hbm>> -> memref<16xf32, #tpu.memory_space<hbm>>
      tpu.enqueue_dma source(%arg12 : memref<16xf32, #tpu.memory_space<vmem>>) target(%dma_start3A_97 : memref<16xf32, #tpu.memory_space<hbm>>) target_semaphore(%run_scoped3A : memref<!tpu.dma_semaphore, #tpu.memory_space<semaphore_mem>>)
      %dma_wait3A = tpu.memref_slice %arg5[%mul3A_94] : memref<512xf32, #tpu.memory_space<hbm>> -> memref<16xf32, #tpu.memory_space<hbm>>
      %dma_wait3A_98 = tpu.memref_slice %arg5[%mul3A_94] : memref<512xf32, #tpu.memory_space<hbm>> -> memref<16xf32, #tpu.memory_space<hbm>>
      tpu.wait_dma2 semaphore(%run_scoped3A : memref<!tpu.dma_semaphore, #tpu.memory_space<semaphore_mem>>) src(%arg12 : memref<16xf32, #tpu.memory_space<vmem>>) dst(%dma_wait3A_98 : memref<16xf32, #tpu.memory_space<hbm>>)
      tpu.yield
    }) : () -> ()
    %mul3A_95 = arith.constant 256 : i32
    %mul3A_96 = arith.muli %add3A, %mul3A_95 : i32
    "tpu.region"() ({
      %run_scoped3A = tpu.sem_alloc : memref<!tpu.dma_semaphore, #tpu.memory_space<semaphore_mem>>
      %dma_start3A = tpu.memref_slice %arg6[%mul3A_96] : memref<8192xf32, #tpu.memory_space<hbm>> -> memref<256xf32, #tpu.memory_space<hbm>>
      %dma_start3A_97 = tpu.memref_slice %arg6[%mul3A_96] : memref<8192xf32, #tpu.memory_space<hbm>> -> memref<256xf32, #tpu.memory_space<hbm>>
      tpu.enqueue_dma source(%arg11 : memref<256xf32, #tpu.memory_space<vmem>>) target(%dma_start3A_97 : memref<256xf32, #tpu.memory_space<hbm>>) target_semaphore(%run_scoped3A : memref<!tpu.dma_semaphore, #tpu.memory_space<semaphore_mem>>)
      %dma_wait3A = tpu.memref_slice %arg6[%mul3A_96] : memref<8192xf32, #tpu.memory_space<hbm>> -> memref<256xf32, #tpu.memory_space<hbm>>
      %dma_wait3A_98 = tpu.memref_slice %arg6[%mul3A_96] : memref<8192xf32, #tpu.memory_space<hbm>> -> memref<256xf32, #tpu.memory_space<hbm>>
      tpu.wait_dma2 semaphore(%run_scoped3A : memref<!tpu.dma_semaphore, #tpu.memory_space<semaphore_mem>>) src(%arg11 : memref<256xf32, #tpu.memory_space<vmem>>) dst(%dma_wait3A_98 : memref<256xf32, #tpu.memory_space<hbm>>)
      tpu.yield
    }) : () -> ()
    return
  }
}

</mosaic_0001>

<sc_bundles>
// kernel: kernel.10.cloned.1.call-start
scs
__scs_entry_jumppad:
0x0: {  	(pc) =	sbr.rel $0x88, $3  }
0x1: {  	(tag) =	ssettag $0x0;
	lr =	simm.s32 $0x1  }
0x2: {  	[smem:$0x3F96] =	sst lr;
	_ =	strace $0xD0000000  }
0x3: {  	_ = 	snop  }
0x4: {  	_ = 	snop  }
0x5: {  	_ = 	snop  }
0x6: {  	_ = 	snop  }
0x7: {  	_ = 	snop  }
__scs_overlays_trampoline_lowered:
0x8: {  	[smem:$0x3FA5] =	sst s0  }
0x9: {  	[smem:$0x3FA6] =	sst s1  }
0xa: {  	[smem:$0x3FA7] =	sst s2  }
0xb: {  	[smem:$0x3FA8] =	sst s3  }
0xc: {  	[smem:$0x3FA9] =	sst s4  }
0xd: {  	[smem:$0x3FAA] =	sst s5  }
0xe: {  	[smem:$0x3FAB] =	sst s6  }
0xf: {  	[smem:$0x3FAC] =	sst s7  }
0x10: {  	[smem:$0x3FAD] =	sst s8  }
0x11: {  	[smem:$0x3FAE] =	sst s9;
	s0 =	simm.s32 @!p0 $0x0  }
0x12: {  	s1 =	sld [smem:$0x3F94];
	s0 =	simm.s32 @p0 $0x1  }
0x13: {  	[smem:$0x3FAF] =	sst s0;
	s0 =	simm.s32 @!p1 $0x0  }
0x14: {  	s2 =	sld [smem:$0x3F93];
	s0 =	simm.s32 @p1 $0x1  }
0x15: {  	[smem:$0x3FB0] =	sst s0;
	s0 =	simm.s32 @!p2 $0x0  }
0x16: {  	s3 =	sld [smem:$0x3FDB];
	s0 =	simm.s32 @p2 $0x1  }
0x17: {  	s4 =	simm.s32 $0x1BF5;
	[smem:$0x3FB2] =	sst s0  }
0x18: {  	s0 =	sld [smem:$0x3F95];
	_ =	swait.ge [sflag:s4], $0x0  }
0x19: {  	s7 =	sld [smem:$0x3F96]  }
0x1a: {  	s8 =	sadd.s32 $0xFFFFE003, lr  }
0x1b: {  	s9 =	sadd.s32 $0xFFFFFEF7, lr;
	s5 =	simm.s32 $0xFFFFFFFF;
	p2 =	slt.u32 s8, $0xFFFFF086  }
0x1c: {  	p1 =	slt.u32 s9, $0xF7A;
	s5 =	simm.s32 @!p2 $0x0  }
0x1d: {  	s5 =	simm.s32 @p1 $0x1;
	p0 =	seq.s32 s7, s2  }
0x1e: {  	s7 =	smul.u32 @!p0 $0xF7A, s2;
	p2 =	seq.s32 @!p0 s5, $0x0  }
0x1f: {  	s9 =	smul.u32 $0xF7A, s1;
	s8 =	simm.s32 @!p0 $0x1BF5;
	p2 =	por !p2, p0  }
0x20: {  	[sflag:s8] =	ssyncset.s32 @!p0 $0xFFFFF086;
	s6 =	sadd.s32 @!p0 s3, s7;
	s7 =	simm.s32 @!p0 $0x108  }
0x21: {  	s3 =	sadd.s32 s3, s9;
	s6 =	sadd.s32 @!p0 $0x88, s6;
	s7 =	simm.s32 @p2 $0x1082  }
0x22: {  	[simem:s7], [sflag:s8] =	dma.local @!p0 [hbm:s6], $0xF7A  }
0x23: {  	s9 =	sor.u32 $0xD0000000, s2;
	s6 =	simm.s32 $0x108;
	_ =	swait.ge @!p0 [sflag:s8], $0x0  }
0x24: {  	s3 =	sadd.s32 $0x88, s3;
	s6 =	simm.s32 @!p1 $0x1082;
	[sflag:s4] =	ssyncset.s32 $0xFFFFF086  }
0x25: {  	[simem:s6], [sflag:s4] =	dma.local [hbm:s3], $0xF7A  }
0x26: {  	[smem:$0x3F96] =	sst s1;
	(tag) =	ssettag s2;
	_ =	strace s9  }
0x27: {  	s1 =	sld [smem:$0x3FA6]  }
0x28: {  	s2 =	sld [smem:$0x3FA7]  }
0x29: {  	s4 =	sld [smem:$0x3FA9]  }
0x2a: {  	p0 =	seq.s32 s5, $0x0;
	s5 =	sld [smem:$0x3FAA]  }
0x2b: {  	s6 =	sld [smem:$0x3FAB]  }
0x2c: {  	s7 =	sld [smem:$0x3FAC]  }
0x2d: {  	s3 =	simm.s32 $0x108;
	s8 =	sld [smem:$0x3FAD]  }
0x2e: {  	s3 =	simm.s32 @!p0 $0x1082;
	s9 =	sld [smem:$0x3FAE]  }
0x2f: {  	lr =	sadd.s32 s0, s3;
	s0 =	sld [smem:$0x3FA5]  }
0x30: {  	s3 =	sld [smem:$0x3FA8]  }
0x31: {  	[smem:$0x3FB1] =	sst s10  }
0x32: {  	s10 =	sld [smem:$0x3FAF];
	_ =	sdelay $0x3  }
0x33: {  	p0 =	seq.s32 s10, $0x1;
	s10 =	sld [smem:$0x3FB1];
	_ =	sdelay $0x3  }
0x34: {  	[smem:$0x3FB1] =	sst s10  }
0x35: {  	s10 =	sld [smem:$0x3FB0];
	_ =	sdelay $0x3  }
0x36: {  	p1 =	seq.s32 s10, $0x1;
	s10 =	sld [smem:$0x3FB1];
	_ =	sdelay $0x3  }
0x37: {  	[smem:$0x3FB1] =	sst s10  }
0x38: {  	s10 =	sld [smem:$0x3FB2]  }
0x39: {  	_ = 	snop;
	(pc) =	sbr.ind lr, $3  }
0x3a: {  	_ = 	snop  }
0x3b: {  	_ = 	snop  }
0x3c: {  	p2 =	seq.s32 s10, $0x1;
	s10 =	sld [smem:$0x3FB1]  }
0x3d: {  	_ =	shalt  }
0x3e: {  	_ =	shalt  }
0x3f: {  	_ =	shalt  }
0x40: {  	_ =	shalt  }
0x41: {  	_ =	shalt  }
0x42: {  	_ =	shalt  }
0x43: {  	_ =	shalt  }
0x44: {  	_ =	shalt  }
0x45: {  	_ =	shalt  }
0x46: {  	_ =	shalt  }
0x47: {  	_ =	shalt  }
0x48: {  	_ =	shalt  }
0x49: {  	_ =	shalt  }
0x4a: {  	_ =	shalt  }
0x4b: {  	_ =	shalt  }
0x4c: {  	_ =	shalt  }
0x4d: {  	_ =	shalt  }
0x4e: {  	_ =	shalt  }
0x4f: {  	_ =	shalt  }
0x50: {  	_ =	shalt  }
0x51: {  	_ =	shalt  }
0x52: {  	_ =	shalt  }
0x53: {  	_ =	shalt  }
0x54: {  	_ =	shalt  }
0x55: {  	_ =	shalt  }
0x56: {  	_ =	shalt  }
0x57: {  	_ =	shalt  }
0x58: {  	_ =	shalt  }
0x59: {  	_ =	shalt  }
0x5a: {  	_ =	shalt  }
0x5b: {  	_ =	shalt  }
0x5c: {  	_ =	shalt  }
0x5d: {  	_ =	shalt  }
0x5e: {  	_ =	shalt  }
0x5f: {  	_ =	shalt  }
0x60: {  	_ =	shalt  }
0x61: {  	_ =	shalt  }
0x62: {  	_ =	shalt  }
0x63: {  	_ =	shalt  }
0x64: {  	_ =	shalt  }
0x65: {  	_ =	shalt  }
0x66: {  	_ =	shalt  }
0x67: {  	_ =	shalt  }
0x68: {  	_ =	shalt  }
0x69: {  	_ =	shalt  }
0x6a: {  	_ =	shalt  }
0x6b: {  	_ =	shalt  }
0x6c: {  	_ =	shalt  }
0x6d: {  	_ =	shalt  }
0x6e: {  	_ =	shalt  }
0x6f: {  	_ =	shalt  }
0x70: {  	_ =	shalt  }
0x71: {  	_ =	shalt  }
0x72: {  	_ =	shalt  }
0x73: {  	_ =	shalt  }
0x74: {  	_ =	shalt  }
0x75: {  	_ =	shalt  }
0x76: {  	_ =	shalt  }
0x77: {  	_ =	shalt  }
0x78: {  	_ =	shalt  }
0x79: {  	_ =	shalt  }
0x7a: {  	_ =	shalt  }
0x7b: {  	_ =	shalt  }
0x7c: {  	_ =	shalt  }
0x7d: {  	_ =	shalt  }
0x7e: {  	_ =	shalt  }
0x7f: {  	_ =	shalt  }
0x80: {  	_ =	shalt  }
0x81: {  	_ =	shalt  }
0x82: {  	_ =	shalt  }
0x83: {  	_ =	shalt  }
0x84: {  	_ =	shalt  }
0x85: {  	_ =	shalt  }
0x86: {  	_ =	shalt  }
0x87: {  	_ =	shalt  }
.Lfunc_end0:
.L_simem_size_0:
called_computation.1_lowered:
.L_overlay_start_0:
0x88: {  	s2 =	sld [smem:$0x3FD9]  }
0x89: {  	s3 =	sld [smem:$0x3FFE];
	_ =	sdelay $0x1  }
0x8a: {  	s1 =	srdreg.scid  }
0x8b: {  	s0 =	sand.u32 $0x1, s1  }
0x8c: {  	s16 =	sshll.u32 s0, $0xA;
	s2 =	sadd.s32 s3, s2  }
0x8d: {  	s2 =	sadd.s32 s2, s16  }
0x8e: {  	[smem:$0x3FBD] =	sst s2  }
0x8f: {  	_ = 	snop  }
0x90: {  	(tm) =	ssettm $0x1  }
0x91: {  	s17 =	sld [smem:$0x3FFB];
	_ =	sdelay $0x3  }
0x92: {  	_ =	strace s17  }
0x93: {  	s2 =	sld [smem:$0x3FFC];
	_ =	sdelay $0x3  }
0x94: {  	_ =	strace s2  }
0x95: {  	s2 =	sld [smem:$0x3FFD];
	_ =	sdelay $0x3  }
0x96: {  	_ =	strace s2  }
0x97: {  	_ =	strace $0x8FFFFFFF  }
0x98: {  	s18 =	sld [smem:$0x3FDB];
	_ =	sdelay $0x1  }
0x99: {  	s19 =	simm.s32 $_scs_section_size  }
0x9a: {  	s4 =	simm.s32 $_size__tile_overlayer_lowered;
	s5 =	simm.s32 $_tile_overlayer_lowered  }
0x9b: {  	s22 =	simm.s32 $0x1BFF;
	s21 =	sshll.u32 s5, $0x1;
	s2 =	sadd.s32 s19, s18  }
0x9c: {  	s6 =	simm.s32 $0x0;
	s20 =	sshll.u32 s4, $0x1;
	s4 =	sadd.s32 s21, s2  }
0x9d: {  	[timem:s6], [sflag:s22] =	dma.local [hbm:s4], s20  }
0x9e: {  	_ =	swait.ge [sflag:s22], s20  }
0x9f: {  	s3 =	ssub.s32 $0x0, s20;
	[sflag:s22] =	ssyncset.done $0x0  }
0xa0: {  	[sflag:s22] =	ssyncadd.s32 s3;
	_ =	sdelay $0x1  }
0xa1: {  	s23 =	simm.s32 $0x1B8B  }
0xa2: {  	_ =	swait.ge [sflag:s23], $0x1  }
0xa3: {  	[sflag:s23] =	ssyncset.done $0x0  }
0xa4: {  	s25 =	simm.s32 $0x1B8E;
	s24 =	sld [smem:$0x3FFE];
	[sflag:s23] =	ssyncadd.s32 $0xFFFFFFFF  }
0xa5: {  	s26 =	simm.s32 $execute0_lowered;
	[smem:$0x3FD2] =	sst s25  }
0xa6: {  	s4 =	sshll.u32 s26, $0x1;
	_ =	strace $0x80000049;
	[dreg:$0x1] =	wrdreg $0xFFFFFFFF  }
0xa7: {  	s28 =	simm.s32 $_size_execute0_lowered;
	s2 =	sadd.s32 s2, s4;
	[dreg:$0x0] =	wrdreg $0x0  }
0xa8: {  	s4 =	sshll.u32 s28, $0x1;
	[dreg:$0x2] =	wrdreg s2  }
0xa9: {  	[dreg:$0x3] =	wrdreg s4  }
0xaa: {  	[dreg:$0x4] =	wrdreg $0xC0  }
0xab: {  	_ =	task [dreg:s6], $0x5FFFF  }
0xac: {  	[dreg:$0x1] =	wrdreg $0xFFFFFFFF  }
0xad: {  	[dreg:$0x0] =	wrdreg $0x60  }
0xae: {  	[dreg:$0x2] =	wrdreg s24  }
0xaf: {  	[dreg:$0x3] =	wrdreg $0x9  }
0xb0: {  	_ =	task.clear_ibuf [dreg:s6], $0x4FFFF;
	_ =	strace $0x90000049  }
0xb1: {  	s29 =	simm.s32 $0x9;
	_ =	strace $0x8000004B  }
0xb2: {  	_ =	swait.ge [sflag:s29], $0x1  }
0xb3: {  	[sflag:s29] =	ssyncadd.s32 $0xFFFFFFFF  }
0xb4: {  	_ =	strace $0x9000004B  }
0xb5: {  	_ =	sfence  }
0xb6: {  	s30 =	sld [smem:$0x0];
	_ =	sdelay $0x2  }
0xb7: {  	s31 =	sshll.u32 s1, $0xD;
	s1 =	sshrl.u32 s1, $0x2  }
0xb8: {  	s3 =	sand.u32 $0x4000, s31;
	s1 =	sadd.s32 s1, s30  }
0xb9: {  	s0 =	sor.u32 s3, s0;
	s1 =	sshll.u32 s1, $0x11  }
0xba: {  	s0 =	sor.u32 s1, s0  }
0xbb: {  	s0 =	sadd.s32 $0x8F2B, s0  }
0xbc: {  	[sflag:s0] =	ssyncadd.remote.s32 $0x1  }
0xbd: {  	_ =	sfence.sel $0xFFFF  }
0xbe: {  	[dreg:$0x0] =	wrdreg $0xFFFFFFFF;
	(pc) =	sbr.abs _section_cstart, $3  }
0xbf: {  	[dreg:$0x1] =	wrdreg $0xFFFFFFFF  }
0xc0: {  	_ =	task.clear_ibuf [dreg:s6], $0x2FFFF;
	_ =	strace $0x9FFFFFFF  }
0xc1: {  	(tm) =	ssettm $0x7FFFFFFF  }
tec
execute0_lowered:
.L_overlay_start_1:
0x0: {  	(tag) =	ssettag $0x1  }
0x1: {  	s0 =	srdreg.scid  }
0x2: {  	s3 =	rddreg [dreg:$0x0];
	s1 =	stileid.u32;
	s2 =	simm.s32 $0x0  }
0x3: {  	s14 =	simm.s32 $0xC80;
	s15 =	simm.s32 $0x1900;
	s16 =	simm.s32 $0x2580  }
0x4: {  	s17 =	simm.s32 $0x3200;
	s18 =	simm.s32 $0x3E80;
	s19 =	simm.s32 $0x1  }
0x5: {  	s20 =	simm.s32 $0x4B00;
	s21 =	simm.s32 $0x2;
	s22 =	simm.s32 $0x5780  }
0x6: {  	s23 =	simm.s32 $0x6400;
	s24 =	simm.s32 $0x7080;
	s0 =	sand.u32 $0x1, s0  }
0x7: {  	s25 =	simm.s32 $0x0;
	[smem:$0x7FF] =	sst s2;
	s4 =	sshll.u32 s0, $0x4  }
0x8: {  	s6 =	sadd.s32 $0xFAA00, s3;
	s10 =	sadd.s32 $0x10D000, s3;
	s4 =	sor.u32 s1, s4  }
0x9: {  	s0 =	ssub.s32 $0x2, s0;
	s5 =	smul.u32 $0xC40, s4;
	s4 =	sshll.u32 s4, $0x1  }
0xa: {  	_ =	strace $0x8000004A;
	s31 =	sshrl.u32 s0, $0x1;
	s12 =	sadd.s32 s4, s3  }
0xb: {  	s0 =	ssub.s32 s0, s31;
	s9 =	sshrl.u32 s5, $0x3;
	s12 =	sadd.s32 $0xF4600, s12  }
0xc: {  	s11 =	sadd.s32 s9, s3;
	s3 =	sadd.s32 s6, s9;
	s13 =	sadd.s32 $0x3100, s9  }
0xd: {  	s9 =	sadd.s32 s10, s9;
	s4 =	sadd.s32 $0x9300, s3;
	s5 =	sadd.s32 s6, s13  }
0xe: {  	vm0 =	vcmask $0xF0C;
	s6 =	sadd.s32 $0xC400, s3;
	s7 =	sadd.s32 $0x6200, s3;
	s8 =	sadd.s32 $0xF500, s3  }
0xf: {  	vm1 =	vcmask $0x3F0C;
	vm2 =	vcmask $0x3F08;
	vm3 =	vcmask $0x3F04;
	s10 =	sadd.s32 s10, s13;
	s11 =	sadd.s32 $0x113200, s11;
	s13 =	smax.u32 s0, $0x1  }
.LBB2_1:
0x10: {  	[tilespmem:s2], [sflag:$0x1] =	stream.linear.gather [hbm4b:s3+s2], $0xC40, $0x38;
	[tilespmem:$0x7100] =	vst v63  }
0x11: {  	_ = 	snop  }
0x12: {  	[tilespmem:s14], [sflag:$0x1] =	stream.linear.gather [hbm4b:s4+s2], $0xC40, $0x38;
	[tilespmem:$0x7100] =	vst v63  }
0x13: {  	_ = 	snop  }
0x14: {  	[tilespmem:s15], [sflag:$0x1] =	stream.linear.gather [hbm4b:s5+s2], $0xC40, $0x38;
	[tilespmem:$0x7100] =	vst v63  }
0x15: {  	_ = 	snop  }
0x16: {  	[tilespmem:s16], [sflag:$0x1] =	stream.linear.gather [hbm4b:s6+s2], $0xC40, $0x38;
	[tilespmem:$0x7100] =	vst v63  }
0x17: {  	_ = 	snop  }
0x18: {  	[tilespmem:s17], [sflag:$0x1] =	stream.linear.gather [hbm4b:s7+s2], $0xC40, $0x38;
	[tilespmem:$0x7100] =	vst v63  }
0x19: {  	_ = 	snop  }
0x1a: {  	[tilespmem:s18], [sflag:$0x1] =	stream.linear.gather [hbm4b:s8+s2], $0xC40, $0x38;
	[tilespmem:$0x7100] =	vst v63  }
0x1b: {  	_ =	swait.ge [sflag:s19], $0xC40  }
0x1c: {  	[sflag:s19] =	ssyncset.done $0x0  }
0x1d: {  	[sflag:s19] =	ssyncadd.s32 $0xFFFFF3C0  }
0x1e: {  	_ =	swait.ge [sflag:s19], $0xC40  }
0x1f: {  	[sflag:s19] =	ssyncset.done $0x0  }
0x20: {  	[sflag:s19] =	ssyncadd.s32 $0xFFFFF3C0  }
0x21: {  	_ =	swait.ge [sflag:s19], $0xC40  }
0x22: {  	[sflag:s19] =	ssyncset.done $0x0  }
0x23: {  	[sflag:s19] =	ssyncadd.s32 $0xFFFFF3C0  }
0x24: {  	_ =	swait.ge [sflag:s19], $0xC40  }
0x25: {  	[sflag:s19] =	ssyncset.done $0x0  }
0x26: {  	[sflag:s19] =	ssyncadd.s32 $0xFFFFF3C0  }
0x27: {  	_ =	swait.ge [sflag:s19], $0xC40  }
0x28: {  	[sflag:s19] =	ssyncset.done $0x0  }
0x29: {  	[sflag:s19] =	ssyncadd.s32 $0xFFFFF3C0  }
0x2a: {  	_ =	swait.ge [sflag:s19], $0xC40  }
0x2b: {  	[sflag:s19] =	ssyncset.done $0x0  }
0x2c: {  	s31 =	simm.s32 $0x0;
	[sflag:s19] =	ssyncadd.s32 $0xFFFFF3C0  }
0x2d: {  	v0 =	vld [tilespmem:s31+$0x3200]  }
0x2e: {  	v1 =	vld [tilespmem:s31+$0x3E80];
	_ =	sdelay $0x4  }
0x2f: {  	v0 =	vadd.f32 v1, v0  }
0x30: {  	s26 =	simm.s32 $0x10  }
0x31: {  	v2 =	vld [tilespmem:s26+$0x3200];
	v0 =	vmax.f32 v0, $1.000000000e+00  }
0x32: {  	v3 =	vld [tilespmem:s26+$0x3E80];
	(erf) = vrcp.f32 v0  }
0x33: {  	v5 =	vld [tilespmem:s26+$0x0]  }
0x34: {  	v4 =	vld [tilespmem:s31+$0x1900]  }
0x35: {  	v6 =	vld [tilespmem:s31+$0x2580]  }
0x36: {  	s28 =	simm.s32 $0x20;
	v7 =	vld [tilespmem:s26+$0xC80]  }
0x37: {  	v9 =	vld [tilespmem:s28+$0x3E80]  }
0x38: {  	v1 =	vld [tilespmem:s31+$0x0];
	v2 =	vadd.f32 v3, v2  }
0x39: {  	v0 =	vld [tilespmem:s31+$0xC80]  }
0x3a: {  	v11 =	vld [tilespmem:s28+$0x0];
	v2 =	vmax.f32 v2, $1.000000000e+00  }
0x3b: {  	v3 =	vld [tilespmem:s28+$0x3200];
	(erf) = vrcp.f32 v2;
	v2 =	vadd.f32 v6, v4;
	v4 =	vpop (erf)  }
0x3c: {  	v6 =	vld [tilespmem:s26+$0x1900];
	[tilespmem:s31+$0x6400] =	vst v4  }
0x3d: {  	v8 =	vmul.f32 v2, v4;
	v2 =	vld [tilespmem:s26+$0x2580]  }
0x3e: {  	v0 =	vadd.f32 v0, v1;
	_ =	sdelay $0x1  }
0x3f: {  	s29 =	simm.s32 $0x30;
	v4 =	vmul.f32 v4, v0;
	v1 =	vmul.f32 $1.442695020e+00, v8  }
0x40: {  	v3 =	vadd.f32 v9, v3;
	v12 =	vld [tilespmem:s29+$0x3200]  }
0x41: {  	v13 =	vld [tilespmem:s29+$0x3E80];
	(erf) = vpow2.f32 v1;
	v0 =	vadd.f32 v2, v6;
	v6 =	vmul.f32 $1.442695020e+00, v4;
	_ =	sdelay $0x1  }
0x42: {  	v9 =	vmax.f32 v3, $1.000000000e+00;
	(erf) = vpow2.f32 v6  }
0x43: {  	v1 =	vadd.f32 v7, v5;
	v5 =	vld [tilespmem:s28+$0xC80];
	v7 =	vpop (erf);
	(erf) = vrcp.f32 v9  }
0x44: {  	v3 =	vld [tilespmem:s29+$0x0];
	vm4 =	vgt.f32 v4, $0.0e+00;
	v0 =	vmul.f32 v0, v7  }
0x45: {  	v10 =	vld [tilespmem:s28+$0x1900];
	vm5 =	vmmov vm4;
	[tilespmem:s26+$0x6400] =	vst v7;
	v1 =	vmul.f32 v7, v1;
	v14 =	vadd.f32 v13, v12  }
0x46: {  	vm5 =	vmmov vm5;
	v2 =	vimm.f32 $0.0e+00;
	v13 =	vld [tilespmem:s28+$0x2580];
	v6 =	vmul.f32 $1.442695020e+00, v0  }
0x47: {  	v7 =	vmul.f32 $1.442695020e+00, v1;
	vm4 =	vgt.f32 v1, $0.0e+00;
	v15 =	vmax.f32 v14, $1.000000000e+00;
	v9 =	vld [tilespmem:s29+$0xC80]  }
0x48: {  	s30 =	simm.s32 $0x40;
	v12 =	vadd.f32 v5, v11;
	v5 =	vimm.f32 $0.0e+00;
	(erf) = vpow2.f32 v6  }
0x49: {  	s0 =	simm.s32 $0x140;
	v11 =	vld [tilespmem:s30+$0x3200];
	v6 =	vimm.f32 $0.0e+00;
	(erf) = vpow2.f32 v7;
	v14 =	vpop (erf);
	v7 =	vimm.f32 $0.0e+00  }
.LBB2_2:
0x4a: {  	(erf) = vrcp.f32 v15  }
0x4b: {  	p0 =	sne.s32 s0, $0x30C0;
	v16 =	vld [tilespmem:s30+$0x3E80];
	v13 =	vadd.f32 v13, v10;
	v14 =	vadd.f32 $-1.000000000e+00, v14;
	v10 =	vpop (erf);
	vm6 =	vmmov vm4  }
0x4c: {  	vm4 =	vgt.f32 v8, $0.0e+00;
	v15 =	vadd.f32 v9, v3;
	v3 =	vld [tilespmem:s30+$0x0];
	v9 =	vpop (erf);
	v17 =	vadd.f32 $-1.000000000e+00, v10  }
0x4d: {  	v10 =	vld [tilespmem:s29+$0x1900];
	v18 =	vmul.f32 v9, v12;
	v19 =	vmul.f32 v13, v9;
	[tilespmem:s28+$0x6400] =	vst v9;
	v8 =	vsel vm4, v8, v14  }
.Ltmp0:
0x4e: {  	v13 =	vld [tilespmem:s29+$0x2580];
	v14 =	vsel vm5, v4, v17;
	[tilespmem:s31+$0x5780] =	vst v8;
	v2 =	vadd.f32 v8, v2;
	v21 =	vmul.f32 v8, v8;
	(pc) =	sbr.rel @p0 .LBB2_2-.Ltmp0, $4  }
0x4f: {  	v12 =	vmovc v15;
	v4 =	vmovc v1;
	v9 =	vld [tilespmem:s30+$0xC80];
	vm4 =	vgt.f32 v18, $0.0e+00;
	v17 =	vmul.f32 $1.442695020e+00, v18;
	v20 =	vmul.f32 $1.442695020e+00, v19;
	[tilespmem:s31+$0x4B00] =	vst v14;
	s31 =	smov.u32 s26;
	s26 =	smov.u32 s28;
	s28 =	smov.u32 s29  }
0x50: {  	v1 =	vmovc v18;
	s29 =	smov.u32 s30;
	v15 =	vadd.f32 v16, v11;
	v16 =	vmul.f32 v14, v14;
	v7 =	vadd.f32 v21, v7  }
0x51: {  	vm5 =	vmmov vm6;
	s30 =	sshra.s32 s0, $0x2;
	v6 =	vadd.f32 v14, v6;
	v8 =	vmovc v0;
	v0 =	vmovc v19;
	(erf) = vpow2.f32 v20  }
0x52: {  	s0 =	sadd.s32 $0x40, s0;
	v11 =	vld [tilespmem:s30+$0x3200];
	v15 =	vmax.f32 v15, $1.000000000e+00;
	(erf) = vpow2.f32 v17;
	v14 =	vpop (erf);
	v5 =	vadd.f32 v16, v5  }
0x53: {  	v16 =	vld [tilespmem:s30+$0x3E80];
	(erf) = vrcp.f32 v15;
	v10 =	vadd.f32 v13, v10;
	v25 =	vpop (erf)  }
0x54: {  	v26 =	vpop (erf)  }
0x55: {  	v10 =	vmul.f32 v10, v26  }
0x56: {  	v12 =	vmul.f32 v26, v12  }
0x57: {  	v27 =	vmul.f32 $1.442695020e+00, v10  }
0x58: {  	v14 =	vadd.f32 $-1.000000000e+00, v14;
	v19 =	vmul.f32 $1.442695020e+00, v12;
	v11 =	vadd.f32 v16, v11  }
0x59: {  	v17 =	vld [tilespmem:s30+$0x0];
	vm6 =	vgt.f32 v8, $0.0e+00;
	v13 =	vadd.f32 $-1.000000000e+00, v25;
	(erf) = vpow2.f32 v27  }
0x5a: {  	v18 =	vld [tilespmem:s29+$0x1900];
	[tilespmem:s28+$0x6400] =	vst v26;
	v8 =	vsel vm6, v8, v14;
	v11 =	vmax.f32 v11, $1.000000000e+00;
	(erf) = vpow2.f32 v19;
	v30 =	vpop (erf)  }
0x5b: {  	v28 =	vld [tilespmem:s29+$0x2580];
	[tilespmem:s31+$0x5780] =	vst v8;
	v4 =	vsel vm5, v4, v13;
	(erf) = vrcp.f32 v11;
	v31 =	vpop (erf)  }
0x5c: {  	v29 =	vld [tilespmem:s30+$0xC80];
	[tilespmem:s31+$0x4B00] =	vst v4;
	v32 =	vpop (erf)  }
0x5d: {  	v33 =	vld [tilespmem:s30+$0x1900];
	[tilespmem:s29+$0x6400] =	vst v32  }
0x5e: {  	v20 =	vld [tilespmem:s30+$0x2580];
	_ =	sdelay $0x1  }
0x5f: {  	vm4 =	vmmov vm4;
	vm13 =	vgt.f32 v0, $0.0e+00;
	v34 =	vadd.f32 v28, v18  }
0x60: {  	v3 =	vadd.f32 v9, v3;
	vm4 =	vmmov vm4;
	v21 =	vmul.f32 v8, v8  }
0x61: {  	v2 =	vadd.f32 v8, v2;
	v35 =	vmul.f32 v4, v4;
	v36 =	vmul.f32 v34, v32;
	v37 =	vpop (erf)  }
0x62: {  	v4 =	vadd.f32 v4, v6;
	v3 =	vmul.f32 v32, v3;
	v38 =	vadd.f32 v20, v33;
	v39 =	vpop (erf)  }
0x63: {  	vm5 =	vgt.f32 v12, $0.0e+00;
	v40 =	vadd.f32 v29, v17;
	v41 =	vmul.f32 $1.442695020e+00, v36;
	v42 =	vpop (erf)  }
0x64: {  	vm14 =	vgt.f32 v10, $0.0e+00;
	v43 =	vmul.f32 $1.442695020e+00, v3;
	v14 =	vmul.f32 v38, v42  }
0x65: {  	v7 =	vadd.f32 v21, v7;
	(erf) = vpow2.f32 v41;
	v8 =	vmul.f32 v42, v40  }
0x66: {  	vm5 =	vmmov vm5;
	(erf) = vpow2.f32 v43;
	v44 =	vmul.f32 $1.442695020e+00, v14  }
0x67: {  	v15 =	vadd.f32 $-1.000000000e+00, v30;
	v11 =	vadd.f32 $-1.000000000e+00, v31;
	v45 =	vmul.f32 $1.442695020e+00, v8  }
0x68: {  	v5 =	vadd.f32 v35, v5;
	vm5 =	vmmov vm5;
	(erf) = vpow2.f32 v44  }
0x69: {  	v0 =	vsel vm13, v0, v15;
	v1 =	vsel vm4, v1, v11;
	(erf) = vpow2.f32 v45  }
0x6a: {  	v2 =	vadd.f32 v0, v2;
	v46 =	vmul.f32 v0, v0;
	vm4 =	vgt.f32 v3, $0.0e+00  }
0x6b: {  	v47 =	vmul.f32 v1, v1;
	v4 =	vadd.f32 v1, v4;
	v9 =	vadd.f32 $-1.000000000e+00, v37  }
0x6c: {  	vm15 =	vgt.f32 v36, $0.0e+00;
	v7 =	vadd.f32 v46, v7;
	v48 =	vadd.f32 $-1.000000000e+00, v39  }
0x6d: {  	vm4 =	vmmov vm4;
	v5 =	vadd.f32 v47, v5;
	v9 =	vsel vm14, v10, v9  }
0x6e: {  	vm4 =	vmmov vm4;
	v10 =	vmul.f32 v9, v9;
	v11 =	vsel vm5, v12, v48;
	v49 =	vpop (erf)  }
0x6f: {  	v2 =	vadd.f32 v9, v2;
	vm5 =	vgt.f32 v8, $0.0e+00;
	v51 =	vadd.f32 $-1.000000000e+00, v49;
	v52 =	vpop (erf)  }
0x70: {  	v50 =	vmul.f32 v11, v11;
	v4 =	vadd.f32 v11, v4;
	v12 =	vadd.f32 $-1.000000000e+00, v52  }
0x71: {  	v7 =	vadd.f32 v10, v7;
	vm5 =	vmmov vm5;
	v6 =	vsel vm15, v36, v51;
	v53 =	vpop (erf)  }
0x72: {  	v5 =	vadd.f32 v50, v5;
	v3 =	vsel vm4, v3, v12;
	v2 =	vadd.f32 v6, v2;
	v54 =	vpop (erf)  }
0x73: {  	v55 =	vmul.f32 v6, v6;
	v56 =	vmul.f32 v3, v3;
	v12 =	vadd.f32 $-1.000000000e+00, v54  }
0x74: {  	vm4 =	vmmov vm5;
	v4 =	vadd.f32 v3, v4;
	v10 =	vadd.f32 $-1.000000000e+00, v53  }
0x75: {  	vm5 =	vgt.f32 v14, $0.0e+00;
	v5 =	vadd.f32 v56, v5;
	v8 =	vsel vm4, v8, v12  }
0x76: {  	v10 =	vsel vm5, v14, v10;
	v12 =	vmul.f32 v8, v8;
	v4 =	vadd.f32 v8, v4  }
0x77: {  	v7 =	vadd.f32 v55, v7;
	v2 =	vadd.f32 v10, v2;
	v57 =	vmul.f32 v10, v10  }
0x78: {  	v5 =	vadd.f32 v12, v5;
	(xrf2) =	vadd.scan.msk.f32 $0xffff, v4  }
0x79: {  	v58 =	vadd.f32 v57, v7;
	(xrf2) =	vadd.scan.msk.f32 $0xffff, v2  }
0x7a: {  	(xrf2) =	vadd.scan.msk.f32 $0xffff, v5  }
0x7b: {  	(xrf2) =	vadd.scan.msk.f32 $0xffff, v58;
	_ =	sdelay $0x6  }
0x7c: {  	v59, _, _ =	vpop (xrf2)  }
0x7d: {  	[tilespmem:s26+$0x5780] =	vst v0;
	v60, _, _ =	vpop (xrf2)  }
0x7e: {  	[tilespmem:s26+$0x4B00] =	vst v1;
	v61, _, _ =	vpop (xrf2)  }
0x7f: {  	[tilespmem:s30+$0x6400] =	vst v42;
	v62, _, _ =	vpop (xrf2)  }
0x80: {  	[tilespmem:s28+$0x5780] =	vst v9;
	v1 =	vbroadcast v62, $0xF  }
0x81: {  	[tilespmem:s28+$0x4B00] =	vst v11;
	v0 =	vbroadcast v61, $0xF  }
0x82: {  	[tilespmem:s29+$0x5780] =	vst v6;
	v4 =	vbroadcast v60, $0xF;
	v1 =	vnsel vm0, $0x0, v1  }
0x83: {  	[tilespmem:s29+$0x4B00] =	vst v3;
	v63 =	vbroadcast v59, $0xF;
	v0 =	vsel vm1, v1, v0  }
0x84: {  	[tilespmem:s30+$0x5780] =	vst v10;
	v0 =	vsel vm2, v0, v4  }
0x85: {  	[tilespmem:s30+$0x4B00] =	vst v8;
	v0 =	vsel vm3, v0, v63  }
0x86: {  	[tilespmem:$0x7080] =	vst v0  }
0x87: {  	[hbm4b:s9+s2] =	stream.linear.scatter [tilespmem:s20], [sflag:$0x2], $0xC40, $0x38;
	[tilespmem:$0x7100] =	vst v63  }
0x88: {  	_ =	swait.ge [sflag:s21], $0xC40  }
0x89: {  	[sflag:s21] =	ssyncset.done $0x0  }
0x8a: {  	[sflag:s21] =	ssyncadd.s32 $0xFFFFF3C0  }
0x8b: {  	[hbm4b:s10+s2] =	stream.linear.scatter [tilespmem:s22], [sflag:$0x2], $0xC40, $0x38;
	[tilespmem:$0x7100] =	vst v63  }
0x8c: {  	_ =	swait.ge [sflag:s21], $0xC40  }
0x8d: {  	[sflag:s21] =	ssyncset.done $0x0  }
0x8e: {  	[sflag:s21] =	ssyncadd.s32 $0xFFFFF3C0  }
0x8f: {  	[hbm4b:s11+s2] =	stream.linear.scatter [tilespmem:s23], [sflag:$0x2], $0xC40, $0x38;
	[tilespmem:$0x7100] =	vst v63  }
0x90: {  	s25 =	sadd.s32 $0x1, s25;
	_ =	swait.ge [sflag:s21], $0xC40  }
0x91: {  	p0 =	sne.s32 s25, s13;
	[sflag:s21] =	ssyncset.done $0x0  }
.Ltmp1:
0x92: {  	[sflag:s21] =	ssyncadd.s32 $0xFFFFF3C0;
	(pc) =	sbr.rel @p0 .LBB2_1-.Ltmp1, $4  }
0x93: {  	[hbm4b:s12+s2] =	stream.linear.scatter [tilespmem:s24], [sflag:$0x2], $0x10, $0x38;
	[tilespmem:$0x7100] =	vst v63  }
0x94: {  	_ =	swait.ge [sflag:s21], $0x10  }
0x95: {  	[sflag:s21] =	ssyncset.done $0x0  }
0x96: {  	[sflag:s21] =	ssyncadd.s32 $0xFFFFFFF0  }
0x97: {  	_ =	sfence.sel $0x180000  }
0x98: {  	[bflag:$0x0] =	sbarrier.arrive $0xFFFF  }
0x99: {  	_ =	strace $0x9000004A  }
0x9a: {  	[bflag:$0x2] =	sbarrier.arrive $0xFFFF  }
0x9b: {  	p0 =	sne.s32 s1, $0x0;
	s0 =	rddreg [dreg:$0x1]  }
0x9c: {  	s0 =	sadd.s32 @!p0 $0x100000, s0  }
0x9d: {  	[sflag:s0] =	ssyncadd.tile.s32 @!p0 $0x1;
	_ =	shalt  }
.Lfunc_end2:
_tile_overlayer_lowered:
.L_overlay_start_2:
0x9e: {  	(tag) =	ssettag $0x2  }
0x9f: {  	s0 =	rddreg [dreg:$0x0];
	s2 =	stileid.u32  }
0xa0: {  	s1 =	rddreg [dreg:$0x1];
	p0 =	sne.s32 s2, $0x0  }
0xa1: {  	s3 =	rddreg [dreg:$0x2];
	[bflag:$0x3] =	sbarrier.arrive $0xFFFF;
	s2 =	simm.s32 @!p0 $0x1C02  }
0xa2: {  	[timem:s3], [sflag:s2] =	dma.local @!p0 [hbm:s0], s1  }
0xa3: {  	s0 =	simm.s32 @!p0 $0x2  }
0xa4: {  	_ =	swait.ge @!p0 [sflag:s0], s1  }
0xa5: {  	s1 =	ssub.s32 @!p0 $0x0, s1;
	[sflag:s0] =	ssyncset.done @!p0 $0x0  }
0xa6: {  	[sflag:s0] =	ssyncadd.s32 @!p0 s1  }
0xa7: {  	[bflag:$0x3] =	sbarrier.arrive $0xFFFF  }
0xa8: {  	_ =	shalt  }

// kernel: kernel.13.cloned.1.call-start
scs
__scs_entry_jumppad:
0x0: {  	(pc) =	sbr.rel $0x88, $3  }
0x1: {  	(tag) =	ssettag $0x0;
	lr =	simm.s32 $0x1  }
0x2: {  	[smem:$0x3F96] =	sst lr;
	_ =	strace $0xD0000000  }
0x3: {  	_ = 	snop  }
0x4: {  	_ = 	snop  }
0x5: {  	_ = 	snop  }
0x6: {  	_ = 	snop  }
0x7: {  	_ = 	snop  }
__scs_overlays_trampoline_lowered:
0x8: {  	[smem:$0x3FA5] =	sst s0  }
0x9: {  	[smem:$0x3FA6] =	sst s1  }
0xa: {  	[smem:$0x3FA7] =	sst s2  }
0xb: {  	[smem:$0x3FA8] =	sst s3  }
0xc: {  	[smem:$0x3FA9] =	sst s4  }
0xd: {  	[smem:$0x3FAA] =	sst s5  }
0xe: {  	[smem:$0x3FAB] =	sst s6  }
0xf: {  	[smem:$0x3FAC] =	sst s7  }
0x10: {  	[smem:$0x3FAD] =	sst s8  }
0x11: {  	[smem:$0x3FAE] =	sst s9;
	s0 =	simm.s32 @!p0 $0x0  }
0x12: {  	s1 =	sld [smem:$0x3F94];
	s0 =	simm.s32 @p0 $0x1  }
0x13: {  	[smem:$0x3FAF] =	sst s0;
	s0 =	simm.s32 @!p1 $0x0  }
0x14: {  	s2 =	sld [smem:$0x3F93];
	s0 =	simm.s32 @p1 $0x1  }
0x15: {  	[smem:$0x3FB0] =	sst s0;
	s0 =	simm.s32 @!p2 $0x0  }
0x16: {  	s3 =	sld [smem:$0x3FDB];
	s0 =	simm.s32 @p2 $0x1  }
0x17: {  	s4 =	simm.s32 $0x1BF5;
	[smem:$0x3FB2] =	sst s0  }
0x18: {  	s0 =	sld [smem:$0x3F95];
	_ =	swait.ge [sflag:s4], $0x0  }
0x19: {  	s7 =	sld [smem:$0x3F96]  }
0x1a: {  	s8 =	sadd.s32 $0xFFFFE003, lr  }
0x1b: {  	s9 =	sadd.s32 $0xFFFFFEF7, lr;
	s5 =	simm.s32 $0xFFFFFFFF;
	p2 =	slt.u32 s8, $0xFFFFF086  }
0x1c: {  	p1 =	slt.u32 s9, $0xF7A;
	s5 =	simm.s32 @!p2 $0x0  }
0x1d: {  	s5 =	simm.s32 @p1 $0x1;
	p0 =	seq.s32 s7, s2  }
0x1e: {  	s7 =	smul.u32 @!p0 $0xF7A, s2;
	p2 =	seq.s32 @!p0 s5, $0x0  }
0x1f: {  	s9 =	smul.u32 $0xF7A, s1;
	s8 =	simm.s32 @!p0 $0x1BF5;
	p2 =	por !p2, p0  }
0x20: {  	[sflag:s8] =	ssyncset.s32 @!p0 $0xFFFFF086;
	s6 =	sadd.s32 @!p0 s3, s7;
	s7 =	simm.s32 @!p0 $0x108  }
0x21: {  	s3 =	sadd.s32 s3, s9;
	s6 =	sadd.s32 @!p0 $0x88, s6;
	s7 =	simm.s32 @p2 $0x1082  }
0x22: {  	[simem:s7], [sflag:s8] =	dma.local @!p0 [hbm:s6], $0xF7A  }
0x23: {  	s9 =	sor.u32 $0xD0000000, s2;
	s6 =	simm.s32 $0x108;
	_ =	swait.ge @!p0 [sflag:s8], $0x0  }
0x24: {  	s3 =	sadd.s32 $0x88, s3;
	s6 =	simm.s32 @!p1 $0x1082;
	[sflag:s4] =	ssyncset.s32 $0xFFFFF086  }
0x25: {  	[simem:s6], [sflag:s4] =	dma.local [hbm:s3], $0xF7A  }
0x26: {  	[smem:$0x3F96] =	sst s1;
	(tag) =	ssettag s2;
	_ =	strace s9  }
0x27: {  	s1 =	sld [smem:$0x3FA6]  }
0x28: {  	s2 =	sld [smem:$0x3FA7]  }
0x29: {  	s4 =	sld [smem:$0x3FA9]  }
0x2a: {  	p0 =	seq.s32 s5, $0x0;
	s5 =	sld [smem:$0x3FAA]  }
0x2b: {  	s6 =	sld [smem:$0x3FAB]  }
0x2c: {  	s7 =	sld [smem:$0x3FAC]  }
0x2d: {  	s3 =	simm.s32 $0x108;
	s8 =	sld [smem:$0x3FAD]  }
0x2e: {  	s3 =	simm.s32 @!p0 $0x1082;
	s9 =	sld [smem:$0x3FAE]  }
0x2f: {  	lr =	sadd.s32 s0, s3;
	s0 =	sld [smem:$0x3FA5]  }
0x30: {  	s3 =	sld [smem:$0x3FA8]  }
0x31: {  	[smem:$0x3FB1] =	sst s10  }
0x32: {  	s10 =	sld [smem:$0x3FAF];
	_ =	sdelay $0x3  }
0x33: {  	p0 =	seq.s32 s10, $0x1;
	s10 =	sld [smem:$0x3FB1];
	_ =	sdelay $0x3  }
0x34: {  	[smem:$0x3FB1] =	sst s10  }
0x35: {  	s10 =	sld [smem:$0x3FB0];
	_ =	sdelay $0x3  }
0x36: {  	p1 =	seq.s32 s10, $0x1;
	s10 =	sld [smem:$0x3FB1];
	_ =	sdelay $0x3  }
0x37: {  	[smem:$0x3FB1] =	sst s10  }
0x38: {  	s10 =	sld [smem:$0x3FB2]  }
0x39: {  	_ = 	snop;
	(pc) =	sbr.ind lr, $3  }
0x3a: {  	_ = 	snop  }
0x3b: {  	_ = 	snop  }
0x3c: {  	p2 =	seq.s32 s10, $0x1;
	s10 =	sld [smem:$0x3FB1]  }
0x3d: {  	_ =	shalt  }
0x3e: {  	_ =	shalt  }
0x3f: {  	_ =	shalt  }
0x40: {  	_ =	shalt  }
0x41: {  	_ =	shalt  }
0x42: {  	_ =	shalt  }
0x43: {  	_ =	shalt  }
0x44: {  	_ =	shalt  }
0x45: {  	_ =	shalt  }
0x46: {  	_ =	shalt  }
0x47: {  	_ =	shalt  }
0x48: {  	_ =	shalt  }
0x49: {  	_ =	shalt  }
0x4a: {  	_ =	shalt  }
0x4b: {  	_ =	shalt  }
0x4c: {  	_ =	shalt  }
0x4d: {  	_ =	shalt  }
0x4e: {  	_ =	shalt  }
0x4f: {  	_ =	shalt  }
0x50: {  	_ =	shalt  }
0x51: {  	_ =	shalt  }
0x52: {  	_ =	shalt  }
0x53: {  	_ =	shalt  }
0x54: {  	_ =	shalt  }
0x55: {  	_ =	shalt  }
0x56: {  	_ =	shalt  }
0x57: {  	_ =	shalt  }
0x58: {  	_ =	shalt  }
0x59: {  	_ =	shalt  }
0x5a: {  	_ =	shalt  }
0x5b: {  	_ =	shalt  }
0x5c: {  	_ =	shalt  }
0x5d: {  	_ =	shalt  }
0x5e: {  	_ =	shalt  }
0x5f: {  	_ =	shalt  }
0x60: {  	_ =	shalt  }
0x61: {  	_ =	shalt  }
0x62: {  	_ =	shalt  }
0x63: {  	_ =	shalt  }
0x64: {  	_ =	shalt  }
0x65: {  	_ =	shalt  }
0x66: {  	_ =	shalt  }
0x67: {  	_ =	shalt  }
0x68: {  	_ =	shalt  }
0x69: {  	_ =	shalt  }
0x6a: {  	_ =	shalt  }
0x6b: {  	_ =	shalt  }
0x6c: {  	_ =	shalt  }
0x6d: {  	_ =	shalt  }
0x6e: {  	_ =	shalt  }
0x6f: {  	_ =	shalt  }
0x70: {  	_ =	shalt  }
0x71: {  	_ =	shalt  }
0x72: {  	_ =	shalt  }
0x73: {  	_ =	shalt  }
0x74: {  	_ =	shalt  }
0x75: {  	_ =	shalt  }
0x76: {  	_ =	shalt  }
0x77: {  	_ =	shalt  }
0x78: {  	_ =	shalt  }
0x79: {  	_ =	shalt  }
0x7a: {  	_ =	shalt  }
0x7b: {  	_ =	shalt  }
0x7c: {  	_ =	shalt  }
0x7d: {  	_ =	shalt  }
0x7e: {  	_ =	shalt  }
0x7f: {  	_ =	shalt  }
0x80: {  	_ =	shalt  }
0x81: {  	_ =	shalt  }
0x82: {  	_ =	shalt  }
0x83: {  	_ =	shalt  }
0x84: {  	_ =	shalt  }
0x85: {  	_ =	shalt  }
0x86: {  	_ =	shalt  }
0x87: {  	_ =	shalt  }
.Lfunc_end0:
.L_simem_size_0:
called_computation.2_lowered:
.L_overlay_start_0:
0x88: {  	s2 =	sld [smem:$0x3FD9]  }
0x89: {  	s3 =	sld [smem:$0x3FFE];
	_ =	sdelay $0x1  }
0x8a: {  	s1 =	srdreg.scid  }
0x8b: {  	s0 =	sand.u32 $0x1, s1  }
0x8c: {  	s17 =	sshll.u32 s0, $0xA;
	s2 =	sadd.s32 s3, s2  }
0x8d: {  	s2 =	sadd.s32 s2, s17  }
0x8e: {  	[smem:$0x3FBD] =	sst s2  }
0x8f: {  	_ = 	snop  }
0x90: {  	s2 =	sld [smem:$0x3FD0];
	(tm) =	ssettm $0x1  }
0x91: {  	s18 =	sld [smem:$0x3FFB];
	_ =	sdelay $0x3  }
0x92: {  	_ =	strace s18  }
0x93: {  	s3 =	sld [smem:$0x3FFC];
	_ =	sdelay $0x3  }
0x94: {  	_ =	strace s3  }
0x95: {  	s3 =	sld [smem:$0x3FFD];
	_ =	sdelay $0x3  }
0x96: {  	_ =	strace s3  }
0x97: {  	_ =	strace $0x8FFFFFFF  }
0x98: {  	s19 =	sld [smem:$0x3FDB];
	_ =	sdelay $0x1  }
0x99: {  	s4 =	simm.s32 $_scs_section_size  }
0x9a: {  	s5 =	simm.s32 $_size__tile_overlayer_lowered;
	s6 =	simm.s32 $_tile_overlayer_lowered  }
0x9b: {  	s22 =	simm.s32 $0x1BFF;
	s21 =	sshll.u32 s6, $0x1;
	s3 =	sadd.s32 s4, s19  }
0x9c: {  	s7 =	simm.s32 $0x0;
	s20 =	sshll.u32 s5, $0x1;
	s5 =	sadd.s32 s21, s3  }
0x9d: {  	[timem:s7], [sflag:s22] =	dma.local [hbm:s5], s20  }
0x9e: {  	_ =	swait.ge [sflag:s22], s20  }
0x9f: {  	s4 =	ssub.s32 $0x0, s20;
	[sflag:s22] =	ssyncset.done $0x0  }
0xa0: {  	[sflag:s22] =	ssyncadd.s32 s4;
	_ =	sdelay $0x1  }
0xa1: {  	s23 =	simm.s32 $0x1B8B  }
0xa2: {  	_ =	swait.ge [sflag:s23], $0x1  }
0xa3: {  	[sflag:s23] =	ssyncset.done $0x0  }
0xa4: {  	s25 =	simm.s32 $0x1B8E;
	s24 =	sld [smem:$0x3FFE];
	[sflag:s23] =	ssyncadd.s32 $0xFFFFFFFF  }
0xa5: {  	s26 =	simm.s32 $execute0_lowered;
	[smem:$0x3FD2] =	sst s25  }
0xa6: {  	s5 =	sshll.u32 s26, $0x1;
	_ =	strace $0x8000004C;
	[dreg:$0x1] =	wrdreg $0xFFFFFFFF  }
0xa7: {  	s28 =	simm.s32 $_size_execute0_lowered;
	s3 =	sadd.s32 s3, s5;
	[dreg:$0x0] =	wrdreg $0x0  }
0xa8: {  	s5 =	sshll.u32 s28, $0x1;
	[dreg:$0x2] =	wrdreg s3  }
0xa9: {  	[dreg:$0x3] =	wrdreg s5  }
0xaa: {  	[dreg:$0x4] =	wrdreg $0xC0  }
0xab: {  	_ =	task [dreg:s7], $0x5FFFF  }
0xac: {  	[dreg:$0x1] =	wrdreg $0xFFFFFFFF  }
0xad: {  	[dreg:$0x0] =	wrdreg $0x60  }
0xae: {  	[dreg:$0x2] =	wrdreg s24  }
0xaf: {  	[dreg:$0x3] =	wrdreg s2  }
0xb0: {  	[dreg:$0x4] =	wrdreg $0x9  }
0xb1: {  	_ =	task.clear_ibuf [dreg:s7], $0x5FFFF;
	_ =	strace $0x9000004C  }
0xb2: {  	s29 =	simm.s32 $0x9;
	_ =	strace $0x8000004E  }
0xb3: {  	_ =	swait.ge [sflag:s29], $0x1  }
0xb4: {  	[sflag:s29] =	ssyncadd.s32 $0xFFFFFFFF  }
0xb5: {  	_ =	strace $0x9000004E  }
0xb6: {  	_ =	sfence  }
0xb7: {  	s30 =	sld [smem:$0x0];
	_ =	sdelay $0x2  }
0xb8: {  	s31 =	sshll.u32 s1, $0xD;
	s1 =	sshrl.u32 s1, $0x2  }
0xb9: {  	s3 =	sand.u32 $0x4000, s31;
	s1 =	sadd.s32 s1, s30  }
0xba: {  	s0 =	sor.u32 s3, s0;
	s1 =	sshll.u32 s1, $0x11  }
0xbb: {  	s0 =	sor.u32 s1, s0  }
0xbc: {  	s0 =	sadd.s32 $0x8F2B, s0  }
0xbd: {  	[sflag:s0] =	ssyncadd.remote.s32 $0x1  }
0xbe: {  	_ =	sfence.sel $0xFFFF  }
0xbf: {  	[dreg:$0x0] =	wrdreg $0xFFFFFFFF;
	(pc) =	sbr.abs _section_cstart, $3  }
0xc0: {  	[dreg:$0x1] =	wrdreg $0xFFFFFFFF  }
0xc1: {  	_ =	task.clear_ibuf [dreg:s7], $0x2FFFF;
	_ =	strace $0x9FFFFFFF  }
0xc2: {  	(tm) =	ssettm $0x7FFFFFFF  }
0xc3: {  	_ =	shalt  }
tec
execute0_lowered:
.L_overlay_start_1:
0x0: {  	(tag) =	ssettag $0x1  }
0x1: {  	s5 =	rddreg [dreg:$0x0]  }
0x2: {  	s0 =	srdreg.scid;
	s2 =	rddreg [dreg:$0x1]  }
0x3: {  	s3 =	simm.s32 $0x0;
	s8 =	simm.s32 $0xC80;
	s4 =	sand.u32 $0x1, s0  }
0x4: {  	s9 =	simm.s32 $0x2580;
	s0 =	stileid.u32;
	s1 =	sshll.u32 s4, $0x4  }
0x5: {  	s10 =	simm.s32 $0x2;
	s11 =	simm.s32 $0x1;
	s1 =	sor.u32 s0, s1  }
0x6: {  	s12 =	simm.s32 $0x1900;
	s4 =	ssub.s32 $0x2, s4;
	s6 =	smul.u32 $0xC40, s1  }
0x7: {  	s13 =	simm.s32 $0x0;
	[smem:$0x7FF] =	sst s3;
	s31 =	sshrl.u32 s4, $0x1  }
0x8: {  	s1 =	rddreg [dreg:$0x2];
	s7 =	ssub.s32 s4, s31;
	s6 =	sshrl.u32 s6, $0x3  }
0x9: {  	_ =	strace $0x8000004D;
	s7 =	smax.u32 s7, $0x1;
	s6 =	sadd.s32 s6, s5  }
0xa: {  	s4 =	sadd.s32 $0x10D000, s6;
	s5 =	sadd.s32 $0x110100, s6;
	s6 =	sadd.s32 $0xF4600, s6  }
.LBB2_1:
0xb: {  	[tilespmem:s3], [sflag:$0x1] =	stream.linear.gather [hbm4b:s4+s3], $0xC40, $0x38;
	[tilespmem:$0x2600] =	vst v63  }
0xc: {  	_ = 	snop  }
0xd: {  	[tilespmem:s8], [sflag:$0x1] =	stream.linear.gather [hbm4b:s5+s3], $0xC40, $0x38;
	[tilespmem:$0x2600] =	vst v63  }
0xe: {  	_ = 	snop  }
0xf: {  	[tilespmem:s9], [sflag:$0x2] =	stream.linear.gather [hbm4b:s2+s3], $0x80, $0x38;
	[tilespmem:$0x2600] =	vst v63  }
0x10: {  	_ =	swait.ge [sflag:s10], $0x80  }
0x11: {  	[sflag:s10] =	ssyncset.done $0x0  }
0x12: {  	[sflag:s10] =	ssyncadd.s32 $0xFFFFFF80  }
0x13: {  	_ =	swait.ge [sflag:s11], $0xC40  }
0x14: {  	[sflag:s11] =	ssyncset.done $0x0  }
0x15: {  	[sflag:s11] =	ssyncadd.s32 $0xFFFFF3C0  }
0x16: {  	_ =	swait.ge [sflag:s11], $0xC40  }
0x17: {  	[sflag:s11] =	ssyncset.done $0x0  }
0x18: {  	[sflag:s11] =	ssyncadd.s32 $0xFFFFF3C0  }
0x19: {  	v3 =	vld [tilespmem:$0x2580]  }
0x1a: {  	s14 =	simm.s32 $0x0  }
0x1b: {  	v4 =	vld [tilespmem:s14+$0x0]  }
0x1c: {  	v5 =	vld [tilespmem:s14+$0xC80];
	_ =	sdelay $0x1  }
0x1d: {  	v0 =	vbroadcast v3, $0x0  }
0x1e: {  	v2 =	vbroadcast v3, $0x1  }
0x1f: {  	v1 =	vbroadcast v3, $0x2;
	v4 =	vmul.f32 v4, v0  }
0x20: {  	s15 =	simm.s32 $0x10;
	v3 =	vbroadcast v3, $0x3;
	v5 =	vmul.f32 v5, v2  }
0x21: {  	v6 =	vadd.f32 v4, v1;
	v4 =	vld [tilespmem:s15+$0x0]  }
0x22: {  	v7 =	vadd.f32 v5, v3;
	v5 =	vld [tilespmem:s15+$0xC80];
	_ =	sdelay $0x2  }
0x23: {  	s16 =	simm.s32 $0x80;
	v6 =	vadd.s32 $0x8000, v6;
	v7 =	vadd.s32 $0x8000, v7  }
.LBB2_2:
0x24: {  	s17 =	sshra.s32 s16, $0x2;
	v7 =	vand.u32 $0xFFFF0000, v7;
	v6 =	vshrl.u32 v6, $0x10;
	p0 =	sne.s32 s16, $0x30C0  }
.Ltmp0:
0x25: {  	s16 =	sadd.s32 $0x40, s16;
	v8 =	vmul.f32 v4, v0;
	v4 =	vld [tilespmem:s17+$0x0];
	v9 =	vmul.f32 v5, v2;
	v6 =	vor.u32 v6, v7;
	(pc) =	sbr.rel @p0 .LBB2_2-.Ltmp0, $3  }
0x26: {  	v5 =	vld [tilespmem:s17+$0xC80];
	[tilespmem:s14+$0x1900] =	vst v6;
	s14 =	smov.u32 s15;
	s15 =	smov.u32 s17  }
0x27: {  	v6 =	vadd.f32 v8, v1;
	v7 =	vadd.f32 v9, v3;
	_ =	sdelay $0x1  }
0x28: {  	v6 =	vadd.s32 $0x8000, v6;
	v7 =	vadd.s32 $0x8000, v7  }
0x29: {  	_ = 	snop  }
0x2a: {  	v0 =	vmul.f32 v4, v0;
	v2 =	vmul.f32 v5, v2;
	_ =	sdelay $0x1  }
0x2b: {  	v0 =	vadd.f32 v0, v1;
	v61 =	vadd.f32 v2, v3  }
0x2c: {  	v62 =	vand.u32 $0xFFFF0000, v7  }
0x2d: {  	v63 =	vshrl.u32 v6, $0x10;
	v0 =	vadd.s32 $0x8000, v0;
	v1 =	vadd.s32 $0x8000, v61  }
0x2e: {  	s13 =	sadd.s32 $0x1, s13;
	v2 =	vor.u32 v63, v62;
	v0 =	vshrl.u32 v0, $0x10;
	v1 =	vand.u32 $0xFFFF0000, v1  }
0x2f: {  	p0 =	sne.s32 s13, s7;
	[tilespmem:s14+$0x1900] =	vst v2;
	v0 =	vor.u32 v0, v1  }
.Ltmp1:
0x30: {  	[tilespmem:s15+$0x1900] =	vst v0;
	(pc) =	sbr.rel @p0 .LBB2_1-.Ltmp1, $4  }
0x31: {  	[hbm4b:s6+s3] =	stream.linear.scatter [tilespmem:s12], [sflag:$0x2], $0xC40, $0x38;
	[tilespmem:$0x2600] =	vst v63  }
0x32: {  	_ =	swait.ge [sflag:s10], $0xC40  }
0x33: {  	[sflag:s10] =	ssyncset.done $0x0  }
0x34: {  	[sflag:s10] =	ssyncadd.s32 $0xFFFFF3C0  }
0x35: {  	_ =	sfence.sel $0x180000  }
0x36: {  	[bflag:$0x0] =	sbarrier.arrive $0xFFFF  }
0x37: {  	p0 =	sne.s32 s0, $0x0;
	_ =	strace $0x9000004D  }
0x38: {  	s0 =	sadd.s32 @!p0 $0x100000, s1;
	[bflag:$0x2] =	sbarrier.arrive $0xFFFF  }
0x39: {  	[sflag:s0] =	ssyncadd.tile.s32 @!p0 $0x1;
	_ =	shalt  }
.Lfunc_end2:
_tile_overlayer_lowered:
.L_overlay_start_2:
0x3a: {  	(tag) =	ssettag $0x2  }
0x3b: {  	s0 =	rddreg [dreg:$0x0];
	s2 =	stileid.u32  }
0x3c: {  	s1 =	rddreg [dreg:$0x1];
	p0 =	sne.s32 s2, $0x0  }
0x3d: {  	s3 =	rddreg [dreg:$0x2];
	[bflag:$0x3] =	sbarrier.arrive $0xFFFF;
	s2 =	simm.s32 @!p0 $0x1C02  }
0x3e: {  	[timem:s3], [sflag:s2] =	dma.local @!p0 [hbm:s0], s1  }
0x3f: {  	s0 =	simm.s32 @!p0 $0x2  }
0x40: {  	_ =	swait.ge @!p0 [sflag:s0], s1  }
0x41: {  	s1 =	ssub.s32 @!p0 $0x0, s1;
	[sflag:s0] =	ssyncset.done @!p0 $0x0  }
0x42: {  	[sflag:s0] =	ssyncadd.s32 @!p0 s1  }
0x43: {  	[bflag:$0x3] =	sbarrier.arrive $0xFFFF  }
0x44: {  	_ =	shalt  }

// kernel: kernel.16.cloned.1.call-start
scs
__scs_entry_jumppad:
0x0: {  	(pc) =	sbr.rel $0x88, $3  }
0x1: {  	(tag) =	ssettag $0x0;
	lr =	simm.s32 $0x1  }
0x2: {  	[smem:$0x3F96] =	sst lr;
	_ =	strace $0xD0000000  }
0x3: {  	_ = 	snop  }
0x4: {  	_ = 	snop  }
0x5: {  	_ = 	snop  }
0x6: {  	_ = 	snop  }
0x7: {  	_ = 	snop  }
__scs_overlays_trampoline_lowered:
0x8: {  	[smem:$0x3FA5] =	sst s0  }
0x9: {  	[smem:$0x3FA6] =	sst s1  }
0xa: {  	[smem:$0x3FA7] =	sst s2  }
0xb: {  	[smem:$0x3FA8] =	sst s3  }
0xc: {  	[smem:$0x3FA9] =	sst s4  }
0xd: {  	[smem:$0x3FAA] =	sst s5  }
0xe: {  	[smem:$0x3FAB] =	sst s6  }
0xf: {  	[smem:$0x3FAC] =	sst s7  }
0x10: {  	[smem:$0x3FAD] =	sst s8  }
0x11: {  	[smem:$0x3FAE] =	sst s9;
	s0 =	simm.s32 @!p0 $0x0  }
0x12: {  	s1 =	sld [smem:$0x3F94];
	s0 =	simm.s32 @p0 $0x1  }
0x13: {  	[smem:$0x3FAF] =	sst s0;
	s0 =	simm.s32 @!p1 $0x0  }
0x14: {  	s2 =	sld [smem:$0x3F93];
	s0 =	simm.s32 @p1 $0x1  }
0x15: {  	[smem:$0x3FB0] =	sst s0;
	s0 =	simm.s32 @!p2 $0x0  }
0x16: {  	s3 =	sld [smem:$0x3FDB];
	s0 =	simm.s32 @p2 $0x1  }
0x17: {  	s4 =	simm.s32 $0x1BF5;
	[smem:$0x3FB2] =	sst s0  }
0x18: {  	s0 =	sld [smem:$0x3F95];
	_ =	swait.ge [sflag:s4], $0x0  }
0x19: {  	s7 =	sld [smem:$0x3F96]  }
0x1a: {  	s8 =	sadd.s32 $0xFFFFE003, lr  }
0x1b: {  	s9 =	sadd.s32 $0xFFFFFEF7, lr;
	s5 =	simm.s32 $0xFFFFFFFF;
	p2 =	slt.u32 s8, $0xFFFFF086  }
0x1c: {  	p1 =	slt.u32 s9, $0xF7A;
	s5 =	simm.s32 @!p2 $0x0  }
0x1d: {  	s5 =	simm.s32 @p1 $0x1;
	p0 =	seq.s32 s7, s2  }
0x1e: {  	s7 =	smul.u32 @!p0 $0xF7A, s2;
	p2 =	seq.s32 @!p0 s5, $0x0  }
0x1f: {  	s9 =	smul.u32 $0xF7A, s1;
	s8 =	simm.s32 @!p0 $0x1BF5;
	p2 =	por !p2, p0  }
0x20: {  	[sflag:s8] =	ssyncset.s32 @!p0 $0xFFFFF086;
	s6 =	sadd.s32 @!p0 s3, s7;
	s7 =	simm.s32 @!p0 $0x108  }
0x21: {  	s3 =	sadd.s32 s3, s9;
	s6 =	sadd.s32 @!p0 $0x88, s6;
	s7 =	simm.s32 @p2 $0x1082  }
0x22: {  	[simem:s7], [sflag:s8] =	dma.local @!p0 [hbm:s6], $0xF7A  }
0x23: {  	s9 =	sor.u32 $0xD0000000, s2;
	s6 =	simm.s32 $0x108;
	_ =	swait.ge @!p0 [sflag:s8], $0x0  }
0x24: {  	s3 =	sadd.s32 $0x88, s3;
	s6 =	simm.s32 @!p1 $0x1082;
	[sflag:s4] =	ssyncset.s32 $0xFFFFF086  }
0x25: {  	[simem:s6], [sflag:s4] =	dma.local [hbm:s3], $0xF7A  }
0x26: {  	[smem:$0x3F96] =	sst s1;
	(tag) =	ssettag s2;
	_ =	strace s9  }
0x27: {  	s1 =	sld [smem:$0x3FA6]  }
0x28: {  	s2 =	sld [smem:$0x3FA7]  }
0x29: {  	s4 =	sld [smem:$0x3FA9]  }
0x2a: {  	p0 =	seq.s32 s5, $0x0;
	s5 =	sld [smem:$0x3FAA]  }
0x2b: {  	s6 =	sld [smem:$0x3FAB]  }
0x2c: {  	s7 =	sld [smem:$0x3FAC]  }
0x2d: {  	s3 =	simm.s32 $0x108;
	s8 =	sld [smem:$0x3FAD]  }
0x2e: {  	s3 =	simm.s32 @!p0 $0x1082;
	s9 =	sld [smem:$0x3FAE]  }
0x2f: {  	lr =	sadd.s32 s0, s3;
	s0 =	sld [smem:$0x3FA5]  }
0x30: {  	s3 =	sld [smem:$0x3FA8]  }
0x31: {  	[smem:$0x3FB1] =	sst s10  }
0x32: {  	s10 =	sld [smem:$0x3FAF];
	_ =	sdelay $0x3  }
0x33: {  	p0 =	seq.s32 s10, $0x1;
	s10 =	sld [smem:$0x3FB1];
	_ =	sdelay $0x3  }
0x34: {  	[smem:$0x3FB1] =	sst s10  }
0x35: {  	s10 =	sld [smem:$0x3FB0];
	_ =	sdelay $0x3  }
0x36: {  	p1 =	seq.s32 s10, $0x1;
	s10 =	sld [smem:$0x3FB1];
	_ =	sdelay $0x3  }
0x37: {  	[smem:$0x3FB1] =	sst s10  }
0x38: {  	s10 =	sld [smem:$0x3FB2]  }
0x39: {  	_ = 	snop;
	(pc) =	sbr.ind lr, $3  }
0x3a: {  	_ = 	snop  }
0x3b: {  	_ = 	snop  }
0x3c: {  	p2 =	seq.s32 s10, $0x1;
	s10 =	sld [smem:$0x3FB1]  }
0x3d: {  	_ =	shalt  }
0x3e: {  	_ =	shalt  }
0x3f: {  	_ =	shalt  }
0x40: {  	_ =	shalt  }
0x41: {  	_ =	shalt  }
0x42: {  	_ =	shalt  }
0x43: {  	_ =	shalt  }
0x44: {  	_ =	shalt  }
0x45: {  	_ =	shalt  }
0x46: {  	_ =	shalt  }
0x47: {  	_ =	shalt  }
0x48: {  	_ =	shalt  }
0x49: {  	_ =	shalt  }
0x4a: {  	_ =	shalt  }
0x4b: {  	_ =	shalt  }
0x4c: {  	_ =	shalt  }
0x4d: {  	_ =	shalt  }
0x4e: {  	_ =	shalt  }
0x4f: {  	_ =	shalt  }
0x50: {  	_ =	shalt  }
0x51: {  	_ =	shalt  }
0x52: {  	_ =	shalt  }
0x53: {  	_ =	shalt  }
0x54: {  	_ =	shalt  }
0x55: {  	_ =	shalt  }
0x56: {  	_ =	shalt  }
0x57: {  	_ =	shalt  }
0x58: {  	_ =	shalt  }
0x59: {  	_ =	shalt  }
0x5a: {  	_ =	shalt  }
0x5b: {  	_ =	shalt  }
0x5c: {  	_ =	shalt  }
0x5d: {  	_ =	shalt  }
0x5e: {  	_ =	shalt  }
0x5f: {  	_ =	shalt  }
0x60: {  	_ =	shalt  }
0x61: {  	_ =	shalt  }
0x62: {  	_ =	shalt  }
0x63: {  	_ =	shalt  }
0x64: {  	_ =	shalt  }
0x65: {  	_ =	shalt  }
0x66: {  	_ =	shalt  }
0x67: {  	_ =	shalt  }
0x68: {  	_ =	shalt  }
0x69: {  	_ =	shalt  }
0x6a: {  	_ =	shalt  }
0x6b: {  	_ =	shalt  }
0x6c: {  	_ =	shalt  }
0x6d: {  	_ =	shalt  }
0x6e: {  	_ =	shalt  }
0x6f: {  	_ =	shalt  }
0x70: {  	_ =	shalt  }
0x71: {  	_ =	shalt  }
0x72: {  	_ =	shalt  }
0x73: {  	_ =	shalt  }
0x74: {  	_ =	shalt  }
0x75: {  	_ =	shalt  }
0x76: {  	_ =	shalt  }
0x77: {  	_ =	shalt  }
0x78: {  	_ =	shalt  }
0x79: {  	_ =	shalt  }
0x7a: {  	_ =	shalt  }
0x7b: {  	_ =	shalt  }
0x7c: {  	_ =	shalt  }
0x7d: {  	_ =	shalt  }
0x7e: {  	_ =	shalt  }
0x7f: {  	_ =	shalt  }
0x80: {  	_ =	shalt  }
0x81: {  	_ =	shalt  }
0x82: {  	_ =	shalt  }
0x83: {  	_ =	shalt  }
0x84: {  	_ =	shalt  }
0x85: {  	_ =	shalt  }
0x86: {  	_ =	shalt  }
0x87: {  	_ =	shalt  }
.Lfunc_end0:
.L_simem_size_0:
called_computation.3_lowered:
.L_overlay_start_0:
0x88: {  	s2 =	sld [smem:$0x3FD9]  }
0x89: {  	s3 =	sld [smem:$0x3FFE];
	_ =	sdelay $0x1  }
0x8a: {  	s1 =	srdreg.scid  }
0x8b: {  	s0 =	sand.u32 $0x1, s1  }
0x8c: {  	s16 =	sshll.u32 s0, $0xA;
	s2 =	sadd.s32 s3, s2  }
0x8d: {  	s2 =	sadd.s32 s2, s16  }
0x8e: {  	[smem:$0x3FBD] =	sst s2  }
0x8f: {  	_ = 	snop  }
0x90: {  	(tm) =	ssettm $0x1  }
0x91: {  	s17 =	sld [smem:$0x3FFB];
	_ =	sdelay $0x3  }
0x92: {  	_ =	strace s17  }
0x93: {  	s2 =	sld [smem:$0x3FFC];
	_ =	sdelay $0x3  }
0x94: {  	_ =	strace s2  }
0x95: {  	s2 =	sld [smem:$0x3FFD];
	_ =	sdelay $0x3  }
0x96: {  	_ =	strace s2  }
0x97: {  	_ =	strace $0x8FFFFFFF  }
0x98: {  	s18 =	sld [smem:$0x3FDB];
	_ =	sdelay $0x1  }
0x99: {  	s19 =	simm.s32 $_scs_section_size  }
0x9a: {  	s4 =	simm.s32 $_size__tile_overlayer_lowered;
	s5 =	simm.s32 $_tile_overlayer_lowered  }
0x9b: {  	s22 =	simm.s32 $0x1BFF;
	s21 =	sshll.u32 s5, $0x1;
	s2 =	sadd.s32 s19, s18  }
0x9c: {  	s6 =	simm.s32 $0x0;
	s20 =	sshll.u32 s4, $0x1;
	s4 =	sadd.s32 s21, s2  }
0x9d: {  	[timem:s6], [sflag:s22] =	dma.local [hbm:s4], s20  }
0x9e: {  	_ =	swait.ge [sflag:s22], s20  }
0x9f: {  	s3 =	ssub.s32 $0x0, s20;
	[sflag:s22] =	ssyncset.done $0x0  }
0xa0: {  	[sflag:s22] =	ssyncadd.s32 s3;
	_ =	sdelay $0x1  }
0xa1: {  	s23 =	simm.s32 $0x1B8B  }
0xa2: {  	_ =	swait.ge [sflag:s23], $0x1  }
0xa3: {  	[sflag:s23] =	ssyncset.done $0x0  }
0xa4: {  	s25 =	simm.s32 $0x1B8E;
	s24 =	sld [smem:$0x3FFE];
	[sflag:s23] =	ssyncadd.s32 $0xFFFFFFFF  }
0xa5: {  	s26 =	simm.s32 $execute0_lowered;
	[smem:$0x3FD2] =	sst s25  }
0xa6: {  	s4 =	sshll.u32 s26, $0x1;
	_ =	strace $0x8000004F;
	[dreg:$0x1] =	wrdreg $0xFFFFFFFF  }
0xa7: {  	s28 =	simm.s32 $_size_execute0_lowered;
	s2 =	sadd.s32 s2, s4;
	[dreg:$0x0] =	wrdreg $0x0  }
0xa8: {  	s4 =	sshll.u32 s28, $0x1;
	[dreg:$0x2] =	wrdreg s2  }
0xa9: {  	[dreg:$0x3] =	wrdreg s4  }
0xaa: {  	[dreg:$0x4] =	wrdreg $0xC0  }
0xab: {  	_ =	task [dreg:s6], $0x5FFFF  }
0xac: {  	[dreg:$0x1] =	wrdreg $0xFFFFFFFF  }
0xad: {  	[dreg:$0x0] =	wrdreg $0x60  }
0xae: {  	[dreg:$0x2] =	wrdreg s24  }
0xaf: {  	[dreg:$0x3] =	wrdreg $0x0  }
0xb0: {  	[dreg:$0x4] =	wrdreg $0x18800  }
0xb1: {  	[dreg:$0x5] =	wrdreg $0x31000  }
0xb2: {  	[dreg:$0x6] =	wrdreg $0x49800  }
0xb3: {  	[dreg:$0x7] =	wrdreg $0x9  }
0xb4: {  	_ =	task.clear_ibuf [dreg:s6], $0x8FFFF;
	_ =	strace $0x9000004F  }
0xb5: {  	s29 =	simm.s32 $0x9;
	_ =	strace $0x80000051  }
0xb6: {  	_ =	swait.ge [sflag:s29], $0x1  }
0xb7: {  	[sflag:s29] =	ssyncadd.s32 $0xFFFFFFFF  }
0xb8: {  	_ =	strace $0x90000051  }
0xb9: {  	_ =	sfence  }
0xba: {  	s30 =	sld [smem:$0x0];
	_ =	sdelay $0x2  }
0xbb: {  	s31 =	sshll.u32 s1, $0xD;
	s1 =	sshrl.u32 s1, $0x2  }
0xbc: {  	s3 =	sand.u32 $0x4000, s31;
	s1 =	sadd.s32 s1, s30  }
0xbd: {  	s0 =	sor.u32 s3, s0;
	s1 =	sshll.u32 s1, $0x11  }
0xbe: {  	s0 =	sor.u32 s1, s0  }
0xbf: {  	s0 =	sadd.s32 $0x8F2B, s0  }
0xc0: {  	[sflag:s0] =	ssyncadd.remote.s32 $0x1  }
0xc1: {  	_ =	sfence.sel $0xFFFF  }
0xc2: {  	[dreg:$0x0] =	wrdreg $0xFFFFFFFF;
	(pc) =	sbr.abs _section_cstart, $3  }
0xc3: {  	[dreg:$0x1] =	wrdreg $0xFFFFFFFF  }
0xc4: {  	_ =	task.clear_ibuf [dreg:s6], $0x2FFFF;
	_ =	strace $0x9FFFFFFF  }
0xc5: {  	(tm) =	ssettm $0x7FFFFFFF  }
tec
execute0_lowered:
.L_overlay_start_1:
0x0: {  	(tag) =	ssettag $0x1  }
0x1: {  	s1 =	rddreg [dreg:$0x0]  }
0x2: {  	s2 =	rddreg [dreg:$0x1]  }
0x3: {  	s3 =	rddreg [dreg:$0x2]  }
0x4: {  	s4 =	rddreg [dreg:$0x3]  }
0x5: {  	s5 =	rddreg [dreg:$0x4];
	s7 =	simm.s32 $0x0;
	s16 =	stileid.u32  }
0x6: {  	s0 =	srdreg.scid;
	s28 =	simm.s32 $0x4;
	s30 =	simm.s32 $0x1E900  }
0x7: {  	s31 =	simm.s32 $0x1EB00;
	s29 =	simm.s32 $0x1ED00;
	[smem:$0x7FF] =	sst s7  }
0x8: {  	s8 =	sadd.s32 $0x30E00, s1;
	s6 =	smul.u32 $0x1880, s16;
	s0 =	sand.u32 $0x1, s0  }
0x9: {  	s9 =	sadd.s32 $0xC3800, s1;
	s10 =	sadd.s32 $0x92A00, s1;
	s13 =	sadd.s32 $0xF4600, s1  }
0xa: {  	s17 =	sadd.s32 $0xFAA00, s1;
	_ =	strace $0x80000050;
	[dreg:$0x6] =	wrdreg s13  }
0xb: {  	s11 =	sadd.s32 $0x61C00, s1;
	s12 =	smul.u32 $0x62000, s0;
	[dreg:$0x7] =	wrdreg s17  }
0xc: {  	s14 =	ssub.s32 $0x2, s0;
	s0 =	sshll.u32 s0, $0x4;
	s17 =	simm.s32 $0xC4  }
0xd: {  	s18 =	sshrl.u32 s6, $0x3;
	s15 =	sshrl.u32 s14, $0x1;
	s19 =	sadd.s32 s6, s2  }
0xe: {  	s0 =	sor.u32 s16, s0;
	s20 =	sadd.s32 s6, s3;
	s21 =	sadd.s32 s6, s4  }
0xf: {  	s12 =	sadd.s32 s6, s12;
	s13 =	sadd.s32 s18, s1;
	[dreg:$0x8] =	wrdreg s19  }
0x10: {  	s14 =	ssub.s32 s14, s15;
	[dreg:$0xa] =	wrdreg s20;
	p0 =	slt.u32 s0, $0xA  }
0x11: {  	[dreg:$0xb] =	wrdreg s21;
	s6 =	sadd.s32 s6, s5;
	s20 =	sshll.u32 s0, $0x5  }
0x12: {  	s0 =	simm.s32 $0x1EC00;
	s21 =	simm.s32 $0x1F200;
	s15 =	simm.s32 $0x0  }
0x13: {  	s12 =	sshrl.u32 s12, $0x3;
	s13 =	sadd.s32 $0xF7800, s13;
	[dreg:$0xc] =	wrdreg s6  }
0x14: {  	s26 =	smax.u32 s14, $0x1;
	s12 =	sadd.s32 s12, s1;
	[dreg:$0x9] =	wrdreg s13  }
0x15: {  	s17 =	simm.s32 @!p0 $0xC3;
	[dreg:$0x11] =	wrdreg s26;
	s22 =	sadd.s32 $0x116400, s12  }
.Ltmp0:
0x16: {  	s23 =	sadd.s32 $0x119500, s12;
	[dreg:$0xd] =	wrdreg s22;
	(pc) =	sbr.rel .LBB2_1-.Ltmp0, $4  }
0x17: {  	s6 =	simm.s32 $0x1EA00;
	s24 =	sadd.s32 $0x11C600, s12;
	[dreg:$0xe] =	wrdreg s23  }
0x18: {  	s26 =	simm.s32 $0x6200;
	s25 =	sadd.s32 $0x11F700, s12;
	[dreg:$0xf] =	wrdreg s24  }
0x19: {  	s13 =	simm.s32 $0x100;
	s12 =	simm.s32 $0x1;
	[dreg:$0x10] =	wrdreg s25  }
0x1a: {  	s22 =	simm.s32 $0x1F300;
	s23 =	simm.s32 $0x1F400;
	s24 =	simm.s32 $0x1F500  }
.LBB2_12:
0x1b: {  	s14 =	simm.s32 $0x2  }
0x1c: {  	_ =	swait.ge [sflag:s14], $0x100  }
0x1d: {  	[sflag:s14] =	ssyncset.done $0x0  }
0x1e: {  	[sflag:s14] =	ssyncadd.s32 $0xFFFFFF00  }
0x1f: {  	_ =	swait.ge [sflag:s14], $0x100  }
0x20: {  	[sflag:s14] =	ssyncset.done $0x0  }
0x21: {  	[sflag:s14] =	ssyncadd.s32 $0xFFFFFF00  }
0x22: {  	_ =	swait.ge [sflag:s14], $0x100  }
0x23: {  	[sflag:s14] =	ssyncset.done $0x0  }
0x24: {  	[sflag:s14] =	ssyncadd.s32 $0xFFFFFF00  }
0x25: {  	_ =	swait.ge [sflag:s14], $0x100  }
0x26: {  	[sflag:s14] =	ssyncset.done $0x0  }
0x27: {  	s19 =	simm.s32 $0x3;
	[sflag:s14] =	ssyncadd.s32 $0xFFFFFF00  }
0x28: {  	_ =	swait.ge [sflag:s19], $0x100  }
0x29: {  	[sflag:s19] =	ssyncset.done $0x0  }
0x2a: {  	[sflag:s19] =	ssyncadd.s32 $0xFFFFFF00  }
0x2b: {  	_ =	swait.ge [sflag:s19], $0x100  }
0x2c: {  	[sflag:s19] =	ssyncset.done $0x0  }
0x2d: {  	[sflag:s19] =	ssyncadd.s32 $0xFFFFFF00  }
0x2e: {  	_ =	swait.ge [sflag:s19], $0x100  }
0x2f: {  	[sflag:s19] =	ssyncset.done $0x0  }
0x30: {  	[sflag:s19] =	ssyncadd.s32 $0xFFFFFF00  }
0x31: {  	_ =	swait.ge [sflag:s19], $0x100  }
0x32: {  	[sflag:s19] =	ssyncset.done $0x0  }
0x33: {  	[sflag:s19] =	ssyncadd.s32 $0xFFFFFF00  }
0x34: {  	[bflag:$0x0] =	sbarrier.arrive $0xFFFF  }
0x35: {  	s25 =	rddreg [dreg:$0xd]  }
0x36: {  	s16 =	rddreg [dreg:$0x13]  }
0x37: {  	[hbm:s25], [sflag:s15] =	dma.local [spmem:s16], $0x310  }
0x38: {  	_ =	swait.ge [sflag:s28], $0x310  }
0x39: {  	[sflag:s28] =	ssyncset.done $0x0;
	s16 =	rddreg [dreg:$0xe]  }
0x3a: {  	s18 =	rddreg [dreg:$0x14];
	[sflag:s28] =	ssyncadd.s32 $0xFFFFFCF0  }
0x3b: {  	[hbm:s16], [sflag:s15] =	dma.local [spmem:s18], $0x310  }
0x3c: {  	_ =	swait.ge [sflag:s28], $0x310  }
0x3d: {  	[sflag:s28] =	ssyncset.done $0x0;
	s19 =	rddreg [dreg:$0xf]  }
0x3e: {  	s25 =	rddreg [dreg:$0x15];
	[sflag:s28] =	ssyncadd.s32 $0xFFFFFCF0  }
0x3f: {  	[hbm:s19], [sflag:s15] =	dma.local [spmem:s25], $0x310  }
0x40: {  	_ =	swait.ge [sflag:s28], $0x310  }
0x41: {  	[sflag:s28] =	ssyncset.done $0x0;
	s16 =	rddreg [dreg:$0x10]  }
0x42: {  	s18 =	rddreg [dreg:$0x16];
	[sflag:s28] =	ssyncadd.s32 $0xFFFFFCF0  }
0x43: {  	[hbm:s16], [sflag:s15] =	dma.local [spmem:s18], $0x310  }
0x44: {  	_ =	swait.ge [sflag:s28], $0x310  }
0x45: {  	s19 =	rddreg [dreg:$0x12]  }
0x46: {  	s25 =	rddreg [dreg:$0x11];
	s15 =	sadd.s32 $0x1, s19  }
0x47: {  	p0 =	sne.s32 s15, s25  }
.Ltmp1:
0x48: {  	_ = 	snop;
	(pc) =	sbr.rel @!p0 .LBB2_13-.Ltmp1, $3  }
0x49: {  	_ =	sdelay $0x1  }
0x4a: {  	[sflag:s28] =	ssyncset.done $0x0  }
0x4b: {  	[sflag:s28] =	ssyncadd.s32 $0xFFFFFCF0  }
.LBB2_1:
0x4c: {  	[dreg:$0x12] =	wrdreg s15  }
0x4d: {  	s14 =	rddreg [dreg:$0x6]  }
0x4e: {  	[tilespmem:s26], [sflag:$0x4] =	stream.linear.gather [hbm4b:s14+s7], $0x186A0, $0x38;
	[tilespmem:$0x1F680] =	vst v63  }
0x4f: {  	_ =	swait.ge [sflag:s28], $0x186A0  }
0x50: {  	s25 =	simm.s32 $0x1F600;
	[sflag:s28] =	ssyncset.done $0x0  }
0x51: {  	s15 =	stileid.u32;
	s19 =	rddreg [dreg:$0x7];
	[sflag:s28] =	ssyncadd.s32 $0xFFFE7960  }
0x52: {  	[tilespmem:s25], [sflag:$0x4] =	stream.linear.gather [hbm4b:s19+s7], $0x80, $0x38;
	[tilespmem:$0x1F680] =	vst v63  }
0x53: {  	s14 =	sshll.u32 s15, $0x6;
	_ =	swait.ge [sflag:s28], $0x80  }
0x54: {  	s15 =	sor.u32 $0x1C04, s14;
	s16 =	rddreg [dreg:$0x8]  }
0x55: {  	[sflag:s28] =	ssyncset.done $0x0;
	s14 =	rddreg [dreg:$0x9];
	s16 =	sshrl.u32 s16, $0x3  }
0x56: {  	[sflag:s28] =	ssyncadd.s32 $0xFFFFFF80;
	[dreg:$0x13] =	wrdreg s16  }
0x57: {  	[spmem:s16], [sflag:s15] =	dma.local [hbm:s14], $0x310  }
0x58: {  	_ =	swait.ge [sflag:s28], $0x310  }
0x59: {  	s18 =	rddreg [dreg:$0xa]  }
0x5a: {  	[sflag:s28] =	ssyncset.done $0x0;
	s16 =	sshrl.u32 s18, $0x3  }
0x5b: {  	[sflag:s28] =	ssyncadd.s32 $0xFFFFFCF0;
	[dreg:$0x14] =	wrdreg s16  }
0x5c: {  	[spmem:s16], [sflag:s15] =	dma.local [hbm:s14], $0x310  }
0x5d: {  	_ =	swait.ge [sflag:s28], $0x310  }
0x5e: {  	s19 =	rddreg [dreg:$0xb]  }
0x5f: {  	[sflag:s28] =	ssyncset.done $0x0;
	s16 =	sshrl.u32 s19, $0x3  }
0x60: {  	[sflag:s28] =	ssyncadd.s32 $0xFFFFFCF0;
	[dreg:$0x15] =	wrdreg s16  }
0x61: {  	[spmem:s16], [sflag:s15] =	dma.local [hbm:s14], $0x310  }
0x62: {  	_ =	swait.ge [sflag:s28], $0x310  }
0x63: {  	s25 =	rddreg [dreg:$0xc]  }
0x64: {  	[sflag:s28] =	ssyncset.done $0x0;
	s16 =	sshrl.u32 s25, $0x3  }
0x65: {  	[sflag:s28] =	ssyncadd.s32 $0xFFFFFCF0;
	[dreg:$0x16] =	wrdreg s16  }
0x66: {  	[spmem:s16], [sflag:s15] =	dma.local [hbm:s14], $0x310  }
0x67: {  	_ =	swait.ge [sflag:s28], $0x310  }
0x68: {  	[sflag:s28] =	ssyncset.done $0x0  }
0x69: {  	[sflag:s28] =	ssyncadd.s32 $0xFFFFFCF0  }
0x6a: {  	[bflag:$0x0] =	sbarrier.arrive $0xFFFF  }
0x6b: {  	v1 =	vld [tilespmem:$0x1F610];
	_ =	sdelay $0x1  }
0x6c: {  	v3 =	vld [tilespmem:$0x1F630];
	_ =	sdelay $0x2  }
0x6d: {  	v2 =	vld [tilespmem:$0x1F620];
	v4 =	vbroadcast v1, $0x0  }
0x6e: {  	v47 =	vbroadcast v1, $0x3  }
0x6f: {  	v46 =	vbroadcast v3, $0xF;
	[tilespmem:$0x1FC70] =	vst v4  }
0x70: {  	v5 =	vbroadcast v1, $0x7;
	[tilespmem:$0x1FD20] =	vst v47  }
0x71: {  	v11 =	vbroadcast v3, $0xB;
	[tilespmem:$0x1FD30] =	vst v46  }
0x72: {  	v34 =	vbroadcast v2, $0xA;
	[tilespmem:$0x1FD50] =	vst v5  }
0x73: {  	v0 =	vld [tilespmem:$0x1F600];
	v7 =	vbroadcast v2, $0x7;
	[tilespmem:$0x1FD60] =	vst v11  }
0x74: {  	v9 =	vbroadcast v3, $0x7;
	[tilespmem:$0x1FD70] =	vst v34  }
0x75: {  	v8 =	vbroadcast v3, $0x3;
	[tilespmem:$0x1FD80] =	vst v7  }
0x76: {  	v19 =	vbroadcast v2, $0xB;
	[tilespmem:$0x1FD90] =	vst v9  }
0x77: {  	v61 =	vbroadcast v1, $0xB;
	[tilespmem:$0x1FDA0] =	vst v8  }
0x78: {  	v21 =	vbroadcast v0, $0x7;
	[tilespmem:$0x1FDB0] =	vst v19  }
0x79: {  	v23 =	vbroadcast v1, $0xF;
	[tilespmem:$0x1FDC0] =	vst v61  }
0x7a: {  	v22 =	vbroadcast v0, $0xB;
	[tilespmem:$0x1FDD0] =	vst v21  }
0x7b: {  	v18 =	vbroadcast v3, $0x9;
	[tilespmem:$0x1FDE0] =	vst v23  }
0x7c: {  	v20 =	vbroadcast v0, $0xE;
	[tilespmem:$0x1FDF0] =	vst v22  }
0x7d: {  	v35 =	vbroadcast v2, $0xE;
	[tilespmem:$0x1FE00] =	vst v18  }
0x7e: {  	v33 =	vbroadcast v0, $0xF;
	[tilespmem:$0x1FE10] =	vst v20  }
0x7f: {  	v27 =	vbroadcast v0, $0x6;
	[tilespmem:$0x1FE20] =	vst v35  }
0x80: {  	v31 =	vbroadcast v2, $0x2;
	[tilespmem:$0x1FE30] =	vst v33  }
0x81: {  	v25 =	vbroadcast v3, $0xD;
	[tilespmem:$0x1FE40] =	vst v27  }
0x82: {  	v10 =	vbroadcast v1, $0xC;
	[tilespmem:$0x1FE50] =	vst v31  }
0x83: {  	v58 =	vbroadcast v1, $0xD;
	[tilespmem:$0x1FE60] =	vst v25  }
0x84: {  	v57 =	vbroadcast v3, $0x5;
	[tilespmem:$0x1FE70] =	vst v10  }
0x85: {  	v52 =	vbroadcast v0, $0x9;
	[tilespmem:$0x1FE80] =	vst v58  }
0x86: {  	v26 =	vbroadcast v1, $0xE;
	[tilespmem:$0x1FE90] =	vst v57  }
0x87: {  	v53 =	vbroadcast v0, $0xA;
	[tilespmem:$0x1FEA0] =	vst v52  }
0x88: {  	v36 =	vbroadcast v0, $0x0;
	[tilespmem:$0x1FEB0] =	vst v26  }
0x89: {  	v6 =	vbroadcast v3, $0x2;
	[tilespmem:$0x1FEC0] =	vst v53  }
0x8a: {  	v59 =	vbroadcast v1, $0x5;
	[tilespmem:$0x1FED0] =	vst v36  }
0x8b: {  	v29 =	vbroadcast v2, $0x6;
	[tilespmem:$0x1FEE0] =	vst v6  }
0x8c: {  	v62 =	vbroadcast v0, $0x2;
	[tilespmem:$0x1FEF0] =	vst v59  }
0x8d: {  	v32 =	vbroadcast v1, $0xA;
	[tilespmem:$0x1FF00] =	vst v29  }
0x8e: {  	v41 =	vbroadcast v2, $0x0;
	[tilespmem:$0x1FF10] =	vst v62  }
0x8f: {  	v54 =	vbroadcast v1, $0x9;
	[tilespmem:$0x1FF20] =	vst v32  }
0x90: {  	v24 =	vbroadcast v3, $0x6;
	[tilespmem:$0x1FF30] =	vst v41  }
0x91: {  	v30 =	vbroadcast v3, $0xE;
	[tilespmem:$0x1FF40] =	vst v54  }
0x92: {  	v44 =	vbroadcast v0, $0x3;
	[tilespmem:$0x1FF50] =	vst v24  }
0x93: {  	v42 =	vbroadcast v3, $0x8;
	[tilespmem:$0x1FF60] =	vst v30  }
0x94: {  	v4 =	vbroadcast v1, $0x8;
	[tilespmem:$0x1FF70] =	vst v44  }
0x95: {  	v16 =	vbroadcast v1, $0x6;
	[tilespmem:$0x1FF80] =	vst v42  }
0x96: {  	[tilespmem:$0x1FC80] =	vst v4;
	v4 =	vbroadcast v2, $0x4  }
0x97: {  	v13 =	vbroadcast v1, $0x2;
	[tilespmem:$0x1FF90] =	vst v16  }
0x98: {  	[tilespmem:$0x1FC90] =	vst v4;
	v4 =	vbroadcast v2, $0x8  }
0x99: {  	v28 =	vbroadcast v3, $0xA;
	[tilespmem:$0x1FFA0] =	vst v13  }
0x9a: {  	[tilespmem:$0x1FCA0] =	vst v4;
	v4 =	vbroadcast v2, $0xC  }
0x9b: {  	v49 =	vbroadcast v2, $0xD;
	[tilespmem:$0x1FFB0] =	vst v28  }
0x9c: {  	[tilespmem:$0x1FCB0] =	vst v4;
	v4 =	vbroadcast v3, $0x4  }
0x9d: {  	v12 =	vbroadcast v2, $0x1;
	[tilespmem:$0x1FFC0] =	vst v49  }
0x9e: {  	[tilespmem:$0x1FCC0] =	vst v4;
	v4 =	vbroadcast v3, $0xC  }
0x9f: {  	v45 =	vbroadcast v1, $0x4;
	[tilespmem:$0x1FFD0] =	vst v12  }
0xa0: {  	[tilespmem:$0x1FCD0] =	vst v4;
	v4 =	vbroadcast v0, $0x5  }
0xa1: {  	v17 =	vbroadcast v2, $0x5;
	[tilespmem:$0x1FFE0] =	vst v45  }
0xa2: {  	[tilespmem:$0x1FCE0] =	vst v4;
	v4 =	vbroadcast v1, $0x1  }
.Ltmp2:
0xa3: {  	v39 =	vbroadcast v0, $0x4;
	[tilespmem:$0x1FFF0] =	vst v17;
	v1 =	vbroadcast v2, $0x3;
	(pc) =	sbr.rel .LBB2_2-.Ltmp2, $4  }
0xa4: {  	v63 =	vbroadcast v2, $0x9;
	v2 =	vbroadcast v2, $0xF;
	[tilespmem:$0x1FCF0] =	vst v4  }
0xa5: {  	v37 =	vbroadcast v0, $0x8;
	v4 =	vbroadcast v3, $0x1;
	[tilespmem:$0x1FD10] =	vst v1  }
0xa6: {  	v38 =	vbroadcast v0, $0xC;
	v40 =	vbroadcast v3, $0x0;
	[tilespmem:$0x1FD40] =	vst v2  }
0xa7: {  	s25 =	simm.s32 $0x0;
	v43 =	vbroadcast v0, $0x1;
	v56 =	vbroadcast v0, $0xD;
	[tilespmem:$0x1FD00] =	vst v4  }
.LBB2_10:
0xa8: {  	v63 =	vld [tilespmem:$0x1FD70]  }
0xa9: {  	v17 =	vadd.f32 v17, v19;
	v19 =	vld [tilespmem:$0x1FDB0]  }
0xaa: {  	v36 =	vld [tilespmem:$0x1FED0]  }
0xab: {  	v39 =	vmov v41;
	v41 =	vld [tilespmem:$0x1FF30]  }
0xac: {  	v37 =	vmov v42;
	v42 =	vld [tilespmem:$0x1FF80]  }
0xad: {  	v52 =	vld [tilespmem:$0x1FEA0]  }
0xae: {  	v38 =	vmov v43;
	v43 =	vmov v56;
	v56 =	vmov v59;
	v59 =	vld [tilespmem:$0x1FEF0]  }
0xaf: {  	v18 =	vadd.f32 v31, v34;
	v54 =	vld [tilespmem:$0x1FF40]  }
0xb0: {  	v10 =	vadd.f32 v27, v10;
	v6 =	vadd.f32 v32, v6;
	v57 =	vld [tilespmem:$0x1FE90]  }
0xb1: {  	v16 =	vadd.f32 v22, v16;
	v62 =	vld [tilespmem:$0x1FF10];
	v18 =	vadd.f32 v18, v33  }
0xb2: {  	v26 =	vadd.f32 v35, v26;
	v32 =	vld [tilespmem:$0x1FF20];
	v6 =	vadd.f32 v6, v23  }
0xb3: {  	v8 =	vadd.f32 v16, v8;
	v16 =	vadd.f32 v18, v30;
	v18 =	vld [tilespmem:$0x1FE00];
	v27 =	vmul.f32 v4, v63  }
0xb4: {  	v11 =	vadd.f32 v21, v11;
	v31 =	vld [tilespmem:$0x1FE50];
	v22 =	vadd.f32 v26, v29  }
0xb5: {  	v21 =	vld [tilespmem:$0x1FDD0];
	v2 =	vadd.f32 v6, v2;
	v10 =	vadd.f32 v10, v27;
	v27 =	vmul.f32 v4, v58  }
0xb6: {  	v26 =	vmul.f32 v1, v61;
	v29 =	vld [tilespmem:$0x1FF00];
	v0 =	vadd.f32 v22, v0  }
0xb7: {  	v33 =	vld [tilespmem:$0x1FE30];
	v2 =	vadd.f32 v2, v3;
	v4 =	vmul.f32 v4, v19;
	v8 =	vadd.f32 v8, v27  }
0xb8: {  	v23 =	vld [tilespmem:$0x1FDE0];
	v7 =	vadd.f32 v10, v7;
	v10 =	vadd.f32 v28, v26;
	v1 =	vmul.f32 v1, v18  }
0xb9: {  	v30 =	vld [tilespmem:$0x1FF60];
	v4 =	vadd.f32 v11, v4;
	v8 =	vadd.f32 v8, v15  }
0xba: {  	v22 =	vld [tilespmem:$0x1FDF0];
	v1 =	vadd.f32 v16, v1;
	v15 =	vadd.f32 v17, v20  }
0xbb: {  	v63 =	vmovc v47;
	v47 =	vld [tilespmem:$0x1FD20];
	v16 =	vshll.u32 v24, $0x10;
	v8 =	vadd.f32 v8, v9;
	v9 =	vand.u32 $0xFFFF0000, v24  }
0xbc: {  	v58 =	vld [tilespmem:$0x1FE80];
	v4 =	vadd.f32 v4, v14;
	v6 =	vmul.f32 v9, v10;
	v10 =	vadd.f32 v15, v13  }
0xbd: {  	v27 =	vld [tilespmem:$0x1FE40];
	v7 =	vadd.f32 v7, v25;
	v0 =	vmul.f32 v16, v0;
	v1 =	vmul.f32 v16, v1  }
0xbe: {  	v26 =	vld [tilespmem:$0x1FEB0];
	v4 =	vadd.f32 v4, v5;
	v2 =	vmul.f32 v9, v2;
	v3 =	vadd.f32 v10, v12  }
0xbf: {  	v28 =	vmovc v44;
	v44 =	vld [tilespmem:$0x1FF70];
	v7 =	vmul.f32 v16, v7;
	v8 =	vmul.f32 v9, v8;
	v1 =	vadd.f32 v6, v1  }
0xc0: {  	v11 =	vld [tilespmem:$0x1FD60];
	v4 =	vmul.f32 v16, v4;
	v0 =	vadd.f32 v2, v0;
	v3 =	vmul.f32 v9, v3  }
0xc1: {  	v17 =	vmov v53;
	v53 =	vld [tilespmem:$0x1FEC0];
	v5 =	vadd.f32 v8, v7;
	[tilespmem:s14+$0x1F300] =	vst v1  }
0xc2: {  	v20 =	vld [tilespmem:$0x1FE10];
	[tilespmem:s14+$0x1F200] =	vst v0;
	v1 =	vadd.f32 v3, v4  }
0xc3: {  	v25 =	vmov v61;
	v61 =	vld [tilespmem:$0x1FDC0];
	[tilespmem:s14+$0x1F400] =	vst v5  }
0xc4: {  	v24 =	vld [tilespmem:$0x1FF50];
	[tilespmem:s14+$0x1F500] =	vst v1  }
0xc5: {  	v13 =	vld [tilespmem:$0x1FFA0];
	[spmem:s2] =	stream.indirect.scatter.add.f32 [tilespmem:s21], [sflag:$0x3], $0x1, s6, s13, $0xb8  }
0xc6: {  	v16 =	vld [tilespmem:$0x1FF90]  }
0xc7: {  	v10 =	vld [tilespmem:$0x1FE70];
	[spmem:s3] =	stream.indirect.scatter.add.f32 [tilespmem:s22], [sflag:$0x3], $0x1, s6, s13, $0xb8  }
0xc8: {  	v6 =	vld [tilespmem:$0x1FEE0]  }
0xc9: {  	v7 =	vld [tilespmem:$0x1FD80];
	[spmem:s4] =	stream.indirect.scatter.add.f32 [tilespmem:s23], [sflag:$0x3], $0x1, s6, s13, $0xb8  }
0xca: {  	v5 =	vld [tilespmem:$0x1FD50]  }
0xcb: {  	v1 =	vld [tilespmem:$0x1FD10];
	[spmem:s5] =	stream.indirect.scatter.add.f32 [tilespmem:s24], [sflag:$0x3], $0x1, s6, s13, $0xb8  }
.LBB2_11:
0xcc: {  	s25 =	sadd.s32 $0x1, s25  }
0xcd: {  	p0 =	sne.s32 s25, $0x62  }
.Ltmp3:
0xce: {  	_ = 	snop;
	(pc) =	sbr.rel @!p0 .LBB2_12-.Ltmp3, $1  }
0xcf: {  	_ =	sdelay $0x3  }
.LBB2_2:
0xd0: {  	s14 =	sshll.u32 s25, $0x1  }
0xd1: {  	p0 =	slt.u32 s14, s17  }
.Ltmp4:
0xd2: {  	_ = 	snop;
	(pc) =	sbr.rel @!p0 .LBB2_3-.Ltmp4, $1  }
0xd3: {  	_ =	sdelay $0x3  }
0xd4: {  	s16 =	sshll.u32 s25, $0xB  }
0xd5: {  	s16 =	sor.u32 s20, s16  }
0xd6: {  	s18 =	sadd.s32 s8, s16  }
0xd7: {  	[tilespmem:s30], [sflag:$0x1] =	stream.linear.gather [hbm4b:s18+s7], $0x100, $0x38;
	[tilespmem:$0x1F680] =	vst v63  }
0xd8: {  	s19 =	sadd.s32 s9, s16  }
0xd9: {  	[tilespmem:s31], [sflag:$0x1] =	stream.linear.gather [hbm4b:s19+s7], $0x100, $0x38;
	[tilespmem:$0x1F680] =	vst v63  }
0xda: {  	s19 =	sadd.s32 s10, s16  }
0xdb: {  	[tilespmem:s0], [sflag:$0x1] =	stream.linear.gather [hbm4b:s19+s7], $0x100, $0x38;
	[tilespmem:$0x1F680] =	vst v63  }
0xdc: {  	s19 =	sadd.s32 s11, s16  }
0xdd: {  	[tilespmem:s29], [sflag:$0x1] =	stream.linear.gather [hbm4b:s19+s7], $0x100, $0x38;
	[tilespmem:$0x1F680] =	vst v63  }
0xde: {  	s16 =	sadd.s32 s1, s16  }
0xdf: {  	[tilespmem:s6], [sflag:$0x1] =	stream.linear.gather [hbm4b:s16+s7], $0x100, $0x38;
	[tilespmem:$0x1F680] =	vst v63  }
0xe0: {  	_ =	swait.ge [sflag:s12], $0x100  }
0xe1: {  	[sflag:s12] =	ssyncset.done $0x0  }
0xe2: {  	[sflag:s12] =	ssyncadd.s32 $0xFFFFFF00  }
0xe3: {  	_ =	swait.ge [sflag:s12], $0x100  }
0xe4: {  	[sflag:s12] =	ssyncset.done $0x0  }
0xe5: {  	[sflag:s12] =	ssyncadd.s32 $0xFFFFFF00  }
0xe6: {  	_ =	swait.ge [sflag:s12], $0x100  }
0xe7: {  	[sflag:s12] =	ssyncset.done $0x0  }
0xe8: {  	[sflag:s12] =	ssyncadd.s32 $0xFFFFFF00  }
0xe9: {  	_ =	swait.ge [sflag:s12], $0x100  }
0xea: {  	[sflag:s12] =	ssyncset.done $0x0  }
0xeb: {  	[sflag:s12] =	ssyncadd.s32 $0xFFFFFF00  }
0xec: {  	_ =	swait.ge [sflag:s12], $0x100  }
0xed: {  	p0 =	seq.s32 s25, $0x0;
	[sflag:s12] =	ssyncset.done $0x0  }
0xee: {  	s16 =	simm.s32 @!p0 $0x2;
	[sflag:s12] =	ssyncadd.s32 $0xFFFFFF00  }
0xef: {  	_ =	swait.ge @!p0 [sflag:s16], $0x100  }
0xf0: {  	[sflag:s16] =	ssyncset.done @!p0 $0x0  }
0xf1: {  	[sflag:s16] =	ssyncadd.s32 @!p0 $0xFFFFFF00  }
0xf2: {  	_ =	swait.ge @!p0 [sflag:s16], $0x100  }
0xf3: {  	[sflag:s16] =	ssyncset.done @!p0 $0x0  }
0xf4: {  	[sflag:s16] =	ssyncadd.s32 @!p0 $0xFFFFFF00  }
0xf5: {  	_ =	swait.ge @!p0 [sflag:s16], $0x100  }
0xf6: {  	[sflag:s16] =	ssyncset.done @!p0 $0x0  }
0xf7: {  	[sflag:s16] =	ssyncadd.s32 @!p0 $0xFFFFFF00  }
0xf8: {  	_ =	swait.ge @!p0 [sflag:s16], $0x100  }
0xf9: {  	[sflag:s16] =	ssyncset.done @!p0 $0x0  }
0xfa: {  	[sflag:s16] =	ssyncadd.s32 @!p0 $0xFFFFFF00;
	s16 =	simm.s32 $0x0  }
0xfb: {  	v0 =	vld [tilespmem:s16+$0x1EC00]  }
0xfc: {  	v51 =	vmov v1;
	v1 =	vld [tilespmem:s16+$0x1EB00]  }
0xfd: {  	v2 =	vld [tilespmem:s16+$0x1ED00];
	_ =	sdelay $0x2  }
0xfe: {  	v3 =	vsub.f32 $1.000000000e+00, v0  }
0xff: {  	v4 =	vsub.f32 $1.000000000e+00, v1  }
0x100: {  	v30 =	vmovc v5;
	v48 =	vmov v7;
	v5 =	vsub.f32 $1.000000000e+00, v2;
	v7 =	vmul.f32 v3, v1  }
0x101: {  	v1 =	vmul.f32 v0, v1;
	v3 =	vmul.f32 v3, v4  }
0x102: {  	v13 =	vmul.f32 v0, v4;
	v9 =	vmul.f32 v5, v7  }
0x103: {  	v60 =	vmov v11;
	v11 =	vmul.f32 v5, v3;
	v12 =	vmul.f32 v5, v1  }
0x104: {  	v55 =	vmov v28;
	v17 =	vmul.f32 v2, v13;
	v28 =	vmul.f32 v3, v2  }
0x105: {  	v5 =	vmul.f32 v5, v13;
	v8 =	vmul.f32 v9, v37  }
0x106: {  	v50 =	vmul.f32 v11, v36;
	v15 =	vmul.f32 v11, v43  }
0x107: {  	v34 =	vmov v16;
	v16 =	vmul.f32 v9, v52;
	v18 =	vmul.f32 v11, v62  }
0x108: {  	v19 =	vmul.f32 v9, v53;
	v20 =	vmul.f32 v9, v20  }
0x109: {  	v0 =	vmul.f32 v12, v23;
	v4 =	vmul.f32 v12, v54  }
0x10a: {  	v14 =	vmov v29;
	v49 =	vld [tilespmem:$0x1FCE0];
	v23 =	vmul.f32 v9, v38;
	v45 =	vmul.f32 v12, v58  }
0x10b: {  	v3 =	vmul.f32 v9, v56;
	v35 =	vadd.f32 v8, v50;
	v8 =	vmul.f32 v28, v14;
	v14 =	vld [tilespmem:$0x1FC80]  }
0x10c: {  	v27 =	vmul.f32 v11, v27;
	v13 =	vmul.f32 v17, v57  }
0x10d: {  	[tilespmem:$0x1FC20] =	vst v4;
	v4 =	vmul.f32 v12, v10;
	v10 =	vmul.f32 v28, v31  }
0x10e: {  	v31 =	vmul.f32 v11, v39;
	v18 =	vadd.f32 v19, v18;
	[tilespmem:$0x1FC50] =	vst v13;
	v13 =	vmul.f32 v12, v32  }
0x10f: {  	[tilespmem:$0x1FC30] =	vst v4;
	v4 =	vmul.f32 v12, v61;
	v61 =	vadd.f32 v16, v15;
	v15 =	vmul.f32 v11, v49  }
0x110: {  	v19 =	vadd.f32 v20, v27;
	v16 =	vmul.f32 v12, v26;
	v20 =	vmul.f32 v12, v14;
	v12 =	vld [tilespmem:$0x1FC70]  }
0x111: {  	v23 =	vadd.f32 v23, v31;
	v31 =	vmul.f32 v5, v59;
	v15 =	vadd.f32 v3, v15;
	_ =	sdelay $0x1  }
0x112: {  	v15 =	vadd.f32 v15, v31;
	_ =	sdelay $0x1  }
0x113: {  	v59 =	vmul.f32 v5, v12;
	v12 =	vadd.f32 v15, v45;
	v15 =	vld [tilespmem:$0x1FFA0];
	_ =	sdelay $0x1  }
0x114: {  	v27 =	vmul.f32 v5, v47;
	v47 =	vld [tilespmem:$0x1FCF0]  }
0x115: {  	[tilespmem:$0x1FC40] =	vst v4;
	v4 =	vld [tilespmem:$0x1FC90]  }
0x116: {  	v1 =	vmul.f32 v2, v1;
	v3 =	vld [tilespmem:$0x1FF60]  }
0x117: {  	v21 =	vmul.f32 v11, v21;
	v14 =	vld [tilespmem:$0x1FCD0];
	v26 =	vmul.f32 v5, v15  }
0x118: {  	v29 =	vmov v24;
	v24 =	vld [tilespmem:$0x1FCC0];
	v22 =	vmul.f32 v9, v22;
	v11 =	vmul.f32 v11, v44  }
0x119: {  	v9 =	vmul.f32 v9, v33;
	v18 =	vadd.f32 v18, v26;
	v26 =	vadd.f32 v35, v59;
	v59 =	vld [tilespmem:$0x1FFF0]  }
0x11a: {  	v57 =	vmul.f32 v28, v41;
	v11 =	vadd.f32 v22, v11;
	v31 =	vmul.f32 v5, v30  }
0x11b: {  	v25 =	vmovc v6;
	v41 =	vld [tilespmem:$0x1FFC0];
	v21 =	vadd.f32 v9, v21;
	v6 =	vmul.f32 v28, v4;
	v9 =	vmul.f32 v1, v3  }
0x11c: {  	v3 =	vmul.f32 v1, v14;
	v14 =	vadd.f32 v11, v27;
	v11 =	vmul.f32 v5, v47  }
0x11d: {  	v4 =	vmul.f32 v7, v2;
	v2 =	vmul.f32 v17, v24  }
0x11e: {  	v24 =	vadd.f32 v61, v11;
	v61 =	vadd.f32 v21, v31;
	v21 =	vmul.f32 v28, v59;
	_ =	sdelay $0x1  }
0x11f: {  	v27 =	vadd.f32 v18, v13;
	v18 =	vmul.f32 v4, v41;
	v12 =	vadd.f32 v12, v21;
	_ =	sdelay $0x1  }
0x120: {  	v49 =	vmul.f32 v5, v34;
	v18 =	vadd.f32 v12, v18;
	v12 =	vld [tilespmem:$0x1FC40]  }
0x121: {  	v44 =	vld [tilespmem:$0x1FFE0]  }
0x122: {  	v22 =	vadd.f32 v19, v49;
	v49 =	vld [tilespmem:$0x1FFD0]  }
0x123: {  	v13 =	vld [tilespmem:$0x1FC20]  }
0x124: {  	v30 =	vld [tilespmem:s16+$0x1E900]  }
0x125: {  	v21 =	vadd.f32 v14, v12;
	v14 =	vld [tilespmem:$0x1FC50];
	_ =	sdelay $0x1  }
0x126: {  	v46 =	vld [tilespmem:$0x1FCB0]  }
0x127: {  	v19 =	vmul.f32 v5, v44;
	v34 =	vmul.f32 v28, v49;
	v31 =	vadd.f32 v24, v13;
	v13 =	vld [tilespmem:$0x1FD90]  }
0x128: {  	v11 =	vmul.f32 v28, v51;
	v5 =	vmul.f32 v1, v60;
	v24 =	vadd.f32 v26, v20;
	v20 =	vld [tilespmem:$0x1FC30]  }
0x129: {  	v60 =	vadd.f32 v23, v19;
	v19 =	vmul.f32 v28, v48;
	v28 =	vadd.f32 v18, v14;
	v14 =	vld [tilespmem:$0x1FDA0]  }
0x12a: {  	v18 =	vld [tilespmem:$0x1FD00]  }
0x12b: {  	v50 =	vld [tilespmem:$0x1FCA0]  }
0x12c: {  	v35 =	vadd.f32 v24, v57;
	v24 =	vld.idx.msk [tilespmem:v30+s26+$0x0], $0xffff  }
0x12d: {  	v7 =	vmul.f32 v17, v25;
	v15 =	vmul.f32 v17, v29;
	v32 =	vadd.f32 v60, v20;
	v20 =	vld [tilespmem:$0x1FD40]  }
0x12e: {  	[tilespmem:$0x1FC60] =	vst v0;
	v29 =	vmul.f32 v17, v40;
	v13 =	vmul.f32 v17, v13;
	v12 =	vld [tilespmem:$0x1FD30]  }
0x12f: {  	v14 =	vmul.f32 v17, v14;
	v30 =	vmul.f32 v17, v18;
	v17 =	vld [tilespmem:$0x1FC60];
	_ =	sdelay $0x1  }
0x130: {  	v0 =	vmul.f32 v1, v42;
	v25 =	vmul.f32 v4, v50  }
0x131: {  	v33 =	vmul.f32 v4, v63;
	v23 =	vmul.f32 v4, v46  }
0x132: {  	v45 =	vmovc v44;
	v44 =	vld [tilespmem:$0x1FEB0];
	v51 =	vmovc v46;
	v26 =	vmul.f32 v1, v55;
	v57 =	vmov v41;
	v20 =	vmul.f32 v4, v20  }
0x133: {  	s18 =	simm.s32 $0x40;
	p0 =	sne.s32 s25, $0x0;
	v55 =	vld [tilespmem:$0x1FF00];
	v12 =	vmul.f32 v1, v12;
	v46 =	vmovc v18;
	v17 =	vadd.f32 v61, v17;
	v61 =	vmovc v47;
	v47 =	vmov v59  }
.LBB2_5:
0x134: {  	v10 =	vadd.f32 v27, v10;
	v27 =	vld [tilespmem:$0x1FD70];
	_ =	sdelay $0x2  }
0x135: {  	s19 =	sshra.s32 s18, $0x2;
	v60 =	vld [tilespmem:$0x1FE00]  }
0x136: {  	v18 =	vadd.f32 v31, v34;
	v31 =	vld [tilespmem:s19+$0x1EC00];
	v25 =	vadd.f32 v35, v25  }
0x137: {  	v16 =	vadd.f32 v22, v16;
	v22 =	vld [tilespmem:s19+$0x1EB00];
	v27 =	vmul.f32 v4, v27  }
0x138: {  	v18 =	vadd.f32 v18, v33;
	v25 =	vadd.f32 v25, v29;
	v29 =	vld [tilespmem:$0x1FE60]  }
0x139: {  	v10 =	vadd.f32 v10, v27;
	v27 =	vld [tilespmem:$0x1FE20]  }
0x13a: {  	v8 =	vadd.f32 v16, v8;
	v16 =	vadd.f32 v18, v30;
	v18 =	vld [tilespmem:$0x1FDB0]  }
0x13b: {  	v6 =	vadd.f32 v32, v6  }
0x13c: {  	v32 =	vld [tilespmem:s19+$0x1ED00]  }
0x13d: {  	v6 =	vadd.f32 v6, v23;
	v23 =	vand.u32 $0xFFFF0000, v24;
	v34 =	vmul.f32 v1, v60  }
0x13e: {  	v1 =	vmul.f32 v1, v29;
	v7 =	vadd.f32 v10, v7;
	v27 =	vmul.f32 v4, v27  }
0x13f: {  	v10 =	vsub.f32 $1.000000000e+00, v31;
	v4 =	vmul.f32 v4, v18;
	v18 =	vsub.f32 $1.000000000e+00, v22  }
0x140: {  	v29 =	vshll.u32 v24, $0x10;
	v24 =	vmul.f32 v31, v22;
	v8 =	vadd.f32 v8, v27  }
0x141: {  	v22 =	vmul.f32 v10, v22;
	v27 =	vsub.f32 $1.000000000e+00, v32;
	v10 =	vmul.f32 v10, v18  }
0x142: {  	v1 =	vadd.f32 v28, v1;
	v8 =	vadd.f32 v8, v15  }
0x143: {  	v15 =	vadd.f32 v17, v19;
	v19 =	vmul.f32 v27, v22;
	v28 =	vmul.f32 v27, v10  }
0x144: {  	v11 =	vadd.f32 v21, v11;
	v2 =	vadd.f32 v6, v2  }
0x145: {  	v21 =	vadd.f32 v25, v0;
	v25 =	vmul.f32 v28, v62;
	v6 =	vmul.f32 v19, v53;
	_ =	sdelay $0x1  }
0x146: {  	v25 =	vadd.f32 v6, v25;
	v6 =	vld [tilespmem:$0x1FDD0];
	_ =	sdelay $0x1  }
0x147: {  	v15 =	vadd.f32 v15, v20;
	v20 =	vmul.f32 v28, v43;
	v0 =	vmul.f32 v19, v52;
	_ =	sdelay $0x1  }
0x148: {  	v16 =	vadd.f32 v16, v34;
	v20 =	vadd.f32 v0, v20;
	v0 =	vld [tilespmem:$0x1FE10]  }
0x149: {  	v7 =	vadd.f32 v7, v26;
	v13 =	vadd.f32 v15, v13;
	v15 =	vmul.f32 v28, v6;
	v6 =	vld [tilespmem:$0x1FDF0]  }
0x14a: {  	v16 =	vmul.f32 v29, v16;
	v26 =	vmul.f32 v23, v1;
	v8 =	vadd.f32 v8, v9  }
0x14b: {  	v2 =	vadd.f32 v2, v3;
	v1 =	vmul.f32 v32, v24;
	v7 =	vmul.f32 v29, v7  }
0x14c: {  	v4 =	vadd.f32 v11, v4;
	v17 =	vmul.f32 v19, v37;
	v8 =	vmul.f32 v23, v8  }
0x14d: {  	v16 =	vadd.f32 v26, v16;
	v9 =	vmul.f32 v31, v18;
	v18 =	vmul.f32 v28, v36  }
0x14e: {  	v31 =	vmul.f32 v19, v0;
	v0 =	vld [tilespmem:$0x1FDE0];
	v34 =	vmul.f32 v19, v6;
	v6 =	vadd.f32 v8, v7  }
0x14f: {  	v30 =	vmul.f32 v27, v24;
	v11 =	vadd.f32 v13, v12;
	v13 =	vadd.f32 v4, v14  }
0x150: {  	v3 =	vmul.f32 v19, v38;
	v24 =	vadd.f32 v17, v18;
	v17 =	vmul.f32 v32, v9;
	[tilespmem:s16+$0x1F000] =	vst v6;
	v6 =	vld [tilespmem:$0x1FE70]  }
0x151: {  	v26 =	vmul.f32 v27, v9;
	v5 =	vadd.f32 v13, v5;
	v13 =	vmul.f32 v28, v39  }
0x152: {  	v48 =	vmov v42;
	v4 =	vld [tilespmem:$0x1FC90];
	v14 =	vmul.f32 v23, v2;
	v8 =	vmul.f32 v29, v21  }
0x153: {  	v59 =	vmovc v56;
	v13 =	vadd.f32 v3, v13;
	v3 =	vld [tilespmem:$0x1FE90];
	v18 =	vmul.f32 v30, v0;
	v0 =	vmul.f32 v1, v42  }
0x154: {  	v42 =	vmovc v37;
	v37 =	vmul.f32 v19, v56;
	v56 =	vmovc v43;
	v43 =	vmov v38;
	v9 =	vadd.f32 v14, v8;
	v38 =	vld [tilespmem:s19+$0x1E900]  }
0x155: {  	v12 =	vmul.f32 v30, v6;
	v6 =	vld [tilespmem:$0x1FDC0]  }
0x156: {  	[tilespmem:s16+$0x1EE00] =	vst v9;
	v9 =	vld [tilespmem:$0x1FC80]  }
0x157: {  	v60 =	vmov v63;
	v63 =	vmov v58  }
0x158: {  	v35 =	vmul.f32 v30, v58;
	v58 =	vmovc v52;
	v52 =	vmovc v40;
	v40 =	vmov v36;
	v36 =	vmul.f32 v10, v32;
	v7 =	vld [tilespmem:$0x1FE40]  }
0x159: {  	v41 =	vmov v39;
	v39 =	vmul.f32 v17, v3;
	v3 =	vld [tilespmem:$0x1FF70]  }
0x15a: {  	v14 =	vld [tilespmem:$0x1FCE0];
	v21 =	vmul.f32 v30, v6;
	v6 =	vmul.f32 v36, v4  }
0x15b: {  	v4 =	vmul.f32 v22, v32;
	v32 =	vmul.f32 v30, v9;
	v9 =	vld [tilespmem:$0x1FF30];
	_ =	sdelay $0x3  }
0x15c: {  	v7 =	vmul.f32 v28, v7;
	v3 =	vmul.f32 v28, v3  }
0x15d: {  	v14 =	vmul.f32 v28, v14;
	v28 =	vmul.f32 v36, v9;
	v9 =	vld [tilespmem:$0x1FD20];
	_ =	sdelay $0x2  }
0x15e: {  	v11 =	vmul.f32 v23, v11;
	v5 =	vmul.f32 v29, v5;
	[tilespmem:s16+$0x1EF00] =	vst v16;
	v16 =	vld [tilespmem:$0x1FE30];
	_ =	sdelay $0x1  }
0x15f: {  	v5 =	vadd.f32 v11, v5;
	v11 =	vadd.f32 v37, v14;
	v14 =	vmul.f32 v26, v9;
	v9 =	vld [tilespmem:$0x1FEF0];
	_ =	sdelay $0x2  }
0x160: {  	v16 =	vmul.f32 v19, v16;
	_ =	sdelay $0x1  }
0x161: {  	v27 =	vadd.f32 v16, v15;
	v15 =	vmul.f32 v26, v9  }
0x162: {  	v9 =	vld [tilespmem:$0x1FF20]  }
0x163: {  	v11 =	vadd.f32 v11, v15;
	v15 =	vld [tilespmem:$0x1FD50];
	_ =	sdelay $0x2  }
0x164: {  	v33 =	vmul.f32 v30, v54;
	[tilespmem:s16+$0x1F100] =	vst v5;
	v5 =	vld [tilespmem:$0x1FF90]  }
0x165: {  	v19 =	vadd.f32 v34, v3;
	v16 =	vmul.f32 v30, v44;
	v34 =	vadd.f32 v11, v35;
	v11 =	vld [tilespmem:$0x1FFA0]  }
0x166: {  	v29 =	vmul.f32 v30, v9;
	v30 =	vmul.f32 v26, v15;
	v15 =	vld [tilespmem:$0x1FC70]  }
0x167: {  	v2 =	vld [tilespmem:$0x1FE50];
	_ =	sdelay $0x1  }
0x168: {  	v5 =	vmul.f32 v26, v5;
	v22 =	vadd.f32 v31, v7  }
0x169: {  	v31 =	vmul.f32 v26, v61;
	v14 =	vadd.f32 v19, v14;
	v19 =	vmul.f32 v26, v11  }
0x16a: {  	v23 =	vmul.f32 v26, v15;
	v26 =	vmul.f32 v26, v45  }
0x16b: {  	v10 =	vmul.f32 v36, v2;
	v2 =	vld [tilespmem:$0x1FCC0]  }
0x16c: {  	v26 =	vadd.f32 v13, v26;
	v13 =	vld [tilespmem:$0x1FD80]  }
0x16d: {  	v3 =	vld [tilespmem:$0x1FCD0]  }
0x16e: {  	v7 =	vld [tilespmem:$0x1FEE0]  }
0x16f: {  	v21 =	vadd.f32 v14, v21;
	v14 =	vld [tilespmem:$0x1FDA0]  }
0x170: {  	v2 =	vmul.f32 v17, v2;
	v20 =	vadd.f32 v20, v31;
	v11 =	vld [tilespmem:$0x1FF50];
	v31 =	vadd.f32 v25, v19  }
0x171: {  	v22 =	vadd.f32 v22, v5;
	v5 =	vld [tilespmem:$0x1FD10];
	v19 =	vmul.f32 v36, v13;
	v13 =	vmul.f32 v36, v47  }
0x172: {  	v8 =	vmul.f32 v36, v55;
	v37 =	vadd.f32 v27, v30;
	v27 =	vadd.f32 v31, v29  }
0x173: {  	v3 =	vmul.f32 v1, v3;
	v31 =	vadd.f32 v20, v33;
	v33 =	vadd.f32 v34, v13;
	v13 =	vld [tilespmem:$0x1FD90]  }
0x174: {  	v7 =	vmul.f32 v17, v7;
	v14 =	vmul.f32 v17, v14;
	v9 =	vld [tilespmem:$0x1FF60]  }
0x175: {  	v30 =	vmul.f32 v4, v57;
	v20 =	vld [tilespmem:$0x1FD40];
	v15 =	vmul.f32 v17, v11;
	v24 =	vadd.f32 v24, v23  }
0x176: {  	v11 =	vmul.f32 v36, v5;
	v5 =	vld [tilespmem:$0x1FD60];
	v34 =	vmul.f32 v36, v49;
	v36 =	vmovc v40;
	v40 =	vmov v52  }
0x177: {  	v35 =	vadd.f32 v24, v32;
	v32 =	vadd.f32 v26, v12;
	v12 =	vld [tilespmem:$0x1FD30];
	v29 =	vmul.f32 v17, v40  }
0x178: {  	p1 =	sne.s32 s18, $0x3C0;
	v26 =	vadd.f32 v33, v30;
	v30 =	vmul.f32 v17, v46;
	v13 =	vmul.f32 v17, v13;
	v17 =	vld [tilespmem:$0x1FFB0]  }
.Ltmp5:
0x179: {  	v9 =	vmul.f32 v1, v9;
	v25 =	vmul.f32 v4, v50;
	(pc) =	sbr.rel @p1 .LBB2_5-.Ltmp5, $4  }
0x17a: {  	v23 =	vmul.f32 v4, v51;
	v24 =	vld.idx.msk [tilespmem:v38+s26+$0x0], $0xffff;
	v38 =	vmovc v43;
	v43 =	vmov v56;
	v20 =	vmul.f32 v4, v20  }
0x17b: {  	v56 =	vmovc v59;
	v35 =	vadd.f32 v35, v28;
	v5 =	vmul.f32 v1, v5;
	v52 =	vmovc v58;
	v58 =	vmov v63  }
0x17c: {  	v63 =	vmovc v60;
	v12 =	vmul.f32 v1, v12;
	v33 =	vmul.f32 v4, v60;
	v28 =	vadd.f32 v26, v39  }
0x17d: {  	s18 =	sadd.s32 $0x40, s18;
	s16 =	smov.u32 s19;
	v39 =	vmovc v41;
	v26 =	vmul.f32 v1, v17;
	v17 =	vadd.f32 v37, v18;
	v37 =	vmovc v42;
	v42 =	vmov v48  }
0x17e: {  	v18 =	vadd.f32 v31, v34;
	v60 =	vld [tilespmem:$0x1FD70]  }
0x17f: {  	v10 =	vadd.f32 v27, v10;
	v25 =	vadd.f32 v35, v25  }
0x180: {  	v16 =	vadd.f32 v22, v16;
	v6 =	vadd.f32 v32, v6;
	v61 =	vld [tilespmem:$0x1FE20]  }
0x181: {  	v22 =	vadd.f32 v25, v29;
	v18 =	vadd.f32 v18, v33;
	v29 =	vld [tilespmem:$0x1FE60]  }
0x182: {  	v17 =	vadd.f32 v17, v19;
	v19 =	vld [tilespmem:$0x1FDB0];
	v6 =	vadd.f32 v6, v23  }
0x183: {  	v8 =	vadd.f32 v16, v8;
	v16 =	vadd.f32 v18, v30;
	v18 =	vld [tilespmem:$0x1FE00];
	v27 =	vmul.f32 v4, v60  }
0x184: {  	v41 =	vld [tilespmem:$0x1FF30]  }
0x185: {  	v59 =	vld [tilespmem:$0x1FEF0];
	v2 =	vadd.f32 v6, v2;
	v10 =	vadd.f32 v10, v27;
	v27 =	vmul.f32 v4, v61  }
0x186: {  	v11 =	vadd.f32 v21, v11;
	v57 =	vld [tilespmem:$0x1FE90];
	v0 =	vadd.f32 v22, v0;
	v25 =	vmul.f32 v1, v29  }
0x187: {  	v32 =	vld [tilespmem:$0x1FF20];
	v2 =	vadd.f32 v2, v3;
	v4 =	vmul.f32 v4, v19;
	v8 =	vadd.f32 v8, v27  }
0x188: {  	v31 =	vld [tilespmem:$0x1FE50];
	v7 =	vadd.f32 v10, v7;
	v10 =	vadd.f32 v28, v25;
	v1 =	vmul.f32 v1, v18  }
0x189: {  	v21 =	vld [tilespmem:$0x1FDD0];
	v4 =	vadd.f32 v11, v4;
	v8 =	vadd.f32 v8, v15  }
0x18a: {  	v33 =	vld [tilespmem:$0x1FE30];
	v1 =	vadd.f32 v16, v1;
	v15 =	vadd.f32 v17, v20  }
0x18b: {  	v23 =	vld [tilespmem:$0x1FDE0];
	v16 =	vshll.u32 v24, $0x10;
	v8 =	vadd.f32 v8, v9;
	v9 =	vand.u32 $0xFFFF0000, v24  }
0x18c: {  	v30 =	vld [tilespmem:$0x1FF60];
	v4 =	vadd.f32 v4, v14;
	v6 =	vmul.f32 v9, v10;
	v10 =	vadd.f32 v15, v13  }
0x18d: {  	v22 =	vld [tilespmem:$0x1FDF0];
	v7 =	vadd.f32 v7, v26;
	v0 =	vmul.f32 v16, v0;
	v1 =	vmul.f32 v16, v1  }
0x18e: {  	v61 =	vld [tilespmem:$0x1FDC0];
	v4 =	vadd.f32 v4, v5;
	v2 =	vmul.f32 v9, v2;
	v3 =	vadd.f32 v10, v12  }
0x18f: {  	v27 =	vld [tilespmem:$0x1FE40];
	v7 =	vmul.f32 v16, v7;
	v8 =	vmul.f32 v9, v8;
	v1 =	vadd.f32 v6, v1  }
0x190: {  	v28 =	vld [tilespmem:$0x1FFB0];
	v4 =	vmul.f32 v16, v4;
	v0 =	vadd.f32 v2, v0;
	v3 =	vmul.f32 v9, v3  }
0x191: {  	v11 =	vld [tilespmem:$0x1FD60];
	v5 =	vadd.f32 v8, v7;
	[tilespmem:s16+$0x1EF00] =	vst v1  }
0x192: {  	v20 =	vld [tilespmem:$0x1FE10];
	[tilespmem:s16+$0x1EE00] =	vst v0;
	v1 =	vadd.f32 v3, v4  }
0x193: {  	v26 =	vmov v44;
	v44 =	vld [tilespmem:$0x1FF70];
	[tilespmem:s16+$0x1F000] =	vst v5  }
0x194: {  	s18 =	simm.s32 $0x1EE00;
	v17 =	vmov v47;
	v47 =	vld [tilespmem:$0x1FD20];
	[tilespmem:s16+$0x1F100] =	vst v1  }
0x195: {  	v24 =	vld [tilespmem:$0x1FF50];
	[spmem:s2] =	stream.indirect.scatter.add.f32 [tilespmem:s18], [sflag:$0x2], $0x1, s6, s13, $0xb8  }
0x196: {  	s19 =	simm.s32 $0x1EF00;
	v13 =	vld [tilespmem:$0x1FFA0]  }
0x197: {  	v16 =	vld [tilespmem:$0x1FF90];
	[spmem:s3] =	stream.indirect.scatter.add.f32 [tilespmem:s19], [sflag:$0x2], $0x1, s6, s13, $0xb8  }
.Ltmp6:
0x198: {  	v10 =	vld [tilespmem:$0x1FE70];
	(pc) =	sbr.rel .LBB2_7-.Ltmp6, $4  }
0x199: {  	v6 =	vld [tilespmem:$0x1FEE0];
	s18 =	simm.s32 $0x1F000  }
0x19a: {  	v7 =	vld [tilespmem:$0x1FD80];
	[spmem:s4] =	stream.indirect.scatter.add.f32 [tilespmem:s18], [sflag:$0x2], $0x1, s6, s13, $0xb8  }
0x19b: {  	v5 =	vld [tilespmem:$0x1FD50];
	s19 =	simm.s32 $0x1F100  }
0x19c: {  	v25 =	vmov v29;
	v29 =	vmov v55;
	v1 =	vld [tilespmem:$0x1FD10];
	[spmem:s5] =	stream.indirect.scatter.add.f32 [tilespmem:s19], [sflag:$0x2], $0x1, s6, s13, $0xb8  }
.LBB2_3:
0x19d: {  	p0 =	sne.s32 s25, $0x0  }
.LBB2_7:
0x19e: {  	s14 =	sor.u32 $0x1, s14  }
0x19f: {  	p1 =	sge.u32 s14, s17  }
.Ltmp7:
0x1a0: {  	_ = 	snop;
	(pc) =	sbr.rel @p1 .LBB2_11-.Ltmp7, $1  }
0x1a1: {  	_ =	sdelay $0x3  }
0x1a2: {  	s14 =	sshll.u32 s14, $0xA  }
0x1a3: {  	s14 =	sor.u32 s20, s14  }
0x1a4: {  	s16 =	sadd.s32 s8, s14  }
0x1a5: {  	[tilespmem:s30], [sflag:$0x1] =	stream.linear.gather [hbm4b:s16+s7], $0x100, $0x38;
	[tilespmem:$0x1F680] =	vst v63  }
0x1a6: {  	s19 =	sadd.s32 s9, s14  }
0x1a7: {  	[tilespmem:s31], [sflag:$0x1] =	stream.linear.gather [hbm4b:s19+s7], $0x100, $0x38;
	[tilespmem:$0x1F680] =	vst v63  }
0x1a8: {  	s18 =	sadd.s32 s10, s14  }
0x1a9: {  	[tilespmem:s0], [sflag:$0x1] =	stream.linear.gather [hbm4b:s18+s7], $0x100, $0x38;
	[tilespmem:$0x1F680] =	vst v63  }
0x1aa: {  	s19 =	sadd.s32 s11, s14  }
0x1ab: {  	[tilespmem:s29], [sflag:$0x1] =	stream.linear.gather [hbm4b:s19+s7], $0x100, $0x38;
	[tilespmem:$0x1F680] =	vst v63  }
0x1ac: {  	s14 =	sadd.s32 s1, s14  }
0x1ad: {  	[tilespmem:s6], [sflag:$0x1] =	stream.linear.gather [hbm4b:s14+s7], $0x100, $0x38;
	[tilespmem:$0x1F680] =	vst v63  }
0x1ae: {  	_ =	swait.ge [sflag:s12], $0x100  }
0x1af: {  	[sflag:s12] =	ssyncset.done $0x0  }
0x1b0: {  	[sflag:s12] =	ssyncadd.s32 $0xFFFFFF00  }
0x1b1: {  	_ =	swait.ge [sflag:s12], $0x100  }
0x1b2: {  	[sflag:s12] =	ssyncset.done $0x0  }
0x1b3: {  	[sflag:s12] =	ssyncadd.s32 $0xFFFFFF00  }
0x1b4: {  	_ =	swait.ge [sflag:s12], $0x100  }
0x1b5: {  	[sflag:s12] =	ssyncset.done $0x0  }
0x1b6: {  	[sflag:s12] =	ssyncadd.s32 $0xFFFFFF00  }
0x1b7: {  	_ =	swait.ge [sflag:s12], $0x100  }
0x1b8: {  	[sflag:s12] =	ssyncset.done $0x0  }
0x1b9: {  	[sflag:s12] =	ssyncadd.s32 $0xFFFFFF00  }
0x1ba: {  	_ =	swait.ge [sflag:s12], $0x100  }
0x1bb: {  	[sflag:s12] =	ssyncset.done $0x0  }
0x1bc: {  	s14 =	simm.s32 @p0 $0x3;
	[sflag:s12] =	ssyncadd.s32 $0xFFFFFF00  }
0x1bd: {  	_ =	swait.ge @p0 [sflag:s14], $0x100  }
0x1be: {  	[sflag:s14] =	ssyncset.done @p0 $0x0  }
0x1bf: {  	[sflag:s14] =	ssyncadd.s32 @p0 $0xFFFFFF00  }
0x1c0: {  	_ =	swait.ge @p0 [sflag:s14], $0x100  }
0x1c1: {  	[sflag:s14] =	ssyncset.done @p0 $0x0  }
0x1c2: {  	[sflag:s14] =	ssyncadd.s32 @p0 $0xFFFFFF00  }
0x1c3: {  	_ =	swait.ge @p0 [sflag:s14], $0x100  }
0x1c4: {  	[sflag:s14] =	ssyncset.done @p0 $0x0  }
0x1c5: {  	[sflag:s14] =	ssyncadd.s32 @p0 $0xFFFFFF00  }
0x1c6: {  	_ =	swait.ge @p0 [sflag:s14], $0x100  }
0x1c7: {  	[sflag:s14] =	ssyncset.done @p0 $0x0  }
0x1c8: {  	[sflag:s14] =	ssyncadd.s32 @p0 $0xFFFFFF00;
	s14 =	simm.s32 $0x0  }
0x1c9: {  	v0 =	vld [tilespmem:s14+$0x1EC00]  }
0x1ca: {  	v1 =	vld [tilespmem:s14+$0x1EB00]  }
0x1cb: {  	v2 =	vld [tilespmem:s14+$0x1ED00];
	_ =	sdelay $0x2  }
0x1cc: {  	v3 =	vsub.f32 $1.000000000e+00, v0  }
0x1cd: {  	v4 =	vsub.f32 $1.000000000e+00, v1  }
0x1ce: {  	v50 =	vmov v5;
	v5 =	vsub.f32 $1.000000000e+00, v2;
	v7 =	vmul.f32 v3, v1  }
0x1cf: {  	v1 =	vmul.f32 v0, v1;
	v3 =	vmul.f32 v3, v4  }
0x1d0: {  	v60 =	vmov v13;
	v13 =	vmul.f32 v0, v4;
	v9 =	vmul.f32 v5, v7  }
0x1d1: {  	v11 =	vmul.f32 v5, v3;
	v12 =	vmul.f32 v5, v1  }
0x1d2: {  	v51 =	vmovc v30;
	v30 =	vmov v17;
	v1 =	vmul.f32 v2, v1;
	v17 =	vmul.f32 v2, v13  }
0x1d3: {  	v28 =	vmul.f32 v3, v2;
	v5 =	vmul.f32 v5, v13  }
0x1d4: {  	v8 =	vmul.f32 v9, v37;
	v14 =	vmul.f32 v11, v36  }
0x1d5: {  	v15 =	vmul.f32 v11, v43;
	v4 =	vmul.f32 v12, v54  }
0x1d6: {  	v46 =	vmovc v33;
	v33 =	vmov v16;
	v16 =	vmul.f32 v9, v52;
	v18 =	vmul.f32 v11, v62  }
0x1d7: {  	v19 =	vmul.f32 v9, v53;
	[tilespmem:$0x1FBC0] =	vst v4;
	v4 =	vmul.f32 v12, v58  }
0x1d8: {  	v20 =	vmul.f32 v9, v20;
	v0 =	vmul.f32 v12, v23  }
0x1d9: {  	v35 =	vld [tilespmem:$0x1FC80];
	v21 =	vmul.f32 v11, v21;
	[tilespmem:$0x1FBB0] =	vst v4;
	v4 =	vmul.f32 v12, v10  }
0x1da: {  	v22 =	vmul.f32 v9, v22;
	[tilespmem:$0x1FC10] =	vst v0;
	v0 =	vmul.f32 v1, v42;
	v42 =	vmov v61  }
0x1db: {  	v36 =	vld [tilespmem:$0x1FCE0];
	v23 =	vmul.f32 v9, v38;
	[tilespmem:$0x1FBD0] =	vst v4;
	v4 =	vmul.f32 v12, v42  }
0x1dc: {  	v3 =	vmul.f32 v9, v56;
	v27 =	vmul.f32 v11, v27  }
0x1dd: {  	v9 =	vmul.f32 v9, v46;
	v13 =	vadd.f32 v16, v15;
	v16 =	vmul.f32 v17, v57;
	[tilespmem:$0x1FBE0] =	vst v4;
	v4 =	vld [tilespmem:$0x1FC90]  }
0x1de: {  	v55 =	vmovc v44;
	v49 =	vmov v24;
	v24 =	vld [tilespmem:$0x1FCC0];
	v46 =	vmul.f32 v12, v35;
	v10 =	vmul.f32 v28, v31  }
0x1df: {  	v18 =	vadd.f32 v19, v18;
	v31 =	vmul.f32 v11, v39;
	[tilespmem:$0x1FC00] =	vst v16;
	v16 =	vmul.f32 v28, v41  }
0x1e0: {  	v48 =	vmovc v47;
	v19 =	vadd.f32 v20, v27;
	v15 =	vmul.f32 v11, v36;
	v11 =	vmul.f32 v11, v55  }
0x1e1: {  	v23 =	vadd.f32 v23, v31;
	[tilespmem:$0x1FBF0] =	vst v16;
	v16 =	vmul.f32 v12, v26;
	v31 =	vmul.f32 v5, v59  }
0x1e2: {  	v34 =	vmovc v6;
	v26 =	vmul.f32 v5, v60;
	v11 =	vadd.f32 v22, v11;
	v22 =	vld [tilespmem:$0x1FBB0];
	v6 =	vmul.f32 v28, v4  }
0x1e3: {  	v44 =	vmovc v32;
	v15 =	vadd.f32 v3, v15;
	v4 =	vmul.f32 v7, v2;
	v2 =	vmul.f32 v17, v24;
	v24 =	vld [tilespmem:$0x1FCF0]  }
0x1e4: {  	v27 =	vmul.f32 v5, v48;
	v12 =	vmul.f32 v12, v44;
	v18 =	vadd.f32 v18, v26  }
0x1e5: {  	v15 =	vadd.f32 v15, v31  }
0x1e6: {  	v42 =	vmov v37;
	v37 =	vadd.f32 v11, v27;
	v27 =	vadd.f32 v18, v12;
	v12 =	vld [tilespmem:$0x1FBC0]  }
0x1e7: {  	v7 =	vmul.f32 v17, v34;
	v34 =	vadd.f32 v15, v22;
	v15 =	vmul.f32 v17, v49;
	v49 =	vld [tilespmem:$0x1FFC0]  }
0x1e8: {  	v21 =	vadd.f32 v9, v21;
	v31 =	vmul.f32 v5, v50;
	v11 =	vmul.f32 v5, v24;
	_ =	sdelay $0x1  }
0x1e9: {  	v45 =	vld [tilespmem:$0x1FC70];
	v41 =	vmovc v39;
	v39 =	vadd.f32 v21, v31;
	v21 =	vmul.f32 v28, v30;
	v13 =	vadd.f32 v13, v11;
	_ =	sdelay $0x1  }
0x1ea: {  	v18 =	vmul.f32 v4, v49;
	v31 =	vadd.f32 v13, v12;
	v12 =	vadd.f32 v34, v21;
	_ =	sdelay $0x1  }
0x1eb: {  	v18 =	vadd.f32 v12, v18;
	v12 =	vld [tilespmem:$0x1FBE0]  }
0x1ec: {  	v54 =	vmov v45;
	v59 =	vmul.f32 v5, v45;
	v45 =	vld [tilespmem:$0x1FFE0];
	_ =	sdelay $0x1  }
0x1ed: {  	v47 =	vmov v63;
	v63 =	vld [tilespmem:$0x1FFD0]  }
0x1ee: {  	v62 =	vld [tilespmem:$0x1FCD0];
	v14 =	vadd.f32 v8, v14;
	v48 =	vmul.f32 v5, v33  }
0x1ef: {  	v21 =	vadd.f32 v37, v12;
	v12 =	vld [tilespmem:$0x1FBF0]  }
0x1f0: {  	v61 =	vmovc v25;
	v25 =	vld [tilespmem:$0x1FCA0];
	v14 =	vadd.f32 v14, v59;
	v22 =	vadd.f32 v19, v48;
	v19 =	vmul.f32 v5, v45  }
0x1f1: {  	v8 =	vmul.f32 v28, v29;
	v29 =	vld [tilespmem:$0x1FCB0]  }
0x1f2: {  	v14 =	vadd.f32 v14, v46;
	v44 =	vadd.f32 v23, v19;
	v19 =	vld [tilespmem:$0x1FD80]  }
0x1f3: {  	v5 =	vld [tilespmem:$0x1FD10]  }
0x1f4: {  	v35 =	vadd.f32 v14, v12;
	v14 =	vld [tilespmem:$0x1FC00]  }
0x1f5: {  	v57 =	vld [tilespmem:$0x1FD00]  }
0x1f6: {  	v20 =	vld [tilespmem:$0x1FBD0]  }
0x1f7: {  	v36 =	vld [tilespmem:$0x1FFB0]  }
0x1f8: {  	v19 =	vmul.f32 v28, v19;
	v13 =	vld [tilespmem:$0x1FD90]  }
0x1f9: {  	v34 =	vmul.f32 v28, v63;
	v11 =	vmul.f32 v28, v5;
	v28 =	vadd.f32 v18, v14;
	v14 =	vld [tilespmem:$0x1FDA0]  }
0x1fa: {  	v59 =	vmov v56;
	v56 =	vmov v43;
	v43 =	vmov v38;
	v38 =	vld [tilespmem:s14+$0x1E900]  }
0x1fb: {  	v32 =	vadd.f32 v44, v20;
	v20 =	vld [tilespmem:$0x1FD40]  }
0x1fc: {  	v53 =	vmov v30;
	v30 =	vmul.f32 v17, v57;
	v5 =	vld [tilespmem:$0x1FD60]  }
0x1fd: {  	v55 =	vmov v29;
	v23 =	vmul.f32 v4, v29;
	v29 =	vmul.f32 v17, v40;
	v12 =	vld [tilespmem:$0x1FD30]  }
0x1fe: {  	v50 =	vmovc v13;
	v13 =	vmul.f32 v17, v13;
	v48 =	vmov v14;
	v14 =	vmul.f32 v17, v14;
	v17 =	vld [tilespmem:$0x1FC10]  }
0x1ff: {  	v9 =	vmul.f32 v1, v51  }
0x200: {  	v3 =	vmul.f32 v1, v62;
	v26 =	vmul.f32 v4, v25  }
0x201: {  	v52 =	vmov v25;
	v33 =	vmul.f32 v4, v47;
	v25 =	vmul.f32 v1, v36  }
0x202: {  	v60 =	vmovc v24;
	v24 =	vld.idx.msk [tilespmem:v38+s26+$0x0], $0xffff;
	v44 =	vmov v36;
	v51 =	vmov v20;
	v20 =	vmul.f32 v4, v20  }
0x203: {  	s16 =	simm.s32 $0x40;
	v58 =	vld [tilespmem:$0x1FE20];
	v5 =	vmul.f32 v1, v5;
	v46 =	vmovc v12;
	v12 =	vmul.f32 v1, v12;
	v17 =	vadd.f32 v39, v17  }
.LBB2_9:
0x204: {  	v10 =	vadd.f32 v27, v10;
	v27 =	vld [tilespmem:$0x1FD70]  }
0x205: {  	s18 =	sshra.s32 s16, $0x2;
	v18 =	vadd.f32 v31, v34;
	v39 =	vld [tilespmem:$0x1FE00]  }
0x206: {  	v26 =	vadd.f32 v35, v26;
	v31 =	vld [tilespmem:s18+$0x1EC00]  }
0x207: {  	v16 =	vadd.f32 v22, v16;
	v22 =	vld [tilespmem:s18+$0x1EB00];
	v18 =	vadd.f32 v18, v33  }
0x208: {  	v6 =	vadd.f32 v32, v6;
	v11 =	vadd.f32 v21, v11  }
0x209: {  	v8 =	vadd.f32 v16, v8;
	v16 =	vadd.f32 v18, v30;
	v18 =	vld [tilespmem:$0x1FDB0];
	v27 =	vmul.f32 v4, v27  }
0x20a: {  	v32 =	vld [tilespmem:s18+$0x1ED00];
	v26 =	vadd.f32 v26, v29;
	v29 =	vshll.u32 v24, $0x10;
	v6 =	vadd.f32 v6, v23  }
0x20b: {  	v23 =	vand.u32 $0xFFFF0000, v24;
	v34 =	vmul.f32 v1, v39;
	v10 =	vadd.f32 v10, v27  }
0x20c: {  	v21 =	vadd.f32 v26, v0;
	v1 =	vmul.f32 v1, v61;
	v24 =	vmul.f32 v31, v22  }
0x20d: {  	v27 =	vmul.f32 v4, v58;
	v7 =	vadd.f32 v10, v7;
	v10 =	vsub.f32 $1.000000000e+00, v31  }
0x20e: {  	v1 =	vadd.f32 v28, v1;
	v4 =	vmul.f32 v4, v18;
	v18 =	vsub.f32 $1.000000000e+00, v22  }
0x20f: {  	v0 =	vld [tilespmem:$0x1FEA0];
	v8 =	vadd.f32 v8, v27;
	v27 =	vsub.f32 $1.000000000e+00, v32;
	v22 =	vmul.f32 v10, v22  }
0x210: {  	v7 =	vadd.f32 v7, v25;
	v10 =	vmul.f32 v10, v18;
	v25 =	vmul.f32 v23, v1;
	v1 =	vld [tilespmem:$0x1FED0]  }
0x211: {  	v8 =	vadd.f32 v8, v15  }
0x212: {  	v15 =	vadd.f32 v17, v19;
	v19 =	vmul.f32 v27, v22;
	v28 =	vmul.f32 v27, v10  }
0x213: {  	v8 =	vadd.f32 v8, v9;
	v9 =	vmul.f32 v31, v18  }
0x214: {  	v15 =	vadd.f32 v15, v20;
	v20 =	vmul.f32 v28, v56;
	v0 =	vmul.f32 v19, v0  }
0x215: {  	v17 =	vmul.f32 v19, v42;
	v18 =	vmul.f32 v28, v1  }
0x216: {  	v20 =	vadd.f32 v0, v20;
	v0 =	vld [tilespmem:$0x1FEC0]  }
0x217: {  	v30 =	vmul.f32 v27, v24;
	v1 =	vmul.f32 v32, v24;
	v24 =	vadd.f32 v17, v18;
	v18 =	vld [tilespmem:$0x1FF10];
	_ =	sdelay $0x4  }
0x218: {  	v2 =	vadd.f32 v6, v2;
	v6 =	vmul.f32 v19, v0;
	v26 =	vmul.f32 v28, v18;
	_ =	sdelay $0x1  }
0x219: {  	v26 =	vadd.f32 v6, v26;
	v6 =	vld [tilespmem:$0x1FDD0];
	_ =	sdelay $0x4  }
0x21a: {  	v13 =	vadd.f32 v15, v13;
	v15 =	vmul.f32 v28, v6;
	v6 =	vld [tilespmem:$0x1FF40];
	_ =	sdelay $0x4  }
0x21b: {  	v33 =	vmul.f32 v30, v6;
	v6 =	vld [tilespmem:$0x1FDF0];
	_ =	sdelay $0x4  }
0x21c: {  	v16 =	vadd.f32 v16, v34;
	v34 =	vmul.f32 v19, v6;
	v6 =	vld [tilespmem:$0x1FE80];
	_ =	sdelay $0x2  }
0x21d: {  	v7 =	vmul.f32 v29, v7;
	v8 =	vmul.f32 v23, v8  }
0x21e: {  	v4 =	vadd.f32 v11, v4  }
0x21f: {  	v35 =	vmul.f32 v30, v6;
	v6 =	vadd.f32 v8, v7  }
0x220: {  	v11 =	vadd.f32 v13, v12;
	v13 =	vadd.f32 v4, v14  }
0x221: {  	v2 =	vadd.f32 v2, v3;
	v16 =	vmul.f32 v29, v16;
	[tilespmem:s14+$0x1F400] =	vst v6;
	v6 =	vld [tilespmem:$0x1FE70]  }
0x222: {  	v3 =	vmul.f32 v19, v43;
	v5 =	vadd.f32 v13, v5;
	v13 =	vmul.f32 v28, v41  }
0x223: {  	v4 =	vld [tilespmem:$0x1FC90];
	v14 =	vmul.f32 v23, v2;
	v8 =	vmul.f32 v29, v21  }
0x224: {  	v16 =	vadd.f32 v25, v16;
	v13 =	vadd.f32 v3, v13;
	v3 =	vld [tilespmem:$0x1FE90]  }
0x225: {  	v25 =	vmul.f32 v27, v9;
	v17 =	vmul.f32 v32, v9;
	v9 =	vadd.f32 v14, v8;
	v38 =	vld [tilespmem:s18+$0x1E900]  }
0x226: {  	v12 =	vmul.f32 v30, v6;
	v6 =	vld [tilespmem:$0x1FDC0]  }
0x227: {  	[tilespmem:s14+$0x1F200] =	vst v9;
	v9 =	vld [tilespmem:$0x1FC80];
	_ =	sdelay $0x1  }
0x228: {  	v36 =	vmul.f32 v10, v32;
	v39 =	vmul.f32 v17, v3;
	v3 =	vld [tilespmem:$0x1FF70]  }
0x229: {  	v7 =	vld [tilespmem:$0x1FE40]  }
0x22a: {  	v14 =	vld [tilespmem:$0x1FCE0];
	v21 =	vmul.f32 v30, v6;
	v6 =	vmul.f32 v36, v4  }
0x22b: {  	v4 =	vmul.f32 v22, v32;
	v32 =	vmul.f32 v30, v9;
	v9 =	vld [tilespmem:$0x1FF30];
	_ =	sdelay $0x2  }
0x22c: {  	[tilespmem:s14+$0x1F300] =	vst v16;
	v16 =	vld [tilespmem:$0x1FE30]  }
0x22d: {  	v3 =	vmul.f32 v28, v3;
	v7 =	vmul.f32 v28, v7  }
0x22e: {  	v14 =	vmul.f32 v28, v14;
	v28 =	vmul.f32 v36, v9;
	v9 =	vld [tilespmem:$0x1FEB0];
	_ =	sdelay $0x2  }
0x22f: {  	v16 =	vmul.f32 v19, v16;
	_ =	sdelay $0x1  }
0x230: {  	v27 =	vadd.f32 v16, v15;
	v16 =	vmul.f32 v30, v9;
	v9 =	vld [tilespmem:$0x1FD20];
	_ =	sdelay $0x1  }
0x231: {  	v37 =	vmul.f32 v19, v59  }
0x232: {  	v2 =	vld [tilespmem:$0x1FE50];
	v11 =	vmul.f32 v23, v11;
	v5 =	vmul.f32 v29, v5  }
0x233: {  	v0 =	vld [tilespmem:$0x1FE10]  }
0x234: {  	v5 =	vadd.f32 v11, v5;
	v11 =	vadd.f32 v37, v14;
	v14 =	vmul.f32 v25, v9;
	v9 =	vld [tilespmem:$0x1FEF0];
	_ =	sdelay $0x3  }
0x235: {  	v10 =	vmul.f32 v36, v2;
	v2 =	vld [tilespmem:$0x1FCC0]  }
0x236: {  	v31 =	vmul.f32 v19, v0;
	v0 =	vld [tilespmem:$0x1FDE0];
	v15 =	vmul.f32 v25, v9  }
0x237: {  	[tilespmem:s14+$0x1F500] =	vst v5;
	v5 =	vld [tilespmem:$0x1FF90]  }
0x238: {  	v9 =	vld [tilespmem:$0x1FF20];
	v11 =	vadd.f32 v11, v15  }
0x239: {  	v15 =	vld [tilespmem:$0x1FD50]  }
0x23a: {  	v19 =	vadd.f32 v34, v3;
	v34 =	vadd.f32 v11, v35;
	v11 =	vld [tilespmem:$0x1FFA0]  }
0x23b: {  	v18 =	vmul.f32 v30, v0;
	v0 =	vld [tilespmem:$0x1FF80]  }
0x23c: {  	v8 =	vld [tilespmem:$0x1FF00];
	v5 =	vmul.f32 v25, v5;
	v22 =	vadd.f32 v31, v7  }
0x23d: {  	v23 =	vmul.f32 v25, v54;
	v7 =	vld [tilespmem:$0x1FEE0];
	v31 =	vmul.f32 v25, v60  }
0x23e: {  	v22 =	vadd.f32 v22, v5;
	v5 =	vld [tilespmem:$0x1FD10];
	v29 =	vmul.f32 v30, v9;
	v30 =	vmul.f32 v25, v15  }
0x23f: {  	v14 =	vadd.f32 v19, v14;
	v9 =	vld [tilespmem:$0x1FF60];
	v19 =	vmul.f32 v25, v11;
	v25 =	vmul.f32 v25, v45  }
0x240: {  	v24 =	vadd.f32 v24, v23;
	v2 =	vmul.f32 v17, v2;
	v11 =	vld [tilespmem:$0x1FF50]  }
0x241: {  	v0 =	vmul.f32 v1, v0;
	v8 =	vmul.f32 v36, v8;
	v25 =	vadd.f32 v13, v25;
	v13 =	vld [tilespmem:$0x1FD80]  }
0x242: {  	v3 =	vmul.f32 v1, v62;
	v20 =	vadd.f32 v20, v31;
	v23 =	vmul.f32 v4, v55  }
0x243: {  	v7 =	vmul.f32 v17, v7;
	v21 =	vadd.f32 v14, v21;
	v14 =	vmul.f32 v17, v48  }
0x244: {  	v37 =	vadd.f32 v27, v30;
	v30 =	vmul.f32 v4, v49;
	v9 =	vmul.f32 v1, v9  }
0x245: {  	v31 =	vadd.f32 v26, v19;
	v15 =	vmul.f32 v17, v11;
	v11 =	vmul.f32 v36, v5;
	v5 =	vld [tilespmem:$0x1FD60]  }
0x246: {  	v35 =	vadd.f32 v24, v32;
	v19 =	vmul.f32 v36, v13;
	v13 =	vmul.f32 v36, v53  }
0x247: {  	p0 =	sne.s32 s16, $0x3C0;
	v26 =	vmul.f32 v4, v52;
	v27 =	vadd.f32 v31, v29;
	v31 =	vadd.f32 v20, v33  }
.Ltmp8:
0x248: {  	v20 =	vmul.f32 v4, v51;
	v29 =	vmul.f32 v17, v40;
	v33 =	vadd.f32 v34, v13;
	(pc) =	sbr.rel @p0 .LBB2_9-.Ltmp8, $4  }
0x249: {  	v32 =	vadd.f32 v25, v12;
	v12 =	vmul.f32 v1, v46;
	v13 =	vmul.f32 v17, v50  }
0x24a: {  	v34 =	vmul.f32 v36, v63;
	v5 =	vmul.f32 v1, v5;
	v25 =	vadd.f32 v33, v30  }
0x24b: {  	v35 =	vadd.f32 v35, v28;
	v33 =	vmul.f32 v4, v47;
	v30 =	vmul.f32 v17, v57  }
0x24c: {  	s16 =	sadd.s32 $0x40, s16;
	s14 =	smov.u32 s18;
	v24 =	vld.idx.msk [tilespmem:v38+s26+$0x0], $0xffff;
	v17 =	vadd.f32 v37, v18;
	v28 =	vadd.f32 v25, v39;
	v25 =	vmul.f32 v1, v44  }
.Ltmp9:
0x24d: {  	_ = 	snop;
	(pc) =	sbr.rel .LBB2_10-.Ltmp9, $1  }
0x24e: {  	_ =	sdelay $0x3  }
.LBB2_13:
0x24f: {  	_ =	sfence.sel $0x180000  }
0x250: {  	[bflag:$0x0] =	sbarrier.arrive $0xFFFF  }
0x251: {  	_ =	strace $0x90000050  }
0x252: {  	s0 =	stileid.u32;
	[bflag:$0x2] =	sbarrier.arrive $0xFFFF  }
0x253: {  	p0 =	sne.s32 s0, $0x0;
	s0 =	rddreg [dreg:$0x5]  }
0x254: {  	s0 =	sadd.s32 @!p0 $0x100000, s0  }
0x255: {  	[sflag:s0] =	ssyncadd.tile.s32 @!p0 $0x1;
	_ =	shalt  }
.Lfunc_end2:
_tile_overlayer_lowered:
.L_overlay_start_2:
0x256: {  	(tag) =	ssettag $0x2  }
0x257: {  	s0 =	rddreg [dreg:$0x0];
	s2 =	stileid.u32  }
0x258: {  	s1 =	rddreg [dreg:$0x1];
	p0 =	sne.s32 s2, $0x0  }
0x259: {  	s3 =	rddreg [dreg:$0x2];
	[bflag:$0x3] =	sbarrier.arrive $0xFFFF;
	s2 =	simm.s32 @!p0 $0x1C04  }
0x25a: {  	[timem:s3], [sflag:s2] =	dma.local @!p0 [hbm:s0], s1  }
0x25b: {  	s0 =	simm.s32 @!p0 $0x4  }
0x25c: {  	_ =	swait.ge @!p0 [sflag:s0], s1  }
0x25d: {  	s1 =	ssub.s32 @!p0 $0x0, s1;
	[sflag:s0] =	ssyncset.done @!p0 $0x0  }
0x25e: {  	[sflag:s0] =	ssyncadd.s32 @!p0 s1  }
0x25f: {  	[bflag:$0x3] =	sbarrier.arrive $0xFFFF  }
0x260: {  	_ =	shalt  }

// kernel: kernel.19.cloned.1.call-start
scs
__scs_entry_jumppad:
0x0: {  	(pc) =	sbr.rel $0x88, $3  }
0x1: {  	(tag) =	ssettag $0x0;
	lr =	simm.s32 $0x1  }
0x2: {  	[smem:$0x3F96] =	sst lr;
	_ =	strace $0xD0000000  }
0x3: {  	_ = 	snop  }
0x4: {  	_ = 	snop  }
0x5: {  	_ = 	snop  }
0x6: {  	_ = 	snop  }
0x7: {  	_ = 	snop  }
__scs_overlays_trampoline_lowered:
0x8: {  	[smem:$0x3FA5] =	sst s0  }
0x9: {  	[smem:$0x3FA6] =	sst s1  }
0xa: {  	[smem:$0x3FA7] =	sst s2  }
0xb: {  	[smem:$0x3FA8] =	sst s3  }
0xc: {  	[smem:$0x3FA9] =	sst s4  }
0xd: {  	[smem:$0x3FAA] =	sst s5  }
0xe: {  	[smem:$0x3FAB] =	sst s6  }
0xf: {  	[smem:$0x3FAC] =	sst s7  }
0x10: {  	[smem:$0x3FAD] =	sst s8  }
0x11: {  	[smem:$0x3FAE] =	sst s9;
	s0 =	simm.s32 @!p0 $0x0  }
0x12: {  	s1 =	sld [smem:$0x3F94];
	s0 =	simm.s32 @p0 $0x1  }
0x13: {  	[smem:$0x3FAF] =	sst s0;
	s0 =	simm.s32 @!p1 $0x0  }
0x14: {  	s2 =	sld [smem:$0x3F93];
	s0 =	simm.s32 @p1 $0x1  }
0x15: {  	[smem:$0x3FB0] =	sst s0;
	s0 =	simm.s32 @!p2 $0x0  }
0x16: {  	s3 =	sld [smem:$0x3FDB];
	s0 =	simm.s32 @p2 $0x1  }
0x17: {  	s4 =	simm.s32 $0x1BF5;
	[smem:$0x3FB2] =	sst s0  }
0x18: {  	s0 =	sld [smem:$0x3F95];
	_ =	swait.ge [sflag:s4], $0x0  }
0x19: {  	s7 =	sld [smem:$0x3F96]  }
0x1a: {  	s8 =	sadd.s32 $0xFFFFE003, lr  }
0x1b: {  	s9 =	sadd.s32 $0xFFFFFEF7, lr;
	s5 =	simm.s32 $0xFFFFFFFF;
	p2 =	slt.u32 s8, $0xFFFFF086  }
0x1c: {  	p1 =	slt.u32 s9, $0xF7A;
	s5 =	simm.s32 @!p2 $0x0  }
0x1d: {  	s5 =	simm.s32 @p1 $0x1;
	p0 =	seq.s32 s7, s2  }
0x1e: {  	s7 =	smul.u32 @!p0 $0xF7A, s2;
	p2 =	seq.s32 @!p0 s5, $0x0  }
0x1f: {  	s9 =	smul.u32 $0xF7A, s1;
	s8 =	simm.s32 @!p0 $0x1BF5;
	p2 =	por !p2, p0  }
0x20: {  	[sflag:s8] =	ssyncset.s32 @!p0 $0xFFFFF086;
	s6 =	sadd.s32 @!p0 s3, s7;
	s7 =	simm.s32 @!p0 $0x108  }
0x21: {  	s3 =	sadd.s32 s3, s9;
	s6 =	sadd.s32 @!p0 $0x88, s6;
	s7 =	simm.s32 @p2 $0x1082  }
0x22: {  	[simem:s7], [sflag:s8] =	dma.local @!p0 [hbm:s6], $0xF7A  }
0x23: {  	s9 =	sor.u32 $0xD0000000, s2;
	s6 =	simm.s32 $0x108;
	_ =	swait.ge @!p0 [sflag:s8], $0x0  }
0x24: {  	s3 =	sadd.s32 $0x88, s3;
	s6 =	simm.s32 @!p1 $0x1082;
	[sflag:s4] =	ssyncset.s32 $0xFFFFF086  }
0x25: {  	[simem:s6], [sflag:s4] =	dma.local [hbm:s3], $0xF7A  }
0x26: {  	[smem:$0x3F96] =	sst s1;
	(tag) =	ssettag s2;
	_ =	strace s9  }
0x27: {  	s1 =	sld [smem:$0x3FA6]  }
0x28: {  	s2 =	sld [smem:$0x3FA7]  }
0x29: {  	s4 =	sld [smem:$0x3FA9]  }
0x2a: {  	p0 =	seq.s32 s5, $0x0;
	s5 =	sld [smem:$0x3FAA]  }
0x2b: {  	s6 =	sld [smem:$0x3FAB]  }
0x2c: {  	s7 =	sld [smem:$0x3FAC]  }
0x2d: {  	s3 =	simm.s32 $0x108;
	s8 =	sld [smem:$0x3FAD]  }
0x2e: {  	s3 =	simm.s32 @!p0 $0x1082;
	s9 =	sld [smem:$0x3FAE]  }
0x2f: {  	lr =	sadd.s32 s0, s3;
	s0 =	sld [smem:$0x3FA5]  }
0x30: {  	s3 =	sld [smem:$0x3FA8]  }
0x31: {  	[smem:$0x3FB1] =	sst s10  }
0x32: {  	s10 =	sld [smem:$0x3FAF];
	_ =	sdelay $0x3  }
0x33: {  	p0 =	seq.s32 s10, $0x1;
	s10 =	sld [smem:$0x3FB1];
	_ =	sdelay $0x3  }
0x34: {  	[smem:$0x3FB1] =	sst s10  }
0x35: {  	s10 =	sld [smem:$0x3FB0];
	_ =	sdelay $0x3  }
0x36: {  	p1 =	seq.s32 s10, $0x1;
	s10 =	sld [smem:$0x3FB1];
	_ =	sdelay $0x3  }
0x37: {  	[smem:$0x3FB1] =	sst s10  }
0x38: {  	s10 =	sld [smem:$0x3FB2]  }
0x39: {  	_ = 	snop;
	(pc) =	sbr.ind lr, $3  }
0x3a: {  	_ = 	snop  }
0x3b: {  	_ = 	snop  }
0x3c: {  	p2 =	seq.s32 s10, $0x1;
	s10 =	sld [smem:$0x3FB1]  }
0x3d: {  	_ =	shalt  }
0x3e: {  	_ =	shalt  }
0x3f: {  	_ =	shalt  }
0x40: {  	_ =	shalt  }
0x41: {  	_ =	shalt  }
0x42: {  	_ =	shalt  }
0x43: {  	_ =	shalt  }
0x44: {  	_ =	shalt  }
0x45: {  	_ =	shalt  }
0x46: {  	_ =	shalt  }
0x47: {  	_ =	shalt  }
0x48: {  	_ =	shalt  }
0x49: {  	_ =	shalt  }
0x4a: {  	_ =	shalt  }
0x4b: {  	_ =	shalt  }
0x4c: {  	_ =	shalt  }
0x4d: {  	_ =	shalt  }
0x4e: {  	_ =	shalt  }
0x4f: {  	_ =	shalt  }
0x50: {  	_ =	shalt  }
0x51: {  	_ =	shalt  }
0x52: {  	_ =	shalt  }
0x53: {  	_ =	shalt  }
0x54: {  	_ =	shalt  }
0x55: {  	_ =	shalt  }
0x56: {  	_ =	shalt  }
0x57: {  	_ =	shalt  }
0x58: {  	_ =	shalt  }
0x59: {  	_ =	shalt  }
0x5a: {  	_ =	shalt  }
0x5b: {  	_ =	shalt  }
0x5c: {  	_ =	shalt  }
0x5d: {  	_ =	shalt  }
0x5e: {  	_ =	shalt  }
0x5f: {  	_ =	shalt  }
0x60: {  	_ =	shalt  }
0x61: {  	_ =	shalt  }
0x62: {  	_ =	shalt  }
0x63: {  	_ =	shalt  }
0x64: {  	_ =	shalt  }
0x65: {  	_ =	shalt  }
0x66: {  	_ =	shalt  }
0x67: {  	_ =	shalt  }
0x68: {  	_ =	shalt  }
0x69: {  	_ =	shalt  }
0x6a: {  	_ =	shalt  }
0x6b: {  	_ =	shalt  }
0x6c: {  	_ =	shalt  }
0x6d: {  	_ =	shalt  }
0x6e: {  	_ =	shalt  }
0x6f: {  	_ =	shalt  }
0x70: {  	_ =	shalt  }
0x71: {  	_ =	shalt  }
0x72: {  	_ =	shalt  }
0x73: {  	_ =	shalt  }
0x74: {  	_ =	shalt  }
0x75: {  	_ =	shalt  }
0x76: {  	_ =	shalt  }
0x77: {  	_ =	shalt  }
0x78: {  	_ =	shalt  }
0x79: {  	_ =	shalt  }
0x7a: {  	_ =	shalt  }
0x7b: {  	_ =	shalt  }
0x7c: {  	_ =	shalt  }
0x7d: {  	_ =	shalt  }
0x7e: {  	_ =	shalt  }
0x7f: {  	_ =	shalt  }
0x80: {  	_ =	shalt  }
0x81: {  	_ =	shalt  }
0x82: {  	_ =	shalt  }
0x83: {  	_ =	shalt  }
0x84: {  	_ =	shalt  }
0x85: {  	_ =	shalt  }
0x86: {  	_ =	shalt  }
0x87: {  	_ =	shalt  }
.Lfunc_end0:
.L_simem_size_0:
called_computation.4_lowered:
.L_overlay_start_0:
0x88: {  	s2 =	sld [smem:$0x3FD9]  }
0x89: {  	s3 =	sld [smem:$0x3FFE];
	_ =	sdelay $0x1  }
0x8a: {  	s1 =	srdreg.scid  }
0x8b: {  	s0 =	sand.u32 $0x1, s1  }
0x8c: {  	s16 =	sshll.u32 s0, $0xA;
	s2 =	sadd.s32 s3, s2  }
0x8d: {  	s2 =	sadd.s32 s2, s16  }
0x8e: {  	[smem:$0x3FBD] =	sst s2  }
0x8f: {  	_ = 	snop  }
0x90: {  	(tm) =	ssettm $0x1  }
0x91: {  	s17 =	sld [smem:$0x3FFB];
	_ =	sdelay $0x3  }
0x92: {  	_ =	strace s17  }
0x93: {  	s2 =	sld [smem:$0x3FFC];
	_ =	sdelay $0x3  }
0x94: {  	_ =	strace s2  }
0x95: {  	s2 =	sld [smem:$0x3FFD];
	_ =	sdelay $0x3  }
0x96: {  	_ =	strace s2  }
0x97: {  	_ =	strace $0x8FFFFFFF  }
0x98: {  	s18 =	sld [smem:$0x3FDB];
	_ =	sdelay $0x1  }
0x99: {  	s19 =	simm.s32 $_scs_section_size  }
0x9a: {  	s4 =	simm.s32 $_size__tile_overlayer_lowered;
	s5 =	simm.s32 $_tile_overlayer_lowered  }
0x9b: {  	s22 =	simm.s32 $0x1BFF;
	s21 =	sshll.u32 s5, $0x1;
	s2 =	sadd.s32 s19, s18  }
0x9c: {  	s6 =	simm.s32 $0x0;
	s20 =	sshll.u32 s4, $0x1;
	s4 =	sadd.s32 s21, s2  }
0x9d: {  	[timem:s6], [sflag:s22] =	dma.local [hbm:s4], s20  }
0x9e: {  	_ =	swait.ge [sflag:s22], s20  }
0x9f: {  	s3 =	ssub.s32 $0x0, s20;
	[sflag:s22] =	ssyncset.done $0x0  }
0xa0: {  	[sflag:s22] =	ssyncadd.s32 s3;
	_ =	sdelay $0x1  }
0xa1: {  	s23 =	simm.s32 $0x1B8B  }
0xa2: {  	_ =	swait.ge [sflag:s23], $0x1  }
0xa3: {  	[sflag:s23] =	ssyncset.done $0x0  }
0xa4: {  	s25 =	simm.s32 $0x1B8E;
	s24 =	sld [smem:$0x3FFE];
	[sflag:s23] =	ssyncadd.s32 $0xFFFFFFFF  }
0xa5: {  	s26 =	simm.s32 $execute0_lowered;
	[smem:$0x3FD2] =	sst s25  }
0xa6: {  	s4 =	sshll.u32 s26, $0x1;
	_ =	strace $0x80000052;
	[dreg:$0x1] =	wrdreg $0xFFFFFFFF  }
0xa7: {  	s28 =	simm.s32 $_size_execute0_lowered;
	s2 =	sadd.s32 s2, s4;
	[dreg:$0x0] =	wrdreg $0x0  }
0xa8: {  	s4 =	sshll.u32 s28, $0x1;
	[dreg:$0x2] =	wrdreg s2  }
0xa9: {  	[dreg:$0x3] =	wrdreg s4  }
0xaa: {  	[dreg:$0x4] =	wrdreg $0xC0  }
0xab: {  	_ =	task [dreg:s6], $0x5FFFF  }
0xac: {  	[dreg:$0x1] =	wrdreg $0xFFFFFFFF  }
0xad: {  	[dreg:$0x0] =	wrdreg $0x60  }
0xae: {  	[dreg:$0x2] =	wrdreg s24  }
0xaf: {  	[dreg:$0x3] =	wrdreg $0x9  }
0xb0: {  	_ =	task.clear_ibuf [dreg:s6], $0x4FFFF;
	_ =	strace $0x90000052  }
0xb1: {  	s29 =	simm.s32 $0x9;
	_ =	strace $0x80000054  }
0xb2: {  	_ =	swait.ge [sflag:s29], $0x1  }
0xb3: {  	[sflag:s29] =	ssyncadd.s32 $0xFFFFFFFF  }
0xb4: {  	_ =	strace $0x90000054  }
0xb5: {  	_ =	sfence  }
0xb6: {  	s30 =	sld [smem:$0x0];
	_ =	sdelay $0x2  }
0xb7: {  	s31 =	sshll.u32 s1, $0xD;
	s1 =	sshrl.u32 s1, $0x2  }
0xb8: {  	s3 =	sand.u32 $0x4000, s31;
	s1 =	sadd.s32 s1, s30  }
0xb9: {  	s0 =	sor.u32 s3, s0;
	s1 =	sshll.u32 s1, $0x11  }
0xba: {  	s0 =	sor.u32 s1, s0  }
0xbb: {  	s0 =	sadd.s32 $0x8F2B, s0  }
0xbc: {  	[sflag:s0] =	ssyncadd.remote.s32 $0x1  }
0xbd: {  	_ =	sfence.sel $0xFFFF  }
0xbe: {  	[dreg:$0x0] =	wrdreg $0xFFFFFFFF;
	(pc) =	sbr.abs _section_cstart, $3  }
0xbf: {  	[dreg:$0x1] =	wrdreg $0xFFFFFFFF  }
0xc0: {  	_ =	task.clear_ibuf [dreg:s6], $0x2FFFF;
	_ =	strace $0x9FFFFFFF  }
0xc1: {  	(tm) =	ssettm $0x7FFFFFFF  }
tec
execute0_lowered:
.L_overlay_start_1:
0x0: {  	(tag) =	ssettag $0x1  }
0x1: {  	s6 =	rddreg [dreg:$0x0];
	s1 =	srdreg.scid  }
0x2: {  	s0 =	rddreg [dreg:$0x1];
	s2 =	simm.s32 $0x0;
	s11 =	simm.s32 $0x1  }
0x3: {  	s14 =	simm.s32 $0x2700;
	s15 =	simm.s32 $0x2;
	[smem:$0x7FF] =	sst s2  }
0x4: {  	v0 =	vimm.f32 $2.500000000e+01;
	s16 =	simm.s32 $0x2600;
	s7 =	sand.u32 $0x1, s1;
	_ =	strace $0x80000053  }
0x5: {  	s17 =	simm.s32 $0x0;
	s1 =	stileid.u32;
	s3 =	sshll.u32 s7, $0x4;
	(erf) = vrcp.f32 v0  }
0x6: {  	s4 =	sadd.s32 $0x113200, s6;
	s9 =	sand.u32 $0x7, s1;
	s8 =	sor.u32 s1, s3  }
0x7: {  	s5 =	sadd.s32 $0xFAC00, s6;
	p1 =	sne.s32 s9, $0x0;
	p0 =	seq.s32 s8, $0x0  }
0x8: {  	s7 =	ssub.s32 $0x2, s7;
	s3 =	sadd.s32 $0x116400, s6;
	p0 =	por !p1, !p0  }
0x9: {  	s31 =	sshrl.u32 s7, $0x1;
	s10 =	sshll.u32 s8, $0x1;
	p0 =	por !p0, !p0  }
0xa: {  	s12 =	sshrl.u32 s8, $0x3;
	s8 =	sshll.u32 s8, $0x5;
	s11 =	simm.s32 @!p0 $0x0  }
0xb: {  	v0 =	vlaneseq.u32;
	s13 =	ssub.s32 s7, s31;
	s7 =	simm.s32 $0x1;
	s11 =	ssub.s32 s12, s11  }
0xc: {  	v0 =	vmul.u32 $0x3, v0;
	s10 =	sadd.s32 s10, s6;
	s30 =	sadd.s32 s8, s6;
	s6 =	smul.u32 $0x18800, s11  }
0xd: {  	s8 =	smul.u32 $0x3100, s9;
	s10 =	sadd.s32 $0x104000, s10;
	s12 =	smax.u32 s13, $0x1  }
0xe: {  	vm0 =	vcmask $0x704;
	vm1 =	vcmask $0x3F04;
	v2 =	vadd.s32 $0x1, v0;
	s13 =	simm.s32 $0xD00;
	s11 =	sadd.s32 $0x104200, s30;
	s9 =	sadd.s32 $0x62000, s6;
	v1 =	vpop (erf)  }
.LBB2_1:
0xf: {  	v16 =	vimm.f32 $0.0e+00;
	v4 =	vimm.f32 $-Inf;
	v3 =	vimm.f32 $-Inf  }
0x10: {  	v5 =	vimm.f32 $-Inf;
	v6 =	vimm.f32 $-Inf;
	v7 =	vimm.f32 $-Inf  }
0x11: {  	v8 =	vimm.f32 $-Inf;
	v10 =	vimm.f32 $-Inf;
	v9 =	vimm.f32 $-Inf  }
0x12: {  	v11 =	vimm.f32 $-Inf;
	v12 =	vimm.f32 $-Inf;
	v13 =	vimm.f32 $-Inf  }
0x13: {  	v14 =	vimm.f32 $-Inf;
	v15 =	vimm.f32 $-Inf;
	v17 =	vimm.f32 $-Inf  }
0x14: {  	v18 =	vimm.f32 $-Inf;
	v19 =	vimm.f32 $-Inf;
	v21 =	vimm.f32 $0.0e+00;
	s18 =	simm.s32 $0x0  }
.LBB2_2:
0x15: {  	s19 =	smul.u32 $0x620, s18;
	_ =	sdelay $0x1  }
0x16: {  	s19 =	sadd.s32 s8, s19  }
0x17: {  	s20 =	sadd.s32 s6, s19  }
0x18: {  	s21 =	simm.s32 $0x0;
	s20 =	sshrl.u32 s20, $0x3  }
0x19: {  	s26 =	sadd.s32 s9, s19;
	s23 =	smul.u32 $0x3, s19;
	s20 =	sadd.s32 s3, s20  }
0x1a: {  	[tilespmem:s21], [sflag:$0x1] =	stream.linear.gather [hbm4b:s20+s21], $0x620, $0x38;
	[tilespmem:$0x2780] =	vst v63  }
0x1b: {  	s20 =	sshrl.u32 s26, $0x3  }
0x1c: {  	s22 =	simm.s32 $0x680;
	s28 =	sshrl.u32 s23, $0x3;
	s20 =	sadd.s32 s3, s20  }
0x1d: {  	[tilespmem:s22], [sflag:$0x1] =	stream.linear.gather [hbm4b:s20+s21], $0x620, $0x38;
	[tilespmem:$0x2780] =	vst v63  }
0x1e: {  	s29 =	sshrl.u32 s19, $0x3;
	s20 =	sadd.s32 s5, s28  }
0x1f: {  	[tilespmem:s13], [sflag:$0x1] =	stream.linear.gather [hbm4b:s20+s21], $0x1260, $0x38;
	[tilespmem:$0x2780] =	vst v63  }
0x20: {  	s30 =	simm.s32 $0x1F80;
	s20 =	sadd.s32 s4, s29  }
0x21: {  	[tilespmem:s30], [sflag:$0x1] =	stream.linear.gather [hbm4b:s20+s21], $0x620, $0x38;
	[tilespmem:$0x2780] =	vst v63  }
0x22: {  	_ =	swait.ge [sflag:s7], $0x620  }
0x23: {  	[sflag:s7] =	ssyncset.done $0x0  }
0x24: {  	[sflag:s7] =	ssyncadd.s32 $0xFFFFF9E0  }
0x25: {  	_ =	swait.ge [sflag:s7], $0x620  }
0x26: {  	[sflag:s7] =	ssyncset.done $0x0  }
0x27: {  	v20 =	vmov s21;
	[sflag:s7] =	ssyncadd.s32 $0xFFFFF9E0  }
0x28: {  	v20 =	vmul.u32 $0x3, v20;
	_ =	swait.ge [sflag:s7], $0x1260  }
0x29: {  	[sflag:s7] =	ssyncset.done $0x0  }
0x2a: {  	v20 =	vbroadcast v20, $0x0;
	[sflag:s7] =	ssyncadd.s32 $0xFFFFEDA0  }
0x2b: {  	_ =	swait.ge [sflag:s7], $0x620  }
0x2c: {  	v25 =	vadd.s32 v0, v20;
	[sflag:s7] =	ssyncset.done $0x0  }
0x2d: {  	[sflag:s7] =	ssyncadd.s32 $0xFFFFF9E0  }
0x2e: {  	v22 =	vld [tilespmem:s21+$0x0]  }
0x2f: {  	v23 =	vld [tilespmem:s22+$0x0]  }
0x30: {  	v24 =	vld [tilespmem:s30+$0x0]  }
0x31: {  	v20 =	vadd.s32 v2, v20;
	s20 =	simm.s32 $0x10;
	v25 =	vld.idx.msk [tilespmem:v25+s13+$0x0], $0xffff  }
0x32: {  	v26 =	vld [tilespmem:s20+$0x0];
	s21 =	simm.s32 $0x690  }
0x33: {  	v27 =	vld [tilespmem:s21+$0x0]  }
0x34: {  	s22 =	simm.s32 $0x1F90;
	v22 =	vadd.f32 v23, v22  }
0x35: {  	v23 =	vld [tilespmem:s22+$0x0]  }
0x36: {  	v25 =	vmul.f32 v25, v1;
	v22 =	vmul.f32 v24, v22;
	v24 =	vld.idx.msk [tilespmem:v20+s13+$0x0], $0xffff  }
0x37: {  	s31 =	sadd.s32 $0x0, s19  }
0x38: {  	p0 =	slt.u32 s31, $0x186A0;
	v20 =	vadd.f32 v27, v26;
	v25 =	vtrunc.f32 v25  }
0x39: {  	v42 =	vmov s20;
	v25 =	vcvt.f32.s32 v25;
	v26 =	vpsel !p0, $0x0, v22  }
0x3a: {  	v34 =	vmul.f32 v22, v22;
	v35 =	vpsel !p0, $0xFF800000, v22;
	v20 =	vmul.f32 v23, v20  }
0x3b: {  	v21 =	vadd.f32 v26, v21;
	v30 =	vmax.f32 v18, v35;
	v26 =	vmul.f32 v24, v1  }
0x3c: {  	v23 =	vmax.f32 v3, v35;
	v37 =	vmax.f32 v19, v35;
	v22 =	vmax.f32 v6, v35  }
0x3d: {  	v33 =	vmax.f32 v15, v35;
	v36 =	vmax.f32 v17, v35;
	v26 =	vtrunc.f32 v26  }
0x3e: {  	v31 =	vmax.f32 v14, v35;
	v27 =	vmax.f32 v12, v35;
	v26 =	vcvt.f32.s32 v26  }
0x3f: {  	vm2 =	vgt.s32 v25, $0x0;
	v28 =	vmax.f32 v11, v35;
	v32 =	vmax.f32 v10, v35  }
0x40: {  	v29 =	vmax.f32 v8, v35;
	v25 =	vnsel vm2, $0x0, v25;
	vm2 =	vgt.s32 v26, $0x0  }
0x41: {  	v38 =	vmax.f32 v4, v35;
	v40 =	vpsel !p0, $0x0, v34;
	v26 =	vnsel vm2, $0x0, v26  }
0x42: {  	v24 =	vmax.f32 v7, v35;
	v41 =	vmin.u32 v25, $0x3;
	v39 =	vmin.u32 v26, $0x3  }
0x43: {  	v25 =	vmax.f32 v9, v35;
	v26 =	vmax.f32 v13, v35;
	v43 =	vshll.u32 v39, $0x2  }
0x44: {  	s24 =	simm.s32 $0x20;
	s23 =	simm.s32 $0x10;
	v35 =	vmax.f32 v5, v35;
	v39 =	vmul.u32 $0x3, v42;
	v34 =	vor.u32 v41, v43  }
.LBB2_3:
0x45: {  	p0 =	sne.s32 s24, $0x610;
	vm2 =	veq.s32 v34, $0x0;
	vm3 =	veq.s32 v34, $0x1;
	v16 =	vadd.f32 v40, v16;
	s25 =	smov.u32 s24;
	s24 =	sadd.s32 $0x10, s24  }
0x46: {  	vm4 =	veq.s32 v34, $0x3;
	vm5 =	veq.s32 v34, $0xF;
	v39 =	vbroadcast v39, $0x0  }
0x47: {  	v19 =	vsel vm2, v37, v19;
	vm2 =	veq.s32 v34, $0x2;
	v4 =	vsel vm5, v38, v4  }
0x48: {  	vm5 =	veq.s32 v34, $0x4;
	v37 =	vadd.s32 v0, v39;
	v38 =	vadd.s32 v2, v39  }
0x49: {  	s20 =	sadd.s32 $0x10, s20;
	v18 =	vsel vm3, v30, v18;
	v15 =	vsel vm4, v33, v15;
	v17 =	vsel vm2, v36, v17  }
0x4a: {  	s21 =	sadd.s32 $0x10, s21;
	vm3 =	veq.s32 v34, $0xB;
	vm4 =	veq.s32 v34, $0xD;
	vm2 =	veq.s32 v34, $0x7;
	v30 =	vld [tilespmem:s20+$0x0]  }
0x4b: {  	s22 =	sadd.s32 $0x10, s22;
	vm6 =	veq.s32 v34, $0x6;
	vm7 =	veq.s32 v34, $0x9;
	vm8 =	veq.s32 v34, $0xE;
	v33 =	vld [tilespmem:s21+$0x0]  }
0x4c: {  	v10 =	vsel vm7, v32, v10;
	v14 =	vsel vm5, v31, v14;
	vm5 =	veq.s32 v34, $0xA;
	v36 =	vld [tilespmem:s22+$0x0]  }
0x4d: {  	v12 =	vsel vm6, v27, v12;
	v3 =	vsel vm8, v23, v3;
	v11 =	vsel vm2, v28, v11;
	v31 =	vld.idx.msk [tilespmem:v37+s13+$0x0], $0xffff  }
0x4e: {  	v7 =	vsel vm3, v24, v7;
	vm2 =	veq.s32 v34, $0x5;
	v8 =	vsel vm5, v29, v8;
	v27 =	vld.idx.msk [tilespmem:v38+s13+$0x0], $0xffff  }
0x4f: {  	s26 =	sadd.s32 s19, s23;
	s23 =	smov.u32 s25;
	vm3 =	veq.s32 v34, $0x8;
	v5 =	vsel vm4, v35, v5;
	vm5 =	veq.s32 v34, $0xC  }
0x50: {  	p1 =	slt.u32 s26, $0x186A0;
	v13 =	vsel vm2, v26, v13;
	v6 =	vsel vm5, v22, v6;
	v23 =	vadd.f32 v33, v30  }
0x51: {  	v34 =	vmul.f32 v20, v20;
	v9 =	vsel vm3, v25, v9;
	v22 =	vpsel !p1, $0x0, v20  }
0x52: {  	v35 =	vpsel !p1, $0xFF800000, v20;
	v21 =	vadd.f32 v22, v21;
	v20 =	vmul.f32 v36, v23  }
0x53: {  	v30 =	vmax.f32 v18, v35;
	v24 =	vmul.f32 v31, v1;
	v23 =	vmax.f32 v3, v35  }
0x54: {  	v22 =	vmax.f32 v6, v35;
	v37 =	vmax.f32 v19, v35;
	v25 =	vmul.f32 v27, v1  }
0x55: {  	v33 =	vmax.f32 v15, v35;
	v26 =	vtrunc.f32 v24;
	v24 =	vmax.f32 v7, v35  }
0x56: {  	v36 =	vmax.f32 v17, v35;
	v26 =	vcvt.f32.s32 v26;
	v25 =	vtrunc.f32 v25  }
0x57: {  	v31 =	vmax.f32 v14, v35;
	v27 =	vmax.f32 v12, v35;
	v25 =	vcvt.f32.s32 v25  }
0x58: {  	v32 =	vmax.f32 v10, v35;
	v28 =	vmax.f32 v11, v35;
	vm2 =	vgt.s32 v26, $0x0  }
.Ltmp0:
0x59: {  	v29 =	vmax.f32 v8, v35;
	v26 =	vnsel vm2, $0x0, v26;
	vm2 =	vgt.s32 v25, $0x0;
	(pc) =	sbr.rel @p0 .LBB2_3-.Ltmp0, $4  }
0x5a: {  	v41 =	vmin.u32 v26, $0x3;
	v26 =	vnsel vm2, $0x0, v25;
	v25 =	vmax.f32 v9, v35  }
0x5b: {  	v38 =	vmax.f32 v4, v35;
	v39 =	vmin.u32 v26, $0x3;
	v26 =	vmax.f32 v13, v35  }
0x5c: {  	v42 =	vmov s23;
	v40 =	vpsel !p1, $0x0, v34;
	v43 =	vshll.u32 v39, $0x2  }
0x5d: {  	v35 =	vmax.f32 v5, v35;
	v39 =	vmul.u32 $0x3, v42;
	v34 =	vor.u32 v41, v43  }
0x5e: {  	vm2 =	veq.s32 v34, $0x0;
	vm3 =	veq.s32 v34, $0x1  }
0x5f: {  	v16 =	vadd.f32 v40, v16;
	vm4 =	veq.s32 v34, $0x3;
	vm5 =	veq.s32 v34, $0xF  }
0x60: {  	vm14 =	veq.s32 v34, $0x4;
	vm15 =	veq.s32 v34, $0xD;
	v39 =	vbroadcast v39, $0x0  }
0x61: {  	vm6 =	veq.s32 v34, $0x6;
	vm7 =	veq.s32 v34, $0x9;
	vm8 =	veq.s32 v34, $0xE  }
0x62: {  	vm10 =	veq.s32 v34, $0xA;
	vm11 =	veq.s32 v34, $0xC;
	v46 =	vadd.s32 v2, v39  }
0x63: {  	v48 =	vmul.f32 v20, v20;
	v19 =	vsel vm2, v37, v19;
	v45 =	vadd.s32 v0, v39  }
0x64: {  	vm2 =	veq.s32 v34, $0x2;
	v4 =	vsel vm5, v38, v4;
	v18 =	vsel vm3, v30, v18  }
0x65: {  	v15 =	vsel vm4, v33, v15;
	vm3 =	veq.s32 v34, $0xB;
	v14 =	vsel vm14, v31, v14  }
0x66: {  	v10 =	vsel vm7, v32, v10;
	v12 =	vsel vm6, v27, v12;
	v3 =	vsel vm8, v23, v3  }
0x67: {  	s19 =	sadd.s32 s19, s23;
	v8 =	vsel vm10, v29, v8;
	v5 =	vsel vm15, v35, v5;
	v6 =	vsel vm11, v22, v6;
	v23 =	vld.idx.msk [tilespmem:v46+s13+$0x0], $0xffff  }
0x68: {  	p0 =	slt.u32 s19, $0x186A0;
	v17 =	vsel vm2, v36, v17;
	vm2 =	veq.s32 v34, $0x7;
	v7 =	vsel vm3, v24, v7;
	v47 =	vld.idx.msk [tilespmem:v45+s13+$0x0], $0xffff  }
0x69: {  	vm3 =	veq.s32 v34, $0x8;
	v22 =	vpsel !p0, $0x0, v20;
	v20 =	vpsel !p0, $0xFF800000, v20  }
0x6a: {  	v24 =	vpsel !p0, $0x0, v48;
	v11 =	vsel vm2, v28, v11;
	vm2 =	veq.s32 v34, $0x5  }
0x6b: {  	v9 =	vsel vm3, v25, v9;
	v21 =	vadd.f32 v22, v21;
	v49 =	vmax.f32 v18, v20  }
0x6c: {  	v50 =	vmax.f32 v3, v20;
	v51 =	vmax.f32 v19, v20;
	v23 =	vmul.f32 v23, v1  }
0x6d: {  	v52 =	vmax.f32 v6, v20;
	v53 =	vmax.f32 v15, v20;
	v22 =	vmul.f32 v47, v1  }
0x6e: {  	v54 =	vmax.f32 v7, v20;
	v55 =	vmax.f32 v17, v20;
	v23 =	vtrunc.f32 v23  }
0x6f: {  	v56 =	vmax.f32 v14, v20;
	v22 =	vtrunc.f32 v22;
	v23 =	vcvt.f32.s32 v23  }
0x70: {  	v57 =	vmax.f32 v12, v20;
	v59 =	vmax.f32 v10, v20;
	v22 =	vcvt.f32.s32 v22  }
0x71: {  	v60 =	vmax.f32 v8, v20;
	v63 =	vmax.f32 v4, v20;
	vm3 =	vgt.s32 v23, $0x0  }
0x72: {  	v13 =	vsel vm2, v26, v13;
	vm2 =	vgt.s32 v22, $0x0;
	v23 =	vnsel vm3, $0x0, v23  }
0x73: {  	v16 =	vadd.f32 v24, v16;
	v22 =	vnsel vm2, $0x0, v22;
	v23 =	vmin.u32 v23, $0x3  }
0x74: {  	v58 =	vmax.f32 v11, v20;
	v22 =	vmin.u32 v22, $0x3;
	v23 =	vshll.u32 v23, $0x2  }
0x75: {  	v61 =	vmax.f32 v9, v20;
	v62 =	vmax.f32 v13, v20;
	v22 =	vor.u32 v22, v23  }
0x76: {  	v20 =	vmax.f32 v5, v20;
	vm2 =	veq.s32 v22, $0x0;
	vm3 =	veq.s32 v22, $0x1  }
0x77: {  	vm12 =	veq.s32 v22, $0x3;
	vm13 =	veq.s32 v22, $0xF;
	vm14 =	veq.s32 v22, $0x4  }
0x78: {  	vm4 =	veq.s32 v22, $0xD;
	vm15 =	veq.s32 v22, $0x6;
	v19 =	vsel vm2, v51, v19  }
0x79: {  	vm2 =	veq.s32 v22, $0x2;
	v4 =	vsel vm13, v63, v4;
	v18 =	vsel vm3, v49, v18  }
0x7a: {  	s18 =	sadd.s32 $0x1, s18;
	v15 =	vsel vm12, v53, v15;
	vm3 =	veq.s32 v22, $0xB;
	vm12 =	veq.s32 v22, $0x9  }
0x7b: {  	p0 =	sne.s32 s18, $0x8;
	vm13 =	veq.s32 v22, $0xE;
	v14 =	vsel vm14, v56, v14;
	vm14 =	veq.s32 v22, $0xA  }
.Ltmp1:
0x7c: {  	v12 =	vsel vm15, v57, v12;
	vm15 =	veq.s32 v22, $0xC;
	v5 =	vsel vm4, v20, v5;
	(pc) =	sbr.rel @p0 .LBB2_2-.Ltmp1, $4  }
0x7d: {  	v17 =	vsel vm2, v55, v17;
	vm2 =	veq.s32 v22, $0x7;
	v10 =	vsel vm12, v59, v10  }
0x7e: {  	v3 =	vsel vm13, v50, v3;
	v8 =	vsel vm14, v60, v8;
	v7 =	vsel vm3, v54, v7  }
0x7f: {  	vm3 =	veq.s32 v22, $0x8;
	v11 =	vsel vm2, v58, v11;
	vm2 =	veq.s32 v22, $0x5  }
0x80: {  	v6 =	vsel vm15, v52, v6;
	v9 =	vsel vm3, v61, v9;
	v13 =	vsel vm2, v62, v13  }
0x81: {  	(xrf2) =	vadd.scan.msk.f32 $0xffff, v21;
	[tilespmem:$0x2600] =	vst v19  }
0x82: {  	[tilespmem:$0x2610] =	vst v18;
	(xrf2) =	vadd.scan.msk.f32 $0xffff, v16  }
0x83: {  	[tilespmem:$0x2620] =	vst v17  }
0x84: {  	[tilespmem:$0x2630] =	vst v15  }
0x85: {  	[tilespmem:$0x2640] =	vst v14  }
0x86: {  	[tilespmem:$0x2650] =	vst v13  }
0x87: {  	[tilespmem:$0x2660] =	vst v12  }
0x88: {  	[tilespmem:$0x2670] =	vst v11  }
0x89: {  	[tilespmem:$0x2680] =	vst v9  }
0x8a: {  	[tilespmem:$0x2690] =	vst v10  }
0x8b: {  	[tilespmem:$0x26A0] =	vst v8;
	v63, _, _ =	vpop (xrf2)  }
0x8c: {  	[tilespmem:$0x26B0] =	vst v7;
	v20, _, _ =	vpop (xrf2)  }
0x8d: {  	[tilespmem:$0x26C0] =	vst v6;
	v20 =	vbroadcast v20, $0xF  }
0x8e: {  	[tilespmem:$0x26D0] =	vst v5;
	v16 =	vbroadcast v63, $0xF  }
0x8f: {  	[tilespmem:$0x26E0] =	vst v3;
	v20 =	vnsel vm0, $0x0, v20  }
0x90: {  	[tilespmem:$0x26F0] =	vst v4;
	v16 =	vsel vm1, v20, v16  }
0x91: {  	[tilespmem:$0x2700] =	vst v16  }
0x92: {  	[hbm4b:s10+s2] =	stream.linear.scatter [tilespmem:s14], [sflag:$0x2], $0x10, $0x38;
	[tilespmem:$0x2780] =	vst v63  }
0x93: {  	s17 =	sadd.s32 $0x1, s17;
	_ =	swait.ge [sflag:s15], $0x10  }
0x94: {  	p0 =	sne.s32 s17, s12;
	[sflag:s15] =	ssyncset.done $0x0  }
.Ltmp2:
0x95: {  	[sflag:s15] =	ssyncadd.s32 $0xFFFFFFF0;
	(pc) =	sbr.rel @p0 .LBB2_1-.Ltmp2, $4  }
0x96: {  	[hbm4b:s11+s2] =	stream.linear.scatter [tilespmem:s16], [sflag:$0x2], $0x100, $0x38;
	[tilespmem:$0x2780] =	vst v63  }
0x97: {  	_ =	swait.ge [sflag:s15], $0x100  }
0x98: {  	[sflag:s15] =	ssyncset.done $0x0  }
0x99: {  	[sflag:s15] =	ssyncadd.s32 $0xFFFFFF00  }
0x9a: {  	_ =	sfence.sel $0x180000  }
0x9b: {  	[bflag:$0x0] =	sbarrier.arrive $0xFFFF  }
0x9c: {  	p0 =	sne.s32 s1, $0x0;
	_ =	strace $0x90000053  }
0x9d: {  	s0 =	sadd.s32 @!p0 $0x100000, s0;
	[bflag:$0x2] =	sbarrier.arrive $0xFFFF  }
0x9e: {  	[sflag:s0] =	ssyncadd.tile.s32 @!p0 $0x1;
	_ =	shalt  }
.Lfunc_end2:
_tile_overlayer_lowered:
.L_overlay_start_2:
0x9f: {  	(tag) =	ssettag $0x2  }
0xa0: {  	s0 =	rddreg [dreg:$0x0];
	s2 =	stileid.u32  }
0xa1: {  	s1 =	rddreg [dreg:$0x1];
	p0 =	sne.s32 s2, $0x0  }
0xa2: {  	s3 =	rddreg [dreg:$0x2];
	[bflag:$0x3] =	sbarrier.arrive $0xFFFF;
	s2 =	simm.s32 @!p0 $0x1C02  }
0xa3: {  	[timem:s3], [sflag:s2] =	dma.local @!p0 [hbm:s0], s1  }
0xa4: {  	s0 =	simm.s32 @!p0 $0x2  }
0xa5: {  	_ =	swait.ge @!p0 [sflag:s0], s1  }
0xa6: {  	s1 =	ssub.s32 @!p0 $0x0, s1;
	[sflag:s0] =	ssyncset.done @!p0 $0x0  }
0xa7: {  	[sflag:s0] =	ssyncadd.s32 @!p0 s1  }
0xa8: {  	[bflag:$0x3] =	sbarrier.arrive $0xFFFF  }
0xa9: {  	_ =	shalt  }

// kernel: kernel.7.cloned.1.call-start
scs
__scs_entry_jumppad:
0x0: {  	(pc) =	sbr.rel $0x88, $3  }
0x1: {  	(tag) =	ssettag $0x0;
	lr =	simm.s32 $0x1  }
0x2: {  	[smem:$0x3F96] =	sst lr;
	_ =	strace $0xD0000000  }
0x3: {  	_ = 	snop  }
0x4: {  	_ = 	snop  }
0x5: {  	_ = 	snop  }
0x6: {  	_ = 	snop  }
0x7: {  	_ = 	snop  }
__scs_overlays_trampoline_lowered:
0x8: {  	[smem:$0x3FA5] =	sst s0  }
0x9: {  	[smem:$0x3FA6] =	sst s1  }
0xa: {  	[smem:$0x3FA7] =	sst s2  }
0xb: {  	[smem:$0x3FA8] =	sst s3  }
0xc: {  	[smem:$0x3FA9] =	sst s4  }
0xd: {  	[smem:$0x3FAA] =	sst s5  }
0xe: {  	[smem:$0x3FAB] =	sst s6  }
0xf: {  	[smem:$0x3FAC] =	sst s7  }
0x10: {  	[smem:$0x3FAD] =	sst s8  }
0x11: {  	[smem:$0x3FAE] =	sst s9;
	s0 =	simm.s32 @!p0 $0x0  }
0x12: {  	s1 =	sld [smem:$0x3F94];
	s0 =	simm.s32 @p0 $0x1  }
0x13: {  	[smem:$0x3FAF] =	sst s0;
	s0 =	simm.s32 @!p1 $0x0  }
0x14: {  	s2 =	sld [smem:$0x3F93];
	s0 =	simm.s32 @p1 $0x1  }
0x15: {  	[smem:$0x3FB0] =	sst s0;
	s0 =	simm.s32 @!p2 $0x0  }
0x16: {  	s3 =	sld [smem:$0x3FDB];
	s0 =	simm.s32 @p2 $0x1  }
0x17: {  	s4 =	simm.s32 $0x1BF5;
	[smem:$0x3FB2] =	sst s0  }
0x18: {  	s0 =	sld [smem:$0x3F95];
	_ =	swait.ge [sflag:s4], $0x0  }
0x19: {  	s7 =	sld [smem:$0x3F96]  }
0x1a: {  	s8 =	sadd.s32 $0xFFFFE003, lr  }
0x1b: {  	s9 =	sadd.s32 $0xFFFFFEF7, lr;
	s5 =	simm.s32 $0xFFFFFFFF;
	p2 =	slt.u32 s8, $0xFFFFF086  }
0x1c: {  	p1 =	slt.u32 s9, $0xF7A;
	s5 =	simm.s32 @!p2 $0x0  }
0x1d: {  	s5 =	simm.s32 @p1 $0x1;
	p0 =	seq.s32 s7, s2  }
0x1e: {  	s7 =	smul.u32 @!p0 $0xF7A, s2;
	p2 =	seq.s32 @!p0 s5, $0x0  }
0x1f: {  	s9 =	smul.u32 $0xF7A, s1;
	s8 =	simm.s32 @!p0 $0x1BF5;
	p2 =	por !p2, p0  }
0x20: {  	[sflag:s8] =	ssyncset.s32 @!p0 $0xFFFFF086;
	s6 =	sadd.s32 @!p0 s3, s7;
	s7 =	simm.s32 @!p0 $0x108  }
0x21: {  	s3 =	sadd.s32 s3, s9;
	s6 =	sadd.s32 @!p0 $0x88, s6;
	s7 =	simm.s32 @p2 $0x1082  }
0x22: {  	[simem:s7], [sflag:s8] =	dma.local @!p0 [hbm:s6], $0xF7A  }
0x23: {  	s9 =	sor.u32 $0xD0000000, s2;
	s6 =	simm.s32 $0x108;
	_ =	swait.ge @!p0 [sflag:s8], $0x0  }
0x24: {  	s3 =	sadd.s32 $0x88, s3;
	s6 =	simm.s32 @!p1 $0x1082;
	[sflag:s4] =	ssyncset.s32 $0xFFFFF086  }
0x25: {  	[simem:s6], [sflag:s4] =	dma.local [hbm:s3], $0xF7A  }
0x26: {  	[smem:$0x3F96] =	sst s1;
	(tag) =	ssettag s2;
	_ =	strace s9  }
0x27: {  	s1 =	sld [smem:$0x3FA6]  }
0x28: {  	s2 =	sld [smem:$0x3FA7]  }
0x29: {  	s4 =	sld [smem:$0x3FA9]  }
0x2a: {  	p0 =	seq.s32 s5, $0x0;
	s5 =	sld [smem:$0x3FAA]  }
0x2b: {  	s6 =	sld [smem:$0x3FAB]  }
0x2c: {  	s7 =	sld [smem:$0x3FAC]  }
0x2d: {  	s3 =	simm.s32 $0x108;
	s8 =	sld [smem:$0x3FAD]  }
0x2e: {  	s3 =	simm.s32 @!p0 $0x1082;
	s9 =	sld [smem:$0x3FAE]  }
0x2f: {  	lr =	sadd.s32 s0, s3;
	s0 =	sld [smem:$0x3FA5]  }
0x30: {  	s3 =	sld [smem:$0x3FA8]  }
0x31: {  	[smem:$0x3FB1] =	sst s10  }
0x32: {  	s10 =	sld [smem:$0x3FAF];
	_ =	sdelay $0x3  }
0x33: {  	p0 =	seq.s32 s10, $0x1;
	s10 =	sld [smem:$0x3FB1];
	_ =	sdelay $0x3  }
0x34: {  	[smem:$0x3FB1] =	sst s10  }
0x35: {  	s10 =	sld [smem:$0x3FB0];
	_ =	sdelay $0x3  }
0x36: {  	p1 =	seq.s32 s10, $0x1;
	s10 =	sld [smem:$0x3FB1];
	_ =	sdelay $0x3  }
0x37: {  	[smem:$0x3FB1] =	sst s10  }
0x38: {  	s10 =	sld [smem:$0x3FB2]  }
0x39: {  	_ = 	snop;
	(pc) =	sbr.ind lr, $3  }
0x3a: {  	_ = 	snop  }
0x3b: {  	_ = 	snop  }
0x3c: {  	p2 =	seq.s32 s10, $0x1;
	s10 =	sld [smem:$0x3FB1]  }
0x3d: {  	_ =	shalt  }
0x3e: {  	_ =	shalt  }
0x3f: {  	_ =	shalt  }
0x40: {  	_ =	shalt  }
0x41: {  	_ =	shalt  }
0x42: {  	_ =	shalt  }
0x43: {  	_ =	shalt  }
0x44: {  	_ =	shalt  }
0x45: {  	_ =	shalt  }
0x46: {  	_ =	shalt  }
0x47: {  	_ =	shalt  }
0x48: {  	_ =	shalt  }
0x49: {  	_ =	shalt  }
0x4a: {  	_ =	shalt  }
0x4b: {  	_ =	shalt  }
0x4c: {  	_ =	shalt  }
0x4d: {  	_ =	shalt  }
0x4e: {  	_ =	shalt  }
0x4f: {  	_ =	shalt  }
0x50: {  	_ =	shalt  }
0x51: {  	_ =	shalt  }
0x52: {  	_ =	shalt  }
0x53: {  	_ =	shalt  }
0x54: {  	_ =	shalt  }
0x55: {  	_ =	shalt  }
0x56: {  	_ =	shalt  }
0x57: {  	_ =	shalt  }
0x58: {  	_ =	shalt  }
0x59: {  	_ =	shalt  }
0x5a: {  	_ =	shalt  }
0x5b: {  	_ =	shalt  }
0x5c: {  	_ =	shalt  }
0x5d: {  	_ =	shalt  }
0x5e: {  	_ =	shalt  }
0x5f: {  	_ =	shalt  }
0x60: {  	_ =	shalt  }
0x61: {  	_ =	shalt  }
0x62: {  	_ =	shalt  }
0x63: {  	_ =	shalt  }
0x64: {  	_ =	shalt  }
0x65: {  	_ =	shalt  }
0x66: {  	_ =	shalt  }
0x67: {  	_ =	shalt  }
0x68: {  	_ =	shalt  }
0x69: {  	_ =	shalt  }
0x6a: {  	_ =	shalt  }
0x6b: {  	_ =	shalt  }
0x6c: {  	_ =	shalt  }
0x6d: {  	_ =	shalt  }
0x6e: {  	_ =	shalt  }
0x6f: {  	_ =	shalt  }
0x70: {  	_ =	shalt  }
0x71: {  	_ =	shalt  }
0x72: {  	_ =	shalt  }
0x73: {  	_ =	shalt  }
0x74: {  	_ =	shalt  }
0x75: {  	_ =	shalt  }
0x76: {  	_ =	shalt  }
0x77: {  	_ =	shalt  }
0x78: {  	_ =	shalt  }
0x79: {  	_ =	shalt  }
0x7a: {  	_ =	shalt  }
0x7b: {  	_ =	shalt  }
0x7c: {  	_ =	shalt  }
0x7d: {  	_ =	shalt  }
0x7e: {  	_ =	shalt  }
0x7f: {  	_ =	shalt  }
0x80: {  	_ =	shalt  }
0x81: {  	_ =	shalt  }
0x82: {  	_ =	shalt  }
0x83: {  	_ =	shalt  }
0x84: {  	_ =	shalt  }
0x85: {  	_ =	shalt  }
0x86: {  	_ =	shalt  }
0x87: {  	_ =	shalt  }
.Lfunc_end0:
.L_simem_size_0:
called_computation_lowered:
.L_overlay_start_0:
0x88: {  	s2 =	sld [smem:$0x3FD9]  }
0x89: {  	s3 =	sld [smem:$0x3FFE];
	_ =	sdelay $0x1  }
0x8a: {  	s1 =	srdreg.scid  }
0x8b: {  	s0 =	sand.u32 $0x1, s1  }
0x8c: {  	s17 =	sshll.u32 s0, $0xA;
	s2 =	sadd.s32 s3, s2  }
0x8d: {  	s2 =	sadd.s32 s2, s17  }
0x8e: {  	[smem:$0x3FBD] =	sst s2  }
0x8f: {  	_ = 	snop  }
0x90: {  	s2 =	sld [smem:$0x3FD0];
	(tm) =	ssettm $0x1  }
0x91: {  	s18 =	sld [smem:$0x3FFB];
	_ =	sdelay $0x3  }
0x92: {  	_ =	strace s18  }
0x93: {  	s3 =	sld [smem:$0x3FFC];
	_ =	sdelay $0x3  }
0x94: {  	_ =	strace s3  }
0x95: {  	s3 =	sld [smem:$0x3FFD];
	_ =	sdelay $0x3  }
0x96: {  	_ =	strace s3  }
0x97: {  	_ =	strace $0x8FFFFFFF  }
0x98: {  	s19 =	sld [smem:$0x3FDB];
	_ =	sdelay $0x1  }
0x99: {  	s4 =	simm.s32 $_scs_section_size  }
0x9a: {  	s5 =	simm.s32 $_size__tile_overlayer_lowered;
	s6 =	simm.s32 $_tile_overlayer_lowered  }
0x9b: {  	s22 =	simm.s32 $0x1BFF;
	s21 =	sshll.u32 s6, $0x1;
	s3 =	sadd.s32 s4, s19  }
0x9c: {  	s7 =	simm.s32 $0x0;
	s20 =	sshll.u32 s5, $0x1;
	s5 =	sadd.s32 s21, s3  }
0x9d: {  	[timem:s7], [sflag:s22] =	dma.local [hbm:s5], s20  }
0x9e: {  	_ =	swait.ge [sflag:s22], s20  }
0x9f: {  	s4 =	ssub.s32 $0x0, s20;
	[sflag:s22] =	ssyncset.done $0x0  }
0xa0: {  	[sflag:s22] =	ssyncadd.s32 s4;
	_ =	sdelay $0x1  }
0xa1: {  	s23 =	simm.s32 $0x1B8B  }
0xa2: {  	_ =	swait.ge [sflag:s23], $0x1  }
0xa3: {  	[sflag:s23] =	ssyncset.done $0x0  }
0xa4: {  	s25 =	simm.s32 $0x1B8E;
	s24 =	sld [smem:$0x3FFE];
	[sflag:s23] =	ssyncadd.s32 $0xFFFFFFFF  }
0xa5: {  	s26 =	simm.s32 $execute0_lowered;
	[smem:$0x3FD2] =	sst s25  }
0xa6: {  	s5 =	sshll.u32 s26, $0x1;
	_ =	strace $0x80000046;
	[dreg:$0x1] =	wrdreg $0xFFFFFFFF  }
0xa7: {  	s28 =	simm.s32 $_size_execute0_lowered;
	s3 =	sadd.s32 s3, s5;
	[dreg:$0x0] =	wrdreg $0x0  }
0xa8: {  	s5 =	sshll.u32 s28, $0x1;
	[dreg:$0x2] =	wrdreg s3  }
0xa9: {  	[dreg:$0x3] =	wrdreg s5  }
0xaa: {  	[dreg:$0x4] =	wrdreg $0xC0  }
0xab: {  	_ =	task [dreg:s7], $0x5FFFF  }
0xac: {  	[dreg:$0x1] =	wrdreg $0xFFFFFFFF  }
0xad: {  	[dreg:$0x0] =	wrdreg $0x60  }
0xae: {  	[dreg:$0x2] =	wrdreg s24  }
0xaf: {  	[dreg:$0x3] =	wrdreg s2  }
0xb0: {  	[dreg:$0x4] =	wrdreg $0x0  }
0xb1: {  	[dreg:$0x5] =	wrdreg $0x18800  }
0xb2: {  	[dreg:$0x6] =	wrdreg $0x31000  }
0xb3: {  	[dreg:$0x7] =	wrdreg $0x9  }
0xb4: {  	_ =	task.clear_ibuf [dreg:s7], $0x8FFFF;
	_ =	strace $0x90000046  }
0xb5: {  	s29 =	simm.s32 $0x9;
	_ =	strace $0x80000048  }
0xb6: {  	_ =	swait.ge [sflag:s29], $0x1  }
0xb7: {  	[sflag:s29] =	ssyncadd.s32 $0xFFFFFFFF  }
0xb8: {  	_ =	strace $0x90000048  }
0xb9: {  	_ =	sfence  }
0xba: {  	s30 =	sld [smem:$0x0];
	_ =	sdelay $0x2  }
0xbb: {  	s31 =	sshll.u32 s1, $0xD;
	s1 =	sshrl.u32 s1, $0x2  }
0xbc: {  	s3 =	sand.u32 $0x4000, s31;
	s1 =	sadd.s32 s1, s30  }
0xbd: {  	s0 =	sor.u32 s3, s0;
	s1 =	sshll.u32 s1, $0x11  }
0xbe: {  	s0 =	sor.u32 s1, s0  }
0xbf: {  	s0 =	sadd.s32 $0x8F2B, s0  }
0xc0: {  	[sflag:s0] =	ssyncadd.remote.s32 $0x1  }
0xc1: {  	_ =	sfence.sel $0xFFFF  }
0xc2: {  	[dreg:$0x0] =	wrdreg $0xFFFFFFFF;
	(pc) =	sbr.abs _section_cstart, $3  }
0xc3: {  	[dreg:$0x1] =	wrdreg $0xFFFFFFFF  }
0xc4: {  	_ =	task.clear_ibuf [dreg:s7], $0x2FFFF;
	_ =	strace $0x9FFFFFFF  }
0xc5: {  	(tm) =	ssettm $0x7FFFFFFF  }
tec
execute0_lowered:
.L_overlay_start_1:
0x0: {  	(tag) =	ssettag $0x1  }
0x1: {  	s1 =	rddreg [dreg:$0x0]  }
0x2: {  	s3 =	rddreg [dreg:$0x2]  }
0x3: {  	s5 =	rddreg [dreg:$0x3]  }
0x4: {  	s6 =	rddreg [dreg:$0x4]  }
0x5: {  	s7 =	simm.s32 $0x0;
	s15 =	stileid.u32;
	s0 =	srdreg.scid  }
0x6: {  	s17 =	simm.s32 $0xC4;
	s28 =	simm.s32 $0x1D280;
	s29 =	simm.s32 $0x1D380  }
0x7: {  	s30 =	simm.s32 $0x1D480;
	s31 =	simm.s32 $0x1D180;
	s16 =	simm.s32 $0x0  }
0x8: {  	[smem:$0x7FF] =	sst s7;
	s2 =	smul.u32 $0x1880, s15;
	s0 =	sand.u32 $0x1, s0  }
0x9: {  	s8 =	sadd.s32 $0x30E00, s1;
	s9 =	sadd.s32 $0xC3800, s1;
	s10 =	sadd.s32 $0x92A00, s1  }
0xa: {  	s11 =	sadd.s32 $0x61C00, s1;
	s12 =	sadd.s32 $0xF4600, s1;
	_ =	strace $0x80000047  }
0xb: {  	s4 =	smul.u32 $0x49800, s0;
	[dreg:$0x6] =	wrdreg s12;
	s13 =	ssub.s32 $0x2, s0  }
0xc: {  	s0 =	sshll.u32 s0, $0x4;
	s20 =	sshrl.u32 s2, $0x3;
	s14 =	sshrl.u32 s13, $0x1  }
0xd: {  	s21 =	sadd.s32 s2, s3;
	s22 =	sadd.s32 s2, s5;
	s0 =	sor.u32 s15, s0  }
0xe: {  	s15 =	simm.s32 $0x1D880;
	s4 =	sadd.s32 s2, s4;
	[dreg:$0x7] =	wrdreg s21  }
0xf: {  	s12 =	sadd.s32 s20, s1;
	s13 =	ssub.s32 s13, s14;
	[dreg:$0x9] =	wrdreg s22  }
0x10: {  	s2 =	sadd.s32 s2, s6;
	p0 =	slt.u32 s0, $0xA;
	s18 =	sshll.u32 s0, $0x5  }
0x11: {  	s0 =	simm.s32 $0x1;
	s4 =	sshrl.u32 s4, $0x3;
	s12 =	sadd.s32 $0xF7800, s12  }
0x12: {  	[dreg:$0xa] =	wrdreg s2;
	s17 =	simm.s32 @!p0 $0xC3;
	s26 =	smax.u32 s13, $0x1  }
0x13: {  	s2 =	simm.s32 $0x100;
	s4 =	sadd.s32 s4, s1;
	[dreg:$0x8] =	wrdreg s12  }
.Ltmp0:
0x14: {  	[dreg:$0xe] =	wrdreg s26;
	s23 =	sadd.s32 $0xFAA00, s4;
	(pc) =	sbr.rel .LBB2_1-.Ltmp0, $4  }
0x15: {  	s13 =	simm.s32 $0x1D780;
	s24 =	sadd.s32 $0xFDB00, s4;
	[dreg:$0xb] =	wrdreg s23  }
0x16: {  	s26 =	simm.s32 $0x1D080;
	s25 =	sadd.s32 $0x100C00, s4;
	[dreg:$0xc] =	wrdreg s24  }
0x17: {  	s12 =	simm.s32 $0x1D980;
	s4 =	simm.s32 $0x1D680;
	[dreg:$0xd] =	wrdreg s25  }
0x18: {  	v0 =	vimm.f32 $1.000000000e+00;
	s23 =	simm.s32 $0x4980;
	s24 =	simm.s32 $0x4;
	s25 =	simm.s32 $0x1D580  }
.LBB2_12:
0x19: {  	s14 =	simm.s32 $0x2  }
0x1a: {  	_ =	swait.ge [sflag:s14], $0x100  }
0x1b: {  	[sflag:s14] =	ssyncset.done $0x0  }
0x1c: {  	[sflag:s14] =	ssyncadd.s32 $0xFFFFFF00  }
0x1d: {  	_ =	swait.ge [sflag:s14], $0x100  }
0x1e: {  	[sflag:s14] =	ssyncset.done $0x0  }
0x1f: {  	[sflag:s14] =	ssyncadd.s32 $0xFFFFFF00  }
0x20: {  	_ =	swait.ge [sflag:s14], $0x100  }
0x21: {  	[sflag:s14] =	ssyncset.done $0x0  }
0x22: {  	s19 =	simm.s32 $0x3;
	[sflag:s14] =	ssyncadd.s32 $0xFFFFFF00  }
0x23: {  	_ =	swait.ge [sflag:s19], $0x100  }
0x24: {  	[sflag:s19] =	ssyncset.done $0x0  }
0x25: {  	[sflag:s19] =	ssyncadd.s32 $0xFFFFFF00  }
0x26: {  	_ =	swait.ge [sflag:s19], $0x100  }
0x27: {  	[sflag:s19] =	ssyncset.done $0x0  }
0x28: {  	[sflag:s19] =	ssyncadd.s32 $0xFFFFFF00  }
0x29: {  	_ =	swait.ge [sflag:s19], $0x100  }
0x2a: {  	[sflag:s19] =	ssyncset.done $0x0  }
0x2b: {  	[sflag:s19] =	ssyncadd.s32 $0xFFFFFF00  }
0x2c: {  	[bflag:$0x0] =	sbarrier.arrive $0xFFFF  }
0x2d: {  	s20 =	rddreg [dreg:$0xb]  }
0x2e: {  	s16 =	rddreg [dreg:$0x10]  }
0x2f: {  	s19 =	rddreg [dreg:$0x11]  }
0x30: {  	[hbm:s20], [sflag:s16] =	dma.local [spmem:s19], $0x310  }
0x31: {  	_ =	swait.ge [sflag:s24], $0x310  }
0x32: {  	[sflag:s24] =	ssyncset.done $0x0;
	s21 =	rddreg [dreg:$0xc]  }
0x33: {  	s22 =	rddreg [dreg:$0x12];
	[sflag:s24] =	ssyncadd.s32 $0xFFFFFCF0  }
0x34: {  	[hbm:s21], [sflag:s16] =	dma.local [spmem:s22], $0x310  }
0x35: {  	_ =	swait.ge [sflag:s24], $0x310  }
0x36: {  	[sflag:s24] =	ssyncset.done $0x0;
	s19 =	rddreg [dreg:$0xd]  }
0x37: {  	s20 =	rddreg [dreg:$0x13];
	[sflag:s24] =	ssyncadd.s32 $0xFFFFFCF0  }
0x38: {  	[hbm:s19], [sflag:s16] =	dma.local [spmem:s20], $0x310  }
0x39: {  	_ =	swait.ge [sflag:s24], $0x310  }
0x3a: {  	s21 =	rddreg [dreg:$0xf]  }
0x3b: {  	s22 =	rddreg [dreg:$0xe];
	s16 =	sadd.s32 $0x1, s21  }
0x3c: {  	p0 =	sne.s32 s16, s22  }
.Ltmp1:
0x3d: {  	_ = 	snop;
	(pc) =	sbr.rel @!p0 .LBB2_13-.Ltmp1, $3  }
0x3e: {  	_ =	sdelay $0x1  }
0x3f: {  	[sflag:s24] =	ssyncset.done $0x0  }
0x40: {  	[sflag:s24] =	ssyncadd.s32 $0xFFFFFCF0  }
.LBB2_1:
0x41: {  	[dreg:$0xf] =	wrdreg s16  }
0x42: {  	s14 =	rddreg [dreg:$0x6]  }
0x43: {  	[tilespmem:s23], [sflag:$0x4] =	stream.linear.gather [hbm4b:s14+s7], $0x186A0, $0x38;
	[tilespmem:$0x1DB00] =	vst v63  }
0x44: {  	_ =	swait.ge [sflag:s24], $0x186A0  }
0x45: {  	[sflag:s24] =	ssyncset.done $0x0  }
0x46: {  	[sflag:s24] =	ssyncadd.s32 $0xFFFE7960  }
0x47: {  	s20 =	simm.s32 $0x1DA80;
	s21 =	stileid.u32;
	s19 =	rddreg [dreg:$0x1]  }
0x48: {  	[tilespmem:s20], [sflag:$0x4] =	stream.linear.gather [hbm4b:s19+s7], $0x80, $0x38;
	[tilespmem:$0x1DB00] =	vst v63  }
0x49: {  	s14 =	sshll.u32 s21, $0x6;
	_ =	swait.ge [sflag:s24], $0x80  }
0x4a: {  	s19 =	sor.u32 $0x1C04, s14;
	s22 =	rddreg [dreg:$0x7]  }
0x4b: {  	[sflag:s24] =	ssyncset.done $0x0;
	s20 =	rddreg [dreg:$0x8];
	s14 =	sshrl.u32 s22, $0x3  }
0x4c: {  	[sflag:s24] =	ssyncadd.s32 $0xFFFFFF80;
	[dreg:$0x11] =	wrdreg s14  }
0x4d: {  	[spmem:s14], [sflag:s19] =	dma.local [hbm:s20], $0x310  }
0x4e: {  	_ =	swait.ge [sflag:s24], $0x310  }
0x4f: {  	s21 =	rddreg [dreg:$0x9]  }
0x50: {  	[sflag:s24] =	ssyncset.done $0x0;
	s16 =	sshrl.u32 s21, $0x3  }
0x51: {  	[sflag:s24] =	ssyncadd.s32 $0xFFFFFCF0;
	[dreg:$0x12] =	wrdreg s16  }
0x52: {  	[spmem:s16], [sflag:s19] =	dma.local [hbm:s20], $0x310  }
0x53: {  	_ =	swait.ge [sflag:s24], $0x310  }
0x54: {  	s22 =	rddreg [dreg:$0xa]  }
0x55: {  	[dreg:$0x10] =	wrdreg s19;
	[sflag:s24] =	ssyncset.done $0x0;
	s16 =	sshrl.u32 s22, $0x3  }
0x56: {  	[sflag:s24] =	ssyncadd.s32 $0xFFFFFCF0;
	[dreg:$0x13] =	wrdreg s16  }
0x57: {  	[spmem:s16], [sflag:s19] =	dma.local [hbm:s20], $0x310  }
0x58: {  	_ =	swait.ge [sflag:s24], $0x310  }
0x59: {  	[sflag:s24] =	ssyncset.done $0x0  }
0x5a: {  	[sflag:s24] =	ssyncadd.s32 $0xFFFFFCF0  }
0x5b: {  	[tilespmem:$0x1D980] =	vst v0  }
0x5c: {  	[tilespmem:$0x1D990] =	vst v0  }
0x5d: {  	[tilespmem:$0x1D9A0] =	vst v0  }
0x5e: {  	[tilespmem:$0x1D9B0] =	vst v0  }
0x5f: {  	[tilespmem:$0x1D9C0] =	vst v0  }
0x60: {  	[tilespmem:$0x1D9D0] =	vst v0  }
0x61: {  	[tilespmem:$0x1D9E0] =	vst v0  }
0x62: {  	[tilespmem:$0x1D9F0] =	vst v0  }
0x63: {  	[tilespmem:$0x1DA00] =	vst v0  }
0x64: {  	[tilespmem:$0x1DA10] =	vst v0  }
0x65: {  	[tilespmem:$0x1DA20] =	vst v0  }
0x66: {  	[tilespmem:$0x1DA30] =	vst v0  }
0x67: {  	[tilespmem:$0x1DA40] =	vst v0  }
0x68: {  	[tilespmem:$0x1DA50] =	vst v0  }
0x69: {  	[tilespmem:$0x1DA60] =	vst v0  }
0x6a: {  	[tilespmem:$0x1DA70] =	vst v0  }
0x6b: {  	[bflag:$0x0] =	sbarrier.arrive $0xFFFF  }
0x6c: {  	v16 =	vld [tilespmem:$0x1DA80];
	_ =	sdelay $0x4  }
0x6d: {  	v1 =	vbroadcast v16, $0x0;
	v2 =	vbroadcast v16, $0x1  }
0x6e: {  	v3 =	vbroadcast v16, $0x2;
	v4 =	vbroadcast v16, $0x3  }
0x6f: {  	v5 =	vbroadcast v16, $0x4;
	v6 =	vbroadcast v16, $0x5  }
.Ltmp2:
0x70: {  	v7 =	vbroadcast v16, $0x6;
	v8 =	vbroadcast v16, $0x7;
	(pc) =	sbr.rel .LBB2_2-.Ltmp2, $4  }
0x71: {  	v9 =	vbroadcast v16, $0x8;
	v10 =	vbroadcast v16, $0x9  }
0x72: {  	v11 =	vbroadcast v16, $0xA;
	v12 =	vbroadcast v16, $0xB  }
0x73: {  	v13 =	vbroadcast v16, $0xC;
	v14 =	vbroadcast v16, $0xD  }
0x74: {  	s14 =	simm.s32 $0x0;
	v15 =	vbroadcast v16, $0xE;
	v16 =	vbroadcast v16, $0xF  }
.LBB2_10:
0x75: {  	v33 =	vmul.f32 v29, v5  }
0x76: {  	v31 =	vadd.f32 v32, v31;
	v54 =	vmul.f32 v29, v6;
	v55 =	vld [tilespmem:s19+$0x1D080]  }
0x77: {  	v20 =	vmul.f32 v23, v20;
	v56 =	vmul.f32 v25, v7;
	v28 =	vadd.f32 v28, v33  }
0x78: {  	v17 =	vadd.f32 v30, v17;
	v57 =	vmul.f32 v25, v8;
	v29 =	vadd.f32 v31, v54  }
0x79: {  	v58 =	vmul.f32 v22, v9;
	v18 =	vadd.f32 v27, v18;
	v23 =	vadd.f32 v28, v56  }
0x7a: {  	v59 =	vmul.f32 v22, v10;
	v17 =	vmul.f32 v17, v26;
	v25 =	vadd.f32 v29, v57  }
0x7b: {  	v60 =	vmul.f32 v20, v11;
	v18 =	vmul.f32 v18, v26;
	v23 =	vadd.f32 v23, v58  }
0x7c: {  	v20 =	vmul.f32 v20, v12;
	[tilespmem:s16+$0x1D780] =	vst v17;
	v17 =	vadd.f32 v25, v59  }
0x7d: {  	v21 =	vmul.f32 v21, v13;
	[tilespmem:s16+$0x1D880] =	vst v18;
	v18 =	vadd.f32 v23, v60  }
0x7e: {  	v17 =	vadd.f32 v17, v20;
	v61 =	vld.idx.msk [tilespmem:v55+s23+$0x0], $0xffff  }
0x7f: {  	v62 =	vmul.f32 v24, v15;
	v18 =	vadd.f32 v18, v21  }
0x80: {  	v63 =	vmul.f32 v24, v16;
	v17 =	vadd.f32 v17, v19  }
0x81: {  	v18 =	vadd.f32 v18, v62  }
0x82: {  	v17 =	vadd.f32 v17, v63  }
0x83: {  	v18 =	vmul.f32 v18, v61  }
0x84: {  	v17 =	vmul.f32 v17, v61  }
0x85: {  	[tilespmem:s19+$0x1D780] =	vst v18  }
0x86: {  	[tilespmem:s19+$0x1D880] =	vst v17  }
0x87: {  	[spmem:s3] =	stream.indirect.scatter.add.f32 [tilespmem:s13], [sflag:$0x3], $0x1, s31, s2, $0xb8;
	[tilespmem:$0x1DB00] =	vst v63  }
0x88: {  	_ = 	snop  }
0x89: {  	[spmem:s5] =	stream.indirect.scatter.add.f32 [tilespmem:s15], [sflag:$0x3], $0x1, s31, s2, $0xb8;
	[tilespmem:$0x1DB00] =	vst v63  }
0x8a: {  	_ = 	snop  }
0x8b: {  	[spmem:s6] =	stream.indirect.scatter.add.f32 [tilespmem:s12], [sflag:$0x3], $0x1, s31, s2, $0xb8;
	[tilespmem:$0x1DB00] =	vst v63  }
.LBB2_11:
0x8c: {  	s14 =	sadd.s32 $0x1, s14  }
0x8d: {  	p0 =	sne.s32 s14, $0x62  }
.Ltmp3:
0x8e: {  	_ = 	snop;
	(pc) =	sbr.rel @!p0 .LBB2_12-.Ltmp3, $1  }
0x8f: {  	_ =	sdelay $0x3  }
.LBB2_2:
0x90: {  	s22 =	sshll.u32 s14, $0x1  }
0x91: {  	p0 =	slt.u32 s22, s17  }
.Ltmp4:
0x92: {  	_ = 	snop;
	(pc) =	sbr.rel @!p0 .LBB2_3-.Ltmp4, $1  }
0x93: {  	_ =	sdelay $0x3  }
0x94: {  	s16 =	sshll.u32 s14, $0xB  }
0x95: {  	s16 =	sor.u32 s18, s16  }
0x96: {  	s19 =	sadd.s32 s8, s16  }
0x97: {  	[tilespmem:s26], [sflag:$0x1] =	stream.linear.gather [hbm4b:s19+s7], $0x100, $0x38;
	[tilespmem:$0x1DB00] =	vst v63  }
0x98: {  	s21 =	sadd.s32 s9, s16  }
0x99: {  	[tilespmem:s28], [sflag:$0x1] =	stream.linear.gather [hbm4b:s21+s7], $0x100, $0x38;
	[tilespmem:$0x1DB00] =	vst v63  }
0x9a: {  	s20 =	sadd.s32 s10, s16  }
0x9b: {  	[tilespmem:s29], [sflag:$0x1] =	stream.linear.gather [hbm4b:s20+s7], $0x100, $0x38;
	[tilespmem:$0x1DB00] =	vst v63  }
0x9c: {  	s21 =	sadd.s32 s11, s16  }
0x9d: {  	[tilespmem:s30], [sflag:$0x1] =	stream.linear.gather [hbm4b:s21+s7], $0x100, $0x38;
	[tilespmem:$0x1DB00] =	vst v63  }
0x9e: {  	s16 =	sadd.s32 s1, s16  }
0x9f: {  	[tilespmem:s31], [sflag:$0x1] =	stream.linear.gather [hbm4b:s16+s7], $0x100, $0x38;
	[tilespmem:$0x1DB00] =	vst v63  }
0xa0: {  	_ =	swait.ge [sflag:s0], $0x100  }
0xa1: {  	[sflag:s0] =	ssyncset.done $0x0  }
0xa2: {  	[sflag:s0] =	ssyncadd.s32 $0xFFFFFF00  }
0xa3: {  	_ =	swait.ge [sflag:s0], $0x100  }
0xa4: {  	[sflag:s0] =	ssyncset.done $0x0  }
0xa5: {  	[sflag:s0] =	ssyncadd.s32 $0xFFFFFF00  }
0xa6: {  	_ =	swait.ge [sflag:s0], $0x100  }
0xa7: {  	[sflag:s0] =	ssyncset.done $0x0  }
0xa8: {  	[sflag:s0] =	ssyncadd.s32 $0xFFFFFF00  }
0xa9: {  	_ =	swait.ge [sflag:s0], $0x100  }
0xaa: {  	[sflag:s0] =	ssyncset.done $0x0  }
0xab: {  	[sflag:s0] =	ssyncadd.s32 $0xFFFFFF00  }
0xac: {  	_ =	swait.ge [sflag:s0], $0x100  }
0xad: {  	p0 =	seq.s32 s14, $0x0;
	[sflag:s0] =	ssyncset.done $0x0  }
0xae: {  	s16 =	simm.s32 @!p0 $0x2;
	[sflag:s0] =	ssyncadd.s32 $0xFFFFFF00  }
0xaf: {  	_ =	swait.ge @!p0 [sflag:s16], $0x100  }
0xb0: {  	[sflag:s16] =	ssyncset.done @!p0 $0x0  }
0xb1: {  	[sflag:s16] =	ssyncadd.s32 @!p0 $0xFFFFFF00  }
0xb2: {  	_ =	swait.ge @!p0 [sflag:s16], $0x100  }
0xb3: {  	[sflag:s16] =	ssyncset.done @!p0 $0x0  }
0xb4: {  	[sflag:s16] =	ssyncadd.s32 @!p0 $0xFFFFFF00  }
0xb5: {  	_ =	swait.ge @!p0 [sflag:s16], $0x100  }
0xb6: {  	[sflag:s16] =	ssyncset.done @!p0 $0x0  }
0xb7: {  	[sflag:s16] =	ssyncadd.s32 @!p0 $0xFFFFFF00;
	s16 =	simm.s32 $0x0  }
0xb8: {  	v17 =	vld [tilespmem:s16+$0x1D380]  }
0xb9: {  	v18 =	vld [tilespmem:s16+$0x1D280]  }
0xba: {  	v19 =	vld [tilespmem:s16+$0x1D480];
	_ =	sdelay $0x3  }
0xbb: {  	v20 =	vsub.f32 $1.000000000e+00, v17;
	v21 =	vsub.f32 $1.000000000e+00, v18  }
0xbc: {  	v22 =	vmul.f32 v17, v18;
	v23 =	vsub.f32 $1.000000000e+00, v19  }
0xbd: {  	v18 =	vmul.f32 v20, v18;
	v20 =	vmul.f32 v20, v21  }
0xbe: {  	v17 =	vmul.f32 v17, v21;
	v24 =	vmul.f32 v23, v22  }
0xbf: {  	v22 =	vmul.f32 v19, v22;
	v21 =	vmul.f32 v23, v18  }
0xc0: {  	v25 =	vmul.f32 v23, v20;
	v26 =	vmul.f32 v19, v17  }
0xc1: {  	s19 =	simm.s32 $0x10;
	v27 =	vmul.f32 v20, v19;
	v17 =	vmul.f32 v23, v17  }
0xc2: {  	v30 =	vld [tilespmem:s19+$0x1D280];
	v18 =	vmul.f32 v18, v19;
	v29 =	vmul.f32 v24, v7  }
0xc3: {  	v24 =	vmul.f32 v24, v8;
	v20 =	vmul.f32 v21, v3  }
0xc4: {  	v28 =	vmul.f32 v25, v1;
	v23 =	vmul.f32 v25, v2;
	v25 =	vld [tilespmem:s19+$0x1D380]  }
0xc5: {  	v21 =	vmul.f32 v21, v4;
	v19 =	vmul.f32 v17, v5  }
0xc6: {  	v32 =	vmul.f32 v27, v9;
	v33 =	vmul.f32 v18, v12;
	v28 =	vadd.f32 v20, v28;
	v20 =	vld [tilespmem:s19+$0x1D480]  }
0xc7: {  	v35 =	vsub.f32 $1.000000000e+00, v30;
	v34 =	vmul.f32 v18, v11;
	v18 =	vmul.f32 v22, v16  }
0xc8: {  	v21 =	vadd.f32 v21, v23;
	v23 =	vmul.f32 v17, v6;
	v17 =	vmul.f32 v22, v15  }
0xc9: {  	v22 =	vmul.f32 v27, v10;
	v19 =	vadd.f32 v28, v19;
	v27 =	vsub.f32 $1.000000000e+00, v25  }
0xca: {  	v31 =	vmul.f32 v26, v14;
	v26 =	vmul.f32 v26, v13;
	v21 =	vadd.f32 v21, v23  }
0xcb: {  	v28 =	vld [tilespmem:s16+$0x1D080];
	v19 =	vadd.f32 v19, v29;
	v29 =	vsub.f32 $1.000000000e+00, v20;
	v23 =	vmul.f32 v27, v30  }
0xcc: {  	v36 =	vmul.f32 v25, v30;
	v21 =	vadd.f32 v21, v24;
	v24 =	vmul.f32 v27, v35  }
0xcd: {  	v27 =	vmul.f32 v25, v35;
	v62 =	vmul.f32 v29, v23  }
0xce: {  	v19 =	vadd.f32 v19, v32;
	v25 =	vmul.f32 v29, v36;
	v63 =	vmul.f32 v29, v24  }
0xcf: {  	v30 =	vadd.f32 v21, v22;
	v21 =	vmul.f32 v20, v27;
	v22 =	vmul.f32 v24, v20  }
0xd0: {  	v29 =	vmul.f32 v29, v27;
	v24 =	vmul.f32 v20, v36;
	v34 =	vadd.f32 v19, v34  }
0xd1: {  	v33 =	vadd.f32 v30, v33;
	v37 =	vmul.f32 v62, v3;
	v38 =	vmul.f32 v63, v1  }
0xd2: {  	v19 =	vmul.f32 v21, v14;
	v32 =	vmul.f32 v62, v4;
	v30 =	vadd.f32 v34, v26  }
0xd3: {  	s20 =	simm.s32 $0x80;
	p0 =	sne.s32 s14, $0x0;
	v27 =	vadd.f32 v33, v31;
	v26 =	vld.idx.msk [tilespmem:v28+s23+$0x0], $0xffff;
	v31 =	vmul.f32 v63, v2;
	v28 =	vadd.f32 v37, v38  }
.LBB2_5:
0xd4: {  	s21 =	sshra.s32 s20, $0x2;
	p1 =	sne.s32 s20, $0x3C0;
	s20 =	sadd.s32 $0x40, s20;
	v23 =	vmul.f32 v23, v20;
	v33 =	vmul.f32 v29, v5;
	v30 =	vadd.f32 v30, v17  }
0xd5: {  	v35 =	vmul.f32 v25, v7;
	v17 =	vmul.f32 v24, v15;
	v34 =	vld [tilespmem:s21+$0x1D380]  }
0xd6: {  	v29 =	vmul.f32 v29, v6;
	v25 =	vmul.f32 v25, v8;
	v31 =	vadd.f32 v32, v31;
	v36 =	vld [tilespmem:s21+$0x1D280]  }
0xd7: {  	v27 =	vadd.f32 v27, v18;
	v32 =	vmul.f32 v22, v9;
	v37 =	vmul.f32 v23, v12;
	v20 =	vld [tilespmem:s21+$0x1D480]  }
0xd8: {  	v18 =	vmul.f32 v24, v16;
	v29 =	vadd.f32 v31, v29;
	v31 =	vmul.f32 v23, v11  }
0xd9: {  	v22 =	vmul.f32 v22, v10;
	v23 =	vadd.f32 v28, v33;
	v24 =	vmul.f32 v30, v26  }
0xda: {  	v30 =	vmul.f32 v21, v13;
	v21 =	vmul.f32 v27, v26;
	v28 =	vsub.f32 $1.000000000e+00, v34;
	v33 =	vld [tilespmem:s19+$0x1D080]  }
0xdb: {  	v35 =	vadd.f32 v23, v35;
	v26 =	vsub.f32 $1.000000000e+00, v36;
	v27 =	vmul.f32 v34, v36;
	[tilespmem:s16+$0x1D580] =	vst v24  }
0xdc: {  	v29 =	vadd.f32 v29, v25;
	v24 =	vsub.f32 $1.000000000e+00, v20;
	v23 =	vmul.f32 v28, v36;
	[tilespmem:s16+$0x1D680] =	vst v21;
	s16 =	smov.u32 s19;
	s19 =	smov.u32 s21  }
0xdd: {  	v32 =	vadd.f32 v35, v32;
	v28 =	vmul.f32 v28, v26;
	v26 =	vmul.f32 v34, v26  }
0xde: {  	v29 =	vadd.f32 v29, v22;
	v34 =	vmul.f32 v24, v23;
	v25 =	vmul.f32 v24, v27  }
.Ltmp5:
0xdf: {  	v31 =	vadd.f32 v32, v31;
	v35 =	vmul.f32 v24, v28;
	v21 =	vmul.f32 v20, v26;
	(pc) =	sbr.rel @p1 .LBB2_5-.Ltmp5, $4  }
0xe0: {  	v32 =	vadd.f32 v29, v37;
	v22 =	vmul.f32 v28, v20;
	v28 =	vmul.f32 v34, v3  }
0xe1: {  	v30 =	vadd.f32 v31, v30;
	v36 =	vmul.f32 v35, v1;
	v37 =	vmul.f32 v21, v14  }
0xe2: {  	v29 =	vmul.f32 v24, v26;
	v24 =	vmul.f32 v20, v27;
	v27 =	vadd.f32 v32, v19;
	v26 =	vld.idx.msk [tilespmem:v33+s23+$0x0], $0xffff  }
0xe3: {  	v32 =	vmul.f32 v34, v4;
	v31 =	vmul.f32 v35, v2;
	v28 =	vadd.f32 v28, v36;
	v19 =	vmovc v37  }
0xe4: {  	v33 =	vmul.f32 v29, v5  }
0xe5: {  	v54 =	vmul.f32 v29, v6;
	v55 =	vld [tilespmem:s19+$0x1D080];
	v31 =	vadd.f32 v32, v31  }
0xe6: {  	v20 =	vmul.f32 v23, v20;
	v56 =	vmul.f32 v25, v7;
	v28 =	vadd.f32 v28, v33  }
0xe7: {  	v17 =	vadd.f32 v30, v17;
	v57 =	vmul.f32 v25, v8;
	v29 =	vadd.f32 v31, v54  }
0xe8: {  	v58 =	vmul.f32 v22, v9;
	v18 =	vadd.f32 v27, v18;
	v23 =	vadd.f32 v28, v56  }
0xe9: {  	v59 =	vmul.f32 v22, v10;
	v17 =	vmul.f32 v17, v26;
	v25 =	vadd.f32 v29, v57  }
0xea: {  	v60 =	vmul.f32 v20, v11;
	v18 =	vmul.f32 v18, v26;
	v23 =	vadd.f32 v23, v58  }
0xeb: {  	v20 =	vmul.f32 v20, v12;
	[tilespmem:s16+$0x1D580] =	vst v17;
	v17 =	vadd.f32 v25, v59  }
0xec: {  	v21 =	vmul.f32 v21, v13;
	[tilespmem:s16+$0x1D680] =	vst v18;
	v18 =	vadd.f32 v23, v60  }
0xed: {  	v61 =	vld.idx.msk [tilespmem:v55+s23+$0x0], $0xffff;
	v17 =	vadd.f32 v17, v20  }
0xee: {  	v62 =	vmul.f32 v24, v15;
	v18 =	vadd.f32 v18, v21  }
0xef: {  	v63 =	vmul.f32 v24, v16;
	v17 =	vadd.f32 v17, v19  }
0xf0: {  	v18 =	vadd.f32 v18, v62  }
0xf1: {  	v17 =	vadd.f32 v17, v63  }
0xf2: {  	v18 =	vmul.f32 v18, v61  }
0xf3: {  	v17 =	vmul.f32 v17, v61  }
0xf4: {  	[tilespmem:s19+$0x1D580] =	vst v18  }
0xf5: {  	[tilespmem:s19+$0x1D680] =	vst v17  }
0xf6: {  	[spmem:s3] =	stream.indirect.scatter.add.f32 [tilespmem:s25], [sflag:$0x2], $0x1, s31, s2, $0xb8;
	[tilespmem:$0x1DB00] =	vst v63  }
.Ltmp6:
0xf7: {  	_ = 	snop;
	(pc) =	sbr.rel .LBB2_7-.Ltmp6, $4  }
0xf8: {  	_ = 	snop  }
0xf9: {  	[spmem:s5] =	stream.indirect.scatter.add.f32 [tilespmem:s4], [sflag:$0x2], $0x1, s31, s2, $0xb8;
	[tilespmem:$0x1DB00] =	vst v63  }
0xfa: {  	_ = 	snop  }
0xfb: {  	[spmem:s6] =	stream.indirect.scatter.add.f32 [tilespmem:s12], [sflag:$0x2], $0x1, s31, s2, $0xb8;
	[tilespmem:$0x1DB00] =	vst v63  }
.LBB2_3:
0xfc: {  	p0 =	sne.s32 s14, $0x0  }
.LBB2_7:
0xfd: {  	s16 =	sor.u32 $0x1, s22  }
0xfe: {  	p1 =	sge.u32 s16, s17  }
.Ltmp7:
0xff: {  	_ = 	snop;
	(pc) =	sbr.rel @p1 .LBB2_11-.Ltmp7, $1  }
0x100: {  	_ =	sdelay $0x3  }
0x101: {  	s16 =	sshll.u32 s16, $0xA  }
0x102: {  	s16 =	sor.u32 s18, s16  }
0x103: {  	s19 =	sadd.s32 s8, s16  }
0x104: {  	[tilespmem:s26], [sflag:$0x1] =	stream.linear.gather [hbm4b:s19+s7], $0x100, $0x38;
	[tilespmem:$0x1DB00] =	vst v63  }
0x105: {  	s20 =	sadd.s32 s9, s16  }
0x106: {  	[tilespmem:s28], [sflag:$0x1] =	stream.linear.gather [hbm4b:s20+s7], $0x100, $0x38;
	[tilespmem:$0x1DB00] =	vst v63  }
0x107: {  	s21 =	sadd.s32 s10, s16  }
0x108: {  	[tilespmem:s29], [sflag:$0x1] =	stream.linear.gather [hbm4b:s21+s7], $0x100, $0x38;
	[tilespmem:$0x1DB00] =	vst v63  }
0x109: {  	s22 =	sadd.s32 s11, s16  }
0x10a: {  	[tilespmem:s30], [sflag:$0x1] =	stream.linear.gather [hbm4b:s22+s7], $0x100, $0x38;
	[tilespmem:$0x1DB00] =	vst v63  }
0x10b: {  	s16 =	sadd.s32 s1, s16  }
0x10c: {  	[tilespmem:s31], [sflag:$0x1] =	stream.linear.gather [hbm4b:s16+s7], $0x100, $0x38;
	[tilespmem:$0x1DB00] =	vst v63  }
0x10d: {  	_ =	swait.ge [sflag:s0], $0x100  }
0x10e: {  	[sflag:s0] =	ssyncset.done $0x0  }
0x10f: {  	[sflag:s0] =	ssyncadd.s32 $0xFFFFFF00  }
0x110: {  	_ =	swait.ge [sflag:s0], $0x100  }
0x111: {  	[sflag:s0] =	ssyncset.done $0x0  }
0x112: {  	[sflag:s0] =	ssyncadd.s32 $0xFFFFFF00  }
0x113: {  	_ =	swait.ge [sflag:s0], $0x100  }
0x114: {  	[sflag:s0] =	ssyncset.done $0x0  }
0x115: {  	[sflag:s0] =	ssyncadd.s32 $0xFFFFFF00  }
0x116: {  	_ =	swait.ge [sflag:s0], $0x100  }
0x117: {  	[sflag:s0] =	ssyncset.done $0x0  }
0x118: {  	[sflag:s0] =	ssyncadd.s32 $0xFFFFFF00  }
0x119: {  	_ =	swait.ge [sflag:s0], $0x100  }
0x11a: {  	[sflag:s0] =	ssyncset.done $0x0  }
0x11b: {  	s16 =	simm.s32 @p0 $0x3;
	[sflag:s0] =	ssyncadd.s32 $0xFFFFFF00  }
0x11c: {  	_ =	swait.ge @p0 [sflag:s16], $0x100  }
0x11d: {  	[sflag:s16] =	ssyncset.done @p0 $0x0  }
0x11e: {  	[sflag:s16] =	ssyncadd.s32 @p0 $0xFFFFFF00  }
0x11f: {  	_ =	swait.ge @p0 [sflag:s16], $0x100  }
0x120: {  	[sflag:s16] =	ssyncset.done @p0 $0x0  }
0x121: {  	[sflag:s16] =	ssyncadd.s32 @p0 $0xFFFFFF00  }
0x122: {  	_ =	swait.ge @p0 [sflag:s16], $0x100  }
0x123: {  	[sflag:s16] =	ssyncset.done @p0 $0x0  }
0x124: {  	[sflag:s16] =	ssyncadd.s32 @p0 $0xFFFFFF00;
	s16 =	simm.s32 $0x0  }
0x125: {  	v17 =	vld [tilespmem:s16+$0x1D380]  }
0x126: {  	v18 =	vld [tilespmem:s16+$0x1D280]  }
0x127: {  	v19 =	vld [tilespmem:s16+$0x1D480];
	_ =	sdelay $0x3  }
0x128: {  	v20 =	vsub.f32 $1.000000000e+00, v17;
	v21 =	vsub.f32 $1.000000000e+00, v18  }
0x129: {  	v22 =	vmul.f32 v17, v18;
	v23 =	vsub.f32 $1.000000000e+00, v19  }
0x12a: {  	v18 =	vmul.f32 v20, v18;
	v20 =	vmul.f32 v20, v21  }
0x12b: {  	v17 =	vmul.f32 v17, v21;
	v24 =	vmul.f32 v23, v22  }
0x12c: {  	v22 =	vmul.f32 v19, v22;
	v21 =	vmul.f32 v23, v18  }
0x12d: {  	v25 =	vmul.f32 v23, v20;
	v26 =	vmul.f32 v19, v17  }
0x12e: {  	s19 =	simm.s32 $0x10;
	v27 =	vmul.f32 v20, v19;
	v17 =	vmul.f32 v23, v17  }
0x12f: {  	v30 =	vld [tilespmem:s19+$0x1D280];
	v18 =	vmul.f32 v18, v19;
	v29 =	vmul.f32 v24, v7  }
0x130: {  	v24 =	vmul.f32 v24, v8;
	v20 =	vmul.f32 v21, v3  }
0x131: {  	v28 =	vmul.f32 v25, v1;
	v23 =	vmul.f32 v25, v2;
	v25 =	vld [tilespmem:s19+$0x1D380]  }
0x132: {  	v21 =	vmul.f32 v21, v4;
	v19 =	vmul.f32 v17, v5  }
0x133: {  	v32 =	vmul.f32 v27, v9;
	v33 =	vmul.f32 v18, v12;
	v28 =	vadd.f32 v20, v28;
	v20 =	vld [tilespmem:s19+$0x1D480]  }
0x134: {  	v35 =	vsub.f32 $1.000000000e+00, v30;
	v34 =	vmul.f32 v18, v11;
	v18 =	vmul.f32 v22, v16  }
0x135: {  	v21 =	vadd.f32 v21, v23;
	v23 =	vmul.f32 v17, v6;
	v17 =	vmul.f32 v22, v15  }
0x136: {  	v22 =	vmul.f32 v27, v10;
	v19 =	vadd.f32 v28, v19;
	v27 =	vsub.f32 $1.000000000e+00, v25  }
0x137: {  	v31 =	vmul.f32 v26, v14;
	v26 =	vmul.f32 v26, v13;
	v21 =	vadd.f32 v21, v23  }
0x138: {  	v28 =	vld [tilespmem:s16+$0x1D080];
	v19 =	vadd.f32 v19, v29;
	v29 =	vsub.f32 $1.000000000e+00, v20;
	v23 =	vmul.f32 v27, v30  }
0x139: {  	v36 =	vmul.f32 v25, v30;
	v21 =	vadd.f32 v21, v24;
	v24 =	vmul.f32 v27, v35  }
0x13a: {  	v27 =	vmul.f32 v25, v35;
	v62 =	vmul.f32 v29, v23  }
0x13b: {  	v19 =	vadd.f32 v19, v32;
	v25 =	vmul.f32 v29, v36;
	v63 =	vmul.f32 v29, v24  }
0x13c: {  	v30 =	vadd.f32 v21, v22;
	v21 =	vmul.f32 v20, v27;
	v22 =	vmul.f32 v24, v20  }
0x13d: {  	v29 =	vmul.f32 v29, v27;
	v24 =	vmul.f32 v20, v36;
	v34 =	vadd.f32 v19, v34  }
0x13e: {  	v33 =	vadd.f32 v30, v33;
	v37 =	vmul.f32 v62, v3;
	v38 =	vmul.f32 v63, v1  }
0x13f: {  	v19 =	vmul.f32 v21, v14;
	v32 =	vmul.f32 v62, v4;
	v30 =	vadd.f32 v34, v26  }
0x140: {  	s20 =	simm.s32 $0x80;
	v27 =	vadd.f32 v33, v31;
	v26 =	vld.idx.msk [tilespmem:v28+s23+$0x0], $0xffff;
	v31 =	vmul.f32 v63, v2;
	v28 =	vadd.f32 v37, v38  }
.LBB2_9:
0x141: {  	s21 =	sshra.s32 s20, $0x2;
	p0 =	sne.s32 s20, $0x3C0;
	s20 =	sadd.s32 $0x40, s20;
	v23 =	vmul.f32 v23, v20;
	v33 =	vmul.f32 v29, v5;
	v30 =	vadd.f32 v30, v17  }
0x142: {  	v35 =	vmul.f32 v25, v7;
	v17 =	vmul.f32 v24, v15;
	v34 =	vld [tilespmem:s21+$0x1D380]  }
0x143: {  	v31 =	vadd.f32 v32, v31;
	v29 =	vmul.f32 v29, v6;
	v25 =	vmul.f32 v25, v8;
	v36 =	vld [tilespmem:s21+$0x1D280]  }
0x144: {  	v32 =	vmul.f32 v22, v9;
	v27 =	vadd.f32 v27, v18;
	v37 =	vmul.f32 v23, v12;
	v20 =	vld [tilespmem:s21+$0x1D480]  }
0x145: {  	v18 =	vmul.f32 v24, v16;
	v29 =	vadd.f32 v31, v29;
	v31 =	vmul.f32 v23, v11  }
0x146: {  	v22 =	vmul.f32 v22, v10;
	v23 =	vadd.f32 v28, v33;
	v24 =	vmul.f32 v30, v26  }
0x147: {  	v30 =	vmul.f32 v21, v13;
	v21 =	vmul.f32 v27, v26;
	v28 =	vsub.f32 $1.000000000e+00, v34;
	v33 =	vld [tilespmem:s19+$0x1D080]  }
0x148: {  	v35 =	vadd.f32 v23, v35;
	v26 =	vsub.f32 $1.000000000e+00, v36;
	v27 =	vmul.f32 v34, v36;
	[tilespmem:s16+$0x1D780] =	vst v24  }
0x149: {  	v29 =	vadd.f32 v29, v25;
	v24 =	vsub.f32 $1.000000000e+00, v20;
	v23 =	vmul.f32 v28, v36;
	[tilespmem:s16+$0x1D880] =	vst v21;
	s16 =	smov.u32 s19;
	s19 =	smov.u32 s21  }
0x14a: {  	v32 =	vadd.f32 v35, v32;
	v28 =	vmul.f32 v28, v26;
	v26 =	vmul.f32 v34, v26  }
0x14b: {  	v29 =	vadd.f32 v29, v22;
	v34 =	vmul.f32 v24, v23;
	v25 =	vmul.f32 v24, v27  }
.Ltmp8:
0x14c: {  	v31 =	vadd.f32 v32, v31;
	v35 =	vmul.f32 v24, v28;
	v21 =	vmul.f32 v20, v26;
	(pc) =	sbr.rel @p0 .LBB2_9-.Ltmp8, $4  }
0x14d: {  	v32 =	vadd.f32 v29, v37;
	v22 =	vmul.f32 v28, v20;
	v28 =	vmul.f32 v34, v3  }
0x14e: {  	v30 =	vadd.f32 v31, v30;
	v36 =	vmul.f32 v35, v1;
	v37 =	vmul.f32 v21, v14  }
0x14f: {  	v29 =	vmul.f32 v24, v26;
	v24 =	vmul.f32 v20, v27;
	v27 =	vadd.f32 v32, v19;
	v26 =	vld.idx.msk [tilespmem:v33+s23+$0x0], $0xffff  }
0x150: {  	v32 =	vmul.f32 v34, v4;
	v31 =	vmul.f32 v35, v2;
	v28 =	vadd.f32 v28, v36;
	v19 =	vmovc v37  }
.Ltmp9:
0x151: {  	_ = 	snop;
	(pc) =	sbr.rel .LBB2_10-.Ltmp9, $1  }
0x152: {  	_ =	sdelay $0x3  }
.LBB2_13:
0x153: {  	_ =	sfence.sel $0x180000  }
0x154: {  	[bflag:$0x0] =	sbarrier.arrive $0xFFFF  }
0x155: {  	_ =	strace $0x90000047  }
0x156: {  	s0 =	stileid.u32;
	[bflag:$0x2] =	sbarrier.arrive $0xFFFF  }
0x157: {  	p0 =	sne.s32 s0, $0x0;
	s0 =	rddreg [dreg:$0x5]  }
0x158: {  	s0 =	sadd.s32 @!p0 $0x100000, s0  }
0x159: {  	[sflag:s0] =	ssyncadd.tile.s32 @!p0 $0x1;
	_ =	shalt  }
.Lfunc_end2:
_tile_overlayer_lowered:
.L_overlay_start_2:
0x15a: {  	(tag) =	ssettag $0x2  }
0x15b: {  	s0 =	rddreg [dreg:$0x0];
	s2 =	stileid.u32  }
0x15c: {  	s1 =	rddreg [dreg:$0x1];
	p0 =	sne.s32 s2, $0x0  }
0x15d: {  	s3 =	rddreg [dreg:$0x2];
	[bflag:$0x3] =	sbarrier.arrive $0xFFFF;
	s2 =	simm.s32 @!p0 $0x1C04  }
0x15e: {  	[timem:s3], [sflag:s2] =	dma.local @!p0 [hbm:s0], s1  }
0x15f: {  	s0 =	simm.s32 @!p0 $0x4  }
0x160: {  	_ =	swait.ge @!p0 [sflag:s0], s1  }
0x161: {  	s1 =	ssub.s32 @!p0 $0x0, s1;
	[sflag:s0] =	ssyncset.done @!p0 $0x0  }
0x162: {  	[sflag:s0] =	ssyncadd.s32 @!p0 s1  }
0x163: {  	[bflag:$0x3] =	sbarrier.arrive $0xFFFF  }
0x164: {  	_ =	shalt  }

</sc_bundles>
